<compile_context>
chip_gen: v7x
topology: tpu7x:2x2x1
jax: 0.10.2.dev20260603
libtpu: 0.0.44.dev20260713+nightly
codegen_flags: <defaults>
</compile_context>

<pallas_src>
import jax
import jax.numpy as jnp
from jax import lax
from jax.experimental import pallas as pl
from jax.experimental.pallas import tpu as pltpu
from jax.experimental.pallas import tpu_sc as plsc

B = 16384
L = 200
NTOK1 = 101
TPAD = 112
VPAD = 128
NWORKERS = 32
ROWS = B // NWORKERS
CHUNK = 128
NCHUNKS = ROWS // CHUNK
CGROUPS = CHUNK // 16


def _sc_body(x_hbm, val_hbm, imp_hbm, out_hbm,
             xa_v, xb_v, val_v, imp_v, e_v, ev_v, s_v, sem_a, sem_b):
    c = lax.axis_index("c")
    s = lax.axis_index("s")
    wid = s * 2 + c
    base = wid * ROWS

    bufs = (xa_v, xb_v)
    sems = (sem_a, sem_b)
    rows_per_chunk = CHUNK * L // 128

    def start_chunk(ci):
        r0 = wid * (ROWS * L // 128) + ci * rows_per_chunk
        return pltpu.async_copy(
            x_hbm.at[pl.ds(r0, rows_per_chunk), :], bufs[ci % 2], sems[ci % 2]
        )

    copies = [start_chunk(0)]

    pltpu.sync_copy(val_hbm, val_v)
    pltpu.sync_copy(imp_hbm, imp_v)

    iota = lax.iota(jnp.int32, 16)

    for k in range(TPAD // 16):
        vv = val_v[pl.ds(k * 16, 16)]
        iv = imp_v[pl.ds(k * 16, 16)]
        e = jnp.exp(iv)
        if k == 0:
            e = jnp.where(iota == 0, jnp.float32(0.0), e)
        e_v[pl.ds(k * 16, 16)] = e
        ev_v[pl.ds(k * 16, 16)] = e * vv

    v0 = val_v[pl.ds(TPAD, 16)]
    zero_f = jnp.zeros((16,), jnp.float32)
    zeros_i16 = jnp.zeros((16,), jnp.int32)
    inv1e4 = jnp.float32(1e-4)
    half = jnp.float32(0.5)

    for ci in range(NCHUNKS):
        if ci + 1 < NCHUNKS:
            copies.append(start_chunk(ci + 1))
        copies[ci].wait()
        x_v = bufs[ci % 2]

        def group(g, _):
            row_ids = g * 16 + iota
            row_off = row_ids * L

            def step(j, carry):
                num, den = carry
                p = row_off + j
                xv = plsc.load_gather(x_v, [p >> 7, p & 127])
                r = xv + 1
                q = (r.astype(jnp.float32) * inv1e4 + half).astype(jnp.int32)
                tidx = jnp.where(q * 10000 == r, q, zeros_i16)
                e = plsc.load_gather(e_v, [tidx])
                ev = plsc.load_gather(ev_v, [tidx])
                return (num + ev, den + e)

            num, den = lax.fori_loop(0, L, step, (zero_f, zero_f), unroll=16)
            sres = jnp.where(den > jnp.float32(0.0), num / den, v0)
            s_v[pl.ds(ci * CHUNK + g * 16, 16)] = sres
            return 0

        lax.fori_loop(0, CGROUPS, group, 0)

    pltpu.sync_copy(s_v, out_hbm.at[pl.ds(base, ROWS)])


@jax.jit
def _run(x, valp, impp):
    mesh = plsc.VectorSubcoreMesh(
        core_axis_name="c", subcore_axis_name="s", num_cores=2, num_subcores=16
    )
    f = pl.kernel(
        _sc_body,
        out_type=jax.ShapeDtypeStruct((B,), jnp.float32),
        mesh=mesh,
        scratch_types=[
            pltpu.VMEM((CHUNK * L // 128, 128), jnp.int32),
            pltpu.VMEM((CHUNK * L // 128, 128), jnp.int32),
            pltpu.VMEM((VPAD,), jnp.float32),
            pltpu.VMEM((TPAD,), jnp.float32),
            pltpu.VMEM((TPAD,), jnp.float32),
            pltpu.VMEM((TPAD,), jnp.float32),
            pltpu.VMEM((ROWS,), jnp.float32),
            pltpu.SemaphoreType.DMA,
            pltpu.SemaphoreType.DMA,
        ],
        compiler_params=pltpu.CompilerParams(needs_layout_passes=False),
    )
    return f(x, valp, impp)


def kernel(x, my_values, my_importance, indexer):
    del indexer
    valp = jnp.concatenate(
        [
            my_values,
            jnp.zeros((TPAD - NTOK1,), jnp.float32),
            jnp.full((VPAD - TPAD,), my_values[0], jnp.float32),
        ]
    )
    impp = jnp.pad(my_importance, (0, TPAD - NTOK1))
    s = _run(x.reshape(B * L // 128, 128), valp, impp)
    return jnp.stack((jnp.zeros((B,), jnp.float32), s), axis=1)

# --- scband reference (transcript-rebuilt; emitter-appended) ---
"""Pipeline reference for scband-my-little-slalom-38989713113584 (READ-ONLY COPY).

The authoritative reference and input builder live on the scoring server;
editing this copy changes nothing except your own understanding.
"""

import jax, jax.numpy as jnp
import numpy as np

VOCAB = 1000000
N_TOK = 100
B = 16384
L = 200


def setup_inputs(seed: int = 0) -> dict:
    key = jax.random.key(seed)
    k1, k2, k3 = jax.random.split(key, 3)
    # my_tokens = [(i+1)*10000 - 1 for i in range(100)], max id = 999999
    my_tokens = jnp.arange(1, N_TOK + 1, dtype=jnp.int32) * 10000 - 1
    # indexer: vocab-sized lookup table; 0 means 'not my token' (padding slot)
    indexer = jnp.zeros((VOCAB,), dtype=jnp.int32).at[my_tokens].set(
        jnp.arange(N_TOK, dtype=jnp.int32) + 1
    )
    # learned parameters (length N_TOK+1; slot 0 is padding)
    my_values = jax.random.normal(k1, (N_TOK + 1,), dtype=jnp.float32) * 0.1
    mi = jax.random.normal(k2, (N_TOK + 1,), dtype=jnp.float32) * 0.1
    my_importance = mi.at[0].set(jnp.finfo(jnp.float32).min)
    x = jax.random.randint(k3, (B, L), 0, VOCAB, dtype=jnp.int32)
    return {
        "x": x,
        "my_values": my_values,
        "my_importance": my_importance,
        "indexer": indexer,
    }


def reference(x, my_values, my_importance, indexer):
    # tok_values = self.my_values[self.indexer[x]]
    idx = jnp.take(indexer, x, axis=0)
    tok_values = jnp.take(my_values, idx, axis=0)
    tok_importance = jnp.take(my_importance, idx, axis=0)
    w = jax.nn.softmax(tok_importance, axis=-1)
    s = jnp.sum(w * tok_values, axis=1)
    return jnp.stack((jnp.zeros(x.shape[0], dtype=s.dtype), s), axis=1)

if __name__ == "__main__":
    import jax
    _d = setup_inputs()
    print(jax.jit(kernel)(*tuple(_d.values())))

</pallas_src>

<mosaic_0001>
#map = affine_map<(d0, d1) -> (0, 0)>
#map1 = affine_map<(d0, d1) -> (0)>
module attributes {stable_mosaic.version = 14 : i64} {
  func.func @_sc_body(%arg0: i32, %arg1: i32, %arg2: memref<25600x128xi32, #tpu.memory_space<hbm>>, %arg3: memref<128xf32, #tpu.memory_space<hbm>>, %arg4: memref<112xf32, #tpu.memory_space<hbm>>, %arg5: memref<16384xf32, #tpu.memory_space<hbm>>, %arg6: memref<200x128xi32, #tpu.memory_space<vmem>>, %arg7: memref<200x128xi32, #tpu.memory_space<vmem>>, %arg8: memref<128xf32, #tpu.memory_space<vmem>>, %arg9: memref<112xf32, #tpu.memory_space<vmem>>, %arg10: memref<112xf32, #tpu.memory_space<vmem>>, %arg11: memref<112xf32, #tpu.memory_space<vmem>>, %arg12: memref<512xf32, #tpu.memory_space<vmem>>, %arg13: memref<!tpu.dma_semaphore, #tpu.memory_space<semaphore_mem>>, %arg14: memref<!tpu.dma_semaphore, #tpu.memory_space<semaphore_mem>>) attributes {dimension_semantics = [#tpu.dimension_semantics<core_parallel>, #tpu.dimension_semantics<subcore_parallel>], iteration_bounds = array<i64: 2, 16>, scalar_prefetch = 0 : i64, scratch_operands = 9 : i64, tpu.core_type = #tpu.core_type<sc_vector_subcore>, window_params = [{transform_indices = #map}, {transform_indices = #map1}, {transform_indices = #map1}, {transform_indices = #map1}]} {
    %mul3A = arith.constant 2 : i32
    %mul3A_0 = arith.muli %arg1, %mul3A : i32
    %add3A = arith.addi %mul3A_0, %arg0 : i32
    %mul3A_1 = arith.constant 512 : i32
    %mul3A_2 = arith.muli %add3A, %mul3A_1 : i32
    %mul3A_3 = arith.constant 800 : i32
    %mul3A_4 = arith.muli %add3A, %mul3A_3 : i32
    %add3A_5 = arith.constant 0 : i32
    %add3A_6 = arith.addi %mul3A_4, %add3A_5 : i32
    %dma_start3A = arith.constant 0 : i32
    %dma_start3A_7 = tpu.memref_slice %arg2[%add3A_6, %dma_start3A] : memref<25600x128xi32, #tpu.memory_space<hbm>> -> memref<200x128xi32, #tpu.memory_space<hbm>>
    %dma_start3A_8 = arith.constant 0 : i32
    %dma_start3A_9 = tpu.memref_slice %arg2[%add3A_6, %dma_start3A_8] : memref<25600x128xi32, #tpu.memory_space<hbm>> -> memref<200x128xi32, #tpu.memory_space<hbm>>
    tpu.enqueue_dma source(%dma_start3A_9 : memref<200x128xi32, #tpu.memory_space<hbm>>) target(%arg6 : memref<200x128xi32, #tpu.memory_space<vmem>>) target_semaphore(%arg13 : memref<!tpu.dma_semaphore, #tpu.memory_space<semaphore_mem>>)
    "tpu.region"() ({
      %run_scoped3A = tpu.sem_alloc : memref<!tpu.dma_semaphore, #tpu.memory_space<semaphore_mem>>
      tpu.enqueue_dma source(%arg3 : memref<128xf32, #tpu.memory_space<hbm>>) target(%arg8 : memref<128xf32, #tpu.memory_space<vmem>>) target_semaphore(%run_scoped3A : memref<!tpu.dma_semaphore, #tpu.memory_space<semaphore_mem>>)
      tpu.wait_dma2 semaphore(%run_scoped3A : memref<!tpu.dma_semaphore, #tpu.memory_space<semaphore_mem>>) src(%arg3 : memref<128xf32, #tpu.memory_space<hbm>>) dst(%arg8 : memref<128xf32, #tpu.memory_space<vmem>>)
      tpu.yield
    }) : () -> ()
    "tpu.region"() ({
      %run_scoped3A = tpu.sem_alloc : memref<!tpu.dma_semaphore, #tpu.memory_space<semaphore_mem>>
      tpu.enqueue_dma source(%arg4 : memref<112xf32, #tpu.memory_space<hbm>>) target(%arg9 : memref<112xf32, #tpu.memory_space<vmem>>) target_semaphore(%run_scoped3A : memref<!tpu.dma_semaphore, #tpu.memory_space<semaphore_mem>>)
      tpu.wait_dma2 semaphore(%run_scoped3A : memref<!tpu.dma_semaphore, #tpu.memory_space<semaphore_mem>>) src(%arg4 : memref<112xf32, #tpu.memory_space<hbm>>) dst(%arg9 : memref<112xf32, #tpu.memory_space<vmem>>)
      tpu.yield
    }) : () -> ()
    %iota3A = tpu.iota {dimensions = array<i32: 0>} : vector<16xi32>
    %get3A = arith.constant 0 : index
    %get3A_10 = tpu.vector_load %arg8[%get3A] {strides = array<i32>} : memref<128xf32, #tpu.memory_space<vmem>>, vector<16xf32>,
    %get3A_11 = arith.constant 0 : index
    %get3A_12 = tpu.vector_load %arg9[%get3A_11] {strides = array<i32>} : memref<112xf32, #tpu.memory_space<vmem>>, vector<16xf32>,
    %exp3A = math.exp %get3A_12 : vector<16xf32>
    %eq3A = arith.constant 0 : i32
    %eq3A_13 = vector.broadcast %eq3A : i32 to vector<16xi32>
    %eq3A_14 = arith.cmpi eq, %iota3A, %eq3A_13 : vector<16xi32>
    %jit3A = arith.constant 0.000000e+00 : f32
    %broadcast_in_dim3A = vector.broadcast %jit3A : f32 to vector<16xf32>
    %select_n3A = arith.select %eq3A_14, %broadcast_in_dim3A, %exp3A : vector<16xi1>, vector<16xf32>
    %swap3A = arith.constant 0 : index
    %swap3A_15 = tpu.vector_load %arg10[%swap3A] {strides = array<i32>} : memref<112xf32, #tpu.memory_space<vmem>>, vector<16xf32>,
    tpu.vector_store %arg10[%swap3A], %select_n3A {strides = array<i32>} : memref<112xf32, #tpu.memory_space<vmem>>, vector<16xf32>,
    %mul3A_16 = arith.mulf %select_n3A, %get3A_10 : vector<16xf32>
    %swap3A_17 = arith.constant 0 : index
    %swap3A_18 = tpu.vector_load %arg11[%swap3A_17] {strides = array<i32>} : memref<112xf32, #tpu.memory_space<vmem>>, vector<16xf32>,
    tpu.vector_store %arg11[%swap3A_17], %mul3A_16 {strides = array<i32>} : memref<112xf32, #tpu.memory_space<vmem>>, vector<16xf32>,
    %get3A_19 = arith.constant 16 : index
    %get3A_20 = tpu.vector_load %arg8[%get3A_19] {strides = array<i32>} : memref<128xf32, #tpu.memory_space<vmem>>, vector<16xf32>,
    %get3A_21 = arith.constant 16 : index
    %get3A_22 = tpu.vector_load %arg9[%get3A_21] {strides = array<i32>} : memref<112xf32, #tpu.memory_space<vmem>>, vector<16xf32>,
    %exp3A_23 = math.exp %get3A_22 : vector<16xf32>
    %swap3A_24 = arith.constant 16 : index
    %swap3A_25 = tpu.vector_load %arg10[%swap3A_24] {strides = array<i32>} : memref<112xf32, #tpu.memory_space<vmem>>, vector<16xf32>,
    tpu.vector_store %arg10[%swap3A_24], %exp3A_23 {strides = array<i32>} : memref<112xf32, #tpu.memory_space<vmem>>, vector<16xf32>,
    %mul3A_26 = arith.mulf %exp3A_23, %get3A_20 : vector<16xf32>
    %swap3A_27 = arith.constant 16 : index
    %swap3A_28 = tpu.vector_load %arg11[%swap3A_27] {strides = array<i32>} : memref<112xf32, #tpu.memory_space<vmem>>, vector<16xf32>,
    tpu.vector_store %arg11[%swap3A_27], %mul3A_26 {strides = array<i32>} : memref<112xf32, #tpu.memory_space<vmem>>, vector<16xf32>,
    %get3A_29 = arith.constant 32 : index
    %get3A_30 = tpu.vector_load %arg8[%get3A_29] {strides = array<i32>} : memref<128xf32, #tpu.memory_space<vmem>>, vector<16xf32>,
    %get3A_31 = arith.constant 32 : index
    %get3A_32 = tpu.vector_load %arg9[%get3A_31] {strides = array<i32>} : memref<112xf32, #tpu.memory_space<vmem>>, vector<16xf32>,
    %exp3A_33 = math.exp %get3A_32 : vector<16xf32>
    %swap3A_34 = arith.constant 32 : index
    %swap3A_35 = tpu.vector_load %arg10[%swap3A_34] {strides = array<i32>} : memref<112xf32, #tpu.memory_space<vmem>>, vector<16xf32>,
    tpu.vector_store %arg10[%swap3A_34], %exp3A_33 {strides = array<i32>} : memref<112xf32, #tpu.memory_space<vmem>>, vector<16xf32>,
    %mul3A_36 = arith.mulf %exp3A_33, %get3A_30 : vector<16xf32>
    %swap3A_37 = arith.constant 32 : index
    %swap3A_38 = tpu.vector_load %arg11[%swap3A_37] {strides = array<i32>} : memref<112xf32, #tpu.memory_space<vmem>>, vector<16xf32>,
    tpu.vector_store %arg11[%swap3A_37], %mul3A_36 {strides = array<i32>} : memref<112xf32, #tpu.memory_space<vmem>>, vector<16xf32>,
    %get3A_39 = arith.constant 48 : index
    %get3A_40 = tpu.vector_load %arg8[%get3A_39] {strides = array<i32>} : memref<128xf32, #tpu.memory_space<vmem>>, vector<16xf32>,
    %get3A_41 = arith.constant 48 : index
    %get3A_42 = tpu.vector_load %arg9[%get3A_41] {strides = array<i32>} : memref<112xf32, #tpu.memory_space<vmem>>, vector<16xf32>,
    %exp3A_43 = math.exp %get3A_42 : vector<16xf32>
    %swap3A_44 = arith.constant 48 : index
    %swap3A_45 = tpu.vector_load %arg10[%swap3A_44] {strides = array<i32>} : memref<112xf32, #tpu.memory_space<vmem>>, vector<16xf32>,
    tpu.vector_store %arg10[%swap3A_44], %exp3A_43 {strides = array<i32>} : memref<112xf32, #tpu.memory_space<vmem>>, vector<16xf32>,
    %mul3A_46 = arith.mulf %exp3A_43, %get3A_40 : vector<16xf32>
    %swap3A_47 = arith.constant 48 : index
    %swap3A_48 = tpu.vector_load %arg11[%swap3A_47] {strides = array<i32>} : memref<112xf32, #tpu.memory_space<vmem>>, vector<16xf32>,
    tpu.vector_store %arg11[%swap3A_47], %mul3A_46 {strides = array<i32>} : memref<112xf32, #tpu.memory_space<vmem>>, vector<16xf32>,
    %get3A_49 = arith.constant 64 : index
    %get3A_50 = tpu.vector_load %arg8[%get3A_49] {strides = array<i32>} : memref<128xf32, #tpu.memory_space<vmem>>, vector<16xf32>,
    %get3A_51 = arith.constant 64 : index
    %get3A_52 = tpu.vector_load %arg9[%get3A_51] {strides = array<i32>} : memref<112xf32, #tpu.memory_space<vmem>>, vector<16xf32>,
    %exp3A_53 = math.exp %get3A_52 : vector<16xf32>
    %swap3A_54 = arith.constant 64 : index
    %swap3A_55 = tpu.vector_load %arg10[%swap3A_54] {strides = array<i32>} : memref<112xf32, #tpu.memory_space<vmem>>, vector<16xf32>,
    tpu.vector_store %arg10[%swap3A_54], %exp3A_53 {strides = array<i32>} : memref<112xf32, #tpu.memory_space<vmem>>, vector<16xf32>,
    %mul3A_56 = arith.mulf %exp3A_53, %get3A_50 : vector<16xf32>
    %swap3A_57 = arith.constant 64 : index
    %swap3A_58 = tpu.vector_load %arg11[%swap3A_57] {strides = array<i32>} : memref<112xf32, #tpu.memory_space<vmem>>, vector<16xf32>,
    tpu.vector_store %arg11[%swap3A_57], %mul3A_56 {strides = array<i32>} : memref<112xf32, #tpu.memory_space<vmem>>, vector<16xf32>,
    %get3A_59 = arith.constant 80 : index
    %get3A_60 = tpu.vector_load %arg8[%get3A_59] {strides = array<i32>} : memref<128xf32, #tpu.memory_space<vmem>>, vector<16xf32>,
    %get3A_61 = arith.constant 80 : index
    %get3A_62 = tpu.vector_load %arg9[%get3A_61] {strides = array<i32>} : memref<112xf32, #tpu.memory_space<vmem>>, vector<16xf32>,
    %exp3A_63 = math.exp %get3A_62 : vector<16xf32>
    %swap3A_64 = arith.constant 80 : index
    %swap3A_65 = tpu.vector_load %arg10[%swap3A_64] {strides = array<i32>} : memref<112xf32, #tpu.memory_space<vmem>>, vector<16xf32>,
    tpu.vector_store %arg10[%swap3A_64], %exp3A_63 {strides = array<i32>} : memref<112xf32, #tpu.memory_space<vmem>>, vector<16xf32>,
    %mul3A_66 = arith.mulf %exp3A_63, %get3A_60 : vector<16xf32>
    %swap3A_67 = arith.constant 80 : index
    %swap3A_68 = tpu.vector_load %arg11[%swap3A_67] {strides = array<i32>} : memref<112xf32, #tpu.memory_space<vmem>>, vector<16xf32>,
    tpu.vector_store %arg11[%swap3A_67], %mul3A_66 {strides = array<i32>} : memref<112xf32, #tpu.memory_space<vmem>>, vector<16xf32>,
    %get3A_69 = arith.constant 96 : index
    %get3A_70 = tpu.vector_load %arg8[%get3A_69] {strides = array<i32>} : memref<128xf32, #tpu.memory_space<vmem>>, vector<16xf32>,
    %get3A_71 = arith.constant 96 : index
    %get3A_72 = tpu.vector_load %arg9[%get3A_71] {strides = array<i32>} : memref<112xf32, #tpu.memory_space<vmem>>, vector<16xf32>,
    %exp3A_73 = math.exp %get3A_72 : vector<16xf32>
    %swap3A_74 = arith.constant 96 : index
    %swap3A_75 = tpu.vector_load %arg10[%swap3A_74] {strides = array<i32>} : memref<112xf32, #tpu.memory_space<vmem>>, vector<16xf32>,
    tpu.vector_store %arg10[%swap3A_74], %exp3A_73 {strides = array<i32>} : memref<112xf32, #tpu.memory_space<vmem>>, vector<16xf32>,
    %mul3A_76 = arith.mulf %exp3A_73, %get3A_70 : vector<16xf32>
    %swap3A_77 = arith.constant 96 : index
    %swap3A_78 = tpu.vector_load %arg11[%swap3A_77] {strides = array<i32>} : memref<112xf32, #tpu.memory_space<vmem>>, vector<16xf32>,
    tpu.vector_store %arg11[%swap3A_77], %mul3A_76 {strides = array<i32>} : memref<112xf32, #tpu.memory_space<vmem>>, vector<16xf32>,
    %get3A_79 = arith.constant 112 : index
    %get3A_80 = tpu.vector_load %arg8[%get3A_79] {strides = array<i32>} : memref<128xf32, #tpu.memory_space<vmem>>, vector<16xf32>,
    %broadcast_in_dim3A_81 = arith.constant 0.000000e+00 : f32
    %broadcast_in_dim3A_82 = vector.broadcast %broadcast_in_dim3A_81 : f32 to vector<16xf32>
    %broadcast_in_dim3A_83 = arith.constant 0 : i32
    %broadcast_in_dim3A_84 = vector.broadcast %broadcast_in_dim3A_83 : i32 to vector<16xi32>
    %mul3A_85 = arith.constant 800 : i32
    %mul3A_86 = arith.muli %add3A, %mul3A_85 : i32
    %add3A_87 = arith.constant 200 : i32
    %add3A_88 = arith.addi %mul3A_86, %add3A_87 : i32
    %dma_start3A_89 = arith.constant 0 : i32
    %dma_start3A_90 = tpu.memref_slice %arg2[%add3A_88, %dma_start3A_89] : memref<25600x128xi32, #tpu.memory_space<hbm>> -> memref<200x128xi32, #tpu.memory_space<hbm>>
    %dma_start3A_91 = arith.constant 0 : i32
    %dma_start3A_92 = tpu.memref_slice %arg2[%add3A_88, %dma_start3A_91] : memref<25600x128xi32, #tpu.memory_space<hbm>> -> memref<200x128xi32, #tpu.memory_space<hbm>>
    tpu.enqueue_dma source(%dma_start3A_92 : memref<200x128xi32, #tpu.memory_space<hbm>>) target(%arg7 : memref<200x128xi32, #tpu.memory_space<vmem>>) target_semaphore(%arg14 : memref<!tpu.dma_semaphore, #tpu.memory_space<semaphore_mem>>)
    %dma_wait3A = arith.constant 0 : i32
    %dma_wait3A_93 = tpu.memref_slice %arg2[%add3A_6, %dma_wait3A] : memref<25600x128xi32, #tpu.memory_space<hbm>> -> memref<200x128xi32, #tpu.memory_space<hbm>>
    %dma_wait3A_94 = arith.constant 0 : i32
    %dma_wait3A_95 = tpu.memref_slice %arg2[%add3A_6, %dma_wait3A_94] : memref<25600x128xi32, #tpu.memory_space<hbm>> -> memref<200x128xi32, #tpu.memory_space<hbm>>
    tpu.wait_dma2 semaphore(%arg13 : memref<!tpu.dma_semaphore, #tpu.memory_space<semaphore_mem>>) src(%dma_wait3A_95 : memref<200x128xi32, #tpu.memory_space<hbm>>) dst(%arg6 : memref<200x128xi32, #tpu.memory_space<vmem>>)
    %scan3A = arith.constant 9.99999974E-5 : f32
    %scan3A_96 = arith.constant 5.000000e-01 : f32
    %scan3A_97 = arith.constant 0 : i32
    %scan3A_98 = arith.constant 0 : i32
    %scan3A_99 = arith.constant 8 : i32
    %scan3A_100 = arith.addi %scan3A_98, %scan3A_99 : i32
    %scan3A_101 = arith.constant 1 : i32
    %scan3A_102 = scf.for %scan3A_159 = %scan3A_98 to %scan3A_100 step %scan3A_101 iter_args(%scan3A_160 = %scan3A_97) -> (i32)  : i32 {
      %mul3A_161 = arith.constant 16 : i32
      %mul3A_162 = arith.muli %scan3A_159, %mul3A_161 : i32
      %add3A_163 = vector.broadcast %mul3A_162 : i32 to vector<16xi32>
      %add3A_164 = arith.addi %add3A_163, %iota3A : vector<16xi32>
      %mul3A_165 = arith.constant 200 : i32
      %mul3A_166 = vector.broadcast %mul3A_165 : i32 to vector<16xi32>
      %mul3A_167 = arith.muli %add3A_164, %mul3A_166 : vector<16xi32>
      %scan3A_168 = arith.constant 0 : i32
      %scan3A_169 = arith.constant 192 : i32
      %scan3A_170 = arith.addi %scan3A_168, %scan3A_169 : i32
      %scan3A_171 = arith.constant 16 : i32
      %scan3A_172:2 = scf.for %scan3A_412 = %scan3A_168 to %scan3A_170 step %scan3A_171 iter_args(%scan3A_413 = %broadcast_in_dim3A_82, %scan3A_414 = %broadcast_in_dim3A_82) -> (vector<16xf32>, vector<16xf32>)  : i32 {
        %add3A_415 = vector.broadcast %scan3A_412 : i32 to vector<16xi32>
        %add3A_416 = arith.addi %mul3A_167, %add3A_415 : vector<16xi32>
        %shift_right_arithmetic3A_417 = arith.constant 7 : i32
        %shift_right_arithmetic3A_418 = vector.broadcast %shift_right_arithmetic3A_417 : i32 to vector<16xi32>
        %shift_right_arithmetic3A_419 = arith.shrsi %add3A_416, %shift_right_arithmetic3A_418 : vector<16xi32>
        %and3A_420 = arith.constant 127 : i32
        %and3A_421 = vector.broadcast %and3A_420 : i32 to vector<16xi32>
        %and3A_422 = arith.andi %add3A_416, %and3A_421 : vector<16xi32>
        %gather3A_423 = tpu.vector_load_idx %arg6[%shift_right_arithmetic3A_419, %and3A_422] : memref<200x128xi32, #tpu.memory_space<vmem>>[vector<16xi32>, vector<16xi32>], vector<16xi32>,
        %add3A_424 = arith.constant 1 : i32
        %add3A_425 = vector.broadcast %add3A_424 : i32 to vector<16xi32>
        %add3A_426 = arith.addi %gather3A_423, %add3A_425 : vector<16xi32>
        %convert_element_type3A_427 = arith.sitofp %add3A_426 : vector<16xi32> to vector<16xf32>
        %mul3A_428 = vector.broadcast %scan3A : f32 to vector<16xf32>
        %mul3A_429 = arith.mulf %convert_element_type3A_427, %mul3A_428 : vector<16xf32>
        %add3A_430 = vector.broadcast %scan3A_96 : f32 to vector<16xf32>
        %add3A_431 = arith.addf %mul3A_429, %add3A_430 : vector<16xf32>
        %convert_element_type3A_432 = arith.fptosi %add3A_431 : vector<16xf32> to vector<16xi32>
        %mul3A_433 = arith.constant 10000 : i32
        %mul3A_434 = vector.broadcast %mul3A_433 : i32 to vector<16xi32>
        %mul3A_435 = arith.muli %convert_element_type3A_432, %mul3A_434 : vector<16xi32>
        %eq3A_436 = arith.cmpi eq, %mul3A_435, %add3A_426 : vector<16xi32>
        %select_n3A_437 = arith.select %eq3A_436, %convert_element_type3A_432, %broadcast_in_dim3A_84 : vector<16xi1>, vector<16xi32>
        %gather3A_438 = tpu.vector_load_idx %arg10[%select_n3A_437] : memref<112xf32, #tpu.memory_space<vmem>>[vector<16xi32>], vector<16xf32>,
        %gather3A_439 = tpu.vector_load_idx %arg11[%select_n3A_437] : memref<112xf32, #tpu.memory_space<vmem>>[vector<16xi32>], vector<16xf32>,
        %add3A_440 = arith.addf %scan3A_413, %gather3A_439 : vector<16xf32>
        %add3A_441 = arith.addf %scan3A_414, %gather3A_438 : vector<16xf32>
        %scan3A_442 = arith.constant 1 : i32
        %scan3A_443 = arith.addi %scan3A_412, %scan3A_442 : i32
        %add3A_444 = vector.broadcast %scan3A_443 : i32 to vector<16xi32>
        %add3A_445 = arith.addi %mul3A_167, %add3A_444 : vector<16xi32>
        %shift_right_arithmetic3A_446 = arith.constant 7 : i32
        %shift_right_arithmetic3A_447 = vector.broadcast %shift_right_arithmetic3A_446 : i32 to vector<16xi32>
        %shift_right_arithmetic3A_448 = arith.shrsi %add3A_445, %shift_right_arithmetic3A_447 : vector<16xi32>
        %and3A_449 = arith.constant 127 : i32
        %and3A_450 = vector.broadcast %and3A_449 : i32 to vector<16xi32>
        %and3A_451 = arith.andi %add3A_445, %and3A_450 : vector<16xi32>
        %gather3A_452 = tpu.vector_load_idx %arg6[%shift_right_arithmetic3A_448, %and3A_451] : memref<200x128xi32, #tpu.memory_space<vmem>>[vector<16xi32>, vector<16xi32>], vector<16xi32>,
        %add3A_453 = arith.constant 1 : i32
        %add3A_454 = vector.broadcast %add3A_453 : i32 to vector<16xi32>
        %add3A_455 = arith.addi %gather3A_452, %add3A_454 : vector<16xi32>
        %convert_element_type3A_456 = arith.sitofp %add3A_455 : vector<16xi32> to vector<16xf32>
        %mul3A_457 = vector.broadcast %scan3A : f32 to vector<16xf32>
        %mul3A_458 = arith.mulf %convert_element_type3A_456, %mul3A_457 : vector<16xf32>
        %add3A_459 = vector.broadcast %scan3A_96 : f32 to vector<16xf32>
        %add3A_460 = arith.addf %mul3A_458, %add3A_459 : vector<16xf32>
        %convert_element_type3A_461 = arith.fptosi %add3A_460 : vector<16xf32> to vector<16xi32>
        %mul3A_462 = arith.constant 10000 : i32
        %mul3A_463 = vector.broadcast %mul3A_462 : i32 to vector<16xi32>
        %mul3A_464 = arith.muli %convert_element_type3A_461, %mul3A_463 : vector<16xi32>
        %eq3A_465 = arith.cmpi eq, %mul3A_464, %add3A_455 : vector<16xi32>
        %select_n3A_466 = arith.select %eq3A_465, %convert_element_type3A_461, %broadcast_in_dim3A_84 : vector<16xi1>, vector<16xi32>
        %gather3A_467 = tpu.vector_load_idx %arg10[%select_n3A_466] : memref<112xf32, #tpu.memory_space<vmem>>[vector<16xi32>], vector<16xf32>,
        %gather3A_468 = tpu.vector_load_idx %arg11[%select_n3A_466] : memref<112xf32, #tpu.memory_space<vmem>>[vector<16xi32>], vector<16xf32>,
        %add3A_469 = arith.addf %add3A_440, %gather3A_468 : vector<16xf32>
        %add3A_470 = arith.addf %add3A_441, %gather3A_467 : vector<16xf32>
        %scan3A_471 = arith.constant 2 : i32
        %scan3A_472 = arith.addi %scan3A_412, %scan3A_471 : i32
        %add3A_473 = vector.broadcast %scan3A_472 : i32 to vector<16xi32>
        %add3A_474 = arith.addi %mul3A_167, %add3A_473 : vector<16xi32>
        %shift_right_arithmetic3A_475 = arith.constant 7 : i32
        %shift_right_arithmetic3A_476 = vector.broadcast %shift_right_arithmetic3A_475 : i32 to vector<16xi32>
        %shift_right_arithmetic3A_477 = arith.shrsi %add3A_474, %shift_right_arithmetic3A_476 : vector<16xi32>
        %and3A_478 = arith.constant 127 : i32
        %and3A_479 = vector.broadcast %and3A_478 : i32 to vector<16xi32>
        %and3A_480 = arith.andi %add3A_474, %and3A_479 : vector<16xi32>
        %gather3A_481 = tpu.vector_load_idx %arg6[%shift_right_arithmetic3A_477, %and3A_480] : memref<200x128xi32, #tpu.memory_space<vmem>>[vector<16xi32>, vector<16xi32>], vector<16xi32>,
        %add3A_482 = arith.constant 1 : i32
        %add3A_483 = vector.broadcast %add3A_482 : i32 to vector<16xi32>
        %add3A_484 = arith.addi %gather3A_481, %add3A_483 : vector<16xi32>
        %convert_element_type3A_485 = arith.sitofp %add3A_484 : vector<16xi32> to vector<16xf32>
        %mul3A_486 = vector.broadcast %scan3A : f32 to vector<16xf32>
        %mul3A_487 = arith.mulf %convert_element_type3A_485, %mul3A_486 : vector<16xf32>
        %add3A_488 = vector.broadcast %scan3A_96 : f32 to vector<16xf32>
        %add3A_489 = arith.addf %mul3A_487, %add3A_488 : vector<16xf32>
        %convert_element_type3A_490 = arith.fptosi %add3A_489 : vector<16xf32> to vector<16xi32>
        %mul3A_491 = arith.constant 10000 : i32
        %mul3A_492 = vector.broadcast %mul3A_491 : i32 to vector<16xi32>
        %mul3A_493 = arith.muli %convert_element_type3A_490, %mul3A_492 : vector<16xi32>
        %eq3A_494 = arith.cmpi eq, %mul3A_493, %add3A_484 : vector<16xi32>
        %select_n3A_495 = arith.select %eq3A_494, %convert_element_type3A_490, %broadcast_in_dim3A_84 : vector<16xi1>, vector<16xi32>
        %gather3A_496 = tpu.vector_load_idx %arg10[%select_n3A_495] : memref<112xf32, #tpu.memory_space<vmem>>[vector<16xi32>], vector<16xf32>,
        %gather3A_497 = tpu.vector_load_idx %arg11[%select_n3A_495] : memref<112xf32, #tpu.memory_space<vmem>>[vector<16xi32>], vector<16xf32>,
        %add3A_498 = arith.addf %add3A_469, %gather3A_497 : vector<16xf32>
        %add3A_499 = arith.addf %add3A_470, %gather3A_496 : vector<16xf32>
        %scan3A_500 = arith.constant 3 : i32
        %scan3A_501 = arith.addi %scan3A_412, %scan3A_500 : i32
        %add3A_502 = vector.broadcast %scan3A_501 : i32 to vector<16xi32>
        %add3A_503 = arith.addi %mul3A_167, %add3A_502 : vector<16xi32>
        %shift_right_arithmetic3A_504 = arith.constant 7 : i32
        %shift_right_arithmetic3A_505 = vector.broadcast %shift_right_arithmetic3A_504 : i32 to vector<16xi32>
        %shift_right_arithmetic3A_506 = arith.shrsi %add3A_503, %shift_right_arithmetic3A_505 : vector<16xi32>
        %and3A_507 = arith.constant 127 : i32
        %and3A_508 = vector.broadcast %and3A_507 : i32 to vector<16xi32>
        %and3A_509 = arith.andi %add3A_503, %and3A_508 : vector<16xi32>
        %gather3A_510 = tpu.vector_load_idx %arg6[%shift_right_arithmetic3A_506, %and3A_509] : memref<200x128xi32, #tpu.memory_space<vmem>>[vector<16xi32>, vector<16xi32>], vector<16xi32>,
        %add3A_511 = arith.constant 1 : i32
        %add3A_512 = vector.broadcast %add3A_511 : i32 to vector<16xi32>
        %add3A_513 = arith.addi %gather3A_510, %add3A_512 : vector<16xi32>
        %convert_element_type3A_514 = arith.sitofp %add3A_513 : vector<16xi32> to vector<16xf32>
        %mul3A_515 = vector.broadcast %scan3A : f32 to vector<16xf32>
        %mul3A_516 = arith.mulf %convert_element_type3A_514, %mul3A_515 : vector<16xf32>
        %add3A_517 = vector.broadcast %scan3A_96 : f32 to vector<16xf32>
        %add3A_518 = arith.addf %mul3A_516, %add3A_517 : vector<16xf32>
        %convert_element_type3A_519 = arith.fptosi %add3A_518 : vector<16xf32> to vector<16xi32>
        %mul3A_520 = arith.constant 10000 : i32
        %mul3A_521 = vector.broadcast %mul3A_520 : i32 to vector<16xi32>
        %mul3A_522 = arith.muli %convert_element_type3A_519, %mul3A_521 : vector<16xi32>
        %eq3A_523 = arith.cmpi eq, %mul3A_522, %add3A_513 : vector<16xi32>
        %select_n3A_524 = arith.select %eq3A_523, %convert_element_type3A_519, %broadcast_in_dim3A_84 : vector<16xi1>, vector<16xi32>
        %gather3A_525 = tpu.vector_load_idx %arg10[%select_n3A_524] : memref<112xf32, #tpu.memory_space<vmem>>[vector<16xi32>], vector<16xf32>,
        %gather3A_526 = tpu.vector_load_idx %arg11[%select_n3A_524] : memref<112xf32, #tpu.memory_space<vmem>>[vector<16xi32>], vector<16xf32>,
        %add3A_527 = arith.addf %add3A_498, %gather3A_526 : vector<16xf32>
        %add3A_528 = arith.addf %add3A_499, %gather3A_525 : vector<16xf32>
        %scan3A_529 = arith.constant 4 : i32
        %scan3A_530 = arith.addi %scan3A_412, %scan3A_529 : i32
        %add3A_531 = vector.broadcast %scan3A_530 : i32 to vector<16xi32>
        %add3A_532 = arith.addi %mul3A_167, %add3A_531 : vector<16xi32>
        %shift_right_arithmetic3A_533 = arith.constant 7 : i32
        %shift_right_arithmetic3A_534 = vector.broadcast %shift_right_arithmetic3A_533 : i32 to vector<16xi32>
        %shift_right_arithmetic3A_535 = arith.shrsi %add3A_532, %shift_right_arithmetic3A_534 : vector<16xi32>
        %and3A_536 = arith.constant 127 : i32
        %and3A_537 = vector.broadcast %and3A_536 : i32 to vector<16xi32>
        %and3A_538 = arith.andi %add3A_532, %and3A_537 : vector<16xi32>
        %gather3A_539 = tpu.vector_load_idx %arg6[%shift_right_arithmetic3A_535, %and3A_538] : memref<200x128xi32, #tpu.memory_space<vmem>>[vector<16xi32>, vector<16xi32>], vector<16xi32>,
        %add3A_540 = arith.constant 1 : i32
        %add3A_541 = vector.broadcast %add3A_540 : i32 to vector<16xi32>
        %add3A_542 = arith.addi %gather3A_539, %add3A_541 : vector<16xi32>
        %convert_element_type3A_543 = arith.sitofp %add3A_542 : vector<16xi32> to vector<16xf32>
        %mul3A_544 = vector.broadcast %scan3A : f32 to vector<16xf32>
        %mul3A_545 = arith.mulf %convert_element_type3A_543, %mul3A_544 : vector<16xf32>
        %add3A_546 = vector.broadcast %scan3A_96 : f32 to vector<16xf32>
        %add3A_547 = arith.addf %mul3A_545, %add3A_546 : vector<16xf32>
        %convert_element_type3A_548 = arith.fptosi %add3A_547 : vector<16xf32> to vector<16xi32>
        %mul3A_549 = arith.constant 10000 : i32
        %mul3A_550 = vector.broadcast %mul3A_549 : i32 to vector<16xi32>
        %mul3A_551 = arith.muli %convert_element_type3A_548, %mul3A_550 : vector<16xi32>
        %eq3A_552 = arith.cmpi eq, %mul3A_551, %add3A_542 : vector<16xi32>
        %select_n3A_553 = arith.select %eq3A_552, %convert_element_type3A_548, %broadcast_in_dim3A_84 : vector<16xi1>, vector<16xi32>
        %gather3A_554 = tpu.vector_load_idx %arg10[%select_n3A_553] : memref<112xf32, #tpu.memory_space<vmem>>[vector<16xi32>], vector<16xf32>,
        %gather3A_555 = tpu.vector_load_idx %arg11[%select_n3A_553] : memref<112xf32, #tpu.memory_space<vmem>>[vector<16xi32>], vector<16xf32>,
        %add3A_556 = arith.addf %add3A_527, %gather3A_555 : vector<16xf32>
        %add3A_557 = arith.addf %add3A_528, %gather3A_554 : vector<16xf32>
        %scan3A_558 = arith.constant 5 : i32
        %scan3A_559 = arith.addi %scan3A_412, %scan3A_558 : i32
        %add3A_560 = vector.broadcast %scan3A_559 : i32 to vector<16xi32>
        %add3A_561 = arith.addi %mul3A_167, %add3A_560 : vector<16xi32>
        %shift_right_arithmetic3A_562 = arith.constant 7 : i32
        %shift_right_arithmetic3A_563 = vector.broadcast %shift_right_arithmetic3A_562 : i32 to vector<16xi32>
        %shift_right_arithmetic3A_564 = arith.shrsi %add3A_561, %shift_right_arithmetic3A_563 : vector<16xi32>
        %and3A_565 = arith.constant 127 : i32
        %and3A_566 = vector.broadcast %and3A_565 : i32 to vector<16xi32>
        %and3A_567 = arith.andi %add3A_561, %and3A_566 : vector<16xi32>
        %gather3A_568 = tpu.vector_load_idx %arg6[%shift_right_arithmetic3A_564, %and3A_567] : memref<200x128xi32, #tpu.memory_space<vmem>>[vector<16xi32>, vector<16xi32>], vector<16xi32>,
        %add3A_569 = arith.constant 1 : i32
        %add3A_570 = vector.broadcast %add3A_569 : i32 to vector<16xi32>
        %add3A_571 = arith.addi %gather3A_568, %add3A_570 : vector<16xi32>
        %convert_element_type3A_572 = arith.sitofp %add3A_571 : vector<16xi32> to vector<16xf32>
        %mul3A_573 = vector.broadcast %scan3A : f32 to vector<16xf32>
        %mul3A_574 = arith.mulf %convert_element_type3A_572, %mul3A_573 : vector<16xf32>
        %add3A_575 = vector.broadcast %scan3A_96 : f32 to vector<16xf32>
        %add3A_576 = arith.addf %mul3A_574, %add3A_575 : vector<16xf32>
        %convert_element_type3A_577 = arith.fptosi %add3A_576 : vector<16xf32> to vector<16xi32>
        %mul3A_578 = arith.constant 10000 : i32
        %mul3A_579 = vector.broadcast %mul3A_578 : i32 to vector<16xi32>
        %mul3A_580 = arith.muli %convert_element_type3A_577, %mul3A_579 : vector<16xi32>
        %eq3A_581 = arith.cmpi eq, %mul3A_580, %add3A_571 : vector<16xi32>
        %select_n3A_582 = arith.select %eq3A_581, %convert_element_type3A_577, %broadcast_in_dim3A_84 : vector<16xi1>, vector<16xi32>
        %gather3A_583 = tpu.vector_load_idx %arg10[%select_n3A_582] : memref<112xf32, #tpu.memory_space<vmem>>[vector<16xi32>], vector<16xf32>,
        %gather3A_584 = tpu.vector_load_idx %arg11[%select_n3A_582] : memref<112xf32, #tpu.memory_space<vmem>>[vector<16xi32>], vector<16xf32>,
        %add3A_585 = arith.addf %add3A_556, %gather3A_584 : vector<16xf32>
        %add3A_586 = arith.addf %add3A_557, %gather3A_583 : vector<16xf32>
        %scan3A_587 = arith.constant 6 : i32
        %scan3A_588 = arith.addi %scan3A_412, %scan3A_587 : i32
        %add3A_589 = vector.broadcast %scan3A_588 : i32 to vector<16xi32>
        %add3A_590 = arith.addi %mul3A_167, %add3A_589 : vector<16xi32>
        %shift_right_arithmetic3A_591 = arith.constant 7 : i32
        %shift_right_arithmetic3A_592 = vector.broadcast %shift_right_arithmetic3A_591 : i32 to vector<16xi32>
        %shift_right_arithmetic3A_593 = arith.shrsi %add3A_590, %shift_right_arithmetic3A_592 : vector<16xi32>
        %and3A_594 = arith.constant 127 : i32
        %and3A_595 = vector.broadcast %and3A_594 : i32 to vector<16xi32>
        %and3A_596 = arith.andi %add3A_590, %and3A_595 : vector<16xi32>
        %gather3A_597 = tpu.vector_load_idx %arg6[%shift_right_arithmetic3A_593, %and3A_596] : memref<200x128xi32, #tpu.memory_space<vmem>>[vector<16xi32>, vector<16xi32>], vector<16xi32>,
        %add3A_598 = arith.constant 1 : i32
        %add3A_599 = vector.broadcast %add3A_598 : i32 to vector<16xi32>
        %add3A_600 = arith.addi %gather3A_597, %add3A_599 : vector<16xi32>
        %convert_element_type3A_601 = arith.sitofp %add3A_600 : vector<16xi32> to vector<16xf32>
        %mul3A_602 = vector.broadcast %scan3A : f32 to vector<16xf32>
        %mul3A_603 = arith.mulf %convert_element_type3A_601, %mul3A_602 : vector<16xf32>
        %add3A_604 = vector.broadcast %scan3A_96 : f32 to vector<16xf32>
        %add3A_605 = arith.addf %mul3A_603, %add3A_604 : vector<16xf32>
        %convert_element_type3A_606 = arith.fptosi %add3A_605 : vector<16xf32> to vector<16xi32>
        %mul3A_607 = arith.constant 10000 : i32
        %mul3A_608 = vector.broadcast %mul3A_607 : i32 to vector<16xi32>
        %mul3A_609 = arith.muli %convert_element_type3A_606, %mul3A_608 : vector<16xi32>
        %eq3A_610 = arith.cmpi eq, %mul3A_609, %add3A_600 : vector<16xi32>
        %select_n3A_611 = arith.select %eq3A_610, %convert_element_type3A_606, %broadcast_in_dim3A_84 : vector<16xi1>, vector<16xi32>
        %gather3A_612 = tpu.vector_load_idx %arg10[%select_n3A_611] : memref<112xf32, #tpu.memory_space<vmem>>[vector<16xi32>], vector<16xf32>,
        %gather3A_613 = tpu.vector_load_idx %arg11[%select_n3A_611] : memref<112xf32, #tpu.memory_space<vmem>>[vector<16xi32>], vector<16xf32>,
        %add3A_614 = arith.addf %add3A_585, %gather3A_613 : vector<16xf32>
        %add3A_615 = arith.addf %add3A_586, %gather3A_612 : vector<16xf32>
        %scan3A_616 = arith.constant 7 : i32
        %scan3A_617 = arith.addi %scan3A_412, %scan3A_616 : i32
        %add3A_618 = vector.broadcast %scan3A_617 : i32 to vector<16xi32>
        %add3A_619 = arith.addi %mul3A_167, %add3A_618 : vector<16xi32>
        %shift_right_arithmetic3A_620 = arith.constant 7 : i32
        %shift_right_arithmetic3A_621 = vector.broadcast %shift_right_arithmetic3A_620 : i32 to vector<16xi32>
        %shift_right_arithmetic3A_622 = arith.shrsi %add3A_619, %shift_right_arithmetic3A_621 : vector<16xi32>
        %and3A_623 = arith.constant 127 : i32
        %and3A_624 = vector.broadcast %and3A_623 : i32 to vector<16xi32>
        %and3A_625 = arith.andi %add3A_619, %and3A_624 : vector<16xi32>
        %gather3A_626 = tpu.vector_load_idx %arg6[%shift_right_arithmetic3A_622, %and3A_625] : memref<200x128xi32, #tpu.memory_space<vmem>>[vector<16xi32>, vector<16xi32>], vector<16xi32>,
        %add3A_627 = arith.constant 1 : i32
        %add3A_628 = vector.broadcast %add3A_627 : i32 to vector<16xi32>
        %add3A_629 = arith.addi %gather3A_626, %add3A_628 : vector<16xi32>
        %convert_element_type3A_630 = arith.sitofp %add3A_629 : vector<16xi32> to vector<16xf32>
        %mul3A_631 = vector.broadcast %scan3A : f32 to vector<16xf32>
        %mul3A_632 = arith.mulf %convert_element_type3A_630, %mul3A_631 : vector<16xf32>
        %add3A_633 = vector.broadcast %scan3A_96 : f32 to vector<16xf32>
        %add3A_634 = arith.addf %mul3A_632, %add3A_633 : vector<16xf32>
        %convert_element_type3A_635 = arith.fptosi %add3A_634 : vector<16xf32> to vector<16xi32>
        %mul3A_636 = arith.constant 10000 : i32
        %mul3A_637 = vector.broadcast %mul3A_636 : i32 to vector<16xi32>
        %mul3A_638 = arith.muli %convert_element_type3A_635, %mul3A_637 : vector<16xi32>
        %eq3A_639 = arith.cmpi eq, %mul3A_638, %add3A_629 : vector<16xi32>
        %select_n3A_640 = arith.select %eq3A_639, %convert_element_type3A_635, %broadcast_in_dim3A_84 : vector<16xi1>, vector<16xi32>
        %gather3A_641 = tpu.vector_load_idx %arg10[%select_n3A_640] : memref<112xf32, #tpu.memory_space<vmem>>[vector<16xi32>], vector<16xf32>,
        %gather3A_642 = tpu.vector_load_idx %arg11[%select_n3A_640] : memref<112xf32, #tpu.memory_space<vmem>>[vector<16xi32>], vector<16xf32>,
        %add3A_643 = arith.addf %add3A_614, %gather3A_642 : vector<16xf32>
        %add3A_644 = arith.addf %add3A_615, %gather3A_641 : vector<16xf32>
        %scan3A_645 = arith.constant 8 : i32
        %scan3A_646 = arith.addi %scan3A_412, %scan3A_645 : i32
        %add3A_647 = vector.broadcast %scan3A_646 : i32 to vector<16xi32>
        %add3A_648 = arith.addi %mul3A_167, %add3A_647 : vector<16xi32>
        %shift_right_arithmetic3A_649 = arith.constant 7 : i32
        %shift_right_arithmetic3A_650 = vector.broadcast %shift_right_arithmetic3A_649 : i32 to vector<16xi32>
        %shift_right_arithmetic3A_651 = arith.shrsi %add3A_648, %shift_right_arithmetic3A_650 : vector<16xi32>
        %and3A_652 = arith.constant 127 : i32
        %and3A_653 = vector.broadcast %and3A_652 : i32 to vector<16xi32>
        %and3A_654 = arith.andi %add3A_648, %and3A_653 : vector<16xi32>
        %gather3A_655 = tpu.vector_load_idx %arg6[%shift_right_arithmetic3A_651, %and3A_654] : memref<200x128xi32, #tpu.memory_space<vmem>>[vector<16xi32>, vector<16xi32>], vector<16xi32>,
        %add3A_656 = arith.constant 1 : i32
        %add3A_657 = vector.broadcast %add3A_656 : i32 to vector<16xi32>
        %add3A_658 = arith.addi %gather3A_655, %add3A_657 : vector<16xi32>
        %convert_element_type3A_659 = arith.sitofp %add3A_658 : vector<16xi32> to vector<16xf32>
        %mul3A_660 = vector.broadcast %scan3A : f32 to vector<16xf32>
        %mul3A_661 = arith.mulf %convert_element_type3A_659, %mul3A_660 : vector<16xf32>
        %add3A_662 = vector.broadcast %scan3A_96 : f32 to vector<16xf32>
        %add3A_663 = arith.addf %mul3A_661, %add3A_662 : vector<16xf32>
        %convert_element_type3A_664 = arith.fptosi %add3A_663 : vector<16xf32> to vector<16xi32>
        %mul3A_665 = arith.constant 10000 : i32
        %mul3A_666 = vector.broadcast %mul3A_665 : i32 to vector<16xi32>
        %mul3A_667 = arith.muli %convert_element_type3A_664, %mul3A_666 : vector<16xi32>
        %eq3A_668 = arith.cmpi eq, %mul3A_667, %add3A_658 : vector<16xi32>
        %select_n3A_669 = arith.select %eq3A_668, %convert_element_type3A_664, %broadcast_in_dim3A_84 : vector<16xi1>, vector<16xi32>
        %gather3A_670 = tpu.vector_load_idx %arg10[%select_n3A_669] : memref<112xf32, #tpu.memory_space<vmem>>[vector<16xi32>], vector<16xf32>,
        %gather3A_671 = tpu.vector_load_idx %arg11[%select_n3A_669] : memref<112xf32, #tpu.memory_space<vmem>>[vector<16xi32>], vector<16xf32>,
        %add3A_672 = arith.addf %add3A_643, %gather3A_671 : vector<16xf32>
        %add3A_673 = arith.addf %add3A_644, %gather3A_670 : vector<16xf32>
        %scan3A_674 = arith.constant 9 : i32
        %scan3A_675 = arith.addi %scan3A_412, %scan3A_674 : i32
        %add3A_676 = vector.broadcast %scan3A_675 : i32 to vector<16xi32>
        %add3A_677 = arith.addi %mul3A_167, %add3A_676 : vector<16xi32>
        %shift_right_arithmetic3A_678 = arith.constant 7 : i32
        %shift_right_arithmetic3A_679 = vector.broadcast %shift_right_arithmetic3A_678 : i32 to vector<16xi32>
        %shift_right_arithmetic3A_680 = arith.shrsi %add3A_677, %shift_right_arithmetic3A_679 : vector<16xi32>
        %and3A_681 = arith.constant 127 : i32
        %and3A_682 = vector.broadcast %and3A_681 : i32 to vector<16xi32>
        %and3A_683 = arith.andi %add3A_677, %and3A_682 : vector<16xi32>
        %gather3A_684 = tpu.vector_load_idx %arg6[%shift_right_arithmetic3A_680, %and3A_683] : memref<200x128xi32, #tpu.memory_space<vmem>>[vector<16xi32>, vector<16xi32>], vector<16xi32>,
        %add3A_685 = arith.constant 1 : i32
        %add3A_686 = vector.broadcast %add3A_685 : i32 to vector<16xi32>
        %add3A_687 = arith.addi %gather3A_684, %add3A_686 : vector<16xi32>
        %convert_element_type3A_688 = arith.sitofp %add3A_687 : vector<16xi32> to vector<16xf32>
        %mul3A_689 = vector.broadcast %scan3A : f32 to vector<16xf32>
        %mul3A_690 = arith.mulf %convert_element_type3A_688, %mul3A_689 : vector<16xf32>
        %add3A_691 = vector.broadcast %scan3A_96 : f32 to vector<16xf32>
        %add3A_692 = arith.addf %mul3A_690, %add3A_691 : vector<16xf32>
        %convert_element_type3A_693 = arith.fptosi %add3A_692 : vector<16xf32> to vector<16xi32>
        %mul3A_694 = arith.constant 10000 : i32
        %mul3A_695 = vector.broadcast %mul3A_694 : i32 to vector<16xi32>
        %mul3A_696 = arith.muli %convert_element_type3A_693, %mul3A_695 : vector<16xi32>
        %eq3A_697 = arith.cmpi eq, %mul3A_696, %add3A_687 : vector<16xi32>
        %select_n3A_698 = arith.select %eq3A_697, %convert_element_type3A_693, %broadcast_in_dim3A_84 : vector<16xi1>, vector<16xi32>
        %gather3A_699 = tpu.vector_load_idx %arg10[%select_n3A_698] : memref<112xf32, #tpu.memory_space<vmem>>[vector<16xi32>], vector<16xf32>,
        %gather3A_700 = tpu.vector_load_idx %arg11[%select_n3A_698] : memref<112xf32, #tpu.memory_space<vmem>>[vector<16xi32>], vector<16xf32>,
        %add3A_701 = arith.addf %add3A_672, %gather3A_700 : vector<16xf32>
        %add3A_702 = arith.addf %add3A_673, %gather3A_699 : vector<16xf32>
        %scan3A_703 = arith.constant 10 : i32
        %scan3A_704 = arith.addi %scan3A_412, %scan3A_703 : i32
        %add3A_705 = vector.broadcast %scan3A_704 : i32 to vector<16xi32>
        %add3A_706 = arith.addi %mul3A_167, %add3A_705 : vector<16xi32>
        %shift_right_arithmetic3A_707 = arith.constant 7 : i32
        %shift_right_arithmetic3A_708 = vector.broadcast %shift_right_arithmetic3A_707 : i32 to vector<16xi32>
        %shift_right_arithmetic3A_709 = arith.shrsi %add3A_706, %shift_right_arithmetic3A_708 : vector<16xi32>
        %and3A_710 = arith.constant 127 : i32
        %and3A_711 = vector.broadcast %and3A_710 : i32 to vector<16xi32>
        %and3A_712 = arith.andi %add3A_706, %and3A_711 : vector<16xi32>
        %gather3A_713 = tpu.vector_load_idx %arg6[%shift_right_arithmetic3A_709, %and3A_712] : memref<200x128xi32, #tpu.memory_space<vmem>>[vector<16xi32>, vector<16xi32>], vector<16xi32>,
        %add3A_714 = arith.constant 1 : i32
        %add3A_715 = vector.broadcast %add3A_714 : i32 to vector<16xi32>
        %add3A_716 = arith.addi %gather3A_713, %add3A_715 : vector<16xi32>
        %convert_element_type3A_717 = arith.sitofp %add3A_716 : vector<16xi32> to vector<16xf32>
        %mul3A_718 = vector.broadcast %scan3A : f32 to vector<16xf32>
        %mul3A_719 = arith.mulf %convert_element_type3A_717, %mul3A_718 : vector<16xf32>
        %add3A_720 = vector.broadcast %scan3A_96 : f32 to vector<16xf32>
        %add3A_721 = arith.addf %mul3A_719, %add3A_720 : vector<16xf32>
        %convert_element_type3A_722 = arith.fptosi %add3A_721 : vector<16xf32> to vector<16xi32>
        %mul3A_723 = arith.constant 10000 : i32
        %mul3A_724 = vector.broadcast %mul3A_723 : i32 to vector<16xi32>
        %mul3A_725 = arith.muli %convert_element_type3A_722, %mul3A_724 : vector<16xi32>
        %eq3A_726 = arith.cmpi eq, %mul3A_725, %add3A_716 : vector<16xi32>
        %select_n3A_727 = arith.select %eq3A_726, %convert_element_type3A_722, %broadcast_in_dim3A_84 : vector<16xi1>, vector<16xi32>
        %gather3A_728 = tpu.vector_load_idx %arg10[%select_n3A_727] : memref<112xf32, #tpu.memory_space<vmem>>[vector<16xi32>], vector<16xf32>,
        %gather3A_729 = tpu.vector_load_idx %arg11[%select_n3A_727] : memref<112xf32, #tpu.memory_space<vmem>>[vector<16xi32>], vector<16xf32>,
        %add3A_730 = arith.addf %add3A_701, %gather3A_729 : vector<16xf32>
        %add3A_731 = arith.addf %add3A_702, %gather3A_728 : vector<16xf32>
        %scan3A_732 = arith.constant 11 : i32
        %scan3A_733 = arith.addi %scan3A_412, %scan3A_732 : i32
        %add3A_734 = vector.broadcast %scan3A_733 : i32 to vector<16xi32>
        %add3A_735 = arith.addi %mul3A_167, %add3A_734 : vector<16xi32>
        %shift_right_arithmetic3A_736 = arith.constant 7 : i32
        %shift_right_arithmetic3A_737 = vector.broadcast %shift_right_arithmetic3A_736 : i32 to vector<16xi32>
        %shift_right_arithmetic3A_738 = arith.shrsi %add3A_735, %shift_right_arithmetic3A_737 : vector<16xi32>
        %and3A_739 = arith.constant 127 : i32
        %and3A_740 = vector.broadcast %and3A_739 : i32 to vector<16xi32>
        %and3A_741 = arith.andi %add3A_735, %and3A_740 : vector<16xi32>
        %gather3A_742 = tpu.vector_load_idx %arg6[%shift_right_arithmetic3A_738, %and3A_741] : memref<200x128xi32, #tpu.memory_space<vmem>>[vector<16xi32>, vector<16xi32>], vector<16xi32>,
        %add3A_743 = arith.constant 1 : i32
        %add3A_744 = vector.broadcast %add3A_743 : i32 to vector<16xi32>
        %add3A_745 = arith.addi %gather3A_742, %add3A_744 : vector<16xi32>
        %convert_element_type3A_746 = arith.sitofp %add3A_745 : vector<16xi32> to vector<16xf32>
        %mul3A_747 = vector.broadcast %scan3A : f32 to vector<16xf32>
        %mul3A_748 = arith.mulf %convert_element_type3A_746, %mul3A_747 : vector<16xf32>
        %add3A_749 = vector.broadcast %scan3A_96 : f32 to vector<16xf32>
        %add3A_750 = arith.addf %mul3A_748, %add3A_749 : vector<16xf32>
        %convert_element_type3A_751 = arith.fptosi %add3A_750 : vector<16xf32> to vector<16xi32>
        %mul3A_752 = arith.constant 10000 : i32
        %mul3A_753 = vector.broadcast %mul3A_752 : i32 to vector<16xi32>
        %mul3A_754 = arith.muli %convert_element_type3A_751, %mul3A_753 : vector<16xi32>
        %eq3A_755 = arith.cmpi eq, %mul3A_754, %add3A_745 : vector<16xi32>
        %select_n3A_756 = arith.select %eq3A_755, %convert_element_type3A_751, %broadcast_in_dim3A_84 : vector<16xi1>, vector<16xi32>
        %gather3A_757 = tpu.vector_load_idx %arg10[%select_n3A_756] : memref<112xf32, #tpu.memory_space<vmem>>[vector<16xi32>], vector<16xf32>,
        %gather3A_758 = tpu.vector_load_idx %arg11[%select_n3A_756] : memref<112xf32, #tpu.memory_space<vmem>>[vector<16xi32>], vector<16xf32>,
        %add3A_759 = arith.addf %add3A_730, %gather3A_758 : vector<16xf32>
        %add3A_760 = arith.addf %add3A_731, %gather3A_757 : vector<16xf32>
        %scan3A_761 = arith.constant 12 : i32
        %scan3A_762 = arith.addi %scan3A_412, %scan3A_761 : i32
        %add3A_763 = vector.broadcast %scan3A_762 : i32 to vector<16xi32>
        %add3A_764 = arith.addi %mul3A_167, %add3A_763 : vector<16xi32>
        %shift_right_arithmetic3A_765 = arith.constant 7 : i32
        %shift_right_arithmetic3A_766 = vector.broadcast %shift_right_arithmetic3A_765 : i32 to vector<16xi32>
        %shift_right_arithmetic3A_767 = arith.shrsi %add3A_764, %shift_right_arithmetic3A_766 : vector<16xi32>
        %and3A_768 = arith.constant 127 : i32
        %and3A_769 = vector.broadcast %and3A_768 : i32 to vector<16xi32>
        %and3A_770 = arith.andi %add3A_764, %and3A_769 : vector<16xi32>
        %gather3A_771 = tpu.vector_load_idx %arg6[%shift_right_arithmetic3A_767, %and3A_770] : memref<200x128xi32, #tpu.memory_space<vmem>>[vector<16xi32>, vector<16xi32>], vector<16xi32>,
        %add3A_772 = arith.constant 1 : i32
        %add3A_773 = vector.broadcast %add3A_772 : i32 to vector<16xi32>
        %add3A_774 = arith.addi %gather3A_771, %add3A_773 : vector<16xi32>
        %convert_element_type3A_775 = arith.sitofp %add3A_774 : vector<16xi32> to vector<16xf32>
        %mul3A_776 = vector.broadcast %scan3A : f32 to vector<16xf32>
        %mul3A_777 = arith.mulf %convert_element_type3A_775, %mul3A_776 : vector<16xf32>
        %add3A_778 = vector.broadcast %scan3A_96 : f32 to vector<16xf32>
        %add3A_779 = arith.addf %mul3A_777, %add3A_778 : vector<16xf32>
        %convert_element_type3A_780 = arith.fptosi %add3A_779 : vector<16xf32> to vector<16xi32>
        %mul3A_781 = arith.constant 10000 : i32
        %mul3A_782 = vector.broadcast %mul3A_781 : i32 to vector<16xi32>
        %mul3A_783 = arith.muli %convert_element_type3A_780, %mul3A_782 : vector<16xi32>
        %eq3A_784 = arith.cmpi eq, %mul3A_783, %add3A_774 : vector<16xi32>
        %select_n3A_785 = arith.select %eq3A_784, %convert_element_type3A_780, %broadcast_in_dim3A_84 : vector<16xi1>, vector<16xi32>
        %gather3A_786 = tpu.vector_load_idx %arg10[%select_n3A_785] : memref<112xf32, #tpu.memory_space<vmem>>[vector<16xi32>], vector<16xf32>,
        %gather3A_787 = tpu.vector_load_idx %arg11[%select_n3A_785] : memref<112xf32, #tpu.memory_space<vmem>>[vector<16xi32>], vector<16xf32>,
        %add3A_788 = arith.addf %add3A_759, %gather3A_787 : vector<16xf32>
        %add3A_789 = arith.addf %add3A_760, %gather3A_786 : vector<16xf32>
        %scan3A_790 = arith.constant 13 : i32
        %scan3A_791 = arith.addi %scan3A_412, %scan3A_790 : i32
        %add3A_792 = vector.broadcast %scan3A_791 : i32 to vector<16xi32>
        %add3A_793 = arith.addi %mul3A_167, %add3A_792 : vector<16xi32>
        %shift_right_arithmetic3A_794 = arith.constant 7 : i32
        %shift_right_arithmetic3A_795 = vector.broadcast %shift_right_arithmetic3A_794 : i32 to vector<16xi32>
        %shift_right_arithmetic3A_796 = arith.shrsi %add3A_793, %shift_right_arithmetic3A_795 : vector<16xi32>
        %and3A_797 = arith.constant 127 : i32
        %and3A_798 = vector.broadcast %and3A_797 : i32 to vector<16xi32>
        %and3A_799 = arith.andi %add3A_793, %and3A_798 : vector<16xi32>
        %gather3A_800 = tpu.vector_load_idx %arg6[%shift_right_arithmetic3A_796, %and3A_799] : memref<200x128xi32, #tpu.memory_space<vmem>>[vector<16xi32>, vector<16xi32>], vector<16xi32>,
        %add3A_801 = arith.constant 1 : i32
        %add3A_802 = vector.broadcast %add3A_801 : i32 to vector<16xi32>
        %add3A_803 = arith.addi %gather3A_800, %add3A_802 : vector<16xi32>
        %convert_element_type3A_804 = arith.sitofp %add3A_803 : vector<16xi32> to vector<16xf32>
        %mul3A_805 = vector.broadcast %scan3A : f32 to vector<16xf32>
        %mul3A_806 = arith.mulf %convert_element_type3A_804, %mul3A_805 : vector<16xf32>
        %add3A_807 = vector.broadcast %scan3A_96 : f32 to vector<16xf32>
        %add3A_808 = arith.addf %mul3A_806, %add3A_807 : vector<16xf32>
        %convert_element_type3A_809 = arith.fptosi %add3A_808 : vector<16xf32> to vector<16xi32>
        %mul3A_810 = arith.constant 10000 : i32
        %mul3A_811 = vector.broadcast %mul3A_810 : i32 to vector<16xi32>
        %mul3A_812 = arith.muli %convert_element_type3A_809, %mul3A_811 : vector<16xi32>
        %eq3A_813 = arith.cmpi eq, %mul3A_812, %add3A_803 : vector<16xi32>
        %select_n3A_814 = arith.select %eq3A_813, %convert_element_type3A_809, %broadcast_in_dim3A_84 : vector<16xi1>, vector<16xi32>
        %gather3A_815 = tpu.vector_load_idx %arg10[%select_n3A_814] : memref<112xf32, #tpu.memory_space<vmem>>[vector<16xi32>], vector<16xf32>,
        %gather3A_816 = tpu.vector_load_idx %arg11[%select_n3A_814] : memref<112xf32, #tpu.memory_space<vmem>>[vector<16xi32>], vector<16xf32>,
        %add3A_817 = arith.addf %add3A_788, %gather3A_816 : vector<16xf32>
        %add3A_818 = arith.addf %add3A_789, %gather3A_815 : vector<16xf32>
        %scan3A_819 = arith.constant 14 : i32
        %scan3A_820 = arith.addi %scan3A_412, %scan3A_819 : i32
        %add3A_821 = vector.broadcast %scan3A_820 : i32 to vector<16xi32>
        %add3A_822 = arith.addi %mul3A_167, %add3A_821 : vector<16xi32>
        %shift_right_arithmetic3A_823 = arith.constant 7 : i32
        %shift_right_arithmetic3A_824 = vector.broadcast %shift_right_arithmetic3A_823 : i32 to vector<16xi32>
        %shift_right_arithmetic3A_825 = arith.shrsi %add3A_822, %shift_right_arithmetic3A_824 : vector<16xi32>
        %and3A_826 = arith.constant 127 : i32
        %and3A_827 = vector.broadcast %and3A_826 : i32 to vector<16xi32>
        %and3A_828 = arith.andi %add3A_822, %and3A_827 : vector<16xi32>
        %gather3A_829 = tpu.vector_load_idx %arg6[%shift_right_arithmetic3A_825, %and3A_828] : memref<200x128xi32, #tpu.memory_space<vmem>>[vector<16xi32>, vector<16xi32>], vector<16xi32>,
        %add3A_830 = arith.constant 1 : i32
        %add3A_831 = vector.broadcast %add3A_830 : i32 to vector<16xi32>
        %add3A_832 = arith.addi %gather3A_829, %add3A_831 : vector<16xi32>
        %convert_element_type3A_833 = arith.sitofp %add3A_832 : vector<16xi32> to vector<16xf32>
        %mul3A_834 = vector.broadcast %scan3A : f32 to vector<16xf32>
        %mul3A_835 = arith.mulf %convert_element_type3A_833, %mul3A_834 : vector<16xf32>
        %add3A_836 = vector.broadcast %scan3A_96 : f32 to vector<16xf32>
        %add3A_837 = arith.addf %mul3A_835, %add3A_836 : vector<16xf32>
        %convert_element_type3A_838 = arith.fptosi %add3A_837 : vector<16xf32> to vector<16xi32>
        %mul3A_839 = arith.constant 10000 : i32
        %mul3A_840 = vector.broadcast %mul3A_839 : i32 to vector<16xi32>
        %mul3A_841 = arith.muli %convert_element_type3A_838, %mul3A_840 : vector<16xi32>
        %eq3A_842 = arith.cmpi eq, %mul3A_841, %add3A_832 : vector<16xi32>
        %select_n3A_843 = arith.select %eq3A_842, %convert_element_type3A_838, %broadcast_in_dim3A_84 : vector<16xi1>, vector<16xi32>
        %gather3A_844 = tpu.vector_load_idx %arg10[%select_n3A_843] : memref<112xf32, #tpu.memory_space<vmem>>[vector<16xi32>], vector<16xf32>,
        %gather3A_845 = tpu.vector_load_idx %arg11[%select_n3A_843] : memref<112xf32, #tpu.memory_space<vmem>>[vector<16xi32>], vector<16xf32>,
        %add3A_846 = arith.addf %add3A_817, %gather3A_845 : vector<16xf32>
        %add3A_847 = arith.addf %add3A_818, %gather3A_844 : vector<16xf32>
        %scan3A_848 = arith.constant 15 : i32
        %scan3A_849 = arith.addi %scan3A_412, %scan3A_848 : i32
        %add3A_850 = vector.broadcast %scan3A_849 : i32 to vector<16xi32>
        %add3A_851 = arith.addi %mul3A_167, %add3A_850 : vector<16xi32>
        %shift_right_arithmetic3A_852 = arith.constant 7 : i32
        %shift_right_arithmetic3A_853 = vector.broadcast %shift_right_arithmetic3A_852 : i32 to vector<16xi32>
        %shift_right_arithmetic3A_854 = arith.shrsi %add3A_851, %shift_right_arithmetic3A_853 : vector<16xi32>
        %and3A_855 = arith.constant 127 : i32
        %and3A_856 = vector.broadcast %and3A_855 : i32 to vector<16xi32>
        %and3A_857 = arith.andi %add3A_851, %and3A_856 : vector<16xi32>
        %gather3A_858 = tpu.vector_load_idx %arg6[%shift_right_arithmetic3A_854, %and3A_857] : memref<200x128xi32, #tpu.memory_space<vmem>>[vector<16xi32>, vector<16xi32>], vector<16xi32>,
        %add3A_859 = arith.constant 1 : i32
        %add3A_860 = vector.broadcast %add3A_859 : i32 to vector<16xi32>
        %add3A_861 = arith.addi %gather3A_858, %add3A_860 : vector<16xi32>
        %convert_element_type3A_862 = arith.sitofp %add3A_861 : vector<16xi32> to vector<16xf32>
        %mul3A_863 = vector.broadcast %scan3A : f32 to vector<16xf32>
        %mul3A_864 = arith.mulf %convert_element_type3A_862, %mul3A_863 : vector<16xf32>
        %add3A_865 = vector.broadcast %scan3A_96 : f32 to vector<16xf32>
        %add3A_866 = arith.addf %mul3A_864, %add3A_865 : vector<16xf32>
        %convert_element_type3A_867 = arith.fptosi %add3A_866 : vector<16xf32> to vector<16xi32>
        %mul3A_868 = arith.constant 10000 : i32
        %mul3A_869 = vector.broadcast %mul3A_868 : i32 to vector<16xi32>
        %mul3A_870 = arith.muli %convert_element_type3A_867, %mul3A_869 : vector<16xi32>
        %eq3A_871 = arith.cmpi eq, %mul3A_870, %add3A_861 : vector<16xi32>
        %select_n3A_872 = arith.select %eq3A_871, %convert_element_type3A_867, %broadcast_in_dim3A_84 : vector<16xi1>, vector<16xi32>
        %gather3A_873 = tpu.vector_load_idx %arg10[%select_n3A_872] : memref<112xf32, #tpu.memory_space<vmem>>[vector<16xi32>], vector<16xf32>,
        %gather3A_874 = tpu.vector_load_idx %arg11[%select_n3A_872] : memref<112xf32, #tpu.memory_space<vmem>>[vector<16xi32>], vector<16xf32>,
        %add3A_875 = arith.addf %add3A_846, %gather3A_874 : vector<16xf32>
        %add3A_876 = arith.addf %add3A_847, %gather3A_873 : vector<16xf32>
        scf.yield %add3A_875, %add3A_876 : vector<16xf32>, vector<16xf32>
      }
      %scan3A_173 = arith.constant 192 : i32
      %scan3A_174 = arith.addi %scan3A_168, %scan3A_173 : i32
      %add3A_175 = vector.broadcast %scan3A_174 : i32 to vector<16xi32>
      %add3A_176 = arith.addi %mul3A_167, %add3A_175 : vector<16xi32>
      %shift_right_arithmetic3A = arith.constant 7 : i32
      %shift_right_arithmetic3A_177 = vector.broadcast %shift_right_arithmetic3A : i32 to vector<16xi32>
      %shift_right_arithmetic3A_178 = arith.shrsi %add3A_176, %shift_right_arithmetic3A_177 : vector<16xi32>
      %and3A = arith.constant 127 : i32
      %and3A_179 = vector.broadcast %and3A : i32 to vector<16xi32>
      %and3A_180 = arith.andi %add3A_176, %and3A_179 : vector<16xi32>
      %gather3A = tpu.vector_load_idx %arg6[%shift_right_arithmetic3A_178, %and3A_180] : memref<200x128xi32, #tpu.memory_space<vmem>>[vector<16xi32>, vector<16xi32>], vector<16xi32>,
      %add3A_181 = arith.constant 1 : i32
      %add3A_182 = vector.broadcast %add3A_181 : i32 to vector<16xi32>
      %add3A_183 = arith.addi %gather3A, %add3A_182 : vector<16xi32>
      %convert_element_type3A = arith.sitofp %add3A_183 : vector<16xi32> to vector<16xf32>
      %mul3A_184 = vector.broadcast %scan3A : f32 to vector<16xf32>
      %mul3A_185 = arith.mulf %convert_element_type3A, %mul3A_184 : vector<16xf32>
      %add3A_186 = vector.broadcast %scan3A_96 : f32 to vector<16xf32>
      %add3A_187 = arith.addf %mul3A_185, %add3A_186 : vector<16xf32>
      %convert_element_type3A_188 = arith.fptosi %add3A_187 : vector<16xf32> to vector<16xi32>
      %mul3A_189 = arith.constant 10000 : i32
      %mul3A_190 = vector.broadcast %mul3A_189 : i32 to vector<16xi32>
      %mul3A_191 = arith.muli %convert_element_type3A_188, %mul3A_190 : vector<16xi32>
      %eq3A_192 = arith.cmpi eq, %mul3A_191, %add3A_183 : vector<16xi32>
      %select_n3A_193 = arith.select %eq3A_192, %convert_element_type3A_188, %broadcast_in_dim3A_84 : vector<16xi1>, vector<16xi32>
      %gather3A_194 = tpu.vector_load_idx %arg10[%select_n3A_193] : memref<112xf32, #tpu.memory_space<vmem>>[vector<16xi32>], vector<16xf32>,
      %gather3A_195 = tpu.vector_load_idx %arg11[%select_n3A_193] : memref<112xf32, #tpu.memory_space<vmem>>[vector<16xi32>], vector<16xf32>,
      %add3A_196 = arith.addf %scan3A_172#0, %gather3A_195 : vector<16xf32>
      %add3A_197 = arith.addf %scan3A_172#1, %gather3A_194 : vector<16xf32>
      %scan3A_198 = arith.constant 193 : i32
      %scan3A_199 = arith.addi %scan3A_168, %scan3A_198 : i32
      %add3A_200 = vector.broadcast %scan3A_199 : i32 to vector<16xi32>
      %add3A_201 = arith.addi %mul3A_167, %add3A_200 : vector<16xi32>
      %shift_right_arithmetic3A_202 = arith.constant 7 : i32
      %shift_right_arithmetic3A_203 = vector.broadcast %shift_right_arithmetic3A_202 : i32 to vector<16xi32>
      %shift_right_arithmetic3A_204 = arith.shrsi %add3A_201, %shift_right_arithmetic3A_203 : vector<16xi32>
      %and3A_205 = arith.constant 127 : i32
      %and3A_206 = vector.broadcast %and3A_205 : i32 to vector<16xi32>
      %and3A_207 = arith.andi %add3A_201, %and3A_206 : vector<16xi32>
      %gather3A_208 = tpu.vector_load_idx %arg6[%shift_right_arithmetic3A_204, %and3A_207] : memref<200x128xi32, #tpu.memory_space<vmem>>[vector<16xi32>, vector<16xi32>], vector<16xi32>,
      %add3A_209 = arith.constant 1 : i32
      %add3A_210 = vector.broadcast %add3A_209 : i32 to vector<16xi32>
      %add3A_211 = arith.addi %gather3A_208, %add3A_210 : vector<16xi32>
      %convert_element_type3A_212 = arith.sitofp %add3A_211 : vector<16xi32> to vector<16xf32>
      %mul3A_213 = vector.broadcast %scan3A : f32 to vector<16xf32>
      %mul3A_214 = arith.mulf %convert_element_type3A_212, %mul3A_213 : vector<16xf32>
      %add3A_215 = vector.broadcast %scan3A_96 : f32 to vector<16xf32>
      %add3A_216 = arith.addf %mul3A_214, %add3A_215 : vector<16xf32>
      %convert_element_type3A_217 = arith.fptosi %add3A_216 : vector<16xf32> to vector<16xi32>
      %mul3A_218 = arith.constant 10000 : i32
      %mul3A_219 = vector.broadcast %mul3A_218 : i32 to vector<16xi32>
      %mul3A_220 = arith.muli %convert_element_type3A_217, %mul3A_219 : vector<16xi32>
      %eq3A_221 = arith.cmpi eq, %mul3A_220, %add3A_211 : vector<16xi32>
      %select_n3A_222 = arith.select %eq3A_221, %convert_element_type3A_217, %broadcast_in_dim3A_84 : vector<16xi1>, vector<16xi32>
      %gather3A_223 = tpu.vector_load_idx %arg10[%select_n3A_222] : memref<112xf32, #tpu.memory_space<vmem>>[vector<16xi32>], vector<16xf32>,
      %gather3A_224 = tpu.vector_load_idx %arg11[%select_n3A_222] : memref<112xf32, #tpu.memory_space<vmem>>[vector<16xi32>], vector<16xf32>,
      %add3A_225 = arith.addf %add3A_196, %gather3A_224 : vector<16xf32>
      %add3A_226 = arith.addf %add3A_197, %gather3A_223 : vector<16xf32>
      %scan3A_227 = arith.constant 194 : i32
      %scan3A_228 = arith.addi %scan3A_168, %scan3A_227 : i32
      %add3A_229 = vector.broadcast %scan3A_228 : i32 to vector<16xi32>
      %add3A_230 = arith.addi %mul3A_167, %add3A_229 : vector<16xi32>
      %shift_right_arithmetic3A_231 = arith.constant 7 : i32
      %shift_right_arithmetic3A_232 = vector.broadcast %shift_right_arithmetic3A_231 : i32 to vector<16xi32>
      %shift_right_arithmetic3A_233 = arith.shrsi %add3A_230, %shift_right_arithmetic3A_232 : vector<16xi32>
      %and3A_234 = arith.constant 127 : i32
      %and3A_235 = vector.broadcast %and3A_234 : i32 to vector<16xi32>
      %and3A_236 = arith.andi %add3A_230, %and3A_235 : vector<16xi32>
      %gather3A_237 = tpu.vector_load_idx %arg6[%shift_right_arithmetic3A_233, %and3A_236] : memref<200x128xi32, #tpu.memory_space<vmem>>[vector<16xi32>, vector<16xi32>], vector<16xi32>,
      %add3A_238 = arith.constant 1 : i32
      %add3A_239 = vector.broadcast %add3A_238 : i32 to vector<16xi32>
      %add3A_240 = arith.addi %gather3A_237, %add3A_239 : vector<16xi32>
      %convert_element_type3A_241 = arith.sitofp %add3A_240 : vector<16xi32> to vector<16xf32>
      %mul3A_242 = vector.broadcast %scan3A : f32 to vector<16xf32>
      %mul3A_243 = arith.mulf %convert_element_type3A_241, %mul3A_242 : vector<16xf32>
      %add3A_244 = vector.broadcast %scan3A_96 : f32 to vector<16xf32>
      %add3A_245 = arith.addf %mul3A_243, %add3A_244 : vector<16xf32>
      %convert_element_type3A_246 = arith.fptosi %add3A_245 : vector<16xf32> to vector<16xi32>
      %mul3A_247 = arith.constant 10000 : i32
      %mul3A_248 = vector.broadcast %mul3A_247 : i32 to vector<16xi32>
      %mul3A_249 = arith.muli %convert_element_type3A_246, %mul3A_248 : vector<16xi32>
      %eq3A_250 = arith.cmpi eq, %mul3A_249, %add3A_240 : vector<16xi32>
      %select_n3A_251 = arith.select %eq3A_250, %convert_element_type3A_246, %broadcast_in_dim3A_84 : vector<16xi1>, vector<16xi32>
      %gather3A_252 = tpu.vector_load_idx %arg10[%select_n3A_251] : memref<112xf32, #tpu.memory_space<vmem>>[vector<16xi32>], vector<16xf32>,
      %gather3A_253 = tpu.vector_load_idx %arg11[%select_n3A_251] : memref<112xf32, #tpu.memory_space<vmem>>[vector<16xi32>], vector<16xf32>,
      %add3A_254 = arith.addf %add3A_225, %gather3A_253 : vector<16xf32>
      %add3A_255 = arith.addf %add3A_226, %gather3A_252 : vector<16xf32>
      %scan3A_256 = arith.constant 195 : i32
      %scan3A_257 = arith.addi %scan3A_168, %scan3A_256 : i32
      %add3A_258 = vector.broadcast %scan3A_257 : i32 to vector<16xi32>
      %add3A_259 = arith.addi %mul3A_167, %add3A_258 : vector<16xi32>
      %shift_right_arithmetic3A_260 = arith.constant 7 : i32
      %shift_right_arithmetic3A_261 = vector.broadcast %shift_right_arithmetic3A_260 : i32 to vector<16xi32>
      %shift_right_arithmetic3A_262 = arith.shrsi %add3A_259, %shift_right_arithmetic3A_261 : vector<16xi32>
      %and3A_263 = arith.constant 127 : i32
      %and3A_264 = vector.broadcast %and3A_263 : i32 to vector<16xi32>
      %and3A_265 = arith.andi %add3A_259, %and3A_264 : vector<16xi32>
      %gather3A_266 = tpu.vector_load_idx %arg6[%shift_right_arithmetic3A_262, %and3A_265] : memref<200x128xi32, #tpu.memory_space<vmem>>[vector<16xi32>, vector<16xi32>], vector<16xi32>,
      %add3A_267 = arith.constant 1 : i32
      %add3A_268 = vector.broadcast %add3A_267 : i32 to vector<16xi32>
      %add3A_269 = arith.addi %gather3A_266, %add3A_268 : vector<16xi32>
      %convert_element_type3A_270 = arith.sitofp %add3A_269 : vector<16xi32> to vector<16xf32>
      %mul3A_271 = vector.broadcast %scan3A : f32 to vector<16xf32>
      %mul3A_272 = arith.mulf %convert_element_type3A_270, %mul3A_271 : vector<16xf32>
      %add3A_273 = vector.broadcast %scan3A_96 : f32 to vector<16xf32>
      %add3A_274 = arith.addf %mul3A_272, %add3A_273 : vector<16xf32>
      %convert_element_type3A_275 = arith.fptosi %add3A_274 : vector<16xf32> to vector<16xi32>
      %mul3A_276 = arith.constant 10000 : i32
      %mul3A_277 = vector.broadcast %mul3A_276 : i32 to vector<16xi32>
      %mul3A_278 = arith.muli %convert_element_type3A_275, %mul3A_277 : vector<16xi32>
      %eq3A_279 = arith.cmpi eq, %mul3A_278, %add3A_269 : vector<16xi32>
      %select_n3A_280 = arith.select %eq3A_279, %convert_element_type3A_275, %broadcast_in_dim3A_84 : vector<16xi1>, vector<16xi32>
      %gather3A_281 = tpu.vector_load_idx %arg10[%select_n3A_280] : memref<112xf32, #tpu.memory_space<vmem>>[vector<16xi32>], vector<16xf32>,
      %gather3A_282 = tpu.vector_load_idx %arg11[%select_n3A_280] : memref<112xf32, #tpu.memory_space<vmem>>[vector<16xi32>], vector<16xf32>,
      %add3A_283 = arith.addf %add3A_254, %gather3A_282 : vector<16xf32>
      %add3A_284 = arith.addf %add3A_255, %gather3A_281 : vector<16xf32>
      %scan3A_285 = arith.constant 196 : i32
      %scan3A_286 = arith.addi %scan3A_168, %scan3A_285 : i32
      %add3A_287 = vector.broadcast %scan3A_286 : i32 to vector<16xi32>
      %add3A_288 = arith.addi %mul3A_167, %add3A_287 : vector<16xi32>
      %shift_right_arithmetic3A_289 = arith.constant 7 : i32
      %shift_right_arithmetic3A_290 = vector.broadcast %shift_right_arithmetic3A_289 : i32 to vector<16xi32>
      %shift_right_arithmetic3A_291 = arith.shrsi %add3A_288, %shift_right_arithmetic3A_290 : vector<16xi32>
      %and3A_292 = arith.constant 127 : i32
      %and3A_293 = vector.broadcast %and3A_292 : i32 to vector<16xi32>
      %and3A_294 = arith.andi %add3A_288, %and3A_293 : vector<16xi32>
      %gather3A_295 = tpu.vector_load_idx %arg6[%shift_right_arithmetic3A_291, %and3A_294] : memref<200x128xi32, #tpu.memory_space<vmem>>[vector<16xi32>, vector<16xi32>], vector<16xi32>,
      %add3A_296 = arith.constant 1 : i32
      %add3A_297 = vector.broadcast %add3A_296 : i32 to vector<16xi32>
      %add3A_298 = arith.addi %gather3A_295, %add3A_297 : vector<16xi32>
      %convert_element_type3A_299 = arith.sitofp %add3A_298 : vector<16xi32> to vector<16xf32>
      %mul3A_300 = vector.broadcast %scan3A : f32 to vector<16xf32>
      %mul3A_301 = arith.mulf %convert_element_type3A_299, %mul3A_300 : vector<16xf32>
      %add3A_302 = vector.broadcast %scan3A_96 : f32 to vector<16xf32>
      %add3A_303 = arith.addf %mul3A_301, %add3A_302 : vector<16xf32>
      %convert_element_type3A_304 = arith.fptosi %add3A_303 : vector<16xf32> to vector<16xi32>
      %mul3A_305 = arith.constant 10000 : i32
      %mul3A_306 = vector.broadcast %mul3A_305 : i32 to vector<16xi32>
      %mul3A_307 = arith.muli %convert_element_type3A_304, %mul3A_306 : vector<16xi32>
      %eq3A_308 = arith.cmpi eq, %mul3A_307, %add3A_298 : vector<16xi32>
      %select_n3A_309 = arith.select %eq3A_308, %convert_element_type3A_304, %broadcast_in_dim3A_84 : vector<16xi1>, vector<16xi32>
      %gather3A_310 = tpu.vector_load_idx %arg10[%select_n3A_309] : memref<112xf32, #tpu.memory_space<vmem>>[vector<16xi32>], vector<16xf32>,
      %gather3A_311 = tpu.vector_load_idx %arg11[%select_n3A_309] : memref<112xf32, #tpu.memory_space<vmem>>[vector<16xi32>], vector<16xf32>,
      %add3A_312 = arith.addf %add3A_283, %gather3A_311 : vector<16xf32>
      %add3A_313 = arith.addf %add3A_284, %gather3A_310 : vector<16xf32>
      %scan3A_314 = arith.constant 197 : i32
      %scan3A_315 = arith.addi %scan3A_168, %scan3A_314 : i32
      %add3A_316 = vector.broadcast %scan3A_315 : i32 to vector<16xi32>
      %add3A_317 = arith.addi %mul3A_167, %add3A_316 : vector<16xi32>
      %shift_right_arithmetic3A_318 = arith.constant 7 : i32
      %shift_right_arithmetic3A_319 = vector.broadcast %shift_right_arithmetic3A_318 : i32 to vector<16xi32>
      %shift_right_arithmetic3A_320 = arith.shrsi %add3A_317, %shift_right_arithmetic3A_319 : vector<16xi32>
      %and3A_321 = arith.constant 127 : i32
      %and3A_322 = vector.broadcast %and3A_321 : i32 to vector<16xi32>
      %and3A_323 = arith.andi %add3A_317, %and3A_322 : vector<16xi32>
      %gather3A_324 = tpu.vector_load_idx %arg6[%shift_right_arithmetic3A_320, %and3A_323] : memref<200x128xi32, #tpu.memory_space<vmem>>[vector<16xi32>, vector<16xi32>], vector<16xi32>,
      %add3A_325 = arith.constant 1 : i32
      %add3A_326 = vector.broadcast %add3A_325 : i32 to vector<16xi32>
      %add3A_327 = arith.addi %gather3A_324, %add3A_326 : vector<16xi32>
      %convert_element_type3A_328 = arith.sitofp %add3A_327 : vector<16xi32> to vector<16xf32>
      %mul3A_329 = vector.broadcast %scan3A : f32 to vector<16xf32>
      %mul3A_330 = arith.mulf %convert_element_type3A_328, %mul3A_329 : vector<16xf32>
      %add3A_331 = vector.broadcast %scan3A_96 : f32 to vector<16xf32>
      %add3A_332 = arith.addf %mul3A_330, %add3A_331 : vector<16xf32>
      %convert_element_type3A_333 = arith.fptosi %add3A_332 : vector<16xf32> to vector<16xi32>
      %mul3A_334 = arith.constant 10000 : i32
      %mul3A_335 = vector.broadcast %mul3A_334 : i32 to vector<16xi32>
      %mul3A_336 = arith.muli %convert_element_type3A_333, %mul3A_335 : vector<16xi32>
      %eq3A_337 = arith.cmpi eq, %mul3A_336, %add3A_327 : vector<16xi32>
      %select_n3A_338 = arith.select %eq3A_337, %convert_element_type3A_333, %broadcast_in_dim3A_84 : vector<16xi1>, vector<16xi32>
      %gather3A_339 = tpu.vector_load_idx %arg10[%select_n3A_338] : memref<112xf32, #tpu.memory_space<vmem>>[vector<16xi32>], vector<16xf32>,
      %gather3A_340 = tpu.vector_load_idx %arg11[%select_n3A_338] : memref<112xf32, #tpu.memory_space<vmem>>[vector<16xi32>], vector<16xf32>,
      %add3A_341 = arith.addf %add3A_312, %gather3A_340 : vector<16xf32>
      %add3A_342 = arith.addf %add3A_313, %gather3A_339 : vector<16xf32>
      %scan3A_343 = arith.constant 198 : i32
      %scan3A_344 = arith.addi %scan3A_168, %scan3A_343 : i32
      %add3A_345 = vector.broadcast %scan3A_344 : i32 to vector<16xi32>
      %add3A_346 = arith.addi %mul3A_167, %add3A_345 : vector<16xi32>
      %shift_right_arithmetic3A_347 = arith.constant 7 : i32
      %shift_right_arithmetic3A_348 = vector.broadcast %shift_right_arithmetic3A_347 : i32 to vector<16xi32>
      %shift_right_arithmetic3A_349 = arith.shrsi %add3A_346, %shift_right_arithmetic3A_348 : vector<16xi32>
      %and3A_350 = arith.constant 127 : i32
      %and3A_351 = vector.broadcast %and3A_350 : i32 to vector<16xi32>
      %and3A_352 = arith.andi %add3A_346, %and3A_351 : vector<16xi32>
      %gather3A_353 = tpu.vector_load_idx %arg6[%shift_right_arithmetic3A_349, %and3A_352] : memref<200x128xi32, #tpu.memory_space<vmem>>[vector<16xi32>, vector<16xi32>], vector<16xi32>,
      %add3A_354 = arith.constant 1 : i32
      %add3A_355 = vector.broadcast %add3A_354 : i32 to vector<16xi32>
      %add3A_356 = arith.addi %gather3A_353, %add3A_355 : vector<16xi32>
      %convert_element_type3A_357 = arith.sitofp %add3A_356 : vector<16xi32> to vector<16xf32>
      %mul3A_358 = vector.broadcast %scan3A : f32 to vector<16xf32>
      %mul3A_359 = arith.mulf %convert_element_type3A_357, %mul3A_358 : vector<16xf32>
      %add3A_360 = vector.broadcast %scan3A_96 : f32 to vector<16xf32>
      %add3A_361 = arith.addf %mul3A_359, %add3A_360 : vector<16xf32>
      %convert_element_type3A_362 = arith.fptosi %add3A_361 : vector<16xf32> to vector<16xi32>
      %mul3A_363 = arith.constant 10000 : i32
      %mul3A_364 = vector.broadcast %mul3A_363 : i32 to vector<16xi32>
      %mul3A_365 = arith.muli %convert_element_type3A_362, %mul3A_364 : vector<16xi32>
      %eq3A_366 = arith.cmpi eq, %mul3A_365, %add3A_356 : vector<16xi32>
      %select_n3A_367 = arith.select %eq3A_366, %convert_element_type3A_362, %broadcast_in_dim3A_84 : vector<16xi1>, vector<16xi32>
      %gather3A_368 = tpu.vector_load_idx %arg10[%select_n3A_367] : memref<112xf32, #tpu.memory_space<vmem>>[vector<16xi32>], vector<16xf32>,
      %gather3A_369 = tpu.vector_load_idx %arg11[%select_n3A_367] : memref<112xf32, #tpu.memory_space<vmem>>[vector<16xi32>], vector<16xf32>,
      %add3A_370 = arith.addf %add3A_341, %gather3A_369 : vector<16xf32>
      %add3A_371 = arith.addf %add3A_342, %gather3A_368 : vector<16xf32>
      %scan3A_372 = arith.constant 199 : i32
      %scan3A_373 = arith.addi %scan3A_168, %scan3A_372 : i32
      %add3A_374 = vector.broadcast %scan3A_373 : i32 to vector<16xi32>
      %add3A_375 = arith.addi %mul3A_167, %add3A_374 : vector<16xi32>
      %shift_right_arithmetic3A_376 = arith.constant 7 : i32
      %shift_right_arithmetic3A_377 = vector.broadcast %shift_right_arithmetic3A_376 : i32 to vector<16xi32>
      %shift_right_arithmetic3A_378 = arith.shrsi %add3A_375, %shift_right_arithmetic3A_377 : vector<16xi32>
      %and3A_379 = arith.constant 127 : i32
      %and3A_380 = vector.broadcast %and3A_379 : i32 to vector<16xi32>
      %and3A_381 = arith.andi %add3A_375, %and3A_380 : vector<16xi32>
      %gather3A_382 = tpu.vector_load_idx %arg6[%shift_right_arithmetic3A_378, %and3A_381] : memref<200x128xi32, #tpu.memory_space<vmem>>[vector<16xi32>, vector<16xi32>], vector<16xi32>,
      %add3A_383 = arith.constant 1 : i32
      %add3A_384 = vector.broadcast %add3A_383 : i32 to vector<16xi32>
      %add3A_385 = arith.addi %gather3A_382, %add3A_384 : vector<16xi32>
      %convert_element_type3A_386 = arith.sitofp %add3A_385 : vector<16xi32> to vector<16xf32>
      %mul3A_387 = vector.broadcast %scan3A : f32 to vector<16xf32>
      %mul3A_388 = arith.mulf %convert_element_type3A_386, %mul3A_387 : vector<16xf32>
      %add3A_389 = vector.broadcast %scan3A_96 : f32 to vector<16xf32>
      %add3A_390 = arith.addf %mul3A_388, %add3A_389 : vector<16xf32>
      %convert_element_type3A_391 = arith.fptosi %add3A_390 : vector<16xf32> to vector<16xi32>
      %mul3A_392 = arith.constant 10000 : i32
      %mul3A_393 = vector.broadcast %mul3A_392 : i32 to vector<16xi32>
      %mul3A_394 = arith.muli %convert_element_type3A_391, %mul3A_393 : vector<16xi32>
      %eq3A_395 = arith.cmpi eq, %mul3A_394, %add3A_385 : vector<16xi32>
      %select_n3A_396 = arith.select %eq3A_395, %convert_element_type3A_391, %broadcast_in_dim3A_84 : vector<16xi1>, vector<16xi32>
      %gather3A_397 = tpu.vector_load_idx %arg10[%select_n3A_396] : memref<112xf32, #tpu.memory_space<vmem>>[vector<16xi32>], vector<16xf32>,
      %gather3A_398 = tpu.vector_load_idx %arg11[%select_n3A_396] : memref<112xf32, #tpu.memory_space<vmem>>[vector<16xi32>], vector<16xf32>,
      %add3A_399 = arith.addf %add3A_370, %gather3A_398 : vector<16xf32>
      %add3A_400 = arith.addf %add3A_371, %gather3A_397 : vector<16xf32>
      %scan3A_401 = arith.constant 200 : i32
      %gt3A = arith.constant 0.000000e+00 : f32
      %gt3A_402 = vector.broadcast %gt3A : f32 to vector<16xf32>
      %gt3A_403 = arith.cmpf ogt, %add3A_400, %gt3A_402 : vector<16xf32>
      %div3A = arith.divf %add3A_399, %add3A_400 : vector<16xf32>
      %select_n3A_404 = arith.select %gt3A_403, %div3A, %get3A_80 : vector<16xi1>, vector<16xf32>
      %mul3A_405 = arith.constant 16 : i32
      %mul3A_406 = arith.muli %scan3A_159, %mul3A_405 : i32
      %add3A_407 = arith.constant 0 : i32
      %add3A_408 = arith.addi %add3A_407, %mul3A_406 : i32
      %swap3A_409 = arith.index_cast %add3A_408 : i32 to index
      %swap3A_410 = tpu.vector_load %arg12[%swap3A_409] {strides = array<i32>} : memref<512xf32, #tpu.memory_space<vmem>>, vector<16xf32>,
      tpu.vector_store %arg12[%swap3A_409], %select_n3A_404 {strides = array<i32>} : memref<512xf32, #tpu.memory_space<vmem>>, vector<16xf32>,
      %scan3A_411 = arith.constant 0 : i32
      scf.yield %scan3A_411 : i32
    }
    %scan3A_103 = arith.constant 8 : i32
    %mul3A_104 = arith.constant 800 : i32
    %mul3A_105 = arith.muli %add3A, %mul3A_104 : i32
    %add3A_106 = arith.constant 400 : i32
    %add3A_107 = arith.addi %mul3A_105, %add3A_106 : i32
    %dma_start3A_108 = arith.constant 0 : i32
    %dma_start3A_109 = tpu.memref_slice %arg2[%add3A_107, %dma_start3A_108] : memref<25600x128xi32, #tpu.memory_space<hbm>> -> memref<200x128xi32, #tpu.memory_space<hbm>>
    %dma_start3A_110 = arith.constant 0 : i32
    %dma_start3A_111 = tpu.memref_slice %arg2[%add3A_107, %dma_start3A_110] : memref<25600x128xi32, #tpu.memory_space<hbm>> -> memref<200x128xi32, #tpu.memory_space<hbm>>
    tpu.enqueue_dma source(%dma_start3A_111 : memref<200x128xi32, #tpu.memory_space<hbm>>) target(%arg6 : memref<200x128xi32, #tpu.memory_space<vmem>>) target_semaphore(%arg13 : memref<!tpu.dma_semaphore, #tpu.memory_space<semaphore_mem>>)
    %dma_wait3A_112 = arith.constant 0 : i32
    %dma_wait3A_113 = tpu.memref_slice %arg2[%add3A_88, %dma_wait3A_112] : memref<25600x128xi32, #tpu.memory_space<hbm>> -> memref<200x128xi32, #tpu.memory_space<hbm>>
    %dma_wait3A_114 = arith.constant 0 : i32
    %dma_wait3A_115 = tpu.memref_slice %arg2[%add3A_88, %dma_wait3A_114] : memref<25600x128xi32, #tpu.memory_space<hbm>> -> memref<200x128xi32, #tpu.memory_space<hbm>>
    tpu.wait_dma2 semaphore(%arg14 : memref<!tpu.dma_semaphore, #tpu.memory_space<semaphore_mem>>) src(%dma_wait3A_115 : memref<200x128xi32, #tpu.memory_space<hbm>>) dst(%arg7 : memref<200x128xi32, #tpu.memory_space<vmem>>)
    %scan3A_116 = arith.constant 9.99999974E-5 : f32
    %scan3A_117 = arith.constant 5.000000e-01 : f32
    %scan3A_118 = arith.constant 0 : i32
    %scan3A_119 = arith.constant 0 : i32
    %scan3A_120 = arith.constant 8 : i32
    %scan3A_121 = arith.addi %scan3A_119, %scan3A_120 : i32
    %scan3A_122 = arith.constant 1 : i32
    %scan3A_123 = scf.for %scan3A_159 = %scan3A_119 to %scan3A_121 step %scan3A_122 iter_args(%scan3A_160 = %scan3A_118) -> (i32)  : i32 {
      %mul3A_161 = arith.constant 16 : i32
      %mul3A_162 = arith.muli %scan3A_159, %mul3A_161 : i32
      %add3A_163 = vector.broadcast %mul3A_162 : i32 to vector<16xi32>
      %add3A_164 = arith.addi %add3A_163, %iota3A : vector<16xi32>
      %mul3A_165 = arith.constant 200 : i32
      %mul3A_166 = vector.broadcast %mul3A_165 : i32 to vector<16xi32>
      %mul3A_167 = arith.muli %add3A_164, %mul3A_166 : vector<16xi32>
      %scan3A_168 = arith.constant 0 : i32
      %scan3A_169 = arith.constant 192 : i32
      %scan3A_170 = arith.addi %scan3A_168, %scan3A_169 : i32
      %scan3A_171 = arith.constant 16 : i32
      %scan3A_172:2 = scf.for %scan3A_412 = %scan3A_168 to %scan3A_170 step %scan3A_171 iter_args(%scan3A_413 = %broadcast_in_dim3A_82, %scan3A_414 = %broadcast_in_dim3A_82) -> (vector<16xf32>, vector<16xf32>)  : i32 {
        %add3A_415 = vector.broadcast %scan3A_412 : i32 to vector<16xi32>
        %add3A_416 = arith.addi %mul3A_167, %add3A_415 : vector<16xi32>
        %shift_right_arithmetic3A_417 = arith.constant 7 : i32
        %shift_right_arithmetic3A_418 = vector.broadcast %shift_right_arithmetic3A_417 : i32 to vector<16xi32>
        %shift_right_arithmetic3A_419 = arith.shrsi %add3A_416, %shift_right_arithmetic3A_418 : vector<16xi32>
        %and3A_420 = arith.constant 127 : i32
        %and3A_421 = vector.broadcast %and3A_420 : i32 to vector<16xi32>
        %and3A_422 = arith.andi %add3A_416, %and3A_421 : vector<16xi32>
        %gather3A_423 = tpu.vector_load_idx %arg7[%shift_right_arithmetic3A_419, %and3A_422] : memref<200x128xi32, #tpu.memory_space<vmem>>[vector<16xi32>, vector<16xi32>], vector<16xi32>,
        %add3A_424 = arith.constant 1 : i32
        %add3A_425 = vector.broadcast %add3A_424 : i32 to vector<16xi32>
        %add3A_426 = arith.addi %gather3A_423, %add3A_425 : vector<16xi32>
        %convert_element_type3A_427 = arith.sitofp %add3A_426 : vector<16xi32> to vector<16xf32>
        %mul3A_428 = vector.broadcast %scan3A_116 : f32 to vector<16xf32>
        %mul3A_429 = arith.mulf %convert_element_type3A_427, %mul3A_428 : vector<16xf32>
        %add3A_430 = vector.broadcast %scan3A_117 : f32 to vector<16xf32>
        %add3A_431 = arith.addf %mul3A_429, %add3A_430 : vector<16xf32>
        %convert_element_type3A_432 = arith.fptosi %add3A_431 : vector<16xf32> to vector<16xi32>
        %mul3A_433 = arith.constant 10000 : i32
        %mul3A_434 = vector.broadcast %mul3A_433 : i32 to vector<16xi32>
        %mul3A_435 = arith.muli %convert_element_type3A_432, %mul3A_434 : vector<16xi32>
        %eq3A_436 = arith.cmpi eq, %mul3A_435, %add3A_426 : vector<16xi32>
        %select_n3A_437 = arith.select %eq3A_436, %convert_element_type3A_432, %broadcast_in_dim3A_84 : vector<16xi1>, vector<16xi32>
        %gather3A_438 = tpu.vector_load_idx %arg10[%select_n3A_437] : memref<112xf32, #tpu.memory_space<vmem>>[vector<16xi32>], vector<16xf32>,
        %gather3A_439 = tpu.vector_load_idx %arg11[%select_n3A_437] : memref<112xf32, #tpu.memory_space<vmem>>[vector<16xi32>], vector<16xf32>,
        %add3A_440 = arith.addf %scan3A_413, %gather3A_439 : vector<16xf32>
        %add3A_441 = arith.addf %scan3A_414, %gather3A_438 : vector<16xf32>
        %scan3A_442 = arith.constant 1 : i32
        %scan3A_443 = arith.addi %scan3A_412, %scan3A_442 : i32
        %add3A_444 = vector.broadcast %scan3A_443 : i32 to vector<16xi32>
        %add3A_445 = arith.addi %mul3A_167, %add3A_444 : vector<16xi32>
        %shift_right_arithmetic3A_446 = arith.constant 7 : i32
        %shift_right_arithmetic3A_447 = vector.broadcast %shift_right_arithmetic3A_446 : i32 to vector<16xi32>
        %shift_right_arithmetic3A_448 = arith.shrsi %add3A_445, %shift_right_arithmetic3A_447 : vector<16xi32>
        %and3A_449 = arith.constant 127 : i32
        %and3A_450 = vector.broadcast %and3A_449 : i32 to vector<16xi32>
        %and3A_451 = arith.andi %add3A_445, %and3A_450 : vector<16xi32>
        %gather3A_452 = tpu.vector_load_idx %arg7[%shift_right_arithmetic3A_448, %and3A_451] : memref<200x128xi32, #tpu.memory_space<vmem>>[vector<16xi32>, vector<16xi32>], vector<16xi32>,
        %add3A_453 = arith.constant 1 : i32
        %add3A_454 = vector.broadcast %add3A_453 : i32 to vector<16xi32>
        %add3A_455 = arith.addi %gather3A_452, %add3A_454 : vector<16xi32>
        %convert_element_type3A_456 = arith.sitofp %add3A_455 : vector<16xi32> to vector<16xf32>
        %mul3A_457 = vector.broadcast %scan3A_116 : f32 to vector<16xf32>
        %mul3A_458 = arith.mulf %convert_element_type3A_456, %mul3A_457 : vector<16xf32>
        %add3A_459 = vector.broadcast %scan3A_117 : f32 to vector<16xf32>
        %add3A_460 = arith.addf %mul3A_458, %add3A_459 : vector<16xf32>
        %convert_element_type3A_461 = arith.fptosi %add3A_460 : vector<16xf32> to vector<16xi32>
        %mul3A_462 = arith.constant 10000 : i32
        %mul3A_463 = vector.broadcast %mul3A_462 : i32 to vector<16xi32>
        %mul3A_464 = arith.muli %convert_element_type3A_461, %mul3A_463 : vector<16xi32>
        %eq3A_465 = arith.cmpi eq, %mul3A_464, %add3A_455 : vector<16xi32>
        %select_n3A_466 = arith.select %eq3A_465, %convert_element_type3A_461, %broadcast_in_dim3A_84 : vector<16xi1>, vector<16xi32>
        %gather3A_467 = tpu.vector_load_idx %arg10[%select_n3A_466] : memref<112xf32, #tpu.memory_space<vmem>>[vector<16xi32>], vector<16xf32>,
        %gather3A_468 = tpu.vector_load_idx %arg11[%select_n3A_466] : memref<112xf32, #tpu.memory_space<vmem>>[vector<16xi32>], vector<16xf32>,
        %add3A_469 = arith.addf %add3A_440, %gather3A_468 : vector<16xf32>
        %add3A_470 = arith.addf %add3A_441, %gather3A_467 : vector<16xf32>
        %scan3A_471 = arith.constant 2 : i32
        %scan3A_472 = arith.addi %scan3A_412, %scan3A_471 : i32
        %add3A_473 = vector.broadcast %scan3A_472 : i32 to vector<16xi32>
        %add3A_474 = arith.addi %mul3A_167, %add3A_473 : vector<16xi32>
        %shift_right_arithmetic3A_475 = arith.constant 7 : i32
        %shift_right_arithmetic3A_476 = vector.broadcast %shift_right_arithmetic3A_475 : i32 to vector<16xi32>
        %shift_right_arithmetic3A_477 = arith.shrsi %add3A_474, %shift_right_arithmetic3A_476 : vector<16xi32>
        %and3A_478 = arith.constant 127 : i32
        %and3A_479 = vector.broadcast %and3A_478 : i32 to vector<16xi32>
        %and3A_480 = arith.andi %add3A_474, %and3A_479 : vector<16xi32>
        %gather3A_481 = tpu.vector_load_idx %arg7[%shift_right_arithmetic3A_477, %and3A_480] : memref<200x128xi32, #tpu.memory_space<vmem>>[vector<16xi32>, vector<16xi32>], vector<16xi32>,
        %add3A_482 = arith.constant 1 : i32
        %add3A_483 = vector.broadcast %add3A_482 : i32 to vector<16xi32>
        %add3A_484 = arith.addi %gather3A_481, %add3A_483 : vector<16xi32>
        %convert_element_type3A_485 = arith.sitofp %add3A_484 : vector<16xi32> to vector<16xf32>
        %mul3A_486 = vector.broadcast %scan3A_116 : f32 to vector<16xf32>
        %mul3A_487 = arith.mulf %convert_element_type3A_485, %mul3A_486 : vector<16xf32>
        %add3A_488 = vector.broadcast %scan3A_117 : f32 to vector<16xf32>
        %add3A_489 = arith.addf %mul3A_487, %add3A_488 : vector<16xf32>
        %convert_element_type3A_490 = arith.fptosi %add3A_489 : vector<16xf32> to vector<16xi32>
        %mul3A_491 = arith.constant 10000 : i32
        %mul3A_492 = vector.broadcast %mul3A_491 : i32 to vector<16xi32>
        %mul3A_493 = arith.muli %convert_element_type3A_490, %mul3A_492 : vector<16xi32>
        %eq3A_494 = arith.cmpi eq, %mul3A_493, %add3A_484 : vector<16xi32>
        %select_n3A_495 = arith.select %eq3A_494, %convert_element_type3A_490, %broadcast_in_dim3A_84 : vector<16xi1>, vector<16xi32>
        %gather3A_496 = tpu.vector_load_idx %arg10[%select_n3A_495] : memref<112xf32, #tpu.memory_space<vmem>>[vector<16xi32>], vector<16xf32>,
        %gather3A_497 = tpu.vector_load_idx %arg11[%select_n3A_495] : memref<112xf32, #tpu.memory_space<vmem>>[vector<16xi32>], vector<16xf32>,
        %add3A_498 = arith.addf %add3A_469, %gather3A_497 : vector<16xf32>
        %add3A_499 = arith.addf %add3A_470, %gather3A_496 : vector<16xf32>
        %scan3A_500 = arith.constant 3 : i32
        %scan3A_501 = arith.addi %scan3A_412, %scan3A_500 : i32
        %add3A_502 = vector.broadcast %scan3A_501 : i32 to vector<16xi32>
        %add3A_503 = arith.addi %mul3A_167, %add3A_502 : vector<16xi32>
        %shift_right_arithmetic3A_504 = arith.constant 7 : i32
        %shift_right_arithmetic3A_505 = vector.broadcast %shift_right_arithmetic3A_504 : i32 to vector<16xi32>
        %shift_right_arithmetic3A_506 = arith.shrsi %add3A_503, %shift_right_arithmetic3A_505 : vector<16xi32>
        %and3A_507 = arith.constant 127 : i32
        %and3A_508 = vector.broadcast %and3A_507 : i32 to vector<16xi32>
        %and3A_509 = arith.andi %add3A_503, %and3A_508 : vector<16xi32>
        %gather3A_510 = tpu.vector_load_idx %arg7[%shift_right_arithmetic3A_506, %and3A_509] : memref<200x128xi32, #tpu.memory_space<vmem>>[vector<16xi32>, vector<16xi32>], vector<16xi32>,
        %add3A_511 = arith.constant 1 : i32
        %add3A_512 = vector.broadcast %add3A_511 : i32 to vector<16xi32>
        %add3A_513 = arith.addi %gather3A_510, %add3A_512 : vector<16xi32>
        %convert_element_type3A_514 = arith.sitofp %add3A_513 : vector<16xi32> to vector<16xf32>
        %mul3A_515 = vector.broadcast %scan3A_116 : f32 to vector<16xf32>
        %mul3A_516 = arith.mulf %convert_element_type3A_514, %mul3A_515 : vector<16xf32>
        %add3A_517 = vector.broadcast %scan3A_117 : f32 to vector<16xf32>
        %add3A_518 = arith.addf %mul3A_516, %add3A_517 : vector<16xf32>
        %convert_element_type3A_519 = arith.fptosi %add3A_518 : vector<16xf32> to vector<16xi32>
        %mul3A_520 = arith.constant 10000 : i32
        %mul3A_521 = vector.broadcast %mul3A_520 : i32 to vector<16xi32>
        %mul3A_522 = arith.muli %convert_element_type3A_519, %mul3A_521 : vector<16xi32>
        %eq3A_523 = arith.cmpi eq, %mul3A_522, %add3A_513 : vector<16xi32>
        %select_n3A_524 = arith.select %eq3A_523, %convert_element_type3A_519, %broadcast_in_dim3A_84 : vector<16xi1>, vector<16xi32>
        %gather3A_525 = tpu.vector_load_idx %arg10[%select_n3A_524] : memref<112xf32, #tpu.memory_space<vmem>>[vector<16xi32>], vector<16xf32>,
        %gather3A_526 = tpu.vector_load_idx %arg11[%select_n3A_524] : memref<112xf32, #tpu.memory_space<vmem>>[vector<16xi32>], vector<16xf32>,
        %add3A_527 = arith.addf %add3A_498, %gather3A_526 : vector<16xf32>
        %add3A_528 = arith.addf %add3A_499, %gather3A_525 : vector<16xf32>
        %scan3A_529 = arith.constant 4 : i32
        %scan3A_530 = arith.addi %scan3A_412, %scan3A_529 : i32
        %add3A_531 = vector.broadcast %scan3A_530 : i32 to vector<16xi32>
        %add3A_532 = arith.addi %mul3A_167, %add3A_531 : vector<16xi32>
        %shift_right_arithmetic3A_533 = arith.constant 7 : i32
        %shift_right_arithmetic3A_534 = vector.broadcast %shift_right_arithmetic3A_533 : i32 to vector<16xi32>
        %shift_right_arithmetic3A_535 = arith.shrsi %add3A_532, %shift_right_arithmetic3A_534 : vector<16xi32>
        %and3A_536 = arith.constant 127 : i32
        %and3A_537 = vector.broadcast %and3A_536 : i32 to vector<16xi32>
        %and3A_538 = arith.andi %add3A_532, %and3A_537 : vector<16xi32>
        %gather3A_539 = tpu.vector_load_idx %arg7[%shift_right_arithmetic3A_535, %and3A_538] : memref<200x128xi32, #tpu.memory_space<vmem>>[vector<16xi32>, vector<16xi32>], vector<16xi32>,
        %add3A_540 = arith.constant 1 : i32
        %add3A_541 = vector.broadcast %add3A_540 : i32 to vector<16xi32>
        %add3A_542 = arith.addi %gather3A_539, %add3A_541 : vector<16xi32>
        %convert_element_type3A_543 = arith.sitofp %add3A_542 : vector<16xi32> to vector<16xf32>
        %mul3A_544 = vector.broadcast %scan3A_116 : f32 to vector<16xf32>
        %mul3A_545 = arith.mulf %convert_element_type3A_543, %mul3A_544 : vector<16xf32>
        %add3A_546 = vector.broadcast %scan3A_117 : f32 to vector<16xf32>
        %add3A_547 = arith.addf %mul3A_545, %add3A_546 : vector<16xf32>
        %convert_element_type3A_548 = arith.fptosi %add3A_547 : vector<16xf32> to vector<16xi32>
        %mul3A_549 = arith.constant 10000 : i32
        %mul3A_550 = vector.broadcast %mul3A_549 : i32 to vector<16xi32>
        %mul3A_551 = arith.muli %convert_element_type3A_548, %mul3A_550 : vector<16xi32>
        %eq3A_552 = arith.cmpi eq, %mul3A_551, %add3A_542 : vector<16xi32>
        %select_n3A_553 = arith.select %eq3A_552, %convert_element_type3A_548, %broadcast_in_dim3A_84 : vector<16xi1>, vector<16xi32>
        %gather3A_554 = tpu.vector_load_idx %arg10[%select_n3A_553] : memref<112xf32, #tpu.memory_space<vmem>>[vector<16xi32>], vector<16xf32>,
        %gather3A_555 = tpu.vector_load_idx %arg11[%select_n3A_553] : memref<112xf32, #tpu.memory_space<vmem>>[vector<16xi32>], vector<16xf32>,
        %add3A_556 = arith.addf %add3A_527, %gather3A_555 : vector<16xf32>
        %add3A_557 = arith.addf %add3A_528, %gather3A_554 : vector<16xf32>
        %scan3A_558 = arith.constant 5 : i32
        %scan3A_559 = arith.addi %scan3A_412, %scan3A_558 : i32
        %add3A_560 = vector.broadcast %scan3A_559 : i32 to vector<16xi32>
        %add3A_561 = arith.addi %mul3A_167, %add3A_560 : vector<16xi32>
        %shift_right_arithmetic3A_562 = arith.constant 7 : i32
        %shift_right_arithmetic3A_563 = vector.broadcast %shift_right_arithmetic3A_562 : i32 to vector<16xi32>
        %shift_right_arithmetic3A_564 = arith.shrsi %add3A_561, %shift_right_arithmetic3A_563 : vector<16xi32>
        %and3A_565 = arith.constant 127 : i32
        %and3A_566 = vector.broadcast %and3A_565 : i32 to vector<16xi32>
        %and3A_567 = arith.andi %add3A_561, %and3A_566 : vector<16xi32>
        %gather3A_568 = tpu.vector_load_idx %arg7[%shift_right_arithmetic3A_564, %and3A_567] : memref<200x128xi32, #tpu.memory_space<vmem>>[vector<16xi32>, vector<16xi32>], vector<16xi32>,
        %add3A_569 = arith.constant 1 : i32
        %add3A_570 = vector.broadcast %add3A_569 : i32 to vector<16xi32>
        %add3A_571 = arith.addi %gather3A_568, %add3A_570 : vector<16xi32>
        %convert_element_type3A_572 = arith.sitofp %add3A_571 : vector<16xi32> to vector<16xf32>
        %mul3A_573 = vector.broadcast %scan3A_116 : f32 to vector<16xf32>
        %mul3A_574 = arith.mulf %convert_element_type3A_572, %mul3A_573 : vector<16xf32>
        %add3A_575 = vector.broadcast %scan3A_117 : f32 to vector<16xf32>
        %add3A_576 = arith.addf %mul3A_574, %add3A_575 : vector<16xf32>
        %convert_element_type3A_577 = arith.fptosi %add3A_576 : vector<16xf32> to vector<16xi32>
        %mul3A_578 = arith.constant 10000 : i32
        %mul3A_579 = vector.broadcast %mul3A_578 : i32 to vector<16xi32>
        %mul3A_580 = arith.muli %convert_element_type3A_577, %mul3A_579 : vector<16xi32>
        %eq3A_581 = arith.cmpi eq, %mul3A_580, %add3A_571 : vector<16xi32>
        %select_n3A_582 = arith.select %eq3A_581, %convert_element_type3A_577, %broadcast_in_dim3A_84 : vector<16xi1>, vector<16xi32>
        %gather3A_583 = tpu.vector_load_idx %arg10[%select_n3A_582] : memref<112xf32, #tpu.memory_space<vmem>>[vector<16xi32>], vector<16xf32>,
        %gather3A_584 = tpu.vector_load_idx %arg11[%select_n3A_582] : memref<112xf32, #tpu.memory_space<vmem>>[vector<16xi32>], vector<16xf32>,
        %add3A_585 = arith.addf %add3A_556, %gather3A_584 : vector<16xf32>
        %add3A_586 = arith.addf %add3A_557, %gather3A_583 : vector<16xf32>
        %scan3A_587 = arith.constant 6 : i32
        %scan3A_588 = arith.addi %scan3A_412, %scan3A_587 : i32
        %add3A_589 = vector.broadcast %scan3A_588 : i32 to vector<16xi32>
        %add3A_590 = arith.addi %mul3A_167, %add3A_589 : vector<16xi32>
        %shift_right_arithmetic3A_591 = arith.constant 7 : i32
        %shift_right_arithmetic3A_592 = vector.broadcast %shift_right_arithmetic3A_591 : i32 to vector<16xi32>
        %shift_right_arithmetic3A_593 = arith.shrsi %add3A_590, %shift_right_arithmetic3A_592 : vector<16xi32>
        %and3A_594 = arith.constant 127 : i32
        %and3A_595 = vector.broadcast %and3A_594 : i32 to vector<16xi32>
        %and3A_596 = arith.andi %add3A_590, %and3A_595 : vector<16xi32>
        %gather3A_597 = tpu.vector_load_idx %arg7[%shift_right_arithmetic3A_593, %and3A_596] : memref<200x128xi32, #tpu.memory_space<vmem>>[vector<16xi32>, vector<16xi32>], vector<16xi32>,
        %add3A_598 = arith.constant 1 : i32
        %add3A_599 = vector.broadcast %add3A_598 : i32 to vector<16xi32>
        %add3A_600 = arith.addi %gather3A_597, %add3A_599 : vector<16xi32>
        %convert_element_type3A_601 = arith.sitofp %add3A_600 : vector<16xi32> to vector<16xf32>
        %mul3A_602 = vector.broadcast %scan3A_116 : f32 to vector<16xf32>
        %mul3A_603 = arith.mulf %convert_element_type3A_601, %mul3A_602 : vector<16xf32>
        %add3A_604 = vector.broadcast %scan3A_117 : f32 to vector<16xf32>
        %add3A_605 = arith.addf %mul3A_603, %add3A_604 : vector<16xf32>
        %convert_element_type3A_606 = arith.fptosi %add3A_605 : vector<16xf32> to vector<16xi32>
        %mul3A_607 = arith.constant 10000 : i32
        %mul3A_608 = vector.broadcast %mul3A_607 : i32 to vector<16xi32>
        %mul3A_609 = arith.muli %convert_element_type3A_606, %mul3A_608 : vector<16xi32>
        %eq3A_610 = arith.cmpi eq, %mul3A_609, %add3A_600 : vector<16xi32>
        %select_n3A_611 = arith.select %eq3A_610, %convert_element_type3A_606, %broadcast_in_dim3A_84 : vector<16xi1>, vector<16xi32>
        %gather3A_612 = tpu.vector_load_idx %arg10[%select_n3A_611] : memref<112xf32, #tpu.memory_space<vmem>>[vector<16xi32>], vector<16xf32>,
        %gather3A_613 = tpu.vector_load_idx %arg11[%select_n3A_611] : memref<112xf32, #tpu.memory_space<vmem>>[vector<16xi32>], vector<16xf32>,
        %add3A_614 = arith.addf %add3A_585, %gather3A_613 : vector<16xf32>
        %add3A_615 = arith.addf %add3A_586, %gather3A_612 : vector<16xf32>
        %scan3A_616 = arith.constant 7 : i32
        %scan3A_617 = arith.addi %scan3A_412, %scan3A_616 : i32
        %add3A_618 = vector.broadcast %scan3A_617 : i32 to vector<16xi32>
        %add3A_619 = arith.addi %mul3A_167, %add3A_618 : vector<16xi32>
        %shift_right_arithmetic3A_620 = arith.constant 7 : i32
        %shift_right_arithmetic3A_621 = vector.broadcast %shift_right_arithmetic3A_620 : i32 to vector<16xi32>
        %shift_right_arithmetic3A_622 = arith.shrsi %add3A_619, %shift_right_arithmetic3A_621 : vector<16xi32>
        %and3A_623 = arith.constant 127 : i32
        %and3A_624 = vector.broadcast %and3A_623 : i32 to vector<16xi32>
        %and3A_625 = arith.andi %add3A_619, %and3A_624 : vector<16xi32>
        %gather3A_626 = tpu.vector_load_idx %arg7[%shift_right_arithmetic3A_622, %and3A_625] : memref<200x128xi32, #tpu.memory_space<vmem>>[vector<16xi32>, vector<16xi32>], vector<16xi32>,
        %add3A_627 = arith.constant 1 : i32
        %add3A_628 = vector.broadcast %add3A_627 : i32 to vector<16xi32>
        %add3A_629 = arith.addi %gather3A_626, %add3A_628 : vector<16xi32>
        %convert_element_type3A_630 = arith.sitofp %add3A_629 : vector<16xi32> to vector<16xf32>
        %mul3A_631 = vector.broadcast %scan3A_116 : f32 to vector<16xf32>
        %mul3A_632 = arith.mulf %convert_element_type3A_630, %mul3A_631 : vector<16xf32>
        %add3A_633 = vector.broadcast %scan3A_117 : f32 to vector<16xf32>
        %add3A_634 = arith.addf %mul3A_632, %add3A_633 : vector<16xf32>
        %convert_element_type3A_635 = arith.fptosi %add3A_634 : vector<16xf32> to vector<16xi32>
        %mul3A_636 = arith.constant 10000 : i32
        %mul3A_637 = vector.broadcast %mul3A_636 : i32 to vector<16xi32>
        %mul3A_638 = arith.muli %convert_element_type3A_635, %mul3A_637 : vector<16xi32>
        %eq3A_639 = arith.cmpi eq, %mul3A_638, %add3A_629 : vector<16xi32>
        %select_n3A_640 = arith.select %eq3A_639, %convert_element_type3A_635, %broadcast_in_dim3A_84 : vector<16xi1>, vector<16xi32>
        %gather3A_641 = tpu.vector_load_idx %arg10[%select_n3A_640] : memref<112xf32, #tpu.memory_space<vmem>>[vector<16xi32>], vector<16xf32>,
        %gather3A_642 = tpu.vector_load_idx %arg11[%select_n3A_640] : memref<112xf32, #tpu.memory_space<vmem>>[vector<16xi32>], vector<16xf32>,
        %add3A_643 = arith.addf %add3A_614, %gather3A_642 : vector<16xf32>
        %add3A_644 = arith.addf %add3A_615, %gather3A_641 : vector<16xf32>
        %scan3A_645 = arith.constant 8 : i32
        %scan3A_646 = arith.addi %scan3A_412, %scan3A_645 : i32
        %add3A_647 = vector.broadcast %scan3A_646 : i32 to vector<16xi32>
        %add3A_648 = arith.addi %mul3A_167, %add3A_647 : vector<16xi32>
        %shift_right_arithmetic3A_649 = arith.constant 7 : i32
        %shift_right_arithmetic3A_650 = vector.broadcast %shift_right_arithmetic3A_649 : i32 to vector<16xi32>
        %shift_right_arithmetic3A_651 = arith.shrsi %add3A_648, %shift_right_arithmetic3A_650 : vector<16xi32>
        %and3A_652 = arith.constant 127 : i32
        %and3A_653 = vector.broadcast %and3A_652 : i32 to vector<16xi32>
        %and3A_654 = arith.andi %add3A_648, %and3A_653 : vector<16xi32>
        %gather3A_655 = tpu.vector_load_idx %arg7[%shift_right_arithmetic3A_651, %and3A_654] : memref<200x128xi32, #tpu.memory_space<vmem>>[vector<16xi32>, vector<16xi32>], vector<16xi32>,
        %add3A_656 = arith.constant 1 : i32
        %add3A_657 = vector.broadcast %add3A_656 : i32 to vector<16xi32>
        %add3A_658 = arith.addi %gather3A_655, %add3A_657 : vector<16xi32>
        %convert_element_type3A_659 = arith.sitofp %add3A_658 : vector<16xi32> to vector<16xf32>
        %mul3A_660 = vector.broadcast %scan3A_116 : f32 to vector<16xf32>
        %mul3A_661 = arith.mulf %convert_element_type3A_659, %mul3A_660 : vector<16xf32>
        %add3A_662 = vector.broadcast %scan3A_117 : f32 to vector<16xf32>
        %add3A_663 = arith.addf %mul3A_661, %add3A_662 : vector<16xf32>
        %convert_element_type3A_664 = arith.fptosi %add3A_663 : vector<16xf32> to vector<16xi32>
        %mul3A_665 = arith.constant 10000 : i32
        %mul3A_666 = vector.broadcast %mul3A_665 : i32 to vector<16xi32>
        %mul3A_667 = arith.muli %convert_element_type3A_664, %mul3A_666 : vector<16xi32>
        %eq3A_668 = arith.cmpi eq, %mul3A_667, %add3A_658 : vector<16xi32>
        %select_n3A_669 = arith.select %eq3A_668, %convert_element_type3A_664, %broadcast_in_dim3A_84 : vector<16xi1>, vector<16xi32>
        %gather3A_670 = tpu.vector_load_idx %arg10[%select_n3A_669] : memref<112xf32, #tpu.memory_space<vmem>>[vector<16xi32>], vector<16xf32>,
        %gather3A_671 = tpu.vector_load_idx %arg11[%select_n3A_669] : memref<112xf32, #tpu.memory_space<vmem>>[vector<16xi32>], vector<16xf32>,
        %add3A_672 = arith.addf %add3A_643, %gather3A_671 : vector<16xf32>
        %add3A_673 = arith.addf %add3A_644, %gather3A_670 : vector<16xf32>
        %scan3A_674 = arith.constant 9 : i32
        %scan3A_675 = arith.addi %scan3A_412, %scan3A_674 : i32
        %add3A_676 = vector.broadcast %scan3A_675 : i32 to vector<16xi32>
        %add3A_677 = arith.addi %mul3A_167, %add3A_676 : vector<16xi32>
        %shift_right_arithmetic3A_678 = arith.constant 7 : i32
        %shift_right_arithmetic3A_679 = vector.broadcast %shift_right_arithmetic3A_678 : i32 to vector<16xi32>
        %shift_right_arithmetic3A_680 = arith.shrsi %add3A_677, %shift_right_arithmetic3A_679 : vector<16xi32>
        %and3A_681 = arith.constant 127 : i32
        %and3A_682 = vector.broadcast %and3A_681 : i32 to vector<16xi32>
        %and3A_683 = arith.andi %add3A_677, %and3A_682 : vector<16xi32>
        %gather3A_684 = tpu.vector_load_idx %arg7[%shift_right_arithmetic3A_680, %and3A_683] : memref<200x128xi32, #tpu.memory_space<vmem>>[vector<16xi32>, vector<16xi32>], vector<16xi32>,
        %add3A_685 = arith.constant 1 : i32
        %add3A_686 = vector.broadcast %add3A_685 : i32 to vector<16xi32>
        %add3A_687 = arith.addi %gather3A_684, %add3A_686 : vector<16xi32>
        %convert_element_type3A_688 = arith.sitofp %add3A_687 : vector<16xi32> to vector<16xf32>
        %mul3A_689 = vector.broadcast %scan3A_116 : f32 to vector<16xf32>
        %mul3A_690 = arith.mulf %convert_element_type3A_688, %mul3A_689 : vector<16xf32>
        %add3A_691 = vector.broadcast %scan3A_117 : f32 to vector<16xf32>
        %add3A_692 = arith.addf %mul3A_690, %add3A_691 : vector<16xf32>
        %convert_element_type3A_693 = arith.fptosi %add3A_692 : vector<16xf32> to vector<16xi32>
        %mul3A_694 = arith.constant 10000 : i32
        %mul3A_695 = vector.broadcast %mul3A_694 : i32 to vector<16xi32>
        %mul3A_696 = arith.muli %convert_element_type3A_693, %mul3A_695 : vector<16xi32>
        %eq3A_697 = arith.cmpi eq, %mul3A_696, %add3A_687 : vector<16xi32>
        %select_n3A_698 = arith.select %eq3A_697, %convert_element_type3A_693, %broadcast_in_dim3A_84 : vector<16xi1>, vector<16xi32>
        %gather3A_699 = tpu.vector_load_idx %arg10[%select_n3A_698] : memref<112xf32, #tpu.memory_space<vmem>>[vector<16xi32>], vector<16xf32>,
        %gather3A_700 = tpu.vector_load_idx %arg11[%select_n3A_698] : memref<112xf32, #tpu.memory_space<vmem>>[vector<16xi32>], vector<16xf32>,
        %add3A_701 = arith.addf %add3A_672, %gather3A_700 : vector<16xf32>
        %add3A_702 = arith.addf %add3A_673, %gather3A_699 : vector<16xf32>
        %scan3A_703 = arith.constant 10 : i32
        %scan3A_704 = arith.addi %scan3A_412, %scan3A_703 : i32
        %add3A_705 = vector.broadcast %scan3A_704 : i32 to vector<16xi32>
        %add3A_706 = arith.addi %mul3A_167, %add3A_705 : vector<16xi32>
        %shift_right_arithmetic3A_707 = arith.constant 7 : i32
        %shift_right_arithmetic3A_708 = vector.broadcast %shift_right_arithmetic3A_707 : i32 to vector<16xi32>
        %shift_right_arithmetic3A_709 = arith.shrsi %add3A_706, %shift_right_arithmetic3A_708 : vector<16xi32>
        %and3A_710 = arith.constant 127 : i32
        %and3A_711 = vector.broadcast %and3A_710 : i32 to vector<16xi32>
        %and3A_712 = arith.andi %add3A_706, %and3A_711 : vector<16xi32>
        %gather3A_713 = tpu.vector_load_idx %arg7[%shift_right_arithmetic3A_709, %and3A_712] : memref<200x128xi32, #tpu.memory_space<vmem>>[vector<16xi32>, vector<16xi32>], vector<16xi32>,
        %add3A_714 = arith.constant 1 : i32
        %add3A_715 = vector.broadcast %add3A_714 : i32 to vector<16xi32>
        %add3A_716 = arith.addi %gather3A_713, %add3A_715 : vector<16xi32>
        %convert_element_type3A_717 = arith.sitofp %add3A_716 : vector<16xi32> to vector<16xf32>
        %mul3A_718 = vector.broadcast %scan3A_116 : f32 to vector<16xf32>
        %mul3A_719 = arith.mulf %convert_element_type3A_717, %mul3A_718 : vector<16xf32>
        %add3A_720 = vector.broadcast %scan3A_117 : f32 to vector<16xf32>
        %add3A_721 = arith.addf %mul3A_719, %add3A_720 : vector<16xf32>
        %convert_element_type3A_722 = arith.fptosi %add3A_721 : vector<16xf32> to vector<16xi32>
        %mul3A_723 = arith.constant 10000 : i32
        %mul3A_724 = vector.broadcast %mul3A_723 : i32 to vector<16xi32>
        %mul3A_725 = arith.muli %convert_element_type3A_722, %mul3A_724 : vector<16xi32>
        %eq3A_726 = arith.cmpi eq, %mul3A_725, %add3A_716 : vector<16xi32>
        %select_n3A_727 = arith.select %eq3A_726, %convert_element_type3A_722, %broadcast_in_dim3A_84 : vector<16xi1>, vector<16xi32>
        %gather3A_728 = tpu.vector_load_idx %arg10[%select_n3A_727] : memref<112xf32, #tpu.memory_space<vmem>>[vector<16xi32>], vector<16xf32>,
        %gather3A_729 = tpu.vector_load_idx %arg11[%select_n3A_727] : memref<112xf32, #tpu.memory_space<vmem>>[vector<16xi32>], vector<16xf32>,
        %add3A_730 = arith.addf %add3A_701, %gather3A_729 : vector<16xf32>
        %add3A_731 = arith.addf %add3A_702, %gather3A_728 : vector<16xf32>
        %scan3A_732 = arith.constant 11 : i32
        %scan3A_733 = arith.addi %scan3A_412, %scan3A_732 : i32
        %add3A_734 = vector.broadcast %scan3A_733 : i32 to vector<16xi32>
        %add3A_735 = arith.addi %mul3A_167, %add3A_734 : vector<16xi32>
        %shift_right_arithmetic3A_736 = arith.constant 7 : i32
        %shift_right_arithmetic3A_737 = vector.broadcast %shift_right_arithmetic3A_736 : i32 to vector<16xi32>
        %shift_right_arithmetic3A_738 = arith.shrsi %add3A_735, %shift_right_arithmetic3A_737 : vector<16xi32>
        %and3A_739 = arith.constant 127 : i32
        %and3A_740 = vector.broadcast %and3A_739 : i32 to vector<16xi32>
        %and3A_741 = arith.andi %add3A_735, %and3A_740 : vector<16xi32>
        %gather3A_742 = tpu.vector_load_idx %arg7[%shift_right_arithmetic3A_738, %and3A_741] : memref<200x128xi32, #tpu.memory_space<vmem>>[vector<16xi32>, vector<16xi32>], vector<16xi32>,
        %add3A_743 = arith.constant 1 : i32
        %add3A_744 = vector.broadcast %add3A_743 : i32 to vector<16xi32>
        %add3A_745 = arith.addi %gather3A_742, %add3A_744 : vector<16xi32>
        %convert_element_type3A_746 = arith.sitofp %add3A_745 : vector<16xi32> to vector<16xf32>
        %mul3A_747 = vector.broadcast %scan3A_116 : f32 to vector<16xf32>
        %mul3A_748 = arith.mulf %convert_element_type3A_746, %mul3A_747 : vector<16xf32>
        %add3A_749 = vector.broadcast %scan3A_117 : f32 to vector<16xf32>
        %add3A_750 = arith.addf %mul3A_748, %add3A_749 : vector<16xf32>
        %convert_element_type3A_751 = arith.fptosi %add3A_750 : vector<16xf32> to vector<16xi32>
        %mul3A_752 = arith.constant 10000 : i32
        %mul3A_753 = vector.broadcast %mul3A_752 : i32 to vector<16xi32>
        %mul3A_754 = arith.muli %convert_element_type3A_751, %mul3A_753 : vector<16xi32>
        %eq3A_755 = arith.cmpi eq, %mul3A_754, %add3A_745 : vector<16xi32>
        %select_n3A_756 = arith.select %eq3A_755, %convert_element_type3A_751, %broadcast_in_dim3A_84 : vector<16xi1>, vector<16xi32>
        %gather3A_757 = tpu.vector_load_idx %arg10[%select_n3A_756] : memref<112xf32, #tpu.memory_space<vmem>>[vector<16xi32>], vector<16xf32>,
        %gather3A_758 = tpu.vector_load_idx %arg11[%select_n3A_756] : memref<112xf32, #tpu.memory_space<vmem>>[vector<16xi32>], vector<16xf32>,
        %add3A_759 = arith.addf %add3A_730, %gather3A_758 : vector<16xf32>
        %add3A_760 = arith.addf %add3A_731, %gather3A_757 : vector<16xf32>
        %scan3A_761 = arith.constant 12 : i32
        %scan3A_762 = arith.addi %scan3A_412, %scan3A_761 : i32
        %add3A_763 = vector.broadcast %scan3A_762 : i32 to vector<16xi32>
        %add3A_764 = arith.addi %mul3A_167, %add3A_763 : vector<16xi32>
        %shift_right_arithmetic3A_765 = arith.constant 7 : i32
        %shift_right_arithmetic3A_766 = vector.broadcast %shift_right_arithmetic3A_765 : i32 to vector<16xi32>
        %shift_right_arithmetic3A_767 = arith.shrsi %add3A_764, %shift_right_arithmetic3A_766 : vector<16xi32>
        %and3A_768 = arith.constant 127 : i32
        %and3A_769 = vector.broadcast %and3A_768 : i32 to vector<16xi32>
        %and3A_770 = arith.andi %add3A_764, %and3A_769 : vector<16xi32>
        %gather3A_771 = tpu.vector_load_idx %arg7[%shift_right_arithmetic3A_767, %and3A_770] : memref<200x128xi32, #tpu.memory_space<vmem>>[vector<16xi32>, vector<16xi32>], vector<16xi32>,
        %add3A_772 = arith.constant 1 : i32
        %add3A_773 = vector.broadcast %add3A_772 : i32 to vector<16xi32>
        %add3A_774 = arith.addi %gather3A_771, %add3A_773 : vector<16xi32>
        %convert_element_type3A_775 = arith.sitofp %add3A_774 : vector<16xi32> to vector<16xf32>
        %mul3A_776 = vector.broadcast %scan3A_116 : f32 to vector<16xf32>
        %mul3A_777 = arith.mulf %convert_element_type3A_775, %mul3A_776 : vector<16xf32>
        %add3A_778 = vector.broadcast %scan3A_117 : f32 to vector<16xf32>
        %add3A_779 = arith.addf %mul3A_777, %add3A_778 : vector<16xf32>
        %convert_element_type3A_780 = arith.fptosi %add3A_779 : vector<16xf32> to vector<16xi32>
        %mul3A_781 = arith.constant 10000 : i32
        %mul3A_782 = vector.broadcast %mul3A_781 : i32 to vector<16xi32>
        %mul3A_783 = arith.muli %convert_element_type3A_780, %mul3A_782 : vector<16xi32>
        %eq3A_784 = arith.cmpi eq, %mul3A_783, %add3A_774 : vector<16xi32>
        %select_n3A_785 = arith.select %eq3A_784, %convert_element_type3A_780, %broadcast_in_dim3A_84 : vector<16xi1>, vector<16xi32>
        %gather3A_786 = tpu.vector_load_idx %arg10[%select_n3A_785] : memref<112xf32, #tpu.memory_space<vmem>>[vector<16xi32>], vector<16xf32>,
        %gather3A_787 = tpu.vector_load_idx %arg11[%select_n3A_785] : memref<112xf32, #tpu.memory_space<vmem>>[vector<16xi32>], vector<16xf32>,
        %add3A_788 = arith.addf %add3A_759, %gather3A_787 : vector<16xf32>
        %add3A_789 = arith.addf %add3A_760, %gather3A_786 : vector<16xf32>
        %scan3A_790 = arith.constant 13 : i32
        %scan3A_791 = arith.addi %scan3A_412, %scan3A_790 : i32
        %add3A_792 = vector.broadcast %scan3A_791 : i32 to vector<16xi32>
        %add3A_793 = arith.addi %mul3A_167, %add3A_792 : vector<16xi32>
        %shift_right_arithmetic3A_794 = arith.constant 7 : i32
        %shift_right_arithmetic3A_795 = vector.broadcast %shift_right_arithmetic3A_794 : i32 to vector<16xi32>
        %shift_right_arithmetic3A_796 = arith.shrsi %add3A_793, %shift_right_arithmetic3A_795 : vector<16xi32>
        %and3A_797 = arith.constant 127 : i32
        %and3A_798 = vector.broadcast %and3A_797 : i32 to vector<16xi32>
        %and3A_799 = arith.andi %add3A_793, %and3A_798 : vector<16xi32>
        %gather3A_800 = tpu.vector_load_idx %arg7[%shift_right_arithmetic3A_796, %and3A_799] : memref<200x128xi32, #tpu.memory_space<vmem>>[vector<16xi32>, vector<16xi32>], vector<16xi32>,
        %add3A_801 = arith.constant 1 : i32
        %add3A_802 = vector.broadcast %add3A_801 : i32 to vector<16xi32>
        %add3A_803 = arith.addi %gather3A_800, %add3A_802 : vector<16xi32>
        %convert_element_type3A_804 = arith.sitofp %add3A_803 : vector<16xi32> to vector<16xf32>
        %mul3A_805 = vector.broadcast %scan3A_116 : f32 to vector<16xf32>
        %mul3A_806 = arith.mulf %convert_element_type3A_804, %mul3A_805 : vector<16xf32>
        %add3A_807 = vector.broadcast %scan3A_117 : f32 to vector<16xf32>
        %add3A_808 = arith.addf %mul3A_806, %add3A_807 : vector<16xf32>
        %convert_element_type3A_809 = arith.fptosi %add3A_808 : vector<16xf32> to vector<16xi32>
        %mul3A_810 = arith.constant 10000 : i32
        %mul3A_811 = vector.broadcast %mul3A_810 : i32 to vector<16xi32>
        %mul3A_812 = arith.muli %convert_element_type3A_809, %mul3A_811 : vector<16xi32>
        %eq3A_813 = arith.cmpi eq, %mul3A_812, %add3A_803 : vector<16xi32>
        %select_n3A_814 = arith.select %eq3A_813, %convert_element_type3A_809, %broadcast_in_dim3A_84 : vector<16xi1>, vector<16xi32>
        %gather3A_815 = tpu.vector_load_idx %arg10[%select_n3A_814] : memref<112xf32, #tpu.memory_space<vmem>>[vector<16xi32>], vector<16xf32>,
        %gather3A_816 = tpu.vector_load_idx %arg11[%select_n3A_814] : memref<112xf32, #tpu.memory_space<vmem>>[vector<16xi32>], vector<16xf32>,
        %add3A_817 = arith.addf %add3A_788, %gather3A_816 : vector<16xf32>
        %add3A_818 = arith.addf %add3A_789, %gather3A_815 : vector<16xf32>
        %scan3A_819 = arith.constant 14 : i32
        %scan3A_820 = arith.addi %scan3A_412, %scan3A_819 : i32
        %add3A_821 = vector.broadcast %scan3A_820 : i32 to vector<16xi32>
        %add3A_822 = arith.addi %mul3A_167, %add3A_821 : vector<16xi32>
        %shift_right_arithmetic3A_823 = arith.constant 7 : i32
        %shift_right_arithmetic3A_824 = vector.broadcast %shift_right_arithmetic3A_823 : i32 to vector<16xi32>
        %shift_right_arithmetic3A_825 = arith.shrsi %add3A_822, %shift_right_arithmetic3A_824 : vector<16xi32>
        %and3A_826 = arith.constant 127 : i32
        %and3A_827 = vector.broadcast %and3A_826 : i32 to vector<16xi32>
        %and3A_828 = arith.andi %add3A_822, %and3A_827 : vector<16xi32>
        %gather3A_829 = tpu.vector_load_idx %arg7[%shift_right_arithmetic3A_825, %and3A_828] : memref<200x128xi32, #tpu.memory_space<vmem>>[vector<16xi32>, vector<16xi32>], vector<16xi32>,
        %add3A_830 = arith.constant 1 : i32
        %add3A_831 = vector.broadcast %add3A_830 : i32 to vector<16xi32>
        %add3A_832 = arith.addi %gather3A_829, %add3A_831 : vector<16xi32>
        %convert_element_type3A_833 = arith.sitofp %add3A_832 : vector<16xi32> to vector<16xf32>
        %mul3A_834 = vector.broadcast %scan3A_116 : f32 to vector<16xf32>
        %mul3A_835 = arith.mulf %convert_element_type3A_833, %mul3A_834 : vector<16xf32>
        %add3A_836 = vector.broadcast %scan3A_117 : f32 to vector<16xf32>
        %add3A_837 = arith.addf %mul3A_835, %add3A_836 : vector<16xf32>
        %convert_element_type3A_838 = arith.fptosi %add3A_837 : vector<16xf32> to vector<16xi32>
        %mul3A_839 = arith.constant 10000 : i32
        %mul3A_840 = vector.broadcast %mul3A_839 : i32 to vector<16xi32>
        %mul3A_841 = arith.muli %convert_element_type3A_838, %mul3A_840 : vector<16xi32>
        %eq3A_842 = arith.cmpi eq, %mul3A_841, %add3A_832 : vector<16xi32>
        %select_n3A_843 = arith.select %eq3A_842, %convert_element_type3A_838, %broadcast_in_dim3A_84 : vector<16xi1>, vector<16xi32>
        %gather3A_844 = tpu.vector_load_idx %arg10[%select_n3A_843] : memref<112xf32, #tpu.memory_space<vmem>>[vector<16xi32>], vector<16xf32>,
        %gather3A_845 = tpu.vector_load_idx %arg11[%select_n3A_843] : memref<112xf32, #tpu.memory_space<vmem>>[vector<16xi32>], vector<16xf32>,
        %add3A_846 = arith.addf %add3A_817, %gather3A_845 : vector<16xf32>
        %add3A_847 = arith.addf %add3A_818, %gather3A_844 : vector<16xf32>
        %scan3A_848 = arith.constant 15 : i32
        %scan3A_849 = arith.addi %scan3A_412, %scan3A_848 : i32
        %add3A_850 = vector.broadcast %scan3A_849 : i32 to vector<16xi32>
        %add3A_851 = arith.addi %mul3A_167, %add3A_850 : vector<16xi32>
        %shift_right_arithmetic3A_852 = arith.constant 7 : i32
        %shift_right_arithmetic3A_853 = vector.broadcast %shift_right_arithmetic3A_852 : i32 to vector<16xi32>
        %shift_right_arithmetic3A_854 = arith.shrsi %add3A_851, %shift_right_arithmetic3A_853 : vector<16xi32>
        %and3A_855 = arith.constant 127 : i32
        %and3A_856 = vector.broadcast %and3A_855 : i32 to vector<16xi32>
        %and3A_857 = arith.andi %add3A_851, %and3A_856 : vector<16xi32>
        %gather3A_858 = tpu.vector_load_idx %arg7[%shift_right_arithmetic3A_854, %and3A_857] : memref<200x128xi32, #tpu.memory_space<vmem>>[vector<16xi32>, vector<16xi32>], vector<16xi32>,
        %add3A_859 = arith.constant 1 : i32
        %add3A_860 = vector.broadcast %add3A_859 : i32 to vector<16xi32>
        %add3A_861 = arith.addi %gather3A_858, %add3A_860 : vector<16xi32>
        %convert_element_type3A_862 = arith.sitofp %add3A_861 : vector<16xi32> to vector<16xf32>
        %mul3A_863 = vector.broadcast %scan3A_116 : f32 to vector<16xf32>
        %mul3A_864 = arith.mulf %convert_element_type3A_862, %mul3A_863 : vector<16xf32>
        %add3A_865 = vector.broadcast %scan3A_117 : f32 to vector<16xf32>
        %add3A_866 = arith.addf %mul3A_864, %add3A_865 : vector<16xf32>
        %convert_element_type3A_867 = arith.fptosi %add3A_866 : vector<16xf32> to vector<16xi32>
        %mul3A_868 = arith.constant 10000 : i32
        %mul3A_869 = vector.broadcast %mul3A_868 : i32 to vector<16xi32>
        %mul3A_870 = arith.muli %convert_element_type3A_867, %mul3A_869 : vector<16xi32>
        %eq3A_871 = arith.cmpi eq, %mul3A_870, %add3A_861 : vector<16xi32>
        %select_n3A_872 = arith.select %eq3A_871, %convert_element_type3A_867, %broadcast_in_dim3A_84 : vector<16xi1>, vector<16xi32>
        %gather3A_873 = tpu.vector_load_idx %arg10[%select_n3A_872] : memref<112xf32, #tpu.memory_space<vmem>>[vector<16xi32>], vector<16xf32>,
        %gather3A_874 = tpu.vector_load_idx %arg11[%select_n3A_872] : memref<112xf32, #tpu.memory_space<vmem>>[vector<16xi32>], vector<16xf32>,
        %add3A_875 = arith.addf %add3A_846, %gather3A_874 : vector<16xf32>
        %add3A_876 = arith.addf %add3A_847, %gather3A_873 : vector<16xf32>
        scf.yield %add3A_875, %add3A_876 : vector<16xf32>, vector<16xf32>
      }
      %scan3A_173 = arith.constant 192 : i32
      %scan3A_174 = arith.addi %scan3A_168, %scan3A_173 : i32
      %add3A_175 = vector.broadcast %scan3A_174 : i32 to vector<16xi32>
      %add3A_176 = arith.addi %mul3A_167, %add3A_175 : vector<16xi32>
      %shift_right_arithmetic3A = arith.constant 7 : i32
      %shift_right_arithmetic3A_177 = vector.broadcast %shift_right_arithmetic3A : i32 to vector<16xi32>
      %shift_right_arithmetic3A_178 = arith.shrsi %add3A_176, %shift_right_arithmetic3A_177 : vector<16xi32>
      %and3A = arith.constant 127 : i32
      %and3A_179 = vector.broadcast %and3A : i32 to vector<16xi32>
      %and3A_180 = arith.andi %add3A_176, %and3A_179 : vector<16xi32>
      %gather3A = tpu.vector_load_idx %arg7[%shift_right_arithmetic3A_178, %and3A_180] : memref<200x128xi32, #tpu.memory_space<vmem>>[vector<16xi32>, vector<16xi32>], vector<16xi32>,
      %add3A_181 = arith.constant 1 : i32
      %add3A_182 = vector.broadcast %add3A_181 : i32 to vector<16xi32>
      %add3A_183 = arith.addi %gather3A, %add3A_182 : vector<16xi32>
      %convert_element_type3A = arith.sitofp %add3A_183 : vector<16xi32> to vector<16xf32>
      %mul3A_184 = vector.broadcast %scan3A_116 : f32 to vector<16xf32>
      %mul3A_185 = arith.mulf %convert_element_type3A, %mul3A_184 : vector<16xf32>
      %add3A_186 = vector.broadcast %scan3A_117 : f32 to vector<16xf32>
      %add3A_187 = arith.addf %mul3A_185, %add3A_186 : vector<16xf32>
      %convert_element_type3A_188 = arith.fptosi %add3A_187 : vector<16xf32> to vector<16xi32>
      %mul3A_189 = arith.constant 10000 : i32
      %mul3A_190 = vector.broadcast %mul3A_189 : i32 to vector<16xi32>
      %mul3A_191 = arith.muli %convert_element_type3A_188, %mul3A_190 : vector<16xi32>
      %eq3A_192 = arith.cmpi eq, %mul3A_191, %add3A_183 : vector<16xi32>
      %select_n3A_193 = arith.select %eq3A_192, %convert_element_type3A_188, %broadcast_in_dim3A_84 : vector<16xi1>, vector<16xi32>
      %gather3A_194 = tpu.vector_load_idx %arg10[%select_n3A_193] : memref<112xf32, #tpu.memory_space<vmem>>[vector<16xi32>], vector<16xf32>,
      %gather3A_195 = tpu.vector_load_idx %arg11[%select_n3A_193] : memref<112xf32, #tpu.memory_space<vmem>>[vector<16xi32>], vector<16xf32>,
      %add3A_196 = arith.addf %scan3A_172#0, %gather3A_195 : vector<16xf32>
      %add3A_197 = arith.addf %scan3A_172#1, %gather3A_194 : vector<16xf32>
      %scan3A_198 = arith.constant 193 : i32
      %scan3A_199 = arith.addi %scan3A_168, %scan3A_198 : i32
      %add3A_200 = vector.broadcast %scan3A_199 : i32 to vector<16xi32>
      %add3A_201 = arith.addi %mul3A_167, %add3A_200 : vector<16xi32>
      %shift_right_arithmetic3A_202 = arith.constant 7 : i32
      %shift_right_arithmetic3A_203 = vector.broadcast %shift_right_arithmetic3A_202 : i32 to vector<16xi32>
      %shift_right_arithmetic3A_204 = arith.shrsi %add3A_201, %shift_right_arithmetic3A_203 : vector<16xi32>
      %and3A_205 = arith.constant 127 : i32
      %and3A_206 = vector.broadcast %and3A_205 : i32 to vector<16xi32>
      %and3A_207 = arith.andi %add3A_201, %and3A_206 : vector<16xi32>
      %gather3A_208 = tpu.vector_load_idx %arg7[%shift_right_arithmetic3A_204, %and3A_207] : memref<200x128xi32, #tpu.memory_space<vmem>>[vector<16xi32>, vector<16xi32>], vector<16xi32>,
      %add3A_209 = arith.constant 1 : i32
      %add3A_210 = vector.broadcast %add3A_209 : i32 to vector<16xi32>
      %add3A_211 = arith.addi %gather3A_208, %add3A_210 : vector<16xi32>
      %convert_element_type3A_212 = arith.sitofp %add3A_211 : vector<16xi32> to vector<16xf32>
      %mul3A_213 = vector.broadcast %scan3A_116 : f32 to vector<16xf32>
      %mul3A_214 = arith.mulf %convert_element_type3A_212, %mul3A_213 : vector<16xf32>
      %add3A_215 = vector.broadcast %scan3A_117 : f32 to vector<16xf32>
      %add3A_216 = arith.addf %mul3A_214, %add3A_215 : vector<16xf32>
      %convert_element_type3A_217 = arith.fptosi %add3A_216 : vector<16xf32> to vector<16xi32>
      %mul3A_218 = arith.constant 10000 : i32
      %mul3A_219 = vector.broadcast %mul3A_218 : i32 to vector<16xi32>
      %mul3A_220 = arith.muli %convert_element_type3A_217, %mul3A_219 : vector<16xi32>
      %eq3A_221 = arith.cmpi eq, %mul3A_220, %add3A_211 : vector<16xi32>
      %select_n3A_222 = arith.select %eq3A_221, %convert_element_type3A_217, %broadcast_in_dim3A_84 : vector<16xi1>, vector<16xi32>
      %gather3A_223 = tpu.vector_load_idx %arg10[%select_n3A_222] : memref<112xf32, #tpu.memory_space<vmem>>[vector<16xi32>], vector<16xf32>,
      %gather3A_224 = tpu.vector_load_idx %arg11[%select_n3A_222] : memref<112xf32, #tpu.memory_space<vmem>>[vector<16xi32>], vector<16xf32>,
      %add3A_225 = arith.addf %add3A_196, %gather3A_224 : vector<16xf32>
      %add3A_226 = arith.addf %add3A_197, %gather3A_223 : vector<16xf32>
      %scan3A_227 = arith.constant 194 : i32
      %scan3A_228 = arith.addi %scan3A_168, %scan3A_227 : i32
      %add3A_229 = vector.broadcast %scan3A_228 : i32 to vector<16xi32>
      %add3A_230 = arith.addi %mul3A_167, %add3A_229 : vector<16xi32>
      %shift_right_arithmetic3A_231 = arith.constant 7 : i32
      %shift_right_arithmetic3A_232 = vector.broadcast %shift_right_arithmetic3A_231 : i32 to vector<16xi32>
      %shift_right_arithmetic3A_233 = arith.shrsi %add3A_230, %shift_right_arithmetic3A_232 : vector<16xi32>
      %and3A_234 = arith.constant 127 : i32
      %and3A_235 = vector.broadcast %and3A_234 : i32 to vector<16xi32>
      %and3A_236 = arith.andi %add3A_230, %and3A_235 : vector<16xi32>
      %gather3A_237 = tpu.vector_load_idx %arg7[%shift_right_arithmetic3A_233, %and3A_236] : memref<200x128xi32, #tpu.memory_space<vmem>>[vector<16xi32>, vector<16xi32>], vector<16xi32>,
      %add3A_238 = arith.constant 1 : i32
      %add3A_239 = vector.broadcast %add3A_238 : i32 to vector<16xi32>
      %add3A_240 = arith.addi %gather3A_237, %add3A_239 : vector<16xi32>
      %convert_element_type3A_241 = arith.sitofp %add3A_240 : vector<16xi32> to vector<16xf32>
      %mul3A_242 = vector.broadcast %scan3A_116 : f32 to vector<16xf32>
      %mul3A_243 = arith.mulf %convert_element_type3A_241, %mul3A_242 : vector<16xf32>
      %add3A_244 = vector.broadcast %scan3A_117 : f32 to vector<16xf32>
      %add3A_245 = arith.addf %mul3A_243, %add3A_244 : vector<16xf32>
      %convert_element_type3A_246 = arith.fptosi %add3A_245 : vector<16xf32> to vector<16xi32>
      %mul3A_247 = arith.constant 10000 : i32
      %mul3A_248 = vector.broadcast %mul3A_247 : i32 to vector<16xi32>
      %mul3A_249 = arith.muli %convert_element_type3A_246, %mul3A_248 : vector<16xi32>
      %eq3A_250 = arith.cmpi eq, %mul3A_249, %add3A_240 : vector<16xi32>
      %select_n3A_251 = arith.select %eq3A_250, %convert_element_type3A_246, %broadcast_in_dim3A_84 : vector<16xi1>, vector<16xi32>
      %gather3A_252 = tpu.vector_load_idx %arg10[%select_n3A_251] : memref<112xf32, #tpu.memory_space<vmem>>[vector<16xi32>], vector<16xf32>,
      %gather3A_253 = tpu.vector_load_idx %arg11[%select_n3A_251] : memref<112xf32, #tpu.memory_space<vmem>>[vector<16xi32>], vector<16xf32>,
      %add3A_254 = arith.addf %add3A_225, %gather3A_253 : vector<16xf32>
      %add3A_255 = arith.addf %add3A_226, %gather3A_252 : vector<16xf32>
      %scan3A_256 = arith.constant 195 : i32
      %scan3A_257 = arith.addi %scan3A_168, %scan3A_256 : i32
      %add3A_258 = vector.broadcast %scan3A_257 : i32 to vector<16xi32>
      %add3A_259 = arith.addi %mul3A_167, %add3A_258 : vector<16xi32>
      %shift_right_arithmetic3A_260 = arith.constant 7 : i32
      %shift_right_arithmetic3A_261 = vector.broadcast %shift_right_arithmetic3A_260 : i32 to vector<16xi32>
      %shift_right_arithmetic3A_262 = arith.shrsi %add3A_259, %shift_right_arithmetic3A_261 : vector<16xi32>
      %and3A_263 = arith.constant 127 : i32
      %and3A_264 = vector.broadcast %and3A_263 : i32 to vector<16xi32>
      %and3A_265 = arith.andi %add3A_259, %and3A_264 : vector<16xi32>
      %gather3A_266 = tpu.vector_load_idx %arg7[%shift_right_arithmetic3A_262, %and3A_265] : memref<200x128xi32, #tpu.memory_space<vmem>>[vector<16xi32>, vector<16xi32>], vector<16xi32>,
      %add3A_267 = arith.constant 1 : i32
      %add3A_268 = vector.broadcast %add3A_267 : i32 to vector<16xi32>
      %add3A_269 = arith.addi %gather3A_266, %add3A_268 : vector<16xi32>
      %convert_element_type3A_270 = arith.sitofp %add3A_269 : vector<16xi32> to vector<16xf32>
      %mul3A_271 = vector.broadcast %scan3A_116 : f32 to vector<16xf32>
      %mul3A_272 = arith.mulf %convert_element_type3A_270, %mul3A_271 : vector<16xf32>
      %add3A_273 = vector.broadcast %scan3A_117 : f32 to vector<16xf32>
      %add3A_274 = arith.addf %mul3A_272, %add3A_273 : vector<16xf32>
      %convert_element_type3A_275 = arith.fptosi %add3A_274 : vector<16xf32> to vector<16xi32>
      %mul3A_276 = arith.constant 10000 : i32
      %mul3A_277 = vector.broadcast %mul3A_276 : i32 to vector<16xi32>
      %mul3A_278 = arith.muli %convert_element_type3A_275, %mul3A_277 : vector<16xi32>
      %eq3A_279 = arith.cmpi eq, %mul3A_278, %add3A_269 : vector<16xi32>
      %select_n3A_280 = arith.select %eq3A_279, %convert_element_type3A_275, %broadcast_in_dim3A_84 : vector<16xi1>, vector<16xi32>
      %gather3A_281 = tpu.vector_load_idx %arg10[%select_n3A_280] : memref<112xf32, #tpu.memory_space<vmem>>[vector<16xi32>], vector<16xf32>,
      %gather3A_282 = tpu.vector_load_idx %arg11[%select_n3A_280] : memref<112xf32, #tpu.memory_space<vmem>>[vector<16xi32>], vector<16xf32>,
      %add3A_283 = arith.addf %add3A_254, %gather3A_282 : vector<16xf32>
      %add3A_284 = arith.addf %add3A_255, %gather3A_281 : vector<16xf32>
      %scan3A_285 = arith.constant 196 : i32
      %scan3A_286 = arith.addi %scan3A_168, %scan3A_285 : i32
      %add3A_287 = vector.broadcast %scan3A_286 : i32 to vector<16xi32>
      %add3A_288 = arith.addi %mul3A_167, %add3A_287 : vector<16xi32>
      %shift_right_arithmetic3A_289 = arith.constant 7 : i32
      %shift_right_arithmetic3A_290 = vector.broadcast %shift_right_arithmetic3A_289 : i32 to vector<16xi32>
      %shift_right_arithmetic3A_291 = arith.shrsi %add3A_288, %shift_right_arithmetic3A_290 : vector<16xi32>
      %and3A_292 = arith.constant 127 : i32
      %and3A_293 = vector.broadcast %and3A_292 : i32 to vector<16xi32>
      %and3A_294 = arith.andi %add3A_288, %and3A_293 : vector<16xi32>
      %gather3A_295 = tpu.vector_load_idx %arg7[%shift_right_arithmetic3A_291, %and3A_294] : memref<200x128xi32, #tpu.memory_space<vmem>>[vector<16xi32>, vector<16xi32>], vector<16xi32>,
      %add3A_296 = arith.constant 1 : i32
      %add3A_297 = vector.broadcast %add3A_296 : i32 to vector<16xi32>
      %add3A_298 = arith.addi %gather3A_295, %add3A_297 : vector<16xi32>
      %convert_element_type3A_299 = arith.sitofp %add3A_298 : vector<16xi32> to vector<16xf32>
      %mul3A_300 = vector.broadcast %scan3A_116 : f32 to vector<16xf32>
      %mul3A_301 = arith.mulf %convert_element_type3A_299, %mul3A_300 : vector<16xf32>
      %add3A_302 = vector.broadcast %scan3A_117 : f32 to vector<16xf32>
      %add3A_303 = arith.addf %mul3A_301, %add3A_302 : vector<16xf32>
      %convert_element_type3A_304 = arith.fptosi %add3A_303 : vector<16xf32> to vector<16xi32>
      %mul3A_305 = arith.constant 10000 : i32
      %mul3A_306 = vector.broadcast %mul3A_305 : i32 to vector<16xi32>
      %mul3A_307 = arith.muli %convert_element_type3A_304, %mul3A_306 : vector<16xi32>
      %eq3A_308 = arith.cmpi eq, %mul3A_307, %add3A_298 : vector<16xi32>
      %select_n3A_309 = arith.select %eq3A_308, %convert_element_type3A_304, %broadcast_in_dim3A_84 : vector<16xi1>, vector<16xi32>
      %gather3A_310 = tpu.vector_load_idx %arg10[%select_n3A_309] : memref<112xf32, #tpu.memory_space<vmem>>[vector<16xi32>], vector<16xf32>,
      %gather3A_311 = tpu.vector_load_idx %arg11[%select_n3A_309] : memref<112xf32, #tpu.memory_space<vmem>>[vector<16xi32>], vector<16xf32>,
      %add3A_312 = arith.addf %add3A_283, %gather3A_311 : vector<16xf32>
      %add3A_313 = arith.addf %add3A_284, %gather3A_310 : vector<16xf32>
      %scan3A_314 = arith.constant 197 : i32
      %scan3A_315 = arith.addi %scan3A_168, %scan3A_314 : i32
      %add3A_316 = vector.broadcast %scan3A_315 : i32 to vector<16xi32>
      %add3A_317 = arith.addi %mul3A_167, %add3A_316 : vector<16xi32>
      %shift_right_arithmetic3A_318 = arith.constant 7 : i32
      %shift_right_arithmetic3A_319 = vector.broadcast %shift_right_arithmetic3A_318 : i32 to vector<16xi32>
      %shift_right_arithmetic3A_320 = arith.shrsi %add3A_317, %shift_right_arithmetic3A_319 : vector<16xi32>
      %and3A_321 = arith.constant 127 : i32
      %and3A_322 = vector.broadcast %and3A_321 : i32 to vector<16xi32>
      %and3A_323 = arith.andi %add3A_317, %and3A_322 : vector<16xi32>
      %gather3A_324 = tpu.vector_load_idx %arg7[%shift_right_arithmetic3A_320, %and3A_323] : memref<200x128xi32, #tpu.memory_space<vmem>>[vector<16xi32>, vector<16xi32>], vector<16xi32>,
      %add3A_325 = arith.constant 1 : i32
      %add3A_326 = vector.broadcast %add3A_325 : i32 to vector<16xi32>
      %add3A_327 = arith.addi %gather3A_324, %add3A_326 : vector<16xi32>
      %convert_element_type3A_328 = arith.sitofp %add3A_327 : vector<16xi32> to vector<16xf32>
      %mul3A_329 = vector.broadcast %scan3A_116 : f32 to vector<16xf32>
      %mul3A_330 = arith.mulf %convert_element_type3A_328, %mul3A_329 : vector<16xf32>
      %add3A_331 = vector.broadcast %scan3A_117 : f32 to vector<16xf32>
      %add3A_332 = arith.addf %mul3A_330, %add3A_331 : vector<16xf32>
      %convert_element_type3A_333 = arith.fptosi %add3A_332 : vector<16xf32> to vector<16xi32>
      %mul3A_334 = arith.constant 10000 : i32
      %mul3A_335 = vector.broadcast %mul3A_334 : i32 to vector<16xi32>
      %mul3A_336 = arith.muli %convert_element_type3A_333, %mul3A_335 : vector<16xi32>
      %eq3A_337 = arith.cmpi eq, %mul3A_336, %add3A_327 : vector<16xi32>
      %select_n3A_338 = arith.select %eq3A_337, %convert_element_type3A_333, %broadcast_in_dim3A_84 : vector<16xi1>, vector<16xi32>
      %gather3A_339 = tpu.vector_load_idx %arg10[%select_n3A_338] : memref<112xf32, #tpu.memory_space<vmem>>[vector<16xi32>], vector<16xf32>,
      %gather3A_340 = tpu.vector_load_idx %arg11[%select_n3A_338] : memref<112xf32, #tpu.memory_space<vmem>>[vector<16xi32>], vector<16xf32>,
      %add3A_341 = arith.addf %add3A_312, %gather3A_340 : vector<16xf32>
      %add3A_342 = arith.addf %add3A_313, %gather3A_339 : vector<16xf32>
      %scan3A_343 = arith.constant 198 : i32
      %scan3A_344 = arith.addi %scan3A_168, %scan3A_343 : i32
      %add3A_345 = vector.broadcast %scan3A_344 : i32 to vector<16xi32>
      %add3A_346 = arith.addi %mul3A_167, %add3A_345 : vector<16xi32>
      %shift_right_arithmetic3A_347 = arith.constant 7 : i32
      %shift_right_arithmetic3A_348 = vector.broadcast %shift_right_arithmetic3A_347 : i32 to vector<16xi32>
      %shift_right_arithmetic3A_349 = arith.shrsi %add3A_346, %shift_right_arithmetic3A_348 : vector<16xi32>
      %and3A_350 = arith.constant 127 : i32
      %and3A_351 = vector.broadcast %and3A_350 : i32 to vector<16xi32>
      %and3A_352 = arith.andi %add3A_346, %and3A_351 : vector<16xi32>
      %gather3A_353 = tpu.vector_load_idx %arg7[%shift_right_arithmetic3A_349, %and3A_352] : memref<200x128xi32, #tpu.memory_space<vmem>>[vector<16xi32>, vector<16xi32>], vector<16xi32>,
      %add3A_354 = arith.constant 1 : i32
      %add3A_355 = vector.broadcast %add3A_354 : i32 to vector<16xi32>
      %add3A_356 = arith.addi %gather3A_353, %add3A_355 : vector<16xi32>
      %convert_element_type3A_357 = arith.sitofp %add3A_356 : vector<16xi32> to vector<16xf32>
      %mul3A_358 = vector.broadcast %scan3A_116 : f32 to vector<16xf32>
      %mul3A_359 = arith.mulf %convert_element_type3A_357, %mul3A_358 : vector<16xf32>
      %add3A_360 = vector.broadcast %scan3A_117 : f32 to vector<16xf32>
      %add3A_361 = arith.addf %mul3A_359, %add3A_360 : vector<16xf32>
      %convert_element_type3A_362 = arith.fptosi %add3A_361 : vector<16xf32> to vector<16xi32>
      %mul3A_363 = arith.constant 10000 : i32
      %mul3A_364 = vector.broadcast %mul3A_363 : i32 to vector<16xi32>
      %mul3A_365 = arith.muli %convert_element_type3A_362, %mul3A_364 : vector<16xi32>
      %eq3A_366 = arith.cmpi eq, %mul3A_365, %add3A_356 : vector<16xi32>
      %select_n3A_367 = arith.select %eq3A_366, %convert_element_type3A_362, %broadcast_in_dim3A_84 : vector<16xi1>, vector<16xi32>
      %gather3A_368 = tpu.vector_load_idx %arg10[%select_n3A_367] : memref<112xf32, #tpu.memory_space<vmem>>[vector<16xi32>], vector<16xf32>,
      %gather3A_369 = tpu.vector_load_idx %arg11[%select_n3A_367] : memref<112xf32, #tpu.memory_space<vmem>>[vector<16xi32>], vector<16xf32>,
      %add3A_370 = arith.addf %add3A_341, %gather3A_369 : vector<16xf32>
      %add3A_371 = arith.addf %add3A_342, %gather3A_368 : vector<16xf32>
      %scan3A_372 = arith.constant 199 : i32
      %scan3A_373 = arith.addi %scan3A_168, %scan3A_372 : i32
      %add3A_374 = vector.broadcast %scan3A_373 : i32 to vector<16xi32>
      %add3A_375 = arith.addi %mul3A_167, %add3A_374 : vector<16xi32>
      %shift_right_arithmetic3A_376 = arith.constant 7 : i32
      %shift_right_arithmetic3A_377 = vector.broadcast %shift_right_arithmetic3A_376 : i32 to vector<16xi32>
      %shift_right_arithmetic3A_378 = arith.shrsi %add3A_375, %shift_right_arithmetic3A_377 : vector<16xi32>
      %and3A_379 = arith.constant 127 : i32
      %and3A_380 = vector.broadcast %and3A_379 : i32 to vector<16xi32>
      %and3A_381 = arith.andi %add3A_375, %and3A_380 : vector<16xi32>
      %gather3A_382 = tpu.vector_load_idx %arg7[%shift_right_arithmetic3A_378, %and3A_381] : memref<200x128xi32, #tpu.memory_space<vmem>>[vector<16xi32>, vector<16xi32>], vector<16xi32>,
      %add3A_383 = arith.constant 1 : i32
      %add3A_384 = vector.broadcast %add3A_383 : i32 to vector<16xi32>
      %add3A_385 = arith.addi %gather3A_382, %add3A_384 : vector<16xi32>
      %convert_element_type3A_386 = arith.sitofp %add3A_385 : vector<16xi32> to vector<16xf32>
      %mul3A_387 = vector.broadcast %scan3A_116 : f32 to vector<16xf32>
      %mul3A_388 = arith.mulf %convert_element_type3A_386, %mul3A_387 : vector<16xf32>
      %add3A_389 = vector.broadcast %scan3A_117 : f32 to vector<16xf32>
      %add3A_390 = arith.addf %mul3A_388, %add3A_389 : vector<16xf32>
      %convert_element_type3A_391 = arith.fptosi %add3A_390 : vector<16xf32> to vector<16xi32>
      %mul3A_392 = arith.constant 10000 : i32
      %mul3A_393 = vector.broadcast %mul3A_392 : i32 to vector<16xi32>
      %mul3A_394 = arith.muli %convert_element_type3A_391, %mul3A_393 : vector<16xi32>
      %eq3A_395 = arith.cmpi eq, %mul3A_394, %add3A_385 : vector<16xi32>
      %select_n3A_396 = arith.select %eq3A_395, %convert_element_type3A_391, %broadcast_in_dim3A_84 : vector<16xi1>, vector<16xi32>
      %gather3A_397 = tpu.vector_load_idx %arg10[%select_n3A_396] : memref<112xf32, #tpu.memory_space<vmem>>[vector<16xi32>], vector<16xf32>,
      %gather3A_398 = tpu.vector_load_idx %arg11[%select_n3A_396] : memref<112xf32, #tpu.memory_space<vmem>>[vector<16xi32>], vector<16xf32>,
      %add3A_399 = arith.addf %add3A_370, %gather3A_398 : vector<16xf32>
      %add3A_400 = arith.addf %add3A_371, %gather3A_397 : vector<16xf32>
      %scan3A_401 = arith.constant 200 : i32
      %gt3A = arith.constant 0.000000e+00 : f32
      %gt3A_402 = vector.broadcast %gt3A : f32 to vector<16xf32>
      %gt3A_403 = arith.cmpf ogt, %add3A_400, %gt3A_402 : vector<16xf32>
      %div3A = arith.divf %add3A_399, %add3A_400 : vector<16xf32>
      %select_n3A_404 = arith.select %gt3A_403, %div3A, %get3A_80 : vector<16xi1>, vector<16xf32>
      %mul3A_405 = arith.constant 16 : i32
      %mul3A_406 = arith.muli %scan3A_159, %mul3A_405 : i32
      %add3A_407 = arith.constant 128 : i32
      %add3A_408 = arith.addi %add3A_407, %mul3A_406 : i32
      %swap3A_409 = arith.index_cast %add3A_408 : i32 to index
      %swap3A_410 = tpu.vector_load %arg12[%swap3A_409] {strides = array<i32>} : memref<512xf32, #tpu.memory_space<vmem>>, vector<16xf32>,
      tpu.vector_store %arg12[%swap3A_409], %select_n3A_404 {strides = array<i32>} : memref<512xf32, #tpu.memory_space<vmem>>, vector<16xf32>,
      %scan3A_411 = arith.constant 0 : i32
      scf.yield %scan3A_411 : i32
    }
    %scan3A_124 = arith.constant 8 : i32
    %mul3A_125 = arith.constant 800 : i32
    %mul3A_126 = arith.muli %add3A, %mul3A_125 : i32
    %add3A_127 = arith.constant 600 : i32
    %add3A_128 = arith.addi %mul3A_126, %add3A_127 : i32
    %dma_start3A_129 = arith.constant 0 : i32
    %dma_start3A_130 = tpu.memref_slice %arg2[%add3A_128, %dma_start3A_129] : memref<25600x128xi32, #tpu.memory_space<hbm>> -> memref<200x128xi32, #tpu.memory_space<hbm>>
    %dma_start3A_131 = arith.constant 0 : i32
    %dma_start3A_132 = tpu.memref_slice %arg2[%add3A_128, %dma_start3A_131] : memref<25600x128xi32, #tpu.memory_space<hbm>> -> memref<200x128xi32, #tpu.memory_space<hbm>>
    tpu.enqueue_dma source(%dma_start3A_132 : memref<200x128xi32, #tpu.memory_space<hbm>>) target(%arg7 : memref<200x128xi32, #tpu.memory_space<vmem>>) target_semaphore(%arg14 : memref<!tpu.dma_semaphore, #tpu.memory_space<semaphore_mem>>)
    %dma_wait3A_133 = arith.constant 0 : i32
    %dma_wait3A_134 = tpu.memref_slice %arg2[%add3A_107, %dma_wait3A_133] : memref<25600x128xi32, #tpu.memory_space<hbm>> -> memref<200x128xi32, #tpu.memory_space<hbm>>
    %dma_wait3A_135 = arith.constant 0 : i32
    %dma_wait3A_136 = tpu.memref_slice %arg2[%add3A_107, %dma_wait3A_135] : memref<25600x128xi32, #tpu.memory_space<hbm>> -> memref<200x128xi32, #tpu.memory_space<hbm>>
    tpu.wait_dma2 semaphore(%arg13 : memref<!tpu.dma_semaphore, #tpu.memory_space<semaphore_mem>>) src(%dma_wait3A_136 : memref<200x128xi32, #tpu.memory_space<hbm>>) dst(%arg6 : memref<200x128xi32, #tpu.memory_space<vmem>>)
    %scan3A_137 = arith.constant 9.99999974E-5 : f32
    %scan3A_138 = arith.constant 5.000000e-01 : f32
    %scan3A_139 = arith.constant 0 : i32
    %scan3A_140 = arith.constant 0 : i32
    %scan3A_141 = arith.constant 8 : i32
    %scan3A_142 = arith.addi %scan3A_140, %scan3A_141 : i32
    %scan3A_143 = arith.constant 1 : i32
    %scan3A_144 = scf.for %scan3A_159 = %scan3A_140 to %scan3A_142 step %scan3A_143 iter_args(%scan3A_160 = %scan3A_139) -> (i32)  : i32 {
      %mul3A_161 = arith.constant 16 : i32
      %mul3A_162 = arith.muli %scan3A_159, %mul3A_161 : i32
      %add3A_163 = vector.broadcast %mul3A_162 : i32 to vector<16xi32>
      %add3A_164 = arith.addi %add3A_163, %iota3A : vector<16xi32>
      %mul3A_165 = arith.constant 200 : i32
      %mul3A_166 = vector.broadcast %mul3A_165 : i32 to vector<16xi32>
      %mul3A_167 = arith.muli %add3A_164, %mul3A_166 : vector<16xi32>
      %scan3A_168 = arith.constant 0 : i32
      %scan3A_169 = arith.constant 192 : i32
      %scan3A_170 = arith.addi %scan3A_168, %scan3A_169 : i32
      %scan3A_171 = arith.constant 16 : i32
      %scan3A_172:2 = scf.for %scan3A_412 = %scan3A_168 to %scan3A_170 step %scan3A_171 iter_args(%scan3A_413 = %broadcast_in_dim3A_82, %scan3A_414 = %broadcast_in_dim3A_82) -> (vector<16xf32>, vector<16xf32>)  : i32 {
        %add3A_415 = vector.broadcast %scan3A_412 : i32 to vector<16xi32>
        %add3A_416 = arith.addi %mul3A_167, %add3A_415 : vector<16xi32>
        %shift_right_arithmetic3A_417 = arith.constant 7 : i32
        %shift_right_arithmetic3A_418 = vector.broadcast %shift_right_arithmetic3A_417 : i32 to vector<16xi32>
        %shift_right_arithmetic3A_419 = arith.shrsi %add3A_416, %shift_right_arithmetic3A_418 : vector<16xi32>
        %and3A_420 = arith.constant 127 : i32
        %and3A_421 = vector.broadcast %and3A_420 : i32 to vector<16xi32>
        %and3A_422 = arith.andi %add3A_416, %and3A_421 : vector<16xi32>
        %gather3A_423 = tpu.vector_load_idx %arg6[%shift_right_arithmetic3A_419, %and3A_422] : memref<200x128xi32, #tpu.memory_space<vmem>>[vector<16xi32>, vector<16xi32>], vector<16xi32>,
        %add3A_424 = arith.constant 1 : i32
        %add3A_425 = vector.broadcast %add3A_424 : i32 to vector<16xi32>
        %add3A_426 = arith.addi %gather3A_423, %add3A_425 : vector<16xi32>
        %convert_element_type3A_427 = arith.sitofp %add3A_426 : vector<16xi32> to vector<16xf32>
        %mul3A_428 = vector.broadcast %scan3A_137 : f32 to vector<16xf32>
        %mul3A_429 = arith.mulf %convert_element_type3A_427, %mul3A_428 : vector<16xf32>
        %add3A_430 = vector.broadcast %scan3A_138 : f32 to vector<16xf32>
        %add3A_431 = arith.addf %mul3A_429, %add3A_430 : vector<16xf32>
        %convert_element_type3A_432 = arith.fptosi %add3A_431 : vector<16xf32> to vector<16xi32>
        %mul3A_433 = arith.constant 10000 : i32
        %mul3A_434 = vector.broadcast %mul3A_433 : i32 to vector<16xi32>
        %mul3A_435 = arith.muli %convert_element_type3A_432, %mul3A_434 : vector<16xi32>
        %eq3A_436 = arith.cmpi eq, %mul3A_435, %add3A_426 : vector<16xi32>
        %select_n3A_437 = arith.select %eq3A_436, %convert_element_type3A_432, %broadcast_in_dim3A_84 : vector<16xi1>, vector<16xi32>
        %gather3A_438 = tpu.vector_load_idx %arg10[%select_n3A_437] : memref<112xf32, #tpu.memory_space<vmem>>[vector<16xi32>], vector<16xf32>,
        %gather3A_439 = tpu.vector_load_idx %arg11[%select_n3A_437] : memref<112xf32, #tpu.memory_space<vmem>>[vector<16xi32>], vector<16xf32>,
        %add3A_440 = arith.addf %scan3A_413, %gather3A_439 : vector<16xf32>
        %add3A_441 = arith.addf %scan3A_414, %gather3A_438 : vector<16xf32>
        %scan3A_442 = arith.constant 1 : i32
        %scan3A_443 = arith.addi %scan3A_412, %scan3A_442 : i32
        %add3A_444 = vector.broadcast %scan3A_443 : i32 to vector<16xi32>
        %add3A_445 = arith.addi %mul3A_167, %add3A_444 : vector<16xi32>
        %shift_right_arithmetic3A_446 = arith.constant 7 : i32
        %shift_right_arithmetic3A_447 = vector.broadcast %shift_right_arithmetic3A_446 : i32 to vector<16xi32>
        %shift_right_arithmetic3A_448 = arith.shrsi %add3A_445, %shift_right_arithmetic3A_447 : vector<16xi32>
        %and3A_449 = arith.constant 127 : i32
        %and3A_450 = vector.broadcast %and3A_449 : i32 to vector<16xi32>
        %and3A_451 = arith.andi %add3A_445, %and3A_450 : vector<16xi32>
        %gather3A_452 = tpu.vector_load_idx %arg6[%shift_right_arithmetic3A_448, %and3A_451] : memref<200x128xi32, #tpu.memory_space<vmem>>[vector<16xi32>, vector<16xi32>], vector<16xi32>,
        %add3A_453 = arith.constant 1 : i32
        %add3A_454 = vector.broadcast %add3A_453 : i32 to vector<16xi32>
        %add3A_455 = arith.addi %gather3A_452, %add3A_454 : vector<16xi32>
        %convert_element_type3A_456 = arith.sitofp %add3A_455 : vector<16xi32> to vector<16xf32>
        %mul3A_457 = vector.broadcast %scan3A_137 : f32 to vector<16xf32>
        %mul3A_458 = arith.mulf %convert_element_type3A_456, %mul3A_457 : vector<16xf32>
        %add3A_459 = vector.broadcast %scan3A_138 : f32 to vector<16xf32>
        %add3A_460 = arith.addf %mul3A_458, %add3A_459 : vector<16xf32>
        %convert_element_type3A_461 = arith.fptosi %add3A_460 : vector<16xf32> to vector<16xi32>
        %mul3A_462 = arith.constant 10000 : i32
        %mul3A_463 = vector.broadcast %mul3A_462 : i32 to vector<16xi32>
        %mul3A_464 = arith.muli %convert_element_type3A_461, %mul3A_463 : vector<16xi32>
        %eq3A_465 = arith.cmpi eq, %mul3A_464, %add3A_455 : vector<16xi32>
        %select_n3A_466 = arith.select %eq3A_465, %convert_element_type3A_461, %broadcast_in_dim3A_84 : vector<16xi1>, vector<16xi32>
        %gather3A_467 = tpu.vector_load_idx %arg10[%select_n3A_466] : memref<112xf32, #tpu.memory_space<vmem>>[vector<16xi32>], vector<16xf32>,
        %gather3A_468 = tpu.vector_load_idx %arg11[%select_n3A_466] : memref<112xf32, #tpu.memory_space<vmem>>[vector<16xi32>], vector<16xf32>,
        %add3A_469 = arith.addf %add3A_440, %gather3A_468 : vector<16xf32>
        %add3A_470 = arith.addf %add3A_441, %gather3A_467 : vector<16xf32>
        %scan3A_471 = arith.constant 2 : i32
        %scan3A_472 = arith.addi %scan3A_412, %scan3A_471 : i32
        %add3A_473 = vector.broadcast %scan3A_472 : i32 to vector<16xi32>
        %add3A_474 = arith.addi %mul3A_167, %add3A_473 : vector<16xi32>
        %shift_right_arithmetic3A_475 = arith.constant 7 : i32
        %shift_right_arithmetic3A_476 = vector.broadcast %shift_right_arithmetic3A_475 : i32 to vector<16xi32>
        %shift_right_arithmetic3A_477 = arith.shrsi %add3A_474, %shift_right_arithmetic3A_476 : vector<16xi32>
        %and3A_478 = arith.constant 127 : i32
        %and3A_479 = vector.broadcast %and3A_478 : i32 to vector<16xi32>
        %and3A_480 = arith.andi %add3A_474, %and3A_479 : vector<16xi32>
        %gather3A_481 = tpu.vector_load_idx %arg6[%shift_right_arithmetic3A_477, %and3A_480] : memref<200x128xi32, #tpu.memory_space<vmem>>[vector<16xi32>, vector<16xi32>], vector<16xi32>,
        %add3A_482 = arith.constant 1 : i32
        %add3A_483 = vector.broadcast %add3A_482 : i32 to vector<16xi32>
        %add3A_484 = arith.addi %gather3A_481, %add3A_483 : vector<16xi32>
        %convert_element_type3A_485 = arith.sitofp %add3A_484 : vector<16xi32> to vector<16xf32>
        %mul3A_486 = vector.broadcast %scan3A_137 : f32 to vector<16xf32>
        %mul3A_487 = arith.mulf %convert_element_type3A_485, %mul3A_486 : vector<16xf32>
        %add3A_488 = vector.broadcast %scan3A_138 : f32 to vector<16xf32>
        %add3A_489 = arith.addf %mul3A_487, %add3A_488 : vector<16xf32>
        %convert_element_type3A_490 = arith.fptosi %add3A_489 : vector<16xf32> to vector<16xi32>
        %mul3A_491 = arith.constant 10000 : i32
        %mul3A_492 = vector.broadcast %mul3A_491 : i32 to vector<16xi32>
        %mul3A_493 = arith.muli %convert_element_type3A_490, %mul3A_492 : vector<16xi32>
        %eq3A_494 = arith.cmpi eq, %mul3A_493, %add3A_484 : vector<16xi32>
        %select_n3A_495 = arith.select %eq3A_494, %convert_element_type3A_490, %broadcast_in_dim3A_84 : vector<16xi1>, vector<16xi32>
        %gather3A_496 = tpu.vector_load_idx %arg10[%select_n3A_495] : memref<112xf32, #tpu.memory_space<vmem>>[vector<16xi32>], vector<16xf32>,
        %gather3A_497 = tpu.vector_load_idx %arg11[%select_n3A_495] : memref<112xf32, #tpu.memory_space<vmem>>[vector<16xi32>], vector<16xf32>,
        %add3A_498 = arith.addf %add3A_469, %gather3A_497 : vector<16xf32>
        %add3A_499 = arith.addf %add3A_470, %gather3A_496 : vector<16xf32>
        %scan3A_500 = arith.constant 3 : i32
        %scan3A_501 = arith.addi %scan3A_412, %scan3A_500 : i32
        %add3A_502 = vector.broadcast %scan3A_501 : i32 to vector<16xi32>
        %add3A_503 = arith.addi %mul3A_167, %add3A_502 : vector<16xi32>
        %shift_right_arithmetic3A_504 = arith.constant 7 : i32
        %shift_right_arithmetic3A_505 = vector.broadcast %shift_right_arithmetic3A_504 : i32 to vector<16xi32>
        %shift_right_arithmetic3A_506 = arith.shrsi %add3A_503, %shift_right_arithmetic3A_505 : vector<16xi32>
        %and3A_507 = arith.constant 127 : i32
        %and3A_508 = vector.broadcast %and3A_507 : i32 to vector<16xi32>
        %and3A_509 = arith.andi %add3A_503, %and3A_508 : vector<16xi32>
        %gather3A_510 = tpu.vector_load_idx %arg6[%shift_right_arithmetic3A_506, %and3A_509] : memref<200x128xi32, #tpu.memory_space<vmem>>[vector<16xi32>, vector<16xi32>], vector<16xi32>,
        %add3A_511 = arith.constant 1 : i32
        %add3A_512 = vector.broadcast %add3A_511 : i32 to vector<16xi32>
        %add3A_513 = arith.addi %gather3A_510, %add3A_512 : vector<16xi32>
        %convert_element_type3A_514 = arith.sitofp %add3A_513 : vector<16xi32> to vector<16xf32>
        %mul3A_515 = vector.broadcast %scan3A_137 : f32 to vector<16xf32>
        %mul3A_516 = arith.mulf %convert_element_type3A_514, %mul3A_515 : vector<16xf32>
        %add3A_517 = vector.broadcast %scan3A_138 : f32 to vector<16xf32>
        %add3A_518 = arith.addf %mul3A_516, %add3A_517 : vector<16xf32>
        %convert_element_type3A_519 = arith.fptosi %add3A_518 : vector<16xf32> to vector<16xi32>
        %mul3A_520 = arith.constant 10000 : i32
        %mul3A_521 = vector.broadcast %mul3A_520 : i32 to vector<16xi32>
        %mul3A_522 = arith.muli %convert_element_type3A_519, %mul3A_521 : vector<16xi32>
        %eq3A_523 = arith.cmpi eq, %mul3A_522, %add3A_513 : vector<16xi32>
        %select_n3A_524 = arith.select %eq3A_523, %convert_element_type3A_519, %broadcast_in_dim3A_84 : vector<16xi1>, vector<16xi32>
        %gather3A_525 = tpu.vector_load_idx %arg10[%select_n3A_524] : memref<112xf32, #tpu.memory_space<vmem>>[vector<16xi32>], vector<16xf32>,
        %gather3A_526 = tpu.vector_load_idx %arg11[%select_n3A_524] : memref<112xf32, #tpu.memory_space<vmem>>[vector<16xi32>], vector<16xf32>,
        %add3A_527 = arith.addf %add3A_498, %gather3A_526 : vector<16xf32>
        %add3A_528 = arith.addf %add3A_499, %gather3A_525 : vector<16xf32>
        %scan3A_529 = arith.constant 4 : i32
        %scan3A_530 = arith.addi %scan3A_412, %scan3A_529 : i32
        %add3A_531 = vector.broadcast %scan3A_530 : i32 to vector<16xi32>
        %add3A_532 = arith.addi %mul3A_167, %add3A_531 : vector<16xi32>
        %shift_right_arithmetic3A_533 = arith.constant 7 : i32
        %shift_right_arithmetic3A_534 = vector.broadcast %shift_right_arithmetic3A_533 : i32 to vector<16xi32>
        %shift_right_arithmetic3A_535 = arith.shrsi %add3A_532, %shift_right_arithmetic3A_534 : vector<16xi32>
        %and3A_536 = arith.constant 127 : i32
        %and3A_537 = vector.broadcast %and3A_536 : i32 to vector<16xi32>
        %and3A_538 = arith.andi %add3A_532, %and3A_537 : vector<16xi32>
        %gather3A_539 = tpu.vector_load_idx %arg6[%shift_right_arithmetic3A_535, %and3A_538] : memref<200x128xi32, #tpu.memory_space<vmem>>[vector<16xi32>, vector<16xi32>], vector<16xi32>,
        %add3A_540 = arith.constant 1 : i32
        %add3A_541 = vector.broadcast %add3A_540 : i32 to vector<16xi32>
        %add3A_542 = arith.addi %gather3A_539, %add3A_541 : vector<16xi32>
        %convert_element_type3A_543 = arith.sitofp %add3A_542 : vector<16xi32> to vector<16xf32>
        %mul3A_544 = vector.broadcast %scan3A_137 : f32 to vector<16xf32>
        %mul3A_545 = arith.mulf %convert_element_type3A_543, %mul3A_544 : vector<16xf32>
        %add3A_546 = vector.broadcast %scan3A_138 : f32 to vector<16xf32>
        %add3A_547 = arith.addf %mul3A_545, %add3A_546 : vector<16xf32>
        %convert_element_type3A_548 = arith.fptosi %add3A_547 : vector<16xf32> to vector<16xi32>
        %mul3A_549 = arith.constant 10000 : i32
        %mul3A_550 = vector.broadcast %mul3A_549 : i32 to vector<16xi32>
        %mul3A_551 = arith.muli %convert_element_type3A_548, %mul3A_550 : vector<16xi32>
        %eq3A_552 = arith.cmpi eq, %mul3A_551, %add3A_542 : vector<16xi32>
        %select_n3A_553 = arith.select %eq3A_552, %convert_element_type3A_548, %broadcast_in_dim3A_84 : vector<16xi1>, vector<16xi32>
        %gather3A_554 = tpu.vector_load_idx %arg10[%select_n3A_553] : memref<112xf32, #tpu.memory_space<vmem>>[vector<16xi32>], vector<16xf32>,
        %gather3A_555 = tpu.vector_load_idx %arg11[%select_n3A_553] : memref<112xf32, #tpu.memory_space<vmem>>[vector<16xi32>], vector<16xf32>,
        %add3A_556 = arith.addf %add3A_527, %gather3A_555 : vector<16xf32>
        %add3A_557 = arith.addf %add3A_528, %gather3A_554 : vector<16xf32>
        %scan3A_558 = arith.constant 5 : i32
        %scan3A_559 = arith.addi %scan3A_412, %scan3A_558 : i32
        %add3A_560 = vector.broadcast %scan3A_559 : i32 to vector<16xi32>
        %add3A_561 = arith.addi %mul3A_167, %add3A_560 : vector<16xi32>
        %shift_right_arithmetic3A_562 = arith.constant 7 : i32
        %shift_right_arithmetic3A_563 = vector.broadcast %shift_right_arithmetic3A_562 : i32 to vector<16xi32>
        %shift_right_arithmetic3A_564 = arith.shrsi %add3A_561, %shift_right_arithmetic3A_563 : vector<16xi32>
        %and3A_565 = arith.constant 127 : i32
        %and3A_566 = vector.broadcast %and3A_565 : i32 to vector<16xi32>
        %and3A_567 = arith.andi %add3A_561, %and3A_566 : vector<16xi32>
        %gather3A_568 = tpu.vector_load_idx %arg6[%shift_right_arithmetic3A_564, %and3A_567] : memref<200x128xi32, #tpu.memory_space<vmem>>[vector<16xi32>, vector<16xi32>], vector<16xi32>,
        %add3A_569 = arith.constant 1 : i32
        %add3A_570 = vector.broadcast %add3A_569 : i32 to vector<16xi32>
        %add3A_571 = arith.addi %gather3A_568, %add3A_570 : vector<16xi32>
        %convert_element_type3A_572 = arith.sitofp %add3A_571 : vector<16xi32> to vector<16xf32>
        %mul3A_573 = vector.broadcast %scan3A_137 : f32 to vector<16xf32>
        %mul3A_574 = arith.mulf %convert_element_type3A_572, %mul3A_573 : vector<16xf32>
        %add3A_575 = vector.broadcast %scan3A_138 : f32 to vector<16xf32>
        %add3A_576 = arith.addf %mul3A_574, %add3A_575 : vector<16xf32>
        %convert_element_type3A_577 = arith.fptosi %add3A_576 : vector<16xf32> to vector<16xi32>
        %mul3A_578 = arith.constant 10000 : i32
        %mul3A_579 = vector.broadcast %mul3A_578 : i32 to vector<16xi32>
        %mul3A_580 = arith.muli %convert_element_type3A_577, %mul3A_579 : vector<16xi32>
        %eq3A_581 = arith.cmpi eq, %mul3A_580, %add3A_571 : vector<16xi32>
        %select_n3A_582 = arith.select %eq3A_581, %convert_element_type3A_577, %broadcast_in_dim3A_84 : vector<16xi1>, vector<16xi32>
        %gather3A_583 = tpu.vector_load_idx %arg10[%select_n3A_582] : memref<112xf32, #tpu.memory_space<vmem>>[vector<16xi32>], vector<16xf32>,
        %gather3A_584 = tpu.vector_load_idx %arg11[%select_n3A_582] : memref<112xf32, #tpu.memory_space<vmem>>[vector<16xi32>], vector<16xf32>,
        %add3A_585 = arith.addf %add3A_556, %gather3A_584 : vector<16xf32>
        %add3A_586 = arith.addf %add3A_557, %gather3A_583 : vector<16xf32>
        %scan3A_587 = arith.constant 6 : i32
        %scan3A_588 = arith.addi %scan3A_412, %scan3A_587 : i32
        %add3A_589 = vector.broadcast %scan3A_588 : i32 to vector<16xi32>
        %add3A_590 = arith.addi %mul3A_167, %add3A_589 : vector<16xi32>
        %shift_right_arithmetic3A_591 = arith.constant 7 : i32
        %shift_right_arithmetic3A_592 = vector.broadcast %shift_right_arithmetic3A_591 : i32 to vector<16xi32>
        %shift_right_arithmetic3A_593 = arith.shrsi %add3A_590, %shift_right_arithmetic3A_592 : vector<16xi32>
        %and3A_594 = arith.constant 127 : i32
        %and3A_595 = vector.broadcast %and3A_594 : i32 to vector<16xi32>
        %and3A_596 = arith.andi %add3A_590, %and3A_595 : vector<16xi32>
        %gather3A_597 = tpu.vector_load_idx %arg6[%shift_right_arithmetic3A_593, %and3A_596] : memref<200x128xi32, #tpu.memory_space<vmem>>[vector<16xi32>, vector<16xi32>], vector<16xi32>,
        %add3A_598 = arith.constant 1 : i32
        %add3A_599 = vector.broadcast %add3A_598 : i32 to vector<16xi32>
        %add3A_600 = arith.addi %gather3A_597, %add3A_599 : vector<16xi32>
        %convert_element_type3A_601 = arith.sitofp %add3A_600 : vector<16xi32> to vector<16xf32>
        %mul3A_602 = vector.broadcast %scan3A_137 : f32 to vector<16xf32>
        %mul3A_603 = arith.mulf %convert_element_type3A_601, %mul3A_602 : vector<16xf32>
        %add3A_604 = vector.broadcast %scan3A_138 : f32 to vector<16xf32>
        %add3A_605 = arith.addf %mul3A_603, %add3A_604 : vector<16xf32>
        %convert_element_type3A_606 = arith.fptosi %add3A_605 : vector<16xf32> to vector<16xi32>
        %mul3A_607 = arith.constant 10000 : i32
        %mul3A_608 = vector.broadcast %mul3A_607 : i32 to vector<16xi32>
        %mul3A_609 = arith.muli %convert_element_type3A_606, %mul3A_608 : vector<16xi32>
        %eq3A_610 = arith.cmpi eq, %mul3A_609, %add3A_600 : vector<16xi32>
        %select_n3A_611 = arith.select %eq3A_610, %convert_element_type3A_606, %broadcast_in_dim3A_84 : vector<16xi1>, vector<16xi32>
        %gather3A_612 = tpu.vector_load_idx %arg10[%select_n3A_611] : memref<112xf32, #tpu.memory_space<vmem>>[vector<16xi32>], vector<16xf32>,
        %gather3A_613 = tpu.vector_load_idx %arg11[%select_n3A_611] : memref<112xf32, #tpu.memory_space<vmem>>[vector<16xi32>], vector<16xf32>,
        %add3A_614 = arith.addf %add3A_585, %gather3A_613 : vector<16xf32>
        %add3A_615 = arith.addf %add3A_586, %gather3A_612 : vector<16xf32>
        %scan3A_616 = arith.constant 7 : i32
        %scan3A_617 = arith.addi %scan3A_412, %scan3A_616 : i32
        %add3A_618 = vector.broadcast %scan3A_617 : i32 to vector<16xi32>
        %add3A_619 = arith.addi %mul3A_167, %add3A_618 : vector<16xi32>
        %shift_right_arithmetic3A_620 = arith.constant 7 : i32
        %shift_right_arithmetic3A_621 = vector.broadcast %shift_right_arithmetic3A_620 : i32 to vector<16xi32>
        %shift_right_arithmetic3A_622 = arith.shrsi %add3A_619, %shift_right_arithmetic3A_621 : vector<16xi32>
        %and3A_623 = arith.constant 127 : i32
        %and3A_624 = vector.broadcast %and3A_623 : i32 to vector<16xi32>
        %and3A_625 = arith.andi %add3A_619, %and3A_624 : vector<16xi32>
        %gather3A_626 = tpu.vector_load_idx %arg6[%shift_right_arithmetic3A_622, %and3A_625] : memref<200x128xi32, #tpu.memory_space<vmem>>[vector<16xi32>, vector<16xi32>], vector<16xi32>,
        %add3A_627 = arith.constant 1 : i32
        %add3A_628 = vector.broadcast %add3A_627 : i32 to vector<16xi32>
        %add3A_629 = arith.addi %gather3A_626, %add3A_628 : vector<16xi32>
        %convert_element_type3A_630 = arith.sitofp %add3A_629 : vector<16xi32> to vector<16xf32>
        %mul3A_631 = vector.broadcast %scan3A_137 : f32 to vector<16xf32>
        %mul3A_632 = arith.mulf %convert_element_type3A_630, %mul3A_631 : vector<16xf32>
        %add3A_633 = vector.broadcast %scan3A_138 : f32 to vector<16xf32>
        %add3A_634 = arith.addf %mul3A_632, %add3A_633 : vector<16xf32>
        %convert_element_type3A_635 = arith.fptosi %add3A_634 : vector<16xf32> to vector<16xi32>
        %mul3A_636 = arith.constant 10000 : i32
        %mul3A_637 = vector.broadcast %mul3A_636 : i32 to vector<16xi32>
        %mul3A_638 = arith.muli %convert_element_type3A_635, %mul3A_637 : vector<16xi32>
        %eq3A_639 = arith.cmpi eq, %mul3A_638, %add3A_629 : vector<16xi32>
        %select_n3A_640 = arith.select %eq3A_639, %convert_element_type3A_635, %broadcast_in_dim3A_84 : vector<16xi1>, vector<16xi32>
        %gather3A_641 = tpu.vector_load_idx %arg10[%select_n3A_640] : memref<112xf32, #tpu.memory_space<vmem>>[vector<16xi32>], vector<16xf32>,
        %gather3A_642 = tpu.vector_load_idx %arg11[%select_n3A_640] : memref<112xf32, #tpu.memory_space<vmem>>[vector<16xi32>], vector<16xf32>,
        %add3A_643 = arith.addf %add3A_614, %gather3A_642 : vector<16xf32>
        %add3A_644 = arith.addf %add3A_615, %gather3A_641 : vector<16xf32>
        %scan3A_645 = arith.constant 8 : i32
        %scan3A_646 = arith.addi %scan3A_412, %scan3A_645 : i32
        %add3A_647 = vector.broadcast %scan3A_646 : i32 to vector<16xi32>
        %add3A_648 = arith.addi %mul3A_167, %add3A_647 : vector<16xi32>
        %shift_right_arithmetic3A_649 = arith.constant 7 : i32
        %shift_right_arithmetic3A_650 = vector.broadcast %shift_right_arithmetic3A_649 : i32 to vector<16xi32>
        %shift_right_arithmetic3A_651 = arith.shrsi %add3A_648, %shift_right_arithmetic3A_650 : vector<16xi32>
        %and3A_652 = arith.constant 127 : i32
        %and3A_653 = vector.broadcast %and3A_652 : i32 to vector<16xi32>
        %and3A_654 = arith.andi %add3A_648, %and3A_653 : vector<16xi32>
        %gather3A_655 = tpu.vector_load_idx %arg6[%shift_right_arithmetic3A_651, %and3A_654] : memref<200x128xi32, #tpu.memory_space<vmem>>[vector<16xi32>, vector<16xi32>], vector<16xi32>,
        %add3A_656 = arith.constant 1 : i32
        %add3A_657 = vector.broadcast %add3A_656 : i32 to vector<16xi32>
        %add3A_658 = arith.addi %gather3A_655, %add3A_657 : vector<16xi32>
        %convert_element_type3A_659 = arith.sitofp %add3A_658 : vector<16xi32> to vector<16xf32>
        %mul3A_660 = vector.broadcast %scan3A_137 : f32 to vector<16xf32>
        %mul3A_661 = arith.mulf %convert_element_type3A_659, %mul3A_660 : vector<16xf32>
        %add3A_662 = vector.broadcast %scan3A_138 : f32 to vector<16xf32>
        %add3A_663 = arith.addf %mul3A_661, %add3A_662 : vector<16xf32>
        %convert_element_type3A_664 = arith.fptosi %add3A_663 : vector<16xf32> to vector<16xi32>
        %mul3A_665 = arith.constant 10000 : i32
        %mul3A_666 = vector.broadcast %mul3A_665 : i32 to vector<16xi32>
        %mul3A_667 = arith.muli %convert_element_type3A_664, %mul3A_666 : vector<16xi32>
        %eq3A_668 = arith.cmpi eq, %mul3A_667, %add3A_658 : vector<16xi32>
        %select_n3A_669 = arith.select %eq3A_668, %convert_element_type3A_664, %broadcast_in_dim3A_84 : vector<16xi1>, vector<16xi32>
        %gather3A_670 = tpu.vector_load_idx %arg10[%select_n3A_669] : memref<112xf32, #tpu.memory_space<vmem>>[vector<16xi32>], vector<16xf32>,
        %gather3A_671 = tpu.vector_load_idx %arg11[%select_n3A_669] : memref<112xf32, #tpu.memory_space<vmem>>[vector<16xi32>], vector<16xf32>,
        %add3A_672 = arith.addf %add3A_643, %gather3A_671 : vector<16xf32>
        %add3A_673 = arith.addf %add3A_644, %gather3A_670 : vector<16xf32>
        %scan3A_674 = arith.constant 9 : i32
        %scan3A_675 = arith.addi %scan3A_412, %scan3A_674 : i32
        %add3A_676 = vector.broadcast %scan3A_675 : i32 to vector<16xi32>
        %add3A_677 = arith.addi %mul3A_167, %add3A_676 : vector<16xi32>
        %shift_right_arithmetic3A_678 = arith.constant 7 : i32
        %shift_right_arithmetic3A_679 = vector.broadcast %shift_right_arithmetic3A_678 : i32 to vector<16xi32>
        %shift_right_arithmetic3A_680 = arith.shrsi %add3A_677, %shift_right_arithmetic3A_679 : vector<16xi32>
        %and3A_681 = arith.constant 127 : i32
        %and3A_682 = vector.broadcast %and3A_681 : i32 to vector<16xi32>
        %and3A_683 = arith.andi %add3A_677, %and3A_682 : vector<16xi32>
        %gather3A_684 = tpu.vector_load_idx %arg6[%shift_right_arithmetic3A_680, %and3A_683] : memref<200x128xi32, #tpu.memory_space<vmem>>[vector<16xi32>, vector<16xi32>], vector<16xi32>,
        %add3A_685 = arith.constant 1 : i32
        %add3A_686 = vector.broadcast %add3A_685 : i32 to vector<16xi32>
        %add3A_687 = arith.addi %gather3A_684, %add3A_686 : vector<16xi32>
        %convert_element_type3A_688 = arith.sitofp %add3A_687 : vector<16xi32> to vector<16xf32>
        %mul3A_689 = vector.broadcast %scan3A_137 : f32 to vector<16xf32>
        %mul3A_690 = arith.mulf %convert_element_type3A_688, %mul3A_689 : vector<16xf32>
        %add3A_691 = vector.broadcast %scan3A_138 : f32 to vector<16xf32>
        %add3A_692 = arith.addf %mul3A_690, %add3A_691 : vector<16xf32>
        %convert_element_type3A_693 = arith.fptosi %add3A_692 : vector<16xf32> to vector<16xi32>
        %mul3A_694 = arith.constant 10000 : i32
        %mul3A_695 = vector.broadcast %mul3A_694 : i32 to vector<16xi32>
        %mul3A_696 = arith.muli %convert_element_type3A_693, %mul3A_695 : vector<16xi32>
        %eq3A_697 = arith.cmpi eq, %mul3A_696, %add3A_687 : vector<16xi32>
        %select_n3A_698 = arith.select %eq3A_697, %convert_element_type3A_693, %broadcast_in_dim3A_84 : vector<16xi1>, vector<16xi32>
        %gather3A_699 = tpu.vector_load_idx %arg10[%select_n3A_698] : memref<112xf32, #tpu.memory_space<vmem>>[vector<16xi32>], vector<16xf32>,
        %gather3A_700 = tpu.vector_load_idx %arg11[%select_n3A_698] : memref<112xf32, #tpu.memory_space<vmem>>[vector<16xi32>], vector<16xf32>,
        %add3A_701 = arith.addf %add3A_672, %gather3A_700 : vector<16xf32>
        %add3A_702 = arith.addf %add3A_673, %gather3A_699 : vector<16xf32>
        %scan3A_703 = arith.constant 10 : i32
        %scan3A_704 = arith.addi %scan3A_412, %scan3A_703 : i32
        %add3A_705 = vector.broadcast %scan3A_704 : i32 to vector<16xi32>
        %add3A_706 = arith.addi %mul3A_167, %add3A_705 : vector<16xi32>
        %shift_right_arithmetic3A_707 = arith.constant 7 : i32
        %shift_right_arithmetic3A_708 = vector.broadcast %shift_right_arithmetic3A_707 : i32 to vector<16xi32>
        %shift_right_arithmetic3A_709 = arith.shrsi %add3A_706, %shift_right_arithmetic3A_708 : vector<16xi32>
        %and3A_710 = arith.constant 127 : i32
        %and3A_711 = vector.broadcast %and3A_710 : i32 to vector<16xi32>
        %and3A_712 = arith.andi %add3A_706, %and3A_711 : vector<16xi32>
        %gather3A_713 = tpu.vector_load_idx %arg6[%shift_right_arithmetic3A_709, %and3A_712] : memref<200x128xi32, #tpu.memory_space<vmem>>[vector<16xi32>, vector<16xi32>], vector<16xi32>,
        %add3A_714 = arith.constant 1 : i32
        %add3A_715 = vector.broadcast %add3A_714 : i32 to vector<16xi32>
        %add3A_716 = arith.addi %gather3A_713, %add3A_715 : vector<16xi32>
        %convert_element_type3A_717 = arith.sitofp %add3A_716 : vector<16xi32> to vector<16xf32>
        %mul3A_718 = vector.broadcast %scan3A_137 : f32 to vector<16xf32>
        %mul3A_719 = arith.mulf %convert_element_type3A_717, %mul3A_718 : vector<16xf32>
        %add3A_720 = vector.broadcast %scan3A_138 : f32 to vector<16xf32>
        %add3A_721 = arith.addf %mul3A_719, %add3A_720 : vector<16xf32>
        %convert_element_type3A_722 = arith.fptosi %add3A_721 : vector<16xf32> to vector<16xi32>
        %mul3A_723 = arith.constant 10000 : i32
        %mul3A_724 = vector.broadcast %mul3A_723 : i32 to vector<16xi32>
        %mul3A_725 = arith.muli %convert_element_type3A_722, %mul3A_724 : vector<16xi32>
        %eq3A_726 = arith.cmpi eq, %mul3A_725, %add3A_716 : vector<16xi32>
        %select_n3A_727 = arith.select %eq3A_726, %convert_element_type3A_722, %broadcast_in_dim3A_84 : vector<16xi1>, vector<16xi32>
        %gather3A_728 = tpu.vector_load_idx %arg10[%select_n3A_727] : memref<112xf32, #tpu.memory_space<vmem>>[vector<16xi32>], vector<16xf32>,
        %gather3A_729 = tpu.vector_load_idx %arg11[%select_n3A_727] : memref<112xf32, #tpu.memory_space<vmem>>[vector<16xi32>], vector<16xf32>,
        %add3A_730 = arith.addf %add3A_701, %gather3A_729 : vector<16xf32>
        %add3A_731 = arith.addf %add3A_702, %gather3A_728 : vector<16xf32>
        %scan3A_732 = arith.constant 11 : i32
        %scan3A_733 = arith.addi %scan3A_412, %scan3A_732 : i32
        %add3A_734 = vector.broadcast %scan3A_733 : i32 to vector<16xi32>
        %add3A_735 = arith.addi %mul3A_167, %add3A_734 : vector<16xi32>
        %shift_right_arithmetic3A_736 = arith.constant 7 : i32
        %shift_right_arithmetic3A_737 = vector.broadcast %shift_right_arithmetic3A_736 : i32 to vector<16xi32>
        %shift_right_arithmetic3A_738 = arith.shrsi %add3A_735, %shift_right_arithmetic3A_737 : vector<16xi32>
        %and3A_739 = arith.constant 127 : i32
        %and3A_740 = vector.broadcast %and3A_739 : i32 to vector<16xi32>
        %and3A_741 = arith.andi %add3A_735, %and3A_740 : vector<16xi32>
        %gather3A_742 = tpu.vector_load_idx %arg6[%shift_right_arithmetic3A_738, %and3A_741] : memref<200x128xi32, #tpu.memory_space<vmem>>[vector<16xi32>, vector<16xi32>], vector<16xi32>,
        %add3A_743 = arith.constant 1 : i32
        %add3A_744 = vector.broadcast %add3A_743 : i32 to vector<16xi32>
        %add3A_745 = arith.addi %gather3A_742, %add3A_744 : vector<16xi32>
        %convert_element_type3A_746 = arith.sitofp %add3A_745 : vector<16xi32> to vector<16xf32>
        %mul3A_747 = vector.broadcast %scan3A_137 : f32 to vector<16xf32>
        %mul3A_748 = arith.mulf %convert_element_type3A_746, %mul3A_747 : vector<16xf32>
        %add3A_749 = vector.broadcast %scan3A_138 : f32 to vector<16xf32>
        %add3A_750 = arith.addf %mul3A_748, %add3A_749 : vector<16xf32>
        %convert_element_type3A_751 = arith.fptosi %add3A_750 : vector<16xf32> to vector<16xi32>
        %mul3A_752 = arith.constant 10000 : i32
        %mul3A_753 = vector.broadcast %mul3A_752 : i32 to vector<16xi32>
        %mul3A_754 = arith.muli %convert_element_type3A_751, %mul3A_753 : vector<16xi32>
        %eq3A_755 = arith.cmpi eq, %mul3A_754, %add3A_745 : vector<16xi32>
        %select_n3A_756 = arith.select %eq3A_755, %convert_element_type3A_751, %broadcast_in_dim3A_84 : vector<16xi1>, vector<16xi32>
        %gather3A_757 = tpu.vector_load_idx %arg10[%select_n3A_756] : memref<112xf32, #tpu.memory_space<vmem>>[vector<16xi32>], vector<16xf32>,
        %gather3A_758 = tpu.vector_load_idx %arg11[%select_n3A_756] : memref<112xf32, #tpu.memory_space<vmem>>[vector<16xi32>], vector<16xf32>,
        %add3A_759 = arith.addf %add3A_730, %gather3A_758 : vector<16xf32>
        %add3A_760 = arith.addf %add3A_731, %gather3A_757 : vector<16xf32>
        %scan3A_761 = arith.constant 12 : i32
        %scan3A_762 = arith.addi %scan3A_412, %scan3A_761 : i32
        %add3A_763 = vector.broadcast %scan3A_762 : i32 to vector<16xi32>
        %add3A_764 = arith.addi %mul3A_167, %add3A_763 : vector<16xi32>
        %shift_right_arithmetic3A_765 = arith.constant 7 : i32
        %shift_right_arithmetic3A_766 = vector.broadcast %shift_right_arithmetic3A_765 : i32 to vector<16xi32>
        %shift_right_arithmetic3A_767 = arith.shrsi %add3A_764, %shift_right_arithmetic3A_766 : vector<16xi32>
        %and3A_768 = arith.constant 127 : i32
        %and3A_769 = vector.broadcast %and3A_768 : i32 to vector<16xi32>
        %and3A_770 = arith.andi %add3A_764, %and3A_769 : vector<16xi32>
        %gather3A_771 = tpu.vector_load_idx %arg6[%shift_right_arithmetic3A_767, %and3A_770] : memref<200x128xi32, #tpu.memory_space<vmem>>[vector<16xi32>, vector<16xi32>], vector<16xi32>,
        %add3A_772 = arith.constant 1 : i32
        %add3A_773 = vector.broadcast %add3A_772 : i32 to vector<16xi32>
        %add3A_774 = arith.addi %gather3A_771, %add3A_773 : vector<16xi32>
        %convert_element_type3A_775 = arith.sitofp %add3A_774 : vector<16xi32> to vector<16xf32>
        %mul3A_776 = vector.broadcast %scan3A_137 : f32 to vector<16xf32>
        %mul3A_777 = arith.mulf %convert_element_type3A_775, %mul3A_776 : vector<16xf32>
        %add3A_778 = vector.broadcast %scan3A_138 : f32 to vector<16xf32>
        %add3A_779 = arith.addf %mul3A_777, %add3A_778 : vector<16xf32>
        %convert_element_type3A_780 = arith.fptosi %add3A_779 : vector<16xf32> to vector<16xi32>
        %mul3A_781 = arith.constant 10000 : i32
        %mul3A_782 = vector.broadcast %mul3A_781 : i32 to vector<16xi32>
        %mul3A_783 = arith.muli %convert_element_type3A_780, %mul3A_782 : vector<16xi32>
        %eq3A_784 = arith.cmpi eq, %mul3A_783, %add3A_774 : vector<16xi32>
        %select_n3A_785 = arith.select %eq3A_784, %convert_element_type3A_780, %broadcast_in_dim3A_84 : vector<16xi1>, vector<16xi32>
        %gather3A_786 = tpu.vector_load_idx %arg10[%select_n3A_785] : memref<112xf32, #tpu.memory_space<vmem>>[vector<16xi32>], vector<16xf32>,
        %gather3A_787 = tpu.vector_load_idx %arg11[%select_n3A_785] : memref<112xf32, #tpu.memory_space<vmem>>[vector<16xi32>], vector<16xf32>,
        %add3A_788 = arith.addf %add3A_759, %gather3A_787 : vector<16xf32>
        %add3A_789 = arith.addf %add3A_760, %gather3A_786 : vector<16xf32>
        %scan3A_790 = arith.constant 13 : i32
        %scan3A_791 = arith.addi %scan3A_412, %scan3A_790 : i32
        %add3A_792 = vector.broadcast %scan3A_791 : i32 to vector<16xi32>
        %add3A_793 = arith.addi %mul3A_167, %add3A_792 : vector<16xi32>
        %shift_right_arithmetic3A_794 = arith.constant 7 : i32
        %shift_right_arithmetic3A_795 = vector.broadcast %shift_right_arithmetic3A_794 : i32 to vector<16xi32>
        %shift_right_arithmetic3A_796 = arith.shrsi %add3A_793, %shift_right_arithmetic3A_795 : vector<16xi32>
        %and3A_797 = arith.constant 127 : i32
        %and3A_798 = vector.broadcast %and3A_797 : i32 to vector<16xi32>
        %and3A_799 = arith.andi %add3A_793, %and3A_798 : vector<16xi32>
        %gather3A_800 = tpu.vector_load_idx %arg6[%shift_right_arithmetic3A_796, %and3A_799] : memref<200x128xi32, #tpu.memory_space<vmem>>[vector<16xi32>, vector<16xi32>], vector<16xi32>,
        %add3A_801 = arith.constant 1 : i32
        %add3A_802 = vector.broadcast %add3A_801 : i32 to vector<16xi32>
        %add3A_803 = arith.addi %gather3A_800, %add3A_802 : vector<16xi32>
        %convert_element_type3A_804 = arith.sitofp %add3A_803 : vector<16xi32> to vector<16xf32>
        %mul3A_805 = vector.broadcast %scan3A_137 : f32 to vector<16xf32>
        %mul3A_806 = arith.mulf %convert_element_type3A_804, %mul3A_805 : vector<16xf32>
        %add3A_807 = vector.broadcast %scan3A_138 : f32 to vector<16xf32>
        %add3A_808 = arith.addf %mul3A_806, %add3A_807 : vector<16xf32>
        %convert_element_type3A_809 = arith.fptosi %add3A_808 : vector<16xf32> to vector<16xi32>
        %mul3A_810 = arith.constant 10000 : i32
        %mul3A_811 = vector.broadcast %mul3A_810 : i32 to vector<16xi32>
        %mul3A_812 = arith.muli %convert_element_type3A_809, %mul3A_811 : vector<16xi32>
        %eq3A_813 = arith.cmpi eq, %mul3A_812, %add3A_803 : vector<16xi32>
        %select_n3A_814 = arith.select %eq3A_813, %convert_element_type3A_809, %broadcast_in_dim3A_84 : vector<16xi1>, vector<16xi32>
        %gather3A_815 = tpu.vector_load_idx %arg10[%select_n3A_814] : memref<112xf32, #tpu.memory_space<vmem>>[vector<16xi32>], vector<16xf32>,
        %gather3A_816 = tpu.vector_load_idx %arg11[%select_n3A_814] : memref<112xf32, #tpu.memory_space<vmem>>[vector<16xi32>], vector<16xf32>,
        %add3A_817 = arith.addf %add3A_788, %gather3A_816 : vector<16xf32>
        %add3A_818 = arith.addf %add3A_789, %gather3A_815 : vector<16xf32>
        %scan3A_819 = arith.constant 14 : i32
        %scan3A_820 = arith.addi %scan3A_412, %scan3A_819 : i32
        %add3A_821 = vector.broadcast %scan3A_820 : i32 to vector<16xi32>
        %add3A_822 = arith.addi %mul3A_167, %add3A_821 : vector<16xi32>
        %shift_right_arithmetic3A_823 = arith.constant 7 : i32
        %shift_right_arithmetic3A_824 = vector.broadcast %shift_right_arithmetic3A_823 : i32 to vector<16xi32>
        %shift_right_arithmetic3A_825 = arith.shrsi %add3A_822, %shift_right_arithmetic3A_824 : vector<16xi32>
        %and3A_826 = arith.constant 127 : i32
        %and3A_827 = vector.broadcast %and3A_826 : i32 to vector<16xi32>
        %and3A_828 = arith.andi %add3A_822, %and3A_827 : vector<16xi32>
        %gather3A_829 = tpu.vector_load_idx %arg6[%shift_right_arithmetic3A_825, %and3A_828] : memref<200x128xi32, #tpu.memory_space<vmem>>[vector<16xi32>, vector<16xi32>], vector<16xi32>,
        %add3A_830 = arith.constant 1 : i32
        %add3A_831 = vector.broadcast %add3A_830 : i32 to vector<16xi32>
        %add3A_832 = arith.addi %gather3A_829, %add3A_831 : vector<16xi32>
        %convert_element_type3A_833 = arith.sitofp %add3A_832 : vector<16xi32> to vector<16xf32>
        %mul3A_834 = vector.broadcast %scan3A_137 : f32 to vector<16xf32>
        %mul3A_835 = arith.mulf %convert_element_type3A_833, %mul3A_834 : vector<16xf32>
        %add3A_836 = vector.broadcast %scan3A_138 : f32 to vector<16xf32>
        %add3A_837 = arith.addf %mul3A_835, %add3A_836 : vector<16xf32>
        %convert_element_type3A_838 = arith.fptosi %add3A_837 : vector<16xf32> to vector<16xi32>
        %mul3A_839 = arith.constant 10000 : i32
        %mul3A_840 = vector.broadcast %mul3A_839 : i32 to vector<16xi32>
        %mul3A_841 = arith.muli %convert_element_type3A_838, %mul3A_840 : vector<16xi32>
        %eq3A_842 = arith.cmpi eq, %mul3A_841, %add3A_832 : vector<16xi32>
        %select_n3A_843 = arith.select %eq3A_842, %convert_element_type3A_838, %broadcast_in_dim3A_84 : vector<16xi1>, vector<16xi32>
        %gather3A_844 = tpu.vector_load_idx %arg10[%select_n3A_843] : memref<112xf32, #tpu.memory_space<vmem>>[vector<16xi32>], vector<16xf32>,
        %gather3A_845 = tpu.vector_load_idx %arg11[%select_n3A_843] : memref<112xf32, #tpu.memory_space<vmem>>[vector<16xi32>], vector<16xf32>,
        %add3A_846 = arith.addf %add3A_817, %gather3A_845 : vector<16xf32>
        %add3A_847 = arith.addf %add3A_818, %gather3A_844 : vector<16xf32>
        %scan3A_848 = arith.constant 15 : i32
        %scan3A_849 = arith.addi %scan3A_412, %scan3A_848 : i32
        %add3A_850 = vector.broadcast %scan3A_849 : i32 to vector<16xi32>
        %add3A_851 = arith.addi %mul3A_167, %add3A_850 : vector<16xi32>
        %shift_right_arithmetic3A_852 = arith.constant 7 : i32
        %shift_right_arithmetic3A_853 = vector.broadcast %shift_right_arithmetic3A_852 : i32 to vector<16xi32>
        %shift_right_arithmetic3A_854 = arith.shrsi %add3A_851, %shift_right_arithmetic3A_853 : vector<16xi32>
        %and3A_855 = arith.constant 127 : i32
        %and3A_856 = vector.broadcast %and3A_855 : i32 to vector<16xi32>
        %and3A_857 = arith.andi %add3A_851, %and3A_856 : vector<16xi32>
        %gather3A_858 = tpu.vector_load_idx %arg6[%shift_right_arithmetic3A_854, %and3A_857] : memref<200x128xi32, #tpu.memory_space<vmem>>[vector<16xi32>, vector<16xi32>], vector<16xi32>,
        %add3A_859 = arith.constant 1 : i32
        %add3A_860 = vector.broadcast %add3A_859 : i32 to vector<16xi32>
        %add3A_861 = arith.addi %gather3A_858, %add3A_860 : vector<16xi32>
        %convert_element_type3A_862 = arith.sitofp %add3A_861 : vector<16xi32> to vector<16xf32>
        %mul3A_863 = vector.broadcast %scan3A_137 : f32 to vector<16xf32>
        %mul3A_864 = arith.mulf %convert_element_type3A_862, %mul3A_863 : vector<16xf32>
        %add3A_865 = vector.broadcast %scan3A_138 : f32 to vector<16xf32>
        %add3A_866 = arith.addf %mul3A_864, %add3A_865 : vector<16xf32>
        %convert_element_type3A_867 = arith.fptosi %add3A_866 : vector<16xf32> to vector<16xi32>
        %mul3A_868 = arith.constant 10000 : i32
        %mul3A_869 = vector.broadcast %mul3A_868 : i32 to vector<16xi32>
        %mul3A_870 = arith.muli %convert_element_type3A_867, %mul3A_869 : vector<16xi32>
        %eq3A_871 = arith.cmpi eq, %mul3A_870, %add3A_861 : vector<16xi32>
        %select_n3A_872 = arith.select %eq3A_871, %convert_element_type3A_867, %broadcast_in_dim3A_84 : vector<16xi1>, vector<16xi32>
        %gather3A_873 = tpu.vector_load_idx %arg10[%select_n3A_872] : memref<112xf32, #tpu.memory_space<vmem>>[vector<16xi32>], vector<16xf32>,
        %gather3A_874 = tpu.vector_load_idx %arg11[%select_n3A_872] : memref<112xf32, #tpu.memory_space<vmem>>[vector<16xi32>], vector<16xf32>,
        %add3A_875 = arith.addf %add3A_846, %gather3A_874 : vector<16xf32>
        %add3A_876 = arith.addf %add3A_847, %gather3A_873 : vector<16xf32>
        scf.yield %add3A_875, %add3A_876 : vector<16xf32>, vector<16xf32>
      }
      %scan3A_173 = arith.constant 192 : i32
      %scan3A_174 = arith.addi %scan3A_168, %scan3A_173 : i32
      %add3A_175 = vector.broadcast %scan3A_174 : i32 to vector<16xi32>
      %add3A_176 = arith.addi %mul3A_167, %add3A_175 : vector<16xi32>
      %shift_right_arithmetic3A = arith.constant 7 : i32
      %shift_right_arithmetic3A_177 = vector.broadcast %shift_right_arithmetic3A : i32 to vector<16xi32>
      %shift_right_arithmetic3A_178 = arith.shrsi %add3A_176, %shift_right_arithmetic3A_177 : vector<16xi32>
      %and3A = arith.constant 127 : i32
      %and3A_179 = vector.broadcast %and3A : i32 to vector<16xi32>
      %and3A_180 = arith.andi %add3A_176, %and3A_179 : vector<16xi32>
      %gather3A = tpu.vector_load_idx %arg6[%shift_right_arithmetic3A_178, %and3A_180] : memref<200x128xi32, #tpu.memory_space<vmem>>[vector<16xi32>, vector<16xi32>], vector<16xi32>,
      %add3A_181 = arith.constant 1 : i32
      %add3A_182 = vector.broadcast %add3A_181 : i32 to vector<16xi32>
      %add3A_183 = arith.addi %gather3A, %add3A_182 : vector<16xi32>
      %convert_element_type3A = arith.sitofp %add3A_183 : vector<16xi32> to vector<16xf32>
      %mul3A_184 = vector.broadcast %scan3A_137 : f32 to vector<16xf32>
      %mul3A_185 = arith.mulf %convert_element_type3A, %mul3A_184 : vector<16xf32>
      %add3A_186 = vector.broadcast %scan3A_138 : f32 to vector<16xf32>
      %add3A_187 = arith.addf %mul3A_185, %add3A_186 : vector<16xf32>
      %convert_element_type3A_188 = arith.fptosi %add3A_187 : vector<16xf32> to vector<16xi32>
      %mul3A_189 = arith.constant 10000 : i32
      %mul3A_190 = vector.broadcast %mul3A_189 : i32 to vector<16xi32>
      %mul3A_191 = arith.muli %convert_element_type3A_188, %mul3A_190 : vector<16xi32>
      %eq3A_192 = arith.cmpi eq, %mul3A_191, %add3A_183 : vector<16xi32>
      %select_n3A_193 = arith.select %eq3A_192, %convert_element_type3A_188, %broadcast_in_dim3A_84 : vector<16xi1>, vector<16xi32>
      %gather3A_194 = tpu.vector_load_idx %arg10[%select_n3A_193] : memref<112xf32, #tpu.memory_space<vmem>>[vector<16xi32>], vector<16xf32>,
      %gather3A_195 = tpu.vector_load_idx %arg11[%select_n3A_193] : memref<112xf32, #tpu.memory_space<vmem>>[vector<16xi32>], vector<16xf32>,
      %add3A_196 = arith.addf %scan3A_172#0, %gather3A_195 : vector<16xf32>
      %add3A_197 = arith.addf %scan3A_172#1, %gather3A_194 : vector<16xf32>
      %scan3A_198 = arith.constant 193 : i32
      %scan3A_199 = arith.addi %scan3A_168, %scan3A_198 : i32
      %add3A_200 = vector.broadcast %scan3A_199 : i32 to vector<16xi32>
      %add3A_201 = arith.addi %mul3A_167, %add3A_200 : vector<16xi32>
      %shift_right_arithmetic3A_202 = arith.constant 7 : i32
      %shift_right_arithmetic3A_203 = vector.broadcast %shift_right_arithmetic3A_202 : i32 to vector<16xi32>
      %shift_right_arithmetic3A_204 = arith.shrsi %add3A_201, %shift_right_arithmetic3A_203 : vector<16xi32>
      %and3A_205 = arith.constant 127 : i32
      %and3A_206 = vector.broadcast %and3A_205 : i32 to vector<16xi32>
      %and3A_207 = arith.andi %add3A_201, %and3A_206 : vector<16xi32>
      %gather3A_208 = tpu.vector_load_idx %arg6[%shift_right_arithmetic3A_204, %and3A_207] : memref<200x128xi32, #tpu.memory_space<vmem>>[vector<16xi32>, vector<16xi32>], vector<16xi32>,
      %add3A_209 = arith.constant 1 : i32
      %add3A_210 = vector.broadcast %add3A_209 : i32 to vector<16xi32>
      %add3A_211 = arith.addi %gather3A_208, %add3A_210 : vector<16xi32>
      %convert_element_type3A_212 = arith.sitofp %add3A_211 : vector<16xi32> to vector<16xf32>
      %mul3A_213 = vector.broadcast %scan3A_137 : f32 to vector<16xf32>
      %mul3A_214 = arith.mulf %convert_element_type3A_212, %mul3A_213 : vector<16xf32>
      %add3A_215 = vector.broadcast %scan3A_138 : f32 to vector<16xf32>
      %add3A_216 = arith.addf %mul3A_214, %add3A_215 : vector<16xf32>
      %convert_element_type3A_217 = arith.fptosi %add3A_216 : vector<16xf32> to vector<16xi32>
      %mul3A_218 = arith.constant 10000 : i32
      %mul3A_219 = vector.broadcast %mul3A_218 : i32 to vector<16xi32>
      %mul3A_220 = arith.muli %convert_element_type3A_217, %mul3A_219 : vector<16xi32>
      %eq3A_221 = arith.cmpi eq, %mul3A_220, %add3A_211 : vector<16xi32>
      %select_n3A_222 = arith.select %eq3A_221, %convert_element_type3A_217, %broadcast_in_dim3A_84 : vector<16xi1>, vector<16xi32>
      %gather3A_223 = tpu.vector_load_idx %arg10[%select_n3A_222] : memref<112xf32, #tpu.memory_space<vmem>>[vector<16xi32>], vector<16xf32>,
      %gather3A_224 = tpu.vector_load_idx %arg11[%select_n3A_222] : memref<112xf32, #tpu.memory_space<vmem>>[vector<16xi32>], vector<16xf32>,
      %add3A_225 = arith.addf %add3A_196, %gather3A_224 : vector<16xf32>
      %add3A_226 = arith.addf %add3A_197, %gather3A_223 : vector<16xf32>
      %scan3A_227 = arith.constant 194 : i32
      %scan3A_228 = arith.addi %scan3A_168, %scan3A_227 : i32
      %add3A_229 = vector.broadcast %scan3A_228 : i32 to vector<16xi32>
      %add3A_230 = arith.addi %mul3A_167, %add3A_229 : vector<16xi32>
      %shift_right_arithmetic3A_231 = arith.constant 7 : i32
      %shift_right_arithmetic3A_232 = vector.broadcast %shift_right_arithmetic3A_231 : i32 to vector<16xi32>
      %shift_right_arithmetic3A_233 = arith.shrsi %add3A_230, %shift_right_arithmetic3A_232 : vector<16xi32>
      %and3A_234 = arith.constant 127 : i32
      %and3A_235 = vector.broadcast %and3A_234 : i32 to vector<16xi32>
      %and3A_236 = arith.andi %add3A_230, %and3A_235 : vector<16xi32>
      %gather3A_237 = tpu.vector_load_idx %arg6[%shift_right_arithmetic3A_233, %and3A_236] : memref<200x128xi32, #tpu.memory_space<vmem>>[vector<16xi32>, vector<16xi32>], vector<16xi32>,
      %add3A_238 = arith.constant 1 : i32
      %add3A_239 = vector.broadcast %add3A_238 : i32 to vector<16xi32>
      %add3A_240 = arith.addi %gather3A_237, %add3A_239 : vector<16xi32>
      %convert_element_type3A_241 = arith.sitofp %add3A_240 : vector<16xi32> to vector<16xf32>
      %mul3A_242 = vector.broadcast %scan3A_137 : f32 to vector<16xf32>
      %mul3A_243 = arith.mulf %convert_element_type3A_241, %mul3A_242 : vector<16xf32>
      %add3A_244 = vector.broadcast %scan3A_138 : f32 to vector<16xf32>
      %add3A_245 = arith.addf %mul3A_243, %add3A_244 : vector<16xf32>
      %convert_element_type3A_246 = arith.fptosi %add3A_245 : vector<16xf32> to vector<16xi32>
      %mul3A_247 = arith.constant 10000 : i32
      %mul3A_248 = vector.broadcast %mul3A_247 : i32 to vector<16xi32>
      %mul3A_249 = arith.muli %convert_element_type3A_246, %mul3A_248 : vector<16xi32>
      %eq3A_250 = arith.cmpi eq, %mul3A_249, %add3A_240 : vector<16xi32>
      %select_n3A_251 = arith.select %eq3A_250, %convert_element_type3A_246, %broadcast_in_dim3A_84 : vector<16xi1>, vector<16xi32>
      %gather3A_252 = tpu.vector_load_idx %arg10[%select_n3A_251] : memref<112xf32, #tpu.memory_space<vmem>>[vector<16xi32>], vector<16xf32>,
      %gather3A_253 = tpu.vector_load_idx %arg11[%select_n3A_251] : memref<112xf32, #tpu.memory_space<vmem>>[vector<16xi32>], vector<16xf32>,
      %add3A_254 = arith.addf %add3A_225, %gather3A_253 : vector<16xf32>
      %add3A_255 = arith.addf %add3A_226, %gather3A_252 : vector<16xf32>
      %scan3A_256 = arith.constant 195 : i32
      %scan3A_257 = arith.addi %scan3A_168, %scan3A_256 : i32
      %add3A_258 = vector.broadcast %scan3A_257 : i32 to vector<16xi32>
      %add3A_259 = arith.addi %mul3A_167, %add3A_258 : vector<16xi32>
      %shift_right_arithmetic3A_260 = arith.constant 7 : i32
      %shift_right_arithmetic3A_261 = vector.broadcast %shift_right_arithmetic3A_260 : i32 to vector<16xi32>
      %shift_right_arithmetic3A_262 = arith.shrsi %add3A_259, %shift_right_arithmetic3A_261 : vector<16xi32>
      %and3A_263 = arith.constant 127 : i32
      %and3A_264 = vector.broadcast %and3A_263 : i32 to vector<16xi32>
      %and3A_265 = arith.andi %add3A_259, %and3A_264 : vector<16xi32>
      %gather3A_266 = tpu.vector_load_idx %arg6[%shift_right_arithmetic3A_262, %and3A_265] : memref<200x128xi32, #tpu.memory_space<vmem>>[vector<16xi32>, vector<16xi32>], vector<16xi32>,
      %add3A_267 = arith.constant 1 : i32
      %add3A_268 = vector.broadcast %add3A_267 : i32 to vector<16xi32>
      %add3A_269 = arith.addi %gather3A_266, %add3A_268 : vector<16xi32>
      %convert_element_type3A_270 = arith.sitofp %add3A_269 : vector<16xi32> to vector<16xf32>
      %mul3A_271 = vector.broadcast %scan3A_137 : f32 to vector<16xf32>
      %mul3A_272 = arith.mulf %convert_element_type3A_270, %mul3A_271 : vector<16xf32>
      %add3A_273 = vector.broadcast %scan3A_138 : f32 to vector<16xf32>
      %add3A_274 = arith.addf %mul3A_272, %add3A_273 : vector<16xf32>
      %convert_element_type3A_275 = arith.fptosi %add3A_274 : vector<16xf32> to vector<16xi32>
      %mul3A_276 = arith.constant 10000 : i32
      %mul3A_277 = vector.broadcast %mul3A_276 : i32 to vector<16xi32>
      %mul3A_278 = arith.muli %convert_element_type3A_275, %mul3A_277 : vector<16xi32>
      %eq3A_279 = arith.cmpi eq, %mul3A_278, %add3A_269 : vector<16xi32>
      %select_n3A_280 = arith.select %eq3A_279, %convert_element_type3A_275, %broadcast_in_dim3A_84 : vector<16xi1>, vector<16xi32>
      %gather3A_281 = tpu.vector_load_idx %arg10[%select_n3A_280] : memref<112xf32, #tpu.memory_space<vmem>>[vector<16xi32>], vector<16xf32>,
      %gather3A_282 = tpu.vector_load_idx %arg11[%select_n3A_280] : memref<112xf32, #tpu.memory_space<vmem>>[vector<16xi32>], vector<16xf32>,
      %add3A_283 = arith.addf %add3A_254, %gather3A_282 : vector<16xf32>
      %add3A_284 = arith.addf %add3A_255, %gather3A_281 : vector<16xf32>
      %scan3A_285 = arith.constant 196 : i32
      %scan3A_286 = arith.addi %scan3A_168, %scan3A_285 : i32
      %add3A_287 = vector.broadcast %scan3A_286 : i32 to vector<16xi32>
      %add3A_288 = arith.addi %mul3A_167, %add3A_287 : vector<16xi32>
      %shift_right_arithmetic3A_289 = arith.constant 7 : i32
      %shift_right_arithmetic3A_290 = vector.broadcast %shift_right_arithmetic3A_289 : i32 to vector<16xi32>
      %shift_right_arithmetic3A_291 = arith.shrsi %add3A_288, %shift_right_arithmetic3A_290 : vector<16xi32>
      %and3A_292 = arith.constant 127 : i32
      %and3A_293 = vector.broadcast %and3A_292 : i32 to vector<16xi32>
      %and3A_294 = arith.andi %add3A_288, %and3A_293 : vector<16xi32>
      %gather3A_295 = tpu.vector_load_idx %arg6[%shift_right_arithmetic3A_291, %and3A_294] : memref<200x128xi32, #tpu.memory_space<vmem>>[vector<16xi32>, vector<16xi32>], vector<16xi32>,
      %add3A_296 = arith.constant 1 : i32
      %add3A_297 = vector.broadcast %add3A_296 : i32 to vector<16xi32>
      %add3A_298 = arith.addi %gather3A_295, %add3A_297 : vector<16xi32>
      %convert_element_type3A_299 = arith.sitofp %add3A_298 : vector<16xi32> to vector<16xf32>
      %mul3A_300 = vector.broadcast %scan3A_137 : f32 to vector<16xf32>
      %mul3A_301 = arith.mulf %convert_element_type3A_299, %mul3A_300 : vector<16xf32>
      %add3A_302 = vector.broadcast %scan3A_138 : f32 to vector<16xf32>
      %add3A_303 = arith.addf %mul3A_301, %add3A_302 : vector<16xf32>
      %convert_element_type3A_304 = arith.fptosi %add3A_303 : vector<16xf32> to vector<16xi32>
      %mul3A_305 = arith.constant 10000 : i32
      %mul3A_306 = vector.broadcast %mul3A_305 : i32 to vector<16xi32>
      %mul3A_307 = arith.muli %convert_element_type3A_304, %mul3A_306 : vector<16xi32>
      %eq3A_308 = arith.cmpi eq, %mul3A_307, %add3A_298 : vector<16xi32>
      %select_n3A_309 = arith.select %eq3A_308, %convert_element_type3A_304, %broadcast_in_dim3A_84 : vector<16xi1>, vector<16xi32>
      %gather3A_310 = tpu.vector_load_idx %arg10[%select_n3A_309] : memref<112xf32, #tpu.memory_space<vmem>>[vector<16xi32>], vector<16xf32>,
      %gather3A_311 = tpu.vector_load_idx %arg11[%select_n3A_309] : memref<112xf32, #tpu.memory_space<vmem>>[vector<16xi32>], vector<16xf32>,
      %add3A_312 = arith.addf %add3A_283, %gather3A_311 : vector<16xf32>
      %add3A_313 = arith.addf %add3A_284, %gather3A_310 : vector<16xf32>
      %scan3A_314 = arith.constant 197 : i32
      %scan3A_315 = arith.addi %scan3A_168, %scan3A_314 : i32
      %add3A_316 = vector.broadcast %scan3A_315 : i32 to vector<16xi32>
      %add3A_317 = arith.addi %mul3A_167, %add3A_316 : vector<16xi32>
      %shift_right_arithmetic3A_318 = arith.constant 7 : i32
      %shift_right_arithmetic3A_319 = vector.broadcast %shift_right_arithmetic3A_318 : i32 to vector<16xi32>
      %shift_right_arithmetic3A_320 = arith.shrsi %add3A_317, %shift_right_arithmetic3A_319 : vector<16xi32>
      %and3A_321 = arith.constant 127 : i32
      %and3A_322 = vector.broadcast %and3A_321 : i32 to vector<16xi32>
      %and3A_323 = arith.andi %add3A_317, %and3A_322 : vector<16xi32>
      %gather3A_324 = tpu.vector_load_idx %arg6[%shift_right_arithmetic3A_320, %and3A_323] : memref<200x128xi32, #tpu.memory_space<vmem>>[vector<16xi32>, vector<16xi32>], vector<16xi32>,
      %add3A_325 = arith.constant 1 : i32
      %add3A_326 = vector.broadcast %add3A_325 : i32 to vector<16xi32>
      %add3A_327 = arith.addi %gather3A_324, %add3A_326 : vector<16xi32>
      %convert_element_type3A_328 = arith.sitofp %add3A_327 : vector<16xi32> to vector<16xf32>
      %mul3A_329 = vector.broadcast %scan3A_137 : f32 to vector<16xf32>
      %mul3A_330 = arith.mulf %convert_element_type3A_328, %mul3A_329 : vector<16xf32>
      %add3A_331 = vector.broadcast %scan3A_138 : f32 to vector<16xf32>
      %add3A_332 = arith.addf %mul3A_330, %add3A_331 : vector<16xf32>
      %convert_element_type3A_333 = arith.fptosi %add3A_332 : vector<16xf32> to vector<16xi32>
      %mul3A_334 = arith.constant 10000 : i32
      %mul3A_335 = vector.broadcast %mul3A_334 : i32 to vector<16xi32>
      %mul3A_336 = arith.muli %convert_element_type3A_333, %mul3A_335 : vector<16xi32>
      %eq3A_337 = arith.cmpi eq, %mul3A_336, %add3A_327 : vector<16xi32>
      %select_n3A_338 = arith.select %eq3A_337, %convert_element_type3A_333, %broadcast_in_dim3A_84 : vector<16xi1>, vector<16xi32>
      %gather3A_339 = tpu.vector_load_idx %arg10[%select_n3A_338] : memref<112xf32, #tpu.memory_space<vmem>>[vector<16xi32>], vector<16xf32>,
      %gather3A_340 = tpu.vector_load_idx %arg11[%select_n3A_338] : memref<112xf32, #tpu.memory_space<vmem>>[vector<16xi32>], vector<16xf32>,
      %add3A_341 = arith.addf %add3A_312, %gather3A_340 : vector<16xf32>
      %add3A_342 = arith.addf %add3A_313, %gather3A_339 : vector<16xf32>
      %scan3A_343 = arith.constant 198 : i32
      %scan3A_344 = arith.addi %scan3A_168, %scan3A_343 : i32
      %add3A_345 = vector.broadcast %scan3A_344 : i32 to vector<16xi32>
      %add3A_346 = arith.addi %mul3A_167, %add3A_345 : vector<16xi32>
      %shift_right_arithmetic3A_347 = arith.constant 7 : i32
      %shift_right_arithmetic3A_348 = vector.broadcast %shift_right_arithmetic3A_347 : i32 to vector<16xi32>
      %shift_right_arithmetic3A_349 = arith.shrsi %add3A_346, %shift_right_arithmetic3A_348 : vector<16xi32>
      %and3A_350 = arith.constant 127 : i32
      %and3A_351 = vector.broadcast %and3A_350 : i32 to vector<16xi32>
      %and3A_352 = arith.andi %add3A_346, %and3A_351 : vector<16xi32>
      %gather3A_353 = tpu.vector_load_idx %arg6[%shift_right_arithmetic3A_349, %and3A_352] : memref<200x128xi32, #tpu.memory_space<vmem>>[vector<16xi32>, vector<16xi32>], vector<16xi32>,
      %add3A_354 = arith.constant 1 : i32
      %add3A_355 = vector.broadcast %add3A_354 : i32 to vector<16xi32>
      %add3A_356 = arith.addi %gather3A_353, %add3A_355 : vector<16xi32>
      %convert_element_type3A_357 = arith.sitofp %add3A_356 : vector<16xi32> to vector<16xf32>
      %mul3A_358 = vector.broadcast %scan3A_137 : f32 to vector<16xf32>
      %mul3A_359 = arith.mulf %convert_element_type3A_357, %mul3A_358 : vector<16xf32>
      %add3A_360 = vector.broadcast %scan3A_138 : f32 to vector<16xf32>
      %add3A_361 = arith.addf %mul3A_359, %add3A_360 : vector<16xf32>
      %convert_element_type3A_362 = arith.fptosi %add3A_361 : vector<16xf32> to vector<16xi32>
      %mul3A_363 = arith.constant 10000 : i32
      %mul3A_364 = vector.broadcast %mul3A_363 : i32 to vector<16xi32>
      %mul3A_365 = arith.muli %convert_element_type3A_362, %mul3A_364 : vector<16xi32>
      %eq3A_366 = arith.cmpi eq, %mul3A_365, %add3A_356 : vector<16xi32>
      %select_n3A_367 = arith.select %eq3A_366, %convert_element_type3A_362, %broadcast_in_dim3A_84 : vector<16xi1>, vector<16xi32>
      %gather3A_368 = tpu.vector_load_idx %arg10[%select_n3A_367] : memref<112xf32, #tpu.memory_space<vmem>>[vector<16xi32>], vector<16xf32>,
      %gather3A_369 = tpu.vector_load_idx %arg11[%select_n3A_367] : memref<112xf32, #tpu.memory_space<vmem>>[vector<16xi32>], vector<16xf32>,
      %add3A_370 = arith.addf %add3A_341, %gather3A_369 : vector<16xf32>
      %add3A_371 = arith.addf %add3A_342, %gather3A_368 : vector<16xf32>
      %scan3A_372 = arith.constant 199 : i32
      %scan3A_373 = arith.addi %scan3A_168, %scan3A_372 : i32
      %add3A_374 = vector.broadcast %scan3A_373 : i32 to vector<16xi32>
      %add3A_375 = arith.addi %mul3A_167, %add3A_374 : vector<16xi32>
      %shift_right_arithmetic3A_376 = arith.constant 7 : i32
      %shift_right_arithmetic3A_377 = vector.broadcast %shift_right_arithmetic3A_376 : i32 to vector<16xi32>
      %shift_right_arithmetic3A_378 = arith.shrsi %add3A_375, %shift_right_arithmetic3A_377 : vector<16xi32>
      %and3A_379 = arith.constant 127 : i32
      %and3A_380 = vector.broadcast %and3A_379 : i32 to vector<16xi32>
      %and3A_381 = arith.andi %add3A_375, %and3A_380 : vector<16xi32>
      %gather3A_382 = tpu.vector_load_idx %arg6[%shift_right_arithmetic3A_378, %and3A_381] : memref<200x128xi32, #tpu.memory_space<vmem>>[vector<16xi32>, vector<16xi32>], vector<16xi32>,
      %add3A_383 = arith.constant 1 : i32
      %add3A_384 = vector.broadcast %add3A_383 : i32 to vector<16xi32>
      %add3A_385 = arith.addi %gather3A_382, %add3A_384 : vector<16xi32>
      %convert_element_type3A_386 = arith.sitofp %add3A_385 : vector<16xi32> to vector<16xf32>
      %mul3A_387 = vector.broadcast %scan3A_137 : f32 to vector<16xf32>
      %mul3A_388 = arith.mulf %convert_element_type3A_386, %mul3A_387 : vector<16xf32>
      %add3A_389 = vector.broadcast %scan3A_138 : f32 to vector<16xf32>
      %add3A_390 = arith.addf %mul3A_388, %add3A_389 : vector<16xf32>
      %convert_element_type3A_391 = arith.fptosi %add3A_390 : vector<16xf32> to vector<16xi32>
      %mul3A_392 = arith.constant 10000 : i32
      %mul3A_393 = vector.broadcast %mul3A_392 : i32 to vector<16xi32>
      %mul3A_394 = arith.muli %convert_element_type3A_391, %mul3A_393 : vector<16xi32>
      %eq3A_395 = arith.cmpi eq, %mul3A_394, %add3A_385 : vector<16xi32>
      %select_n3A_396 = arith.select %eq3A_395, %convert_element_type3A_391, %broadcast_in_dim3A_84 : vector<16xi1>, vector<16xi32>
      %gather3A_397 = tpu.vector_load_idx %arg10[%select_n3A_396] : memref<112xf32, #tpu.memory_space<vmem>>[vector<16xi32>], vector<16xf32>,
      %gather3A_398 = tpu.vector_load_idx %arg11[%select_n3A_396] : memref<112xf32, #tpu.memory_space<vmem>>[vector<16xi32>], vector<16xf32>,
      %add3A_399 = arith.addf %add3A_370, %gather3A_398 : vector<16xf32>
      %add3A_400 = arith.addf %add3A_371, %gather3A_397 : vector<16xf32>
      %scan3A_401 = arith.constant 200 : i32
      %gt3A = arith.constant 0.000000e+00 : f32
      %gt3A_402 = vector.broadcast %gt3A : f32 to vector<16xf32>
      %gt3A_403 = arith.cmpf ogt, %add3A_400, %gt3A_402 : vector<16xf32>
      %div3A = arith.divf %add3A_399, %add3A_400 : vector<16xf32>
      %select_n3A_404 = arith.select %gt3A_403, %div3A, %get3A_80 : vector<16xi1>, vector<16xf32>
      %mul3A_405 = arith.constant 16 : i32
      %mul3A_406 = arith.muli %scan3A_159, %mul3A_405 : i32
      %add3A_407 = arith.constant 256 : i32
      %add3A_408 = arith.addi %add3A_407, %mul3A_406 : i32
      %swap3A_409 = arith.index_cast %add3A_408 : i32 to index
      %swap3A_410 = tpu.vector_load %arg12[%swap3A_409] {strides = array<i32>} : memref<512xf32, #tpu.memory_space<vmem>>, vector<16xf32>,
      tpu.vector_store %arg12[%swap3A_409], %select_n3A_404 {strides = array<i32>} : memref<512xf32, #tpu.memory_space<vmem>>, vector<16xf32>,
      %scan3A_411 = arith.constant 0 : i32
      scf.yield %scan3A_411 : i32
    }
    %scan3A_145 = arith.constant 8 : i32
    %dma_wait3A_146 = arith.constant 0 : i32
    %dma_wait3A_147 = tpu.memref_slice %arg2[%add3A_128, %dma_wait3A_146] : memref<25600x128xi32, #tpu.memory_space<hbm>> -> memref<200x128xi32, #tpu.memory_space<hbm>>
    %dma_wait3A_148 = arith.constant 0 : i32
    %dma_wait3A_149 = tpu.memref_slice %arg2[%add3A_128, %dma_wait3A_148] : memref<25600x128xi32, #tpu.memory_space<hbm>> -> memref<200x128xi32, #tpu.memory_space<hbm>>
    tpu.wait_dma2 semaphore(%arg14 : memref<!tpu.dma_semaphore, #tpu.memory_space<semaphore_mem>>) src(%dma_wait3A_149 : memref<200x128xi32, #tpu.memory_space<hbm>>) dst(%arg7 : memref<200x128xi32, #tpu.memory_space<vmem>>)
    %scan3A_150 = arith.constant 9.99999974E-5 : f32
    %scan3A_151 = arith.constant 5.000000e-01 : f32
    %scan3A_152 = arith.constant 0 : i32
    %scan3A_153 = arith.constant 0 : i32
    %scan3A_154 = arith.constant 8 : i32
    %scan3A_155 = arith.addi %scan3A_153, %scan3A_154 : i32
    %scan3A_156 = arith.constant 1 : i32
    %scan3A_157 = scf.for %scan3A_159 = %scan3A_153 to %scan3A_155 step %scan3A_156 iter_args(%scan3A_160 = %scan3A_152) -> (i32)  : i32 {
      %mul3A_161 = arith.constant 16 : i32
      %mul3A_162 = arith.muli %scan3A_159, %mul3A_161 : i32
      %add3A_163 = vector.broadcast %mul3A_162 : i32 to vector<16xi32>
      %add3A_164 = arith.addi %add3A_163, %iota3A : vector<16xi32>
      %mul3A_165 = arith.constant 200 : i32
      %mul3A_166 = vector.broadcast %mul3A_165 : i32 to vector<16xi32>
      %mul3A_167 = arith.muli %add3A_164, %mul3A_166 : vector<16xi32>
      %scan3A_168 = arith.constant 0 : i32
      %scan3A_169 = arith.constant 192 : i32
      %scan3A_170 = arith.addi %scan3A_168, %scan3A_169 : i32
      %scan3A_171 = arith.constant 16 : i32
      %scan3A_172:2 = scf.for %scan3A_412 = %scan3A_168 to %scan3A_170 step %scan3A_171 iter_args(%scan3A_413 = %broadcast_in_dim3A_82, %scan3A_414 = %broadcast_in_dim3A_82) -> (vector<16xf32>, vector<16xf32>)  : i32 {
        %add3A_415 = vector.broadcast %scan3A_412 : i32 to vector<16xi32>
        %add3A_416 = arith.addi %mul3A_167, %add3A_415 : vector<16xi32>
        %shift_right_arithmetic3A_417 = arith.constant 7 : i32
        %shift_right_arithmetic3A_418 = vector.broadcast %shift_right_arithmetic3A_417 : i32 to vector<16xi32>
        %shift_right_arithmetic3A_419 = arith.shrsi %add3A_416, %shift_right_arithmetic3A_418 : vector<16xi32>
        %and3A_420 = arith.constant 127 : i32
        %and3A_421 = vector.broadcast %and3A_420 : i32 to vector<16xi32>
        %and3A_422 = arith.andi %add3A_416, %and3A_421 : vector<16xi32>
        %gather3A_423 = tpu.vector_load_idx %arg7[%shift_right_arithmetic3A_419, %and3A_422] : memref<200x128xi32, #tpu.memory_space<vmem>>[vector<16xi32>, vector<16xi32>], vector<16xi32>,
        %add3A_424 = arith.constant 1 : i32
        %add3A_425 = vector.broadcast %add3A_424 : i32 to vector<16xi32>
        %add3A_426 = arith.addi %gather3A_423, %add3A_425 : vector<16xi32>
        %convert_element_type3A_427 = arith.sitofp %add3A_426 : vector<16xi32> to vector<16xf32>
        %mul3A_428 = vector.broadcast %scan3A_150 : f32 to vector<16xf32>
        %mul3A_429 = arith.mulf %convert_element_type3A_427, %mul3A_428 : vector<16xf32>
        %add3A_430 = vector.broadcast %scan3A_151 : f32 to vector<16xf32>
        %add3A_431 = arith.addf %mul3A_429, %add3A_430 : vector<16xf32>
        %convert_element_type3A_432 = arith.fptosi %add3A_431 : vector<16xf32> to vector<16xi32>
        %mul3A_433 = arith.constant 10000 : i32
        %mul3A_434 = vector.broadcast %mul3A_433 : i32 to vector<16xi32>
        %mul3A_435 = arith.muli %convert_element_type3A_432, %mul3A_434 : vector<16xi32>
        %eq3A_436 = arith.cmpi eq, %mul3A_435, %add3A_426 : vector<16xi32>
        %select_n3A_437 = arith.select %eq3A_436, %convert_element_type3A_432, %broadcast_in_dim3A_84 : vector<16xi1>, vector<16xi32>
        %gather3A_438 = tpu.vector_load_idx %arg10[%select_n3A_437] : memref<112xf32, #tpu.memory_space<vmem>>[vector<16xi32>], vector<16xf32>,
        %gather3A_439 = tpu.vector_load_idx %arg11[%select_n3A_437] : memref<112xf32, #tpu.memory_space<vmem>>[vector<16xi32>], vector<16xf32>,
        %add3A_440 = arith.addf %scan3A_413, %gather3A_439 : vector<16xf32>
        %add3A_441 = arith.addf %scan3A_414, %gather3A_438 : vector<16xf32>
        %scan3A_442 = arith.constant 1 : i32
        %scan3A_443 = arith.addi %scan3A_412, %scan3A_442 : i32
        %add3A_444 = vector.broadcast %scan3A_443 : i32 to vector<16xi32>
        %add3A_445 = arith.addi %mul3A_167, %add3A_444 : vector<16xi32>
        %shift_right_arithmetic3A_446 = arith.constant 7 : i32
        %shift_right_arithmetic3A_447 = vector.broadcast %shift_right_arithmetic3A_446 : i32 to vector<16xi32>
        %shift_right_arithmetic3A_448 = arith.shrsi %add3A_445, %shift_right_arithmetic3A_447 : vector<16xi32>
        %and3A_449 = arith.constant 127 : i32
        %and3A_450 = vector.broadcast %and3A_449 : i32 to vector<16xi32>
        %and3A_451 = arith.andi %add3A_445, %and3A_450 : vector<16xi32>
        %gather3A_452 = tpu.vector_load_idx %arg7[%shift_right_arithmetic3A_448, %and3A_451] : memref<200x128xi32, #tpu.memory_space<vmem>>[vector<16xi32>, vector<16xi32>], vector<16xi32>,
        %add3A_453 = arith.constant 1 : i32
        %add3A_454 = vector.broadcast %add3A_453 : i32 to vector<16xi32>
        %add3A_455 = arith.addi %gather3A_452, %add3A_454 : vector<16xi32>
        %convert_element_type3A_456 = arith.sitofp %add3A_455 : vector<16xi32> to vector<16xf32>
        %mul3A_457 = vector.broadcast %scan3A_150 : f32 to vector<16xf32>
        %mul3A_458 = arith.mulf %convert_element_type3A_456, %mul3A_457 : vector<16xf32>
        %add3A_459 = vector.broadcast %scan3A_151 : f32 to vector<16xf32>
        %add3A_460 = arith.addf %mul3A_458, %add3A_459 : vector<16xf32>
        %convert_element_type3A_461 = arith.fptosi %add3A_460 : vector<16xf32> to vector<16xi32>
        %mul3A_462 = arith.constant 10000 : i32
        %mul3A_463 = vector.broadcast %mul3A_462 : i32 to vector<16xi32>
        %mul3A_464 = arith.muli %convert_element_type3A_461, %mul3A_463 : vector<16xi32>
        %eq3A_465 = arith.cmpi eq, %mul3A_464, %add3A_455 : vector<16xi32>
        %select_n3A_466 = arith.select %eq3A_465, %convert_element_type3A_461, %broadcast_in_dim3A_84 : vector<16xi1>, vector<16xi32>
        %gather3A_467 = tpu.vector_load_idx %arg10[%select_n3A_466] : memref<112xf32, #tpu.memory_space<vmem>>[vector<16xi32>], vector<16xf32>,
        %gather3A_468 = tpu.vector_load_idx %arg11[%select_n3A_466] : memref<112xf32, #tpu.memory_space<vmem>>[vector<16xi32>], vector<16xf32>,
        %add3A_469 = arith.addf %add3A_440, %gather3A_468 : vector<16xf32>
        %add3A_470 = arith.addf %add3A_441, %gather3A_467 : vector<16xf32>
        %scan3A_471 = arith.constant 2 : i32
        %scan3A_472 = arith.addi %scan3A_412, %scan3A_471 : i32
        %add3A_473 = vector.broadcast %scan3A_472 : i32 to vector<16xi32>
        %add3A_474 = arith.addi %mul3A_167, %add3A_473 : vector<16xi32>
        %shift_right_arithmetic3A_475 = arith.constant 7 : i32
        %shift_right_arithmetic3A_476 = vector.broadcast %shift_right_arithmetic3A_475 : i32 to vector<16xi32>
        %shift_right_arithmetic3A_477 = arith.shrsi %add3A_474, %shift_right_arithmetic3A_476 : vector<16xi32>
        %and3A_478 = arith.constant 127 : i32
        %and3A_479 = vector.broadcast %and3A_478 : i32 to vector<16xi32>
        %and3A_480 = arith.andi %add3A_474, %and3A_479 : vector<16xi32>
        %gather3A_481 = tpu.vector_load_idx %arg7[%shift_right_arithmetic3A_477, %and3A_480] : memref<200x128xi32, #tpu.memory_space<vmem>>[vector<16xi32>, vector<16xi32>], vector<16xi32>,
        %add3A_482 = arith.constant 1 : i32
        %add3A_483 = vector.broadcast %add3A_482 : i32 to vector<16xi32>
        %add3A_484 = arith.addi %gather3A_481, %add3A_483 : vector<16xi32>
        %convert_element_type3A_485 = arith.sitofp %add3A_484 : vector<16xi32> to vector<16xf32>
        %mul3A_486 = vector.broadcast %scan3A_150 : f32 to vector<16xf32>
        %mul3A_487 = arith.mulf %convert_element_type3A_485, %mul3A_486 : vector<16xf32>
        %add3A_488 = vector.broadcast %scan3A_151 : f32 to vector<16xf32>
        %add3A_489 = arith.addf %mul3A_487, %add3A_488 : vector<16xf32>
        %convert_element_type3A_490 = arith.fptosi %add3A_489 : vector<16xf32> to vector<16xi32>
        %mul3A_491 = arith.constant 10000 : i32
        %mul3A_492 = vector.broadcast %mul3A_491 : i32 to vector<16xi32>
        %mul3A_493 = arith.muli %convert_element_type3A_490, %mul3A_492 : vector<16xi32>
        %eq3A_494 = arith.cmpi eq, %mul3A_493, %add3A_484 : vector<16xi32>
        %select_n3A_495 = arith.select %eq3A_494, %convert_element_type3A_490, %broadcast_in_dim3A_84 : vector<16xi1>, vector<16xi32>
        %gather3A_496 = tpu.vector_load_idx %arg10[%select_n3A_495] : memref<112xf32, #tpu.memory_space<vmem>>[vector<16xi32>], vector<16xf32>,
        %gather3A_497 = tpu.vector_load_idx %arg11[%select_n3A_495] : memref<112xf32, #tpu.memory_space<vmem>>[vector<16xi32>], vector<16xf32>,
        %add3A_498 = arith.addf %add3A_469, %gather3A_497 : vector<16xf32>
        %add3A_499 = arith.addf %add3A_470, %gather3A_496 : vector<16xf32>
        %scan3A_500 = arith.constant 3 : i32
        %scan3A_501 = arith.addi %scan3A_412, %scan3A_500 : i32
        %add3A_502 = vector.broadcast %scan3A_501 : i32 to vector<16xi32>
        %add3A_503 = arith.addi %mul3A_167, %add3A_502 : vector<16xi32>
        %shift_right_arithmetic3A_504 = arith.constant 7 : i32
        %shift_right_arithmetic3A_505 = vector.broadcast %shift_right_arithmetic3A_504 : i32 to vector<16xi32>
        %shift_right_arithmetic3A_506 = arith.shrsi %add3A_503, %shift_right_arithmetic3A_505 : vector<16xi32>
        %and3A_507 = arith.constant 127 : i32
        %and3A_508 = vector.broadcast %and3A_507 : i32 to vector<16xi32>
        %and3A_509 = arith.andi %add3A_503, %and3A_508 : vector<16xi32>
        %gather3A_510 = tpu.vector_load_idx %arg7[%shift_right_arithmetic3A_506, %and3A_509] : memref<200x128xi32, #tpu.memory_space<vmem>>[vector<16xi32>, vector<16xi32>], vector<16xi32>,
        %add3A_511 = arith.constant 1 : i32
        %add3A_512 = vector.broadcast %add3A_511 : i32 to vector<16xi32>
        %add3A_513 = arith.addi %gather3A_510, %add3A_512 : vector<16xi32>
        %convert_element_type3A_514 = arith.sitofp %add3A_513 : vector<16xi32> to vector<16xf32>
        %mul3A_515 = vector.broadcast %scan3A_150 : f32 to vector<16xf32>
        %mul3A_516 = arith.mulf %convert_element_type3A_514, %mul3A_515 : vector<16xf32>
        %add3A_517 = vector.broadcast %scan3A_151 : f32 to vector<16xf32>
        %add3A_518 = arith.addf %mul3A_516, %add3A_517 : vector<16xf32>
        %convert_element_type3A_519 = arith.fptosi %add3A_518 : vector<16xf32> to vector<16xi32>
        %mul3A_520 = arith.constant 10000 : i32
        %mul3A_521 = vector.broadcast %mul3A_520 : i32 to vector<16xi32>
        %mul3A_522 = arith.muli %convert_element_type3A_519, %mul3A_521 : vector<16xi32>
        %eq3A_523 = arith.cmpi eq, %mul3A_522, %add3A_513 : vector<16xi32>
        %select_n3A_524 = arith.select %eq3A_523, %convert_element_type3A_519, %broadcast_in_dim3A_84 : vector<16xi1>, vector<16xi32>
        %gather3A_525 = tpu.vector_load_idx %arg10[%select_n3A_524] : memref<112xf32, #tpu.memory_space<vmem>>[vector<16xi32>], vector<16xf32>,
        %gather3A_526 = tpu.vector_load_idx %arg11[%select_n3A_524] : memref<112xf32, #tpu.memory_space<vmem>>[vector<16xi32>], vector<16xf32>,
        %add3A_527 = arith.addf %add3A_498, %gather3A_526 : vector<16xf32>
        %add3A_528 = arith.addf %add3A_499, %gather3A_525 : vector<16xf32>
        %scan3A_529 = arith.constant 4 : i32
        %scan3A_530 = arith.addi %scan3A_412, %scan3A_529 : i32
        %add3A_531 = vector.broadcast %scan3A_530 : i32 to vector<16xi32>
        %add3A_532 = arith.addi %mul3A_167, %add3A_531 : vector<16xi32>
        %shift_right_arithmetic3A_533 = arith.constant 7 : i32
        %shift_right_arithmetic3A_534 = vector.broadcast %shift_right_arithmetic3A_533 : i32 to vector<16xi32>
        %shift_right_arithmetic3A_535 = arith.shrsi %add3A_532, %shift_right_arithmetic3A_534 : vector<16xi32>
        %and3A_536 = arith.constant 127 : i32
        %and3A_537 = vector.broadcast %and3A_536 : i32 to vector<16xi32>
        %and3A_538 = arith.andi %add3A_532, %and3A_537 : vector<16xi32>
        %gather3A_539 = tpu.vector_load_idx %arg7[%shift_right_arithmetic3A_535, %and3A_538] : memref<200x128xi32, #tpu.memory_space<vmem>>[vector<16xi32>, vector<16xi32>], vector<16xi32>,
        %add3A_540 = arith.constant 1 : i32
        %add3A_541 = vector.broadcast %add3A_540 : i32 to vector<16xi32>
        %add3A_542 = arith.addi %gather3A_539, %add3A_541 : vector<16xi32>
        %convert_element_type3A_543 = arith.sitofp %add3A_542 : vector<16xi32> to vector<16xf32>
        %mul3A_544 = vector.broadcast %scan3A_150 : f32 to vector<16xf32>
        %mul3A_545 = arith.mulf %convert_element_type3A_543, %mul3A_544 : vector<16xf32>
        %add3A_546 = vector.broadcast %scan3A_151 : f32 to vector<16xf32>
        %add3A_547 = arith.addf %mul3A_545, %add3A_546 : vector<16xf32>
        %convert_element_type3A_548 = arith.fptosi %add3A_547 : vector<16xf32> to vector<16xi32>
        %mul3A_549 = arith.constant 10000 : i32
        %mul3A_550 = vector.broadcast %mul3A_549 : i32 to vector<16xi32>
        %mul3A_551 = arith.muli %convert_element_type3A_548, %mul3A_550 : vector<16xi32>
        %eq3A_552 = arith.cmpi eq, %mul3A_551, %add3A_542 : vector<16xi32>
        %select_n3A_553 = arith.select %eq3A_552, %convert_element_type3A_548, %broadcast_in_dim3A_84 : vector<16xi1>, vector<16xi32>
        %gather3A_554 = tpu.vector_load_idx %arg10[%select_n3A_553] : memref<112xf32, #tpu.memory_space<vmem>>[vector<16xi32>], vector<16xf32>,
        %gather3A_555 = tpu.vector_load_idx %arg11[%select_n3A_553] : memref<112xf32, #tpu.memory_space<vmem>>[vector<16xi32>], vector<16xf32>,
        %add3A_556 = arith.addf %add3A_527, %gather3A_555 : vector<16xf32>
        %add3A_557 = arith.addf %add3A_528, %gather3A_554 : vector<16xf32>
        %scan3A_558 = arith.constant 5 : i32
        %scan3A_559 = arith.addi %scan3A_412, %scan3A_558 : i32
        %add3A_560 = vector.broadcast %scan3A_559 : i32 to vector<16xi32>
        %add3A_561 = arith.addi %mul3A_167, %add3A_560 : vector<16xi32>
        %shift_right_arithmetic3A_562 = arith.constant 7 : i32
        %shift_right_arithmetic3A_563 = vector.broadcast %shift_right_arithmetic3A_562 : i32 to vector<16xi32>
        %shift_right_arithmetic3A_564 = arith.shrsi %add3A_561, %shift_right_arithmetic3A_563 : vector<16xi32>
        %and3A_565 = arith.constant 127 : i32
        %and3A_566 = vector.broadcast %and3A_565 : i32 to vector<16xi32>
        %and3A_567 = arith.andi %add3A_561, %and3A_566 : vector<16xi32>
        %gather3A_568 = tpu.vector_load_idx %arg7[%shift_right_arithmetic3A_564, %and3A_567] : memref<200x128xi32, #tpu.memory_space<vmem>>[vector<16xi32>, vector<16xi32>], vector<16xi32>,
        %add3A_569 = arith.constant 1 : i32
        %add3A_570 = vector.broadcast %add3A_569 : i32 to vector<16xi32>
        %add3A_571 = arith.addi %gather3A_568, %add3A_570 : vector<16xi32>
        %convert_element_type3A_572 = arith.sitofp %add3A_571 : vector<16xi32> to vector<16xf32>
        %mul3A_573 = vector.broadcast %scan3A_150 : f32 to vector<16xf32>
        %mul3A_574 = arith.mulf %convert_element_type3A_572, %mul3A_573 : vector<16xf32>
        %add3A_575 = vector.broadcast %scan3A_151 : f32 to vector<16xf32>
        %add3A_576 = arith.addf %mul3A_574, %add3A_575 : vector<16xf32>
        %convert_element_type3A_577 = arith.fptosi %add3A_576 : vector<16xf32> to vector<16xi32>
        %mul3A_578 = arith.constant 10000 : i32
        %mul3A_579 = vector.broadcast %mul3A_578 : i32 to vector<16xi32>
        %mul3A_580 = arith.muli %convert_element_type3A_577, %mul3A_579 : vector<16xi32>
        %eq3A_581 = arith.cmpi eq, %mul3A_580, %add3A_571 : vector<16xi32>
        %select_n3A_582 = arith.select %eq3A_581, %convert_element_type3A_577, %broadcast_in_dim3A_84 : vector<16xi1>, vector<16xi32>
        %gather3A_583 = tpu.vector_load_idx %arg10[%select_n3A_582] : memref<112xf32, #tpu.memory_space<vmem>>[vector<16xi32>], vector<16xf32>,
        %gather3A_584 = tpu.vector_load_idx %arg11[%select_n3A_582] : memref<112xf32, #tpu.memory_space<vmem>>[vector<16xi32>], vector<16xf32>,
        %add3A_585 = arith.addf %add3A_556, %gather3A_584 : vector<16xf32>
        %add3A_586 = arith.addf %add3A_557, %gather3A_583 : vector<16xf32>
        %scan3A_587 = arith.constant 6 : i32
        %scan3A_588 = arith.addi %scan3A_412, %scan3A_587 : i32
        %add3A_589 = vector.broadcast %scan3A_588 : i32 to vector<16xi32>
        %add3A_590 = arith.addi %mul3A_167, %add3A_589 : vector<16xi32>
        %shift_right_arithmetic3A_591 = arith.constant 7 : i32
        %shift_right_arithmetic3A_592 = vector.broadcast %shift_right_arithmetic3A_591 : i32 to vector<16xi32>
        %shift_right_arithmetic3A_593 = arith.shrsi %add3A_590, %shift_right_arithmetic3A_592 : vector<16xi32>
        %and3A_594 = arith.constant 127 : i32
        %and3A_595 = vector.broadcast %and3A_594 : i32 to vector<16xi32>
        %and3A_596 = arith.andi %add3A_590, %and3A_595 : vector<16xi32>
        %gather3A_597 = tpu.vector_load_idx %arg7[%shift_right_arithmetic3A_593, %and3A_596] : memref<200x128xi32, #tpu.memory_space<vmem>>[vector<16xi32>, vector<16xi32>], vector<16xi32>,
        %add3A_598 = arith.constant 1 : i32
        %add3A_599 = vector.broadcast %add3A_598 : i32 to vector<16xi32>
        %add3A_600 = arith.addi %gather3A_597, %add3A_599 : vector<16xi32>
        %convert_element_type3A_601 = arith.sitofp %add3A_600 : vector<16xi32> to vector<16xf32>
        %mul3A_602 = vector.broadcast %scan3A_150 : f32 to vector<16xf32>
        %mul3A_603 = arith.mulf %convert_element_type3A_601, %mul3A_602 : vector<16xf32>
        %add3A_604 = vector.broadcast %scan3A_151 : f32 to vector<16xf32>
        %add3A_605 = arith.addf %mul3A_603, %add3A_604 : vector<16xf32>
        %convert_element_type3A_606 = arith.fptosi %add3A_605 : vector<16xf32> to vector<16xi32>
        %mul3A_607 = arith.constant 10000 : i32
        %mul3A_608 = vector.broadcast %mul3A_607 : i32 to vector<16xi32>
        %mul3A_609 = arith.muli %convert_element_type3A_606, %mul3A_608 : vector<16xi32>
        %eq3A_610 = arith.cmpi eq, %mul3A_609, %add3A_600 : vector<16xi32>
        %select_n3A_611 = arith.select %eq3A_610, %convert_element_type3A_606, %broadcast_in_dim3A_84 : vector<16xi1>, vector<16xi32>
        %gather3A_612 = tpu.vector_load_idx %arg10[%select_n3A_611] : memref<112xf32, #tpu.memory_space<vmem>>[vector<16xi32>], vector<16xf32>,
        %gather3A_613 = tpu.vector_load_idx %arg11[%select_n3A_611] : memref<112xf32, #tpu.memory_space<vmem>>[vector<16xi32>], vector<16xf32>,
        %add3A_614 = arith.addf %add3A_585, %gather3A_613 : vector<16xf32>
        %add3A_615 = arith.addf %add3A_586, %gather3A_612 : vector<16xf32>
        %scan3A_616 = arith.constant 7 : i32
        %scan3A_617 = arith.addi %scan3A_412, %scan3A_616 : i32
        %add3A_618 = vector.broadcast %scan3A_617 : i32 to vector<16xi32>
        %add3A_619 = arith.addi %mul3A_167, %add3A_618 : vector<16xi32>
        %shift_right_arithmetic3A_620 = arith.constant 7 : i32
        %shift_right_arithmetic3A_621 = vector.broadcast %shift_right_arithmetic3A_620 : i32 to vector<16xi32>
        %shift_right_arithmetic3A_622 = arith.shrsi %add3A_619, %shift_right_arithmetic3A_621 : vector<16xi32>
        %and3A_623 = arith.constant 127 : i32
        %and3A_624 = vector.broadcast %and3A_623 : i32 to vector<16xi32>
        %and3A_625 = arith.andi %add3A_619, %and3A_624 : vector<16xi32>
        %gather3A_626 = tpu.vector_load_idx %arg7[%shift_right_arithmetic3A_622, %and3A_625] : memref<200x128xi32, #tpu.memory_space<vmem>>[vector<16xi32>, vector<16xi32>], vector<16xi32>,
        %add3A_627 = arith.constant 1 : i32
        %add3A_628 = vector.broadcast %add3A_627 : i32 to vector<16xi32>
        %add3A_629 = arith.addi %gather3A_626, %add3A_628 : vector<16xi32>
        %convert_element_type3A_630 = arith.sitofp %add3A_629 : vector<16xi32> to vector<16xf32>
        %mul3A_631 = vector.broadcast %scan3A_150 : f32 to vector<16xf32>
        %mul3A_632 = arith.mulf %convert_element_type3A_630, %mul3A_631 : vector<16xf32>
        %add3A_633 = vector.broadcast %scan3A_151 : f32 to vector<16xf32>
        %add3A_634 = arith.addf %mul3A_632, %add3A_633 : vector<16xf32>
        %convert_element_type3A_635 = arith.fptosi %add3A_634 : vector<16xf32> to vector<16xi32>
        %mul3A_636 = arith.constant 10000 : i32
        %mul3A_637 = vector.broadcast %mul3A_636 : i32 to vector<16xi32>
        %mul3A_638 = arith.muli %convert_element_type3A_635, %mul3A_637 : vector<16xi32>
        %eq3A_639 = arith.cmpi eq, %mul3A_638, %add3A_629 : vector<16xi32>
        %select_n3A_640 = arith.select %eq3A_639, %convert_element_type3A_635, %broadcast_in_dim3A_84 : vector<16xi1>, vector<16xi32>
        %gather3A_641 = tpu.vector_load_idx %arg10[%select_n3A_640] : memref<112xf32, #tpu.memory_space<vmem>>[vector<16xi32>], vector<16xf32>,
        %gather3A_642 = tpu.vector_load_idx %arg11[%select_n3A_640] : memref<112xf32, #tpu.memory_space<vmem>>[vector<16xi32>], vector<16xf32>,
        %add3A_643 = arith.addf %add3A_614, %gather3A_642 : vector<16xf32>
        %add3A_644 = arith.addf %add3A_615, %gather3A_641 : vector<16xf32>
        %scan3A_645 = arith.constant 8 : i32
        %scan3A_646 = arith.addi %scan3A_412, %scan3A_645 : i32
        %add3A_647 = vector.broadcast %scan3A_646 : i32 to vector<16xi32>
        %add3A_648 = arith.addi %mul3A_167, %add3A_647 : vector<16xi32>
        %shift_right_arithmetic3A_649 = arith.constant 7 : i32
        %shift_right_arithmetic3A_650 = vector.broadcast %shift_right_arithmetic3A_649 : i32 to vector<16xi32>
        %shift_right_arithmetic3A_651 = arith.shrsi %add3A_648, %shift_right_arithmetic3A_650 : vector<16xi32>
        %and3A_652 = arith.constant 127 : i32
        %and3A_653 = vector.broadcast %and3A_652 : i32 to vector<16xi32>
        %and3A_654 = arith.andi %add3A_648, %and3A_653 : vector<16xi32>
        %gather3A_655 = tpu.vector_load_idx %arg7[%shift_right_arithmetic3A_651, %and3A_654] : memref<200x128xi32, #tpu.memory_space<vmem>>[vector<16xi32>, vector<16xi32>], vector<16xi32>,
        %add3A_656 = arith.constant 1 : i32
        %add3A_657 = vector.broadcast %add3A_656 : i32 to vector<16xi32>
        %add3A_658 = arith.addi %gather3A_655, %add3A_657 : vector<16xi32>
        %convert_element_type3A_659 = arith.sitofp %add3A_658 : vector<16xi32> to vector<16xf32>
        %mul3A_660 = vector.broadcast %scan3A_150 : f32 to vector<16xf32>
        %mul3A_661 = arith.mulf %convert_element_type3A_659, %mul3A_660 : vector<16xf32>
        %add3A_662 = vector.broadcast %scan3A_151 : f32 to vector<16xf32>
        %add3A_663 = arith.addf %mul3A_661, %add3A_662 : vector<16xf32>
        %convert_element_type3A_664 = arith.fptosi %add3A_663 : vector<16xf32> to vector<16xi32>
        %mul3A_665 = arith.constant 10000 : i32
        %mul3A_666 = vector.broadcast %mul3A_665 : i32 to vector<16xi32>
        %mul3A_667 = arith.muli %convert_element_type3A_664, %mul3A_666 : vector<16xi32>
        %eq3A_668 = arith.cmpi eq, %mul3A_667, %add3A_658 : vector<16xi32>
        %select_n3A_669 = arith.select %eq3A_668, %convert_element_type3A_664, %broadcast_in_dim3A_84 : vector<16xi1>, vector<16xi32>
        %gather3A_670 = tpu.vector_load_idx %arg10[%select_n3A_669] : memref<112xf32, #tpu.memory_space<vmem>>[vector<16xi32>], vector<16xf32>,
        %gather3A_671 = tpu.vector_load_idx %arg11[%select_n3A_669] : memref<112xf32, #tpu.memory_space<vmem>>[vector<16xi32>], vector<16xf32>,
        %add3A_672 = arith.addf %add3A_643, %gather3A_671 : vector<16xf32>
        %add3A_673 = arith.addf %add3A_644, %gather3A_670 : vector<16xf32>
        %scan3A_674 = arith.constant 9 : i32
        %scan3A_675 = arith.addi %scan3A_412, %scan3A_674 : i32
        %add3A_676 = vector.broadcast %scan3A_675 : i32 to vector<16xi32>
        %add3A_677 = arith.addi %mul3A_167, %add3A_676 : vector<16xi32>
        %shift_right_arithmetic3A_678 = arith.constant 7 : i32
        %shift_right_arithmetic3A_679 = vector.broadcast %shift_right_arithmetic3A_678 : i32 to vector<16xi32>
        %shift_right_arithmetic3A_680 = arith.shrsi %add3A_677, %shift_right_arithmetic3A_679 : vector<16xi32>
        %and3A_681 = arith.constant 127 : i32
        %and3A_682 = vector.broadcast %and3A_681 : i32 to vector<16xi32>
        %and3A_683 = arith.andi %add3A_677, %and3A_682 : vector<16xi32>
        %gather3A_684 = tpu.vector_load_idx %arg7[%shift_right_arithmetic3A_680, %and3A_683] : memref<200x128xi32, #tpu.memory_space<vmem>>[vector<16xi32>, vector<16xi32>], vector<16xi32>,
        %add3A_685 = arith.constant 1 : i32
        %add3A_686 = vector.broadcast %add3A_685 : i32 to vector<16xi32>
        %add3A_687 = arith.addi %gather3A_684, %add3A_686 : vector<16xi32>
        %convert_element_type3A_688 = arith.sitofp %add3A_687 : vector<16xi32> to vector<16xf32>
        %mul3A_689 = vector.broadcast %scan3A_150 : f32 to vector<16xf32>
        %mul3A_690 = arith.mulf %convert_element_type3A_688, %mul3A_689 : vector<16xf32>
        %add3A_691 = vector.broadcast %scan3A_151 : f32 to vector<16xf32>
        %add3A_692 = arith.addf %mul3A_690, %add3A_691 : vector<16xf32>
        %convert_element_type3A_693 = arith.fptosi %add3A_692 : vector<16xf32> to vector<16xi32>
        %mul3A_694 = arith.constant 10000 : i32
        %mul3A_695 = vector.broadcast %mul3A_694 : i32 to vector<16xi32>
        %mul3A_696 = arith.muli %convert_element_type3A_693, %mul3A_695 : vector<16xi32>
        %eq3A_697 = arith.cmpi eq, %mul3A_696, %add3A_687 : vector<16xi32>
        %select_n3A_698 = arith.select %eq3A_697, %convert_element_type3A_693, %broadcast_in_dim3A_84 : vector<16xi1>, vector<16xi32>
        %gather3A_699 = tpu.vector_load_idx %arg10[%select_n3A_698] : memref<112xf32, #tpu.memory_space<vmem>>[vector<16xi32>], vector<16xf32>,
        %gather3A_700 = tpu.vector_load_idx %arg11[%select_n3A_698] : memref<112xf32, #tpu.memory_space<vmem>>[vector<16xi32>], vector<16xf32>,
        %add3A_701 = arith.addf %add3A_672, %gather3A_700 : vector<16xf32>
        %add3A_702 = arith.addf %add3A_673, %gather3A_699 : vector<16xf32>
        %scan3A_703 = arith.constant 10 : i32
        %scan3A_704 = arith.addi %scan3A_412, %scan3A_703 : i32
        %add3A_705 = vector.broadcast %scan3A_704 : i32 to vector<16xi32>
        %add3A_706 = arith.addi %mul3A_167, %add3A_705 : vector<16xi32>
        %shift_right_arithmetic3A_707 = arith.constant 7 : i32
        %shift_right_arithmetic3A_708 = vector.broadcast %shift_right_arithmetic3A_707 : i32 to vector<16xi32>
        %shift_right_arithmetic3A_709 = arith.shrsi %add3A_706, %shift_right_arithmetic3A_708 : vector<16xi32>
        %and3A_710 = arith.constant 127 : i32
        %and3A_711 = vector.broadcast %and3A_710 : i32 to vector<16xi32>
        %and3A_712 = arith.andi %add3A_706, %and3A_711 : vector<16xi32>
        %gather3A_713 = tpu.vector_load_idx %arg7[%shift_right_arithmetic3A_709, %and3A_712] : memref<200x128xi32, #tpu.memory_space<vmem>>[vector<16xi32>, vector<16xi32>], vector<16xi32>,
        %add3A_714 = arith.constant 1 : i32
        %add3A_715 = vector.broadcast %add3A_714 : i32 to vector<16xi32>
        %add3A_716 = arith.addi %gather3A_713, %add3A_715 : vector<16xi32>
        %convert_element_type3A_717 = arith.sitofp %add3A_716 : vector<16xi32> to vector<16xf32>
        %mul3A_718 = vector.broadcast %scan3A_150 : f32 to vector<16xf32>
        %mul3A_719 = arith.mulf %convert_element_type3A_717, %mul3A_718 : vector<16xf32>
        %add3A_720 = vector.broadcast %scan3A_151 : f32 to vector<16xf32>
        %add3A_721 = arith.addf %mul3A_719, %add3A_720 : vector<16xf32>
        %convert_element_type3A_722 = arith.fptosi %add3A_721 : vector<16xf32> to vector<16xi32>
        %mul3A_723 = arith.constant 10000 : i32
        %mul3A_724 = vector.broadcast %mul3A_723 : i32 to vector<16xi32>
        %mul3A_725 = arith.muli %convert_element_type3A_722, %mul3A_724 : vector<16xi32>
        %eq3A_726 = arith.cmpi eq, %mul3A_725, %add3A_716 : vector<16xi32>
        %select_n3A_727 = arith.select %eq3A_726, %convert_element_type3A_722, %broadcast_in_dim3A_84 : vector<16xi1>, vector<16xi32>
        %gather3A_728 = tpu.vector_load_idx %arg10[%select_n3A_727] : memref<112xf32, #tpu.memory_space<vmem>>[vector<16xi32>], vector<16xf32>,
        %gather3A_729 = tpu.vector_load_idx %arg11[%select_n3A_727] : memref<112xf32, #tpu.memory_space<vmem>>[vector<16xi32>], vector<16xf32>,
        %add3A_730 = arith.addf %add3A_701, %gather3A_729 : vector<16xf32>
        %add3A_731 = arith.addf %add3A_702, %gather3A_728 : vector<16xf32>
        %scan3A_732 = arith.constant 11 : i32
        %scan3A_733 = arith.addi %scan3A_412, %scan3A_732 : i32
        %add3A_734 = vector.broadcast %scan3A_733 : i32 to vector<16xi32>
        %add3A_735 = arith.addi %mul3A_167, %add3A_734 : vector<16xi32>
        %shift_right_arithmetic3A_736 = arith.constant 7 : i32
        %shift_right_arithmetic3A_737 = vector.broadcast %shift_right_arithmetic3A_736 : i32 to vector<16xi32>
        %shift_right_arithmetic3A_738 = arith.shrsi %add3A_735, %shift_right_arithmetic3A_737 : vector<16xi32>
        %and3A_739 = arith.constant 127 : i32
        %and3A_740 = vector.broadcast %and3A_739 : i32 to vector<16xi32>
        %and3A_741 = arith.andi %add3A_735, %and3A_740 : vector<16xi32>
        %gather3A_742 = tpu.vector_load_idx %arg7[%shift_right_arithmetic3A_738, %and3A_741] : memref<200x128xi32, #tpu.memory_space<vmem>>[vector<16xi32>, vector<16xi32>], vector<16xi32>,
        %add3A_743 = arith.constant 1 : i32
        %add3A_744 = vector.broadcast %add3A_743 : i32 to vector<16xi32>
        %add3A_745 = arith.addi %gather3A_742, %add3A_744 : vector<16xi32>
        %convert_element_type3A_746 = arith.sitofp %add3A_745 : vector<16xi32> to vector<16xf32>
        %mul3A_747 = vector.broadcast %scan3A_150 : f32 to vector<16xf32>
        %mul3A_748 = arith.mulf %convert_element_type3A_746, %mul3A_747 : vector<16xf32>
        %add3A_749 = vector.broadcast %scan3A_151 : f32 to vector<16xf32>
        %add3A_750 = arith.addf %mul3A_748, %add3A_749 : vector<16xf32>
        %convert_element_type3A_751 = arith.fptosi %add3A_750 : vector<16xf32> to vector<16xi32>
        %mul3A_752 = arith.constant 10000 : i32
        %mul3A_753 = vector.broadcast %mul3A_752 : i32 to vector<16xi32>
        %mul3A_754 = arith.muli %convert_element_type3A_751, %mul3A_753 : vector<16xi32>
        %eq3A_755 = arith.cmpi eq, %mul3A_754, %add3A_745 : vector<16xi32>
        %select_n3A_756 = arith.select %eq3A_755, %convert_element_type3A_751, %broadcast_in_dim3A_84 : vector<16xi1>, vector<16xi32>
        %gather3A_757 = tpu.vector_load_idx %arg10[%select_n3A_756] : memref<112xf32, #tpu.memory_space<vmem>>[vector<16xi32>], vector<16xf32>,
        %gather3A_758 = tpu.vector_load_idx %arg11[%select_n3A_756] : memref<112xf32, #tpu.memory_space<vmem>>[vector<16xi32>], vector<16xf32>,
        %add3A_759 = arith.addf %add3A_730, %gather3A_758 : vector<16xf32>
        %add3A_760 = arith.addf %add3A_731, %gather3A_757 : vector<16xf32>
        %scan3A_761 = arith.constant 12 : i32
        %scan3A_762 = arith.addi %scan3A_412, %scan3A_761 : i32
        %add3A_763 = vector.broadcast %scan3A_762 : i32 to vector<16xi32>
        %add3A_764 = arith.addi %mul3A_167, %add3A_763 : vector<16xi32>
        %shift_right_arithmetic3A_765 = arith.constant 7 : i32
        %shift_right_arithmetic3A_766 = vector.broadcast %shift_right_arithmetic3A_765 : i32 to vector<16xi32>
        %shift_right_arithmetic3A_767 = arith.shrsi %add3A_764, %shift_right_arithmetic3A_766 : vector<16xi32>
        %and3A_768 = arith.constant 127 : i32
        %and3A_769 = vector.broadcast %and3A_768 : i32 to vector<16xi32>
        %and3A_770 = arith.andi %add3A_764, %and3A_769 : vector<16xi32>
        %gather3A_771 = tpu.vector_load_idx %arg7[%shift_right_arithmetic3A_767, %and3A_770] : memref<200x128xi32, #tpu.memory_space<vmem>>[vector<16xi32>, vector<16xi32>], vector<16xi32>,
        %add3A_772 = arith.constant 1 : i32
        %add3A_773 = vector.broadcast %add3A_772 : i32 to vector<16xi32>
        %add3A_774 = arith.addi %gather3A_771, %add3A_773 : vector<16xi32>
        %convert_element_type3A_775 = arith.sitofp %add3A_774 : vector<16xi32> to vector<16xf32>
        %mul3A_776 = vector.broadcast %scan3A_150 : f32 to vector<16xf32>
        %mul3A_777 = arith.mulf %convert_element_type3A_775, %mul3A_776 : vector<16xf32>
        %add3A_778 = vector.broadcast %scan3A_151 : f32 to vector<16xf32>
        %add3A_779 = arith.addf %mul3A_777, %add3A_778 : vector<16xf32>
        %convert_element_type3A_780 = arith.fptosi %add3A_779 : vector<16xf32> to vector<16xi32>
        %mul3A_781 = arith.constant 10000 : i32
        %mul3A_782 = vector.broadcast %mul3A_781 : i32 to vector<16xi32>
        %mul3A_783 = arith.muli %convert_element_type3A_780, %mul3A_782 : vector<16xi32>
        %eq3A_784 = arith.cmpi eq, %mul3A_783, %add3A_774 : vector<16xi32>
        %select_n3A_785 = arith.select %eq3A_784, %convert_element_type3A_780, %broadcast_in_dim3A_84 : vector<16xi1>, vector<16xi32>
        %gather3A_786 = tpu.vector_load_idx %arg10[%select_n3A_785] : memref<112xf32, #tpu.memory_space<vmem>>[vector<16xi32>], vector<16xf32>,
        %gather3A_787 = tpu.vector_load_idx %arg11[%select_n3A_785] : memref<112xf32, #tpu.memory_space<vmem>>[vector<16xi32>], vector<16xf32>,
        %add3A_788 = arith.addf %add3A_759, %gather3A_787 : vector<16xf32>
        %add3A_789 = arith.addf %add3A_760, %gather3A_786 : vector<16xf32>
        %scan3A_790 = arith.constant 13 : i32
        %scan3A_791 = arith.addi %scan3A_412, %scan3A_790 : i32
        %add3A_792 = vector.broadcast %scan3A_791 : i32 to vector<16xi32>
        %add3A_793 = arith.addi %mul3A_167, %add3A_792 : vector<16xi32>
        %shift_right_arithmetic3A_794 = arith.constant 7 : i32
        %shift_right_arithmetic3A_795 = vector.broadcast %shift_right_arithmetic3A_794 : i32 to vector<16xi32>
        %shift_right_arithmetic3A_796 = arith.shrsi %add3A_793, %shift_right_arithmetic3A_795 : vector<16xi32>
        %and3A_797 = arith.constant 127 : i32
        %and3A_798 = vector.broadcast %and3A_797 : i32 to vector<16xi32>
        %and3A_799 = arith.andi %add3A_793, %and3A_798 : vector<16xi32>
        %gather3A_800 = tpu.vector_load_idx %arg7[%shift_right_arithmetic3A_796, %and3A_799] : memref<200x128xi32, #tpu.memory_space<vmem>>[vector<16xi32>, vector<16xi32>], vector<16xi32>,
        %add3A_801 = arith.constant 1 : i32
        %add3A_802 = vector.broadcast %add3A_801 : i32 to vector<16xi32>
        %add3A_803 = arith.addi %gather3A_800, %add3A_802 : vector<16xi32>
        %convert_element_type3A_804 = arith.sitofp %add3A_803 : vector<16xi32> to vector<16xf32>
        %mul3A_805 = vector.broadcast %scan3A_150 : f32 to vector<16xf32>
        %mul3A_806 = arith.mulf %convert_element_type3A_804, %mul3A_805 : vector<16xf32>
        %add3A_807 = vector.broadcast %scan3A_151 : f32 to vector<16xf32>
        %add3A_808 = arith.addf %mul3A_806, %add3A_807 : vector<16xf32>
        %convert_element_type3A_809 = arith.fptosi %add3A_808 : vector<16xf32> to vector<16xi32>
        %mul3A_810 = arith.constant 10000 : i32
        %mul3A_811 = vector.broadcast %mul3A_810 : i32 to vector<16xi32>
        %mul3A_812 = arith.muli %convert_element_type3A_809, %mul3A_811 : vector<16xi32>
        %eq3A_813 = arith.cmpi eq, %mul3A_812, %add3A_803 : vector<16xi32>
        %select_n3A_814 = arith.select %eq3A_813, %convert_element_type3A_809, %broadcast_in_dim3A_84 : vector<16xi1>, vector<16xi32>
        %gather3A_815 = tpu.vector_load_idx %arg10[%select_n3A_814] : memref<112xf32, #tpu.memory_space<vmem>>[vector<16xi32>], vector<16xf32>,
        %gather3A_816 = tpu.vector_load_idx %arg11[%select_n3A_814] : memref<112xf32, #tpu.memory_space<vmem>>[vector<16xi32>], vector<16xf32>,
        %add3A_817 = arith.addf %add3A_788, %gather3A_816 : vector<16xf32>
        %add3A_818 = arith.addf %add3A_789, %gather3A_815 : vector<16xf32>
        %scan3A_819 = arith.constant 14 : i32
        %scan3A_820 = arith.addi %scan3A_412, %scan3A_819 : i32
        %add3A_821 = vector.broadcast %scan3A_820 : i32 to vector<16xi32>
        %add3A_822 = arith.addi %mul3A_167, %add3A_821 : vector<16xi32>
        %shift_right_arithmetic3A_823 = arith.constant 7 : i32
        %shift_right_arithmetic3A_824 = vector.broadcast %shift_right_arithmetic3A_823 : i32 to vector<16xi32>
        %shift_right_arithmetic3A_825 = arith.shrsi %add3A_822, %shift_right_arithmetic3A_824 : vector<16xi32>
        %and3A_826 = arith.constant 127 : i32
        %and3A_827 = vector.broadcast %and3A_826 : i32 to vector<16xi32>
        %and3A_828 = arith.andi %add3A_822, %and3A_827 : vector<16xi32>
        %gather3A_829 = tpu.vector_load_idx %arg7[%shift_right_arithmetic3A_825, %and3A_828] : memref<200x128xi32, #tpu.memory_space<vmem>>[vector<16xi32>, vector<16xi32>], vector<16xi32>,
        %add3A_830 = arith.constant 1 : i32
        %add3A_831 = vector.broadcast %add3A_830 : i32 to vector<16xi32>
        %add3A_832 = arith.addi %gather3A_829, %add3A_831 : vector<16xi32>
        %convert_element_type3A_833 = arith.sitofp %add3A_832 : vector<16xi32> to vector<16xf32>
        %mul3A_834 = vector.broadcast %scan3A_150 : f32 to vector<16xf32>
        %mul3A_835 = arith.mulf %convert_element_type3A_833, %mul3A_834 : vector<16xf32>
        %add3A_836 = vector.broadcast %scan3A_151 : f32 to vector<16xf32>
        %add3A_837 = arith.addf %mul3A_835, %add3A_836 : vector<16xf32>
        %convert_element_type3A_838 = arith.fptosi %add3A_837 : vector<16xf32> to vector<16xi32>
        %mul3A_839 = arith.constant 10000 : i32
        %mul3A_840 = vector.broadcast %mul3A_839 : i32 to vector<16xi32>
        %mul3A_841 = arith.muli %convert_element_type3A_838, %mul3A_840 : vector<16xi32>
        %eq3A_842 = arith.cmpi eq, %mul3A_841, %add3A_832 : vector<16xi32>
        %select_n3A_843 = arith.select %eq3A_842, %convert_element_type3A_838, %broadcast_in_dim3A_84 : vector<16xi1>, vector<16xi32>
        %gather3A_844 = tpu.vector_load_idx %arg10[%select_n3A_843] : memref<112xf32, #tpu.memory_space<vmem>>[vector<16xi32>], vector<16xf32>,
        %gather3A_845 = tpu.vector_load_idx %arg11[%select_n3A_843] : memref<112xf32, #tpu.memory_space<vmem>>[vector<16xi32>], vector<16xf32>,
        %add3A_846 = arith.addf %add3A_817, %gather3A_845 : vector<16xf32>
        %add3A_847 = arith.addf %add3A_818, %gather3A_844 : vector<16xf32>
        %scan3A_848 = arith.constant 15 : i32
        %scan3A_849 = arith.addi %scan3A_412, %scan3A_848 : i32
        %add3A_850 = vector.broadcast %scan3A_849 : i32 to vector<16xi32>
        %add3A_851 = arith.addi %mul3A_167, %add3A_850 : vector<16xi32>
        %shift_right_arithmetic3A_852 = arith.constant 7 : i32
        %shift_right_arithmetic3A_853 = vector.broadcast %shift_right_arithmetic3A_852 : i32 to vector<16xi32>
        %shift_right_arithmetic3A_854 = arith.shrsi %add3A_851, %shift_right_arithmetic3A_853 : vector<16xi32>
        %and3A_855 = arith.constant 127 : i32
        %and3A_856 = vector.broadcast %and3A_855 : i32 to vector<16xi32>
        %and3A_857 = arith.andi %add3A_851, %and3A_856 : vector<16xi32>
        %gather3A_858 = tpu.vector_load_idx %arg7[%shift_right_arithmetic3A_854, %and3A_857] : memref<200x128xi32, #tpu.memory_space<vmem>>[vector<16xi32>, vector<16xi32>], vector<16xi32>,
        %add3A_859 = arith.constant 1 : i32
        %add3A_860 = vector.broadcast %add3A_859 : i32 to vector<16xi32>
        %add3A_861 = arith.addi %gather3A_858, %add3A_860 : vector<16xi32>
        %convert_element_type3A_862 = arith.sitofp %add3A_861 : vector<16xi32> to vector<16xf32>
        %mul3A_863 = vector.broadcast %scan3A_150 : f32 to vector<16xf32>
        %mul3A_864 = arith.mulf %convert_element_type3A_862, %mul3A_863 : vector<16xf32>
        %add3A_865 = vector.broadcast %scan3A_151 : f32 to vector<16xf32>
        %add3A_866 = arith.addf %mul3A_864, %add3A_865 : vector<16xf32>
        %convert_element_type3A_867 = arith.fptosi %add3A_866 : vector<16xf32> to vector<16xi32>
        %mul3A_868 = arith.constant 10000 : i32
        %mul3A_869 = vector.broadcast %mul3A_868 : i32 to vector<16xi32>
        %mul3A_870 = arith.muli %convert_element_type3A_867, %mul3A_869 : vector<16xi32>
        %eq3A_871 = arith.cmpi eq, %mul3A_870, %add3A_861 : vector<16xi32>
        %select_n3A_872 = arith.select %eq3A_871, %convert_element_type3A_867, %broadcast_in_dim3A_84 : vector<16xi1>, vector<16xi32>
        %gather3A_873 = tpu.vector_load_idx %arg10[%select_n3A_872] : memref<112xf32, #tpu.memory_space<vmem>>[vector<16xi32>], vector<16xf32>,
        %gather3A_874 = tpu.vector_load_idx %arg11[%select_n3A_872] : memref<112xf32, #tpu.memory_space<vmem>>[vector<16xi32>], vector<16xf32>,
        %add3A_875 = arith.addf %add3A_846, %gather3A_874 : vector<16xf32>
        %add3A_876 = arith.addf %add3A_847, %gather3A_873 : vector<16xf32>
        scf.yield %add3A_875, %add3A_876 : vector<16xf32>, vector<16xf32>
      }
      %scan3A_173 = arith.constant 192 : i32
      %scan3A_174 = arith.addi %scan3A_168, %scan3A_173 : i32
      %add3A_175 = vector.broadcast %scan3A_174 : i32 to vector<16xi32>
      %add3A_176 = arith.addi %mul3A_167, %add3A_175 : vector<16xi32>
      %shift_right_arithmetic3A = arith.constant 7 : i32
      %shift_right_arithmetic3A_177 = vector.broadcast %shift_right_arithmetic3A : i32 to vector<16xi32>
      %shift_right_arithmetic3A_178 = arith.shrsi %add3A_176, %shift_right_arithmetic3A_177 : vector<16xi32>
      %and3A = arith.constant 127 : i32
      %and3A_179 = vector.broadcast %and3A : i32 to vector<16xi32>
      %and3A_180 = arith.andi %add3A_176, %and3A_179 : vector<16xi32>
      %gather3A = tpu.vector_load_idx %arg7[%shift_right_arithmetic3A_178, %and3A_180] : memref<200x128xi32, #tpu.memory_space<vmem>>[vector<16xi32>, vector<16xi32>], vector<16xi32>,
      %add3A_181 = arith.constant 1 : i32
      %add3A_182 = vector.broadcast %add3A_181 : i32 to vector<16xi32>
      %add3A_183 = arith.addi %gather3A, %add3A_182 : vector<16xi32>
      %convert_element_type3A = arith.sitofp %add3A_183 : vector<16xi32> to vector<16xf32>
      %mul3A_184 = vector.broadcast %scan3A_150 : f32 to vector<16xf32>
      %mul3A_185 = arith.mulf %convert_element_type3A, %mul3A_184 : vector<16xf32>
      %add3A_186 = vector.broadcast %scan3A_151 : f32 to vector<16xf32>
      %add3A_187 = arith.addf %mul3A_185, %add3A_186 : vector<16xf32>
      %convert_element_type3A_188 = arith.fptosi %add3A_187 : vector<16xf32> to vector<16xi32>
      %mul3A_189 = arith.constant 10000 : i32
      %mul3A_190 = vector.broadcast %mul3A_189 : i32 to vector<16xi32>
      %mul3A_191 = arith.muli %convert_element_type3A_188, %mul3A_190 : vector<16xi32>
      %eq3A_192 = arith.cmpi eq, %mul3A_191, %add3A_183 : vector<16xi32>
      %select_n3A_193 = arith.select %eq3A_192, %convert_element_type3A_188, %broadcast_in_dim3A_84 : vector<16xi1>, vector<16xi32>
      %gather3A_194 = tpu.vector_load_idx %arg10[%select_n3A_193] : memref<112xf32, #tpu.memory_space<vmem>>[vector<16xi32>], vector<16xf32>,
      %gather3A_195 = tpu.vector_load_idx %arg11[%select_n3A_193] : memref<112xf32, #tpu.memory_space<vmem>>[vector<16xi32>], vector<16xf32>,
      %add3A_196 = arith.addf %scan3A_172#0, %gather3A_195 : vector<16xf32>
      %add3A_197 = arith.addf %scan3A_172#1, %gather3A_194 : vector<16xf32>
      %scan3A_198 = arith.constant 193 : i32
      %scan3A_199 = arith.addi %scan3A_168, %scan3A_198 : i32
      %add3A_200 = vector.broadcast %scan3A_199 : i32 to vector<16xi32>
      %add3A_201 = arith.addi %mul3A_167, %add3A_200 : vector<16xi32>
      %shift_right_arithmetic3A_202 = arith.constant 7 : i32
      %shift_right_arithmetic3A_203 = vector.broadcast %shift_right_arithmetic3A_202 : i32 to vector<16xi32>
      %shift_right_arithmetic3A_204 = arith.shrsi %add3A_201, %shift_right_arithmetic3A_203 : vector<16xi32>
      %and3A_205 = arith.constant 127 : i32
      %and3A_206 = vector.broadcast %and3A_205 : i32 to vector<16xi32>
      %and3A_207 = arith.andi %add3A_201, %and3A_206 : vector<16xi32>
      %gather3A_208 = tpu.vector_load_idx %arg7[%shift_right_arithmetic3A_204, %and3A_207] : memref<200x128xi32, #tpu.memory_space<vmem>>[vector<16xi32>, vector<16xi32>], vector<16xi32>,
      %add3A_209 = arith.constant 1 : i32
      %add3A_210 = vector.broadcast %add3A_209 : i32 to vector<16xi32>
      %add3A_211 = arith.addi %gather3A_208, %add3A_210 : vector<16xi32>
      %convert_element_type3A_212 = arith.sitofp %add3A_211 : vector<16xi32> to vector<16xf32>
      %mul3A_213 = vector.broadcast %scan3A_150 : f32 to vector<16xf32>
      %mul3A_214 = arith.mulf %convert_element_type3A_212, %mul3A_213 : vector<16xf32>
      %add3A_215 = vector.broadcast %scan3A_151 : f32 to vector<16xf32>
      %add3A_216 = arith.addf %mul3A_214, %add3A_215 : vector<16xf32>
      %convert_element_type3A_217 = arith.fptosi %add3A_216 : vector<16xf32> to vector<16xi32>
      %mul3A_218 = arith.constant 10000 : i32
      %mul3A_219 = vector.broadcast %mul3A_218 : i32 to vector<16xi32>
      %mul3A_220 = arith.muli %convert_element_type3A_217, %mul3A_219 : vector<16xi32>
      %eq3A_221 = arith.cmpi eq, %mul3A_220, %add3A_211 : vector<16xi32>
      %select_n3A_222 = arith.select %eq3A_221, %convert_element_type3A_217, %broadcast_in_dim3A_84 : vector<16xi1>, vector<16xi32>
      %gather3A_223 = tpu.vector_load_idx %arg10[%select_n3A_222] : memref<112xf32, #tpu.memory_space<vmem>>[vector<16xi32>], vector<16xf32>,
      %gather3A_224 = tpu.vector_load_idx %arg11[%select_n3A_222] : memref<112xf32, #tpu.memory_space<vmem>>[vector<16xi32>], vector<16xf32>,
      %add3A_225 = arith.addf %add3A_196, %gather3A_224 : vector<16xf32>
      %add3A_226 = arith.addf %add3A_197, %gather3A_223 : vector<16xf32>
      %scan3A_227 = arith.constant 194 : i32
      %scan3A_228 = arith.addi %scan3A_168, %scan3A_227 : i32
      %add3A_229 = vector.broadcast %scan3A_228 : i32 to vector<16xi32>
      %add3A_230 = arith.addi %mul3A_167, %add3A_229 : vector<16xi32>
      %shift_right_arithmetic3A_231 = arith.constant 7 : i32
      %shift_right_arithmetic3A_232 = vector.broadcast %shift_right_arithmetic3A_231 : i32 to vector<16xi32>
      %shift_right_arithmetic3A_233 = arith.shrsi %add3A_230, %shift_right_arithmetic3A_232 : vector<16xi32>
      %and3A_234 = arith.constant 127 : i32
      %and3A_235 = vector.broadcast %and3A_234 : i32 to vector<16xi32>
      %and3A_236 = arith.andi %add3A_230, %and3A_235 : vector<16xi32>
      %gather3A_237 = tpu.vector_load_idx %arg7[%shift_right_arithmetic3A_233, %and3A_236] : memref<200x128xi32, #tpu.memory_space<vmem>>[vector<16xi32>, vector<16xi32>], vector<16xi32>,
      %add3A_238 = arith.constant 1 : i32
      %add3A_239 = vector.broadcast %add3A_238 : i32 to vector<16xi32>
      %add3A_240 = arith.addi %gather3A_237, %add3A_239 : vector<16xi32>
      %convert_element_type3A_241 = arith.sitofp %add3A_240 : vector<16xi32> to vector<16xf32>
      %mul3A_242 = vector.broadcast %scan3A_150 : f32 to vector<16xf32>
      %mul3A_243 = arith.mulf %convert_element_type3A_241, %mul3A_242 : vector<16xf32>
      %add3A_244 = vector.broadcast %scan3A_151 : f32 to vector<16xf32>
      %add3A_245 = arith.addf %mul3A_243, %add3A_244 : vector<16xf32>
      %convert_element_type3A_246 = arith.fptosi %add3A_245 : vector<16xf32> to vector<16xi32>
      %mul3A_247 = arith.constant 10000 : i32
      %mul3A_248 = vector.broadcast %mul3A_247 : i32 to vector<16xi32>
      %mul3A_249 = arith.muli %convert_element_type3A_246, %mul3A_248 : vector<16xi32>
      %eq3A_250 = arith.cmpi eq, %mul3A_249, %add3A_240 : vector<16xi32>
      %select_n3A_251 = arith.select %eq3A_250, %convert_element_type3A_246, %broadcast_in_dim3A_84 : vector<16xi1>, vector<16xi32>
      %gather3A_252 = tpu.vector_load_idx %arg10[%select_n3A_251] : memref<112xf32, #tpu.memory_space<vmem>>[vector<16xi32>], vector<16xf32>,
      %gather3A_253 = tpu.vector_load_idx %arg11[%select_n3A_251] : memref<112xf32, #tpu.memory_space<vmem>>[vector<16xi32>], vector<16xf32>,
      %add3A_254 = arith.addf %add3A_225, %gather3A_253 : vector<16xf32>
      %add3A_255 = arith.addf %add3A_226, %gather3A_252 : vector<16xf32>
      %scan3A_256 = arith.constant 195 : i32
      %scan3A_257 = arith.addi %scan3A_168, %scan3A_256 : i32
      %add3A_258 = vector.broadcast %scan3A_257 : i32 to vector<16xi32>
      %add3A_259 = arith.addi %mul3A_167, %add3A_258 : vector<16xi32>
      %shift_right_arithmetic3A_260 = arith.constant 7 : i32
      %shift_right_arithmetic3A_261 = vector.broadcast %shift_right_arithmetic3A_260 : i32 to vector<16xi32>
      %shift_right_arithmetic3A_262 = arith.shrsi %add3A_259, %shift_right_arithmetic3A_261 : vector<16xi32>
      %and3A_263 = arith.constant 127 : i32
      %and3A_264 = vector.broadcast %and3A_263 : i32 to vector<16xi32>
      %and3A_265 = arith.andi %add3A_259, %and3A_264 : vector<16xi32>
      %gather3A_266 = tpu.vector_load_idx %arg7[%shift_right_arithmetic3A_262, %and3A_265] : memref<200x128xi32, #tpu.memory_space<vmem>>[vector<16xi32>, vector<16xi32>], vector<16xi32>,
      %add3A_267 = arith.constant 1 : i32
      %add3A_268 = vector.broadcast %add3A_267 : i32 to vector<16xi32>
      %add3A_269 = arith.addi %gather3A_266, %add3A_268 : vector<16xi32>
      %convert_element_type3A_270 = arith.sitofp %add3A_269 : vector<16xi32> to vector<16xf32>
      %mul3A_271 = vector.broadcast %scan3A_150 : f32 to vector<16xf32>
      %mul3A_272 = arith.mulf %convert_element_type3A_270, %mul3A_271 : vector<16xf32>
      %add3A_273 = vector.broadcast %scan3A_151 : f32 to vector<16xf32>
      %add3A_274 = arith.addf %mul3A_272, %add3A_273 : vector<16xf32>
      %convert_element_type3A_275 = arith.fptosi %add3A_274 : vector<16xf32> to vector<16xi32>
      %mul3A_276 = arith.constant 10000 : i32
      %mul3A_277 = vector.broadcast %mul3A_276 : i32 to vector<16xi32>
      %mul3A_278 = arith.muli %convert_element_type3A_275, %mul3A_277 : vector<16xi32>
      %eq3A_279 = arith.cmpi eq, %mul3A_278, %add3A_269 : vector<16xi32>
      %select_n3A_280 = arith.select %eq3A_279, %convert_element_type3A_275, %broadcast_in_dim3A_84 : vector<16xi1>, vector<16xi32>
      %gather3A_281 = tpu.vector_load_idx %arg10[%select_n3A_280] : memref<112xf32, #tpu.memory_space<vmem>>[vector<16xi32>], vector<16xf32>,
      %gather3A_282 = tpu.vector_load_idx %arg11[%select_n3A_280] : memref<112xf32, #tpu.memory_space<vmem>>[vector<16xi32>], vector<16xf32>,
      %add3A_283 = arith.addf %add3A_254, %gather3A_282 : vector<16xf32>
      %add3A_284 = arith.addf %add3A_255, %gather3A_281 : vector<16xf32>
      %scan3A_285 = arith.constant 196 : i32
      %scan3A_286 = arith.addi %scan3A_168, %scan3A_285 : i32
      %add3A_287 = vector.broadcast %scan3A_286 : i32 to vector<16xi32>
      %add3A_288 = arith.addi %mul3A_167, %add3A_287 : vector<16xi32>
      %shift_right_arithmetic3A_289 = arith.constant 7 : i32
      %shift_right_arithmetic3A_290 = vector.broadcast %shift_right_arithmetic3A_289 : i32 to vector<16xi32>
      %shift_right_arithmetic3A_291 = arith.shrsi %add3A_288, %shift_right_arithmetic3A_290 : vector<16xi32>
      %and3A_292 = arith.constant 127 : i32
      %and3A_293 = vector.broadcast %and3A_292 : i32 to vector<16xi32>
      %and3A_294 = arith.andi %add3A_288, %and3A_293 : vector<16xi32>
      %gather3A_295 = tpu.vector_load_idx %arg7[%shift_right_arithmetic3A_291, %and3A_294] : memref<200x128xi32, #tpu.memory_space<vmem>>[vector<16xi32>, vector<16xi32>], vector<16xi32>,
      %add3A_296 = arith.constant 1 : i32
      %add3A_297 = vector.broadcast %add3A_296 : i32 to vector<16xi32>
      %add3A_298 = arith.addi %gather3A_295, %add3A_297 : vector<16xi32>
      %convert_element_type3A_299 = arith.sitofp %add3A_298 : vector<16xi32> to vector<16xf32>
      %mul3A_300 = vector.broadcast %scan3A_150 : f32 to vector<16xf32>
      %mul3A_301 = arith.mulf %convert_element_type3A_299, %mul3A_300 : vector<16xf32>
      %add3A_302 = vector.broadcast %scan3A_151 : f32 to vector<16xf32>
      %add3A_303 = arith.addf %mul3A_301, %add3A_302 : vector<16xf32>
      %convert_element_type3A_304 = arith.fptosi %add3A_303 : vector<16xf32> to vector<16xi32>
      %mul3A_305 = arith.constant 10000 : i32
      %mul3A_306 = vector.broadcast %mul3A_305 : i32 to vector<16xi32>
      %mul3A_307 = arith.muli %convert_element_type3A_304, %mul3A_306 : vector<16xi32>
      %eq3A_308 = arith.cmpi eq, %mul3A_307, %add3A_298 : vector<16xi32>
      %select_n3A_309 = arith.select %eq3A_308, %convert_element_type3A_304, %broadcast_in_dim3A_84 : vector<16xi1>, vector<16xi32>
      %gather3A_310 = tpu.vector_load_idx %arg10[%select_n3A_309] : memref<112xf32, #tpu.memory_space<vmem>>[vector<16xi32>], vector<16xf32>,
      %gather3A_311 = tpu.vector_load_idx %arg11[%select_n3A_309] : memref<112xf32, #tpu.memory_space<vmem>>[vector<16xi32>], vector<16xf32>,
      %add3A_312 = arith.addf %add3A_283, %gather3A_311 : vector<16xf32>
      %add3A_313 = arith.addf %add3A_284, %gather3A_310 : vector<16xf32>
      %scan3A_314 = arith.constant 197 : i32
      %scan3A_315 = arith.addi %scan3A_168, %scan3A_314 : i32
      %add3A_316 = vector.broadcast %scan3A_315 : i32 to vector<16xi32>
      %add3A_317 = arith.addi %mul3A_167, %add3A_316 : vector<16xi32>
      %shift_right_arithmetic3A_318 = arith.constant 7 : i32
      %shift_right_arithmetic3A_319 = vector.broadcast %shift_right_arithmetic3A_318 : i32 to vector<16xi32>
      %shift_right_arithmetic3A_320 = arith.shrsi %add3A_317, %shift_right_arithmetic3A_319 : vector<16xi32>
      %and3A_321 = arith.constant 127 : i32
      %and3A_322 = vector.broadcast %and3A_321 : i32 to vector<16xi32>
      %and3A_323 = arith.andi %add3A_317, %and3A_322 : vector<16xi32>
      %gather3A_324 = tpu.vector_load_idx %arg7[%shift_right_arithmetic3A_320, %and3A_323] : memref<200x128xi32, #tpu.memory_space<vmem>>[vector<16xi32>, vector<16xi32>], vector<16xi32>,
      %add3A_325 = arith.constant 1 : i32
      %add3A_326 = vector.broadcast %add3A_325 : i32 to vector<16xi32>
      %add3A_327 = arith.addi %gather3A_324, %add3A_326 : vector<16xi32>
      %convert_element_type3A_328 = arith.sitofp %add3A_327 : vector<16xi32> to vector<16xf32>
      %mul3A_329 = vector.broadcast %scan3A_150 : f32 to vector<16xf32>
      %mul3A_330 = arith.mulf %convert_element_type3A_328, %mul3A_329 : vector<16xf32>
      %add3A_331 = vector.broadcast %scan3A_151 : f32 to vector<16xf32>
      %add3A_332 = arith.addf %mul3A_330, %add3A_331 : vector<16xf32>
      %convert_element_type3A_333 = arith.fptosi %add3A_332 : vector<16xf32> to vector<16xi32>
      %mul3A_334 = arith.constant 10000 : i32
      %mul3A_335 = vector.broadcast %mul3A_334 : i32 to vector<16xi32>
      %mul3A_336 = arith.muli %convert_element_type3A_333, %mul3A_335 : vector<16xi32>
      %eq3A_337 = arith.cmpi eq, %mul3A_336, %add3A_327 : vector<16xi32>
      %select_n3A_338 = arith.select %eq3A_337, %convert_element_type3A_333, %broadcast_in_dim3A_84 : vector<16xi1>, vector<16xi32>
      %gather3A_339 = tpu.vector_load_idx %arg10[%select_n3A_338] : memref<112xf32, #tpu.memory_space<vmem>>[vector<16xi32>], vector<16xf32>,
      %gather3A_340 = tpu.vector_load_idx %arg11[%select_n3A_338] : memref<112xf32, #tpu.memory_space<vmem>>[vector<16xi32>], vector<16xf32>,
      %add3A_341 = arith.addf %add3A_312, %gather3A_340 : vector<16xf32>
      %add3A_342 = arith.addf %add3A_313, %gather3A_339 : vector<16xf32>
      %scan3A_343 = arith.constant 198 : i32
      %scan3A_344 = arith.addi %scan3A_168, %scan3A_343 : i32
      %add3A_345 = vector.broadcast %scan3A_344 : i32 to vector<16xi32>
      %add3A_346 = arith.addi %mul3A_167, %add3A_345 : vector<16xi32>
      %shift_right_arithmetic3A_347 = arith.constant 7 : i32
      %shift_right_arithmetic3A_348 = vector.broadcast %shift_right_arithmetic3A_347 : i32 to vector<16xi32>
      %shift_right_arithmetic3A_349 = arith.shrsi %add3A_346, %shift_right_arithmetic3A_348 : vector<16xi32>
      %and3A_350 = arith.constant 127 : i32
      %and3A_351 = vector.broadcast %and3A_350 : i32 to vector<16xi32>
      %and3A_352 = arith.andi %add3A_346, %and3A_351 : vector<16xi32>
      %gather3A_353 = tpu.vector_load_idx %arg7[%shift_right_arithmetic3A_349, %and3A_352] : memref<200x128xi32, #tpu.memory_space<vmem>>[vector<16xi32>, vector<16xi32>], vector<16xi32>,
      %add3A_354 = arith.constant 1 : i32
      %add3A_355 = vector.broadcast %add3A_354 : i32 to vector<16xi32>
      %add3A_356 = arith.addi %gather3A_353, %add3A_355 : vector<16xi32>
      %convert_element_type3A_357 = arith.sitofp %add3A_356 : vector<16xi32> to vector<16xf32>
      %mul3A_358 = vector.broadcast %scan3A_150 : f32 to vector<16xf32>
      %mul3A_359 = arith.mulf %convert_element_type3A_357, %mul3A_358 : vector<16xf32>
      %add3A_360 = vector.broadcast %scan3A_151 : f32 to vector<16xf32>
      %add3A_361 = arith.addf %mul3A_359, %add3A_360 : vector<16xf32>
      %convert_element_type3A_362 = arith.fptosi %add3A_361 : vector<16xf32> to vector<16xi32>
      %mul3A_363 = arith.constant 10000 : i32
      %mul3A_364 = vector.broadcast %mul3A_363 : i32 to vector<16xi32>
      %mul3A_365 = arith.muli %convert_element_type3A_362, %mul3A_364 : vector<16xi32>
      %eq3A_366 = arith.cmpi eq, %mul3A_365, %add3A_356 : vector<16xi32>
      %select_n3A_367 = arith.select %eq3A_366, %convert_element_type3A_362, %broadcast_in_dim3A_84 : vector<16xi1>, vector<16xi32>
      %gather3A_368 = tpu.vector_load_idx %arg10[%select_n3A_367] : memref<112xf32, #tpu.memory_space<vmem>>[vector<16xi32>], vector<16xf32>,
      %gather3A_369 = tpu.vector_load_idx %arg11[%select_n3A_367] : memref<112xf32, #tpu.memory_space<vmem>>[vector<16xi32>], vector<16xf32>,
      %add3A_370 = arith.addf %add3A_341, %gather3A_369 : vector<16xf32>
      %add3A_371 = arith.addf %add3A_342, %gather3A_368 : vector<16xf32>
      %scan3A_372 = arith.constant 199 : i32
      %scan3A_373 = arith.addi %scan3A_168, %scan3A_372 : i32
      %add3A_374 = vector.broadcast %scan3A_373 : i32 to vector<16xi32>
      %add3A_375 = arith.addi %mul3A_167, %add3A_374 : vector<16xi32>
      %shift_right_arithmetic3A_376 = arith.constant 7 : i32
      %shift_right_arithmetic3A_377 = vector.broadcast %shift_right_arithmetic3A_376 : i32 to vector<16xi32>
      %shift_right_arithmetic3A_378 = arith.shrsi %add3A_375, %shift_right_arithmetic3A_377 : vector<16xi32>
      %and3A_379 = arith.constant 127 : i32
      %and3A_380 = vector.broadcast %and3A_379 : i32 to vector<16xi32>
      %and3A_381 = arith.andi %add3A_375, %and3A_380 : vector<16xi32>
      %gather3A_382 = tpu.vector_load_idx %arg7[%shift_right_arithmetic3A_378, %and3A_381] : memref<200x128xi32, #tpu.memory_space<vmem>>[vector<16xi32>, vector<16xi32>], vector<16xi32>,
      %add3A_383 = arith.constant 1 : i32
      %add3A_384 = vector.broadcast %add3A_383 : i32 to vector<16xi32>
      %add3A_385 = arith.addi %gather3A_382, %add3A_384 : vector<16xi32>
      %convert_element_type3A_386 = arith.sitofp %add3A_385 : vector<16xi32> to vector<16xf32>
      %mul3A_387 = vector.broadcast %scan3A_150 : f32 to vector<16xf32>
      %mul3A_388 = arith.mulf %convert_element_type3A_386, %mul3A_387 : vector<16xf32>
      %add3A_389 = vector.broadcast %scan3A_151 : f32 to vector<16xf32>
      %add3A_390 = arith.addf %mul3A_388, %add3A_389 : vector<16xf32>
      %convert_element_type3A_391 = arith.fptosi %add3A_390 : vector<16xf32> to vector<16xi32>
      %mul3A_392 = arith.constant 10000 : i32
      %mul3A_393 = vector.broadcast %mul3A_392 : i32 to vector<16xi32>
      %mul3A_394 = arith.muli %convert_element_type3A_391, %mul3A_393 : vector<16xi32>
      %eq3A_395 = arith.cmpi eq, %mul3A_394, %add3A_385 : vector<16xi32>
      %select_n3A_396 = arith.select %eq3A_395, %convert_element_type3A_391, %broadcast_in_dim3A_84 : vector<16xi1>, vector<16xi32>
      %gather3A_397 = tpu.vector_load_idx %arg10[%select_n3A_396] : memref<112xf32, #tpu.memory_space<vmem>>[vector<16xi32>], vector<16xf32>,
      %gather3A_398 = tpu.vector_load_idx %arg11[%select_n3A_396] : memref<112xf32, #tpu.memory_space<vmem>>[vector<16xi32>], vector<16xf32>,
      %add3A_399 = arith.addf %add3A_370, %gather3A_398 : vector<16xf32>
      %add3A_400 = arith.addf %add3A_371, %gather3A_397 : vector<16xf32>
      %scan3A_401 = arith.constant 200 : i32
      %gt3A = arith.constant 0.000000e+00 : f32
      %gt3A_402 = vector.broadcast %gt3A : f32 to vector<16xf32>
      %gt3A_403 = arith.cmpf ogt, %add3A_400, %gt3A_402 : vector<16xf32>
      %div3A = arith.divf %add3A_399, %add3A_400 : vector<16xf32>
      %select_n3A_404 = arith.select %gt3A_403, %div3A, %get3A_80 : vector<16xi1>, vector<16xf32>
      %mul3A_405 = arith.constant 16 : i32
      %mul3A_406 = arith.muli %scan3A_159, %mul3A_405 : i32
      %add3A_407 = arith.constant 384 : i32
      %add3A_408 = arith.addi %add3A_407, %mul3A_406 : i32
      %swap3A_409 = arith.index_cast %add3A_408 : i32 to index
      %swap3A_410 = tpu.vector_load %arg12[%swap3A_409] {strides = array<i32>} : memref<512xf32, #tpu.memory_space<vmem>>, vector<16xf32>,
      tpu.vector_store %arg12[%swap3A_409], %select_n3A_404 {strides = array<i32>} : memref<512xf32, #tpu.memory_space<vmem>>, vector<16xf32>,
      %scan3A_411 = arith.constant 0 : i32
      scf.yield %scan3A_411 : i32
    }
    %scan3A_158 = arith.constant 8 : i32
    "tpu.region"() ({
      %run_scoped3A = tpu.sem_alloc : memref<!tpu.dma_semaphore, #tpu.memory_space<semaphore_mem>>
      %dma_start3A_159 = tpu.memref_slice %arg5[%mul3A_2] : memref<16384xf32, #tpu.memory_space<hbm>> -> memref<512xf32, #tpu.memory_space<hbm>>
      %dma_start3A_160 = tpu.memref_slice %arg5[%mul3A_2] : memref<16384xf32, #tpu.memory_space<hbm>> -> memref<512xf32, #tpu.memory_space<hbm>>
      tpu.enqueue_dma source(%arg12 : memref<512xf32, #tpu.memory_space<vmem>>) target(%dma_start3A_160 : memref<512xf32, #tpu.memory_space<hbm>>) target_semaphore(%run_scoped3A : memref<!tpu.dma_semaphore, #tpu.memory_space<semaphore_mem>>)
      %dma_wait3A_161 = tpu.memref_slice %arg5[%mul3A_2] : memref<16384xf32, #tpu.memory_space<hbm>> -> memref<512xf32, #tpu.memory_space<hbm>>
      %dma_wait3A_162 = tpu.memref_slice %arg5[%mul3A_2] : memref<16384xf32, #tpu.memory_space<hbm>> -> memref<512xf32, #tpu.memory_space<hbm>>
      tpu.wait_dma2 semaphore(%run_scoped3A : memref<!tpu.dma_semaphore, #tpu.memory_space<semaphore_mem>>) src(%arg12 : memref<512xf32, #tpu.memory_space<vmem>>) dst(%dma_wait3A_162 : memref<512xf32, #tpu.memory_space<hbm>>)
      tpu.yield
    }) : () -> ()
    return
  }
}

</mosaic_0001>

<sc_bundles>
// kernel: _run.3.cloned.1.call-start
scs
__scs_entry_jumppad:
0x0: {  	(pc) =	sbr.rel $0x88, $3  }
0x1: {  	(tag) =	ssettag $0x0;
	lr =	simm.s32 $0x1  }
0x2: {  	[smem:$0x3F9E] =	sst lr;
	_ =	strace $0xD0000000  }
0x3: {  	_ = 	snop  }
0x4: {  	_ = 	snop  }
0x5: {  	_ = 	snop  }
0x6: {  	_ = 	snop  }
0x7: {  	_ = 	snop  }
__scs_overlays_trampoline_lowered:
0x8: {  	[smem:$0x3FAD] =	sst s0  }
0x9: {  	[smem:$0x3FAE] =	sst s1  }
0xa: {  	[smem:$0x3FAF] =	sst s2  }
0xb: {  	[smem:$0x3FB0] =	sst s3  }
0xc: {  	[smem:$0x3FB1] =	sst s4  }
0xd: {  	[smem:$0x3FB2] =	sst s5  }
0xe: {  	[smem:$0x3FB3] =	sst s6  }
0xf: {  	[smem:$0x3FB4] =	sst s7  }
0x10: {  	[smem:$0x3FB5] =	sst s8  }
0x11: {  	[smem:$0x3FB6] =	sst s9;
	s0 =	simm.s32 @!p0 $0x0  }
0x12: {  	s1 =	sld [smem:$0x3F9C];
	s0 =	simm.s32 @p0 $0x1  }
0x13: {  	[smem:$0x3FB7] =	sst s0;
	s0 =	simm.s32 @!p1 $0x0  }
0x14: {  	s2 =	sld [smem:$0x3F9B];
	s0 =	simm.s32 @p1 $0x1  }
0x15: {  	[smem:$0x3FB8] =	sst s0;
	s0 =	simm.s32 @!p2 $0x0  }
0x16: {  	s3 =	sld [smem:$0x3FDB];
	s0 =	simm.s32 @p2 $0x1  }
0x17: {  	s4 =	simm.s32 $0x1BF5;
	[smem:$0x3FBA] =	sst s0  }
0x18: {  	s0 =	sld [smem:$0x3F9D];
	_ =	swait.ge [sflag:s4], $0x0  }
0x19: {  	s7 =	sld [smem:$0x3F9E]  }
0x1a: {  	s8 =	sadd.s32 $0xFFFFE003, lr  }
0x1b: {  	s9 =	sadd.s32 $0xFFFFFEF7, lr;
	s5 =	simm.s32 $0xFFFFFFFF;
	p2 =	slt.u32 s8, $0xFFFFF086  }
0x1c: {  	p1 =	slt.u32 s9, $0xF7A;
	s5 =	simm.s32 @!p2 $0x0  }
0x1d: {  	s5 =	simm.s32 @p1 $0x1;
	p0 =	seq.s32 s7, s2  }
0x1e: {  	s7 =	smul.u32 @!p0 $0xF7A, s2;
	p2 =	seq.s32 @!p0 s5, $0x0  }
0x1f: {  	s9 =	smul.u32 $0xF7A, s1;
	s8 =	simm.s32 @!p0 $0x1BF5;
	p2 =	por !p2, p0  }
0x20: {  	[sflag:s8] =	ssyncset.s32 @!p0 $0xFFFFF086;
	s6 =	sadd.s32 @!p0 s3, s7;
	s7 =	simm.s32 @!p0 $0x108  }
0x21: {  	s3 =	sadd.s32 s3, s9;
	s6 =	sadd.s32 @!p0 $0x88, s6;
	s7 =	simm.s32 @p2 $0x1082  }
0x22: {  	[simem:s7], [sflag:s8] =	dma.local @!p0 [hbm:s6], $0xF7A  }
0x23: {  	s9 =	sor.u32 $0xD0000000, s2;
	s6 =	simm.s32 $0x108;
	_ =	swait.ge @!p0 [sflag:s8], $0x0  }
0x24: {  	s3 =	sadd.s32 $0x88, s3;
	s6 =	simm.s32 @!p1 $0x1082;
	[sflag:s4] =	ssyncset.s32 $0xFFFFF086  }
0x25: {  	[simem:s6], [sflag:s4] =	dma.local [hbm:s3], $0xF7A  }
0x26: {  	[smem:$0x3F9E] =	sst s1;
	(tag) =	ssettag s2;
	_ =	strace s9  }
0x27: {  	s1 =	sld [smem:$0x3FAE]  }
0x28: {  	s2 =	sld [smem:$0x3FAF]  }
0x29: {  	s4 =	sld [smem:$0x3FB1]  }
0x2a: {  	p0 =	seq.s32 s5, $0x0;
	s5 =	sld [smem:$0x3FB2]  }
0x2b: {  	s6 =	sld [smem:$0x3FB3]  }
0x2c: {  	s7 =	sld [smem:$0x3FB4]  }
0x2d: {  	s3 =	simm.s32 $0x108;
	s8 =	sld [smem:$0x3FB5]  }
0x2e: {  	s3 =	simm.s32 @!p0 $0x1082;
	s9 =	sld [smem:$0x3FB6]  }
0x2f: {  	lr =	sadd.s32 s0, s3;
	s0 =	sld [smem:$0x3FAD]  }
0x30: {  	s3 =	sld [smem:$0x3FB0]  }
0x31: {  	[smem:$0x3FB9] =	sst s10  }
0x32: {  	s10 =	sld [smem:$0x3FB7];
	_ =	sdelay $0x3  }
0x33: {  	p0 =	seq.s32 s10, $0x1;
	s10 =	sld [smem:$0x3FB9];
	_ =	sdelay $0x3  }
0x34: {  	[smem:$0x3FB9] =	sst s10  }
0x35: {  	s10 =	sld [smem:$0x3FB8];
	_ =	sdelay $0x3  }
0x36: {  	p1 =	seq.s32 s10, $0x1;
	s10 =	sld [smem:$0x3FB9];
	_ =	sdelay $0x3  }
0x37: {  	[smem:$0x3FB9] =	sst s10  }
0x38: {  	s10 =	sld [smem:$0x3FBA]  }
0x39: {  	_ = 	snop;
	(pc) =	sbr.ind lr, $3  }
0x3a: {  	_ = 	snop  }
0x3b: {  	_ = 	snop  }
0x3c: {  	p2 =	seq.s32 s10, $0x1;
	s10 =	sld [smem:$0x3FB9]  }
0x3d: {  	_ =	shalt  }
0x3e: {  	_ =	shalt  }
0x3f: {  	_ =	shalt  }
0x40: {  	_ =	shalt  }
0x41: {  	_ =	shalt  }
0x42: {  	_ =	shalt  }
0x43: {  	_ =	shalt  }
0x44: {  	_ =	shalt  }
0x45: {  	_ =	shalt  }
0x46: {  	_ =	shalt  }
0x47: {  	_ =	shalt  }
0x48: {  	_ =	shalt  }
0x49: {  	_ =	shalt  }
0x4a: {  	_ =	shalt  }
0x4b: {  	_ =	shalt  }
0x4c: {  	_ =	shalt  }
0x4d: {  	_ =	shalt  }
0x4e: {  	_ =	shalt  }
0x4f: {  	_ =	shalt  }
0x50: {  	_ =	shalt  }
0x51: {  	_ =	shalt  }
0x52: {  	_ =	shalt  }
0x53: {  	_ =	shalt  }
0x54: {  	_ =	shalt  }
0x55: {  	_ =	shalt  }
0x56: {  	_ =	shalt  }
0x57: {  	_ =	shalt  }
0x58: {  	_ =	shalt  }
0x59: {  	_ =	shalt  }
0x5a: {  	_ =	shalt  }
0x5b: {  	_ =	shalt  }
0x5c: {  	_ =	shalt  }
0x5d: {  	_ =	shalt  }
0x5e: {  	_ =	shalt  }
0x5f: {  	_ =	shalt  }
0x60: {  	_ =	shalt  }
0x61: {  	_ =	shalt  }
0x62: {  	_ =	shalt  }
0x63: {  	_ =	shalt  }
0x64: {  	_ =	shalt  }
0x65: {  	_ =	shalt  }
0x66: {  	_ =	shalt  }
0x67: {  	_ =	shalt  }
0x68: {  	_ =	shalt  }
0x69: {  	_ =	shalt  }
0x6a: {  	_ =	shalt  }
0x6b: {  	_ =	shalt  }
0x6c: {  	_ =	shalt  }
0x6d: {  	_ =	shalt  }
0x6e: {  	_ =	shalt  }
0x6f: {  	_ =	shalt  }
0x70: {  	_ =	shalt  }
0x71: {  	_ =	shalt  }
0x72: {  	_ =	shalt  }
0x73: {  	_ =	shalt  }
0x74: {  	_ =	shalt  }
0x75: {  	_ =	shalt  }
0x76: {  	_ =	shalt  }
0x77: {  	_ =	shalt  }
0x78: {  	_ =	shalt  }
0x79: {  	_ =	shalt  }
0x7a: {  	_ =	shalt  }
0x7b: {  	_ =	shalt  }
0x7c: {  	_ =	shalt  }
0x7d: {  	_ =	shalt  }
0x7e: {  	_ =	shalt  }
0x7f: {  	_ =	shalt  }
0x80: {  	_ =	shalt  }
0x81: {  	_ =	shalt  }
0x82: {  	_ =	shalt  }
0x83: {  	_ =	shalt  }
0x84: {  	_ =	shalt  }
0x85: {  	_ =	shalt  }
0x86: {  	_ =	shalt  }
0x87: {  	_ =	shalt  }
.Lfunc_end0:
.L_simem_size_0:
called_computation_lowered:
.L_overlay_start_0:
0x88: {  	s2 =	sld [smem:$0x3FD9]  }
0x89: {  	s3 =	sld [smem:$0x3FFE];
	_ =	sdelay $0x1  }
0x8a: {  	s1 =	srdreg.scid  }
0x8b: {  	s0 =	sand.u32 $0x1, s1  }
0x8c: {  	s18 =	sshll.u32 s0, $0xA;
	s2 =	sadd.s32 s3, s2  }
0x8d: {  	s2 =	sadd.s32 s2, s18  }
0x8e: {  	[smem:$0x3FC5] =	sst s2  }
0x8f: {  	_ = 	snop  }
0x90: {  	s2 =	sld [smem:$0x3FC9]  }
0x91: {  	s19 =	sld [smem:$0x3FC8]  }
0x92: {  	s4 =	sld [smem:$0x3FC7]  }
0x93: {  	s5 =	sld [smem:$0x3FD0];
	(tm) =	ssettm $0x1  }
0x94: {  	s6 =	sld [smem:$0x3FFB];
	_ =	sdelay $0x3  }
0x95: {  	_ =	strace s6  }
0x96: {  	s6 =	sld [smem:$0x3FFC];
	_ =	sdelay $0x3  }
0x97: {  	_ =	strace s6  }
0x98: {  	s6 =	sld [smem:$0x3FFD];
	_ =	sdelay $0x3  }
0x99: {  	_ =	strace s6  }
0x9a: {  	_ =	strace $0x8FFFFFFF  }
0x9b: {  	s20 =	sld [smem:$0x3FDB];
	_ =	sdelay $0x1  }
0x9c: {  	s7 =	simm.s32 $_scs_section_size  }
0x9d: {  	s8 =	simm.s32 $_size__tile_overlayer_lowered;
	s9 =	simm.s32 $_tile_overlayer_lowered  }
0x9e: {  	s23 =	simm.s32 $0x1BFF;
	s22 =	sshll.u32 s9, $0x1;
	s6 =	sadd.s32 s7, s20  }
0x9f: {  	s10 =	simm.s32 $0x0;
	s21 =	sshll.u32 s8, $0x1;
	s8 =	sadd.s32 s22, s6  }
0xa0: {  	[timem:s10], [sflag:s23] =	dma.local [hbm:s8], s21  }
0xa1: {  	_ =	swait.ge [sflag:s23], s21  }
0xa2: {  	s7 =	ssub.s32 $0x0, s21;
	[sflag:s23] =	ssyncset.done $0x0  }
0xa3: {  	[sflag:s23] =	ssyncadd.s32 s7;
	_ =	sdelay $0x1  }
0xa4: {  	s24 =	simm.s32 $0x1B8B  }
0xa5: {  	_ =	swait.ge [sflag:s24], $0x1  }
0xa6: {  	[sflag:s24] =	ssyncset.done $0x0  }
0xa7: {  	s25 =	simm.s32 $0x1B8E;
	[sflag:s24] =	ssyncadd.s32 $0xFFFFFFFF  }
0xa8: {  	s26 =	simm.s32 $execute0_lowered;
	[smem:$0x3FD2] =	sst s25  }
0xa9: {  	s7 =	sshll.u32 s26, $0x1;
	_ =	strace $0x80000046;
	[dreg:$0x1] =	wrdreg $0xFFFFFFFF  }
0xaa: {  	s28 =	simm.s32 $_size_execute0_lowered;
	s6 =	sadd.s32 s6, s7;
	[dreg:$0x0] =	wrdreg $0x0  }
0xab: {  	s7 =	sshll.u32 s28, $0x1;
	[dreg:$0x2] =	wrdreg s6  }
0xac: {  	[dreg:$0x3] =	wrdreg s7  }
0xad: {  	[dreg:$0x4] =	wrdreg $0xC0  }
0xae: {  	_ =	task [dreg:s10], $0x5FFFF  }
0xaf: {  	[dreg:$0x1] =	wrdreg $0xFFFFFFFF  }
0xb0: {  	[dreg:$0x0] =	wrdreg $0x60  }
0xb1: {  	[dreg:$0x2] =	wrdreg s2  }
0xb2: {  	[dreg:$0x3] =	wrdreg s19  }
0xb3: {  	[dreg:$0x4] =	wrdreg s4  }
0xb4: {  	[dreg:$0x5] =	wrdreg s5  }
0xb5: {  	[dreg:$0x6] =	wrdreg $0x9  }
0xb6: {  	_ =	task.clear_ibuf [dreg:s10], $0x7FFFF;
	_ =	strace $0x90000046  }
0xb7: {  	s29 =	simm.s32 $0x9;
	_ =	strace $0x80000048  }
0xb8: {  	_ =	swait.ge [sflag:s29], $0x1  }
0xb9: {  	[sflag:s29] =	ssyncadd.s32 $0xFFFFFFFF  }
0xba: {  	_ =	strace $0x90000048  }
0xbb: {  	_ =	sfence  }
0xbc: {  	s30 =	sld [smem:$0x0];
	_ =	sdelay $0x2  }
0xbd: {  	s31 =	sshll.u32 s1, $0xD;
	s1 =	sshrl.u32 s1, $0x2  }
0xbe: {  	s3 =	sand.u32 $0x4000, s31;
	s1 =	sadd.s32 s1, s30  }
0xbf: {  	s0 =	sor.u32 s3, s0;
	s1 =	sshll.u32 s1, $0x11  }
0xc0: {  	s0 =	sor.u32 s1, s0  }
0xc1: {  	s0 =	sadd.s32 $0x8F2B, s0  }
0xc2: {  	[sflag:s0] =	ssyncadd.remote.s32 $0x1  }
0xc3: {  	_ =	sfence.sel $0xFFFF  }
0xc4: {  	[dreg:$0x0] =	wrdreg $0xFFFFFFFF;
	(pc) =	sbr.abs _section_cstart, $3  }
0xc5: {  	[dreg:$0x1] =	wrdreg $0xFFFFFFFF  }
0xc6: {  	_ =	task.clear_ibuf [dreg:s10], $0x2FFFF;
	_ =	strace $0x9FFFFFFF  }
0xc7: {  	(tm) =	ssettm $0x7FFFFFFF  }
tec
execute0_lowered:
.L_overlay_start_1:
0x0: {  	(tag) =	ssettag $0x1  }
0x1: {  	v1 =	vimm.s32 $0x58104800;
	v0 =	vlaneseq.u32;
	v2 =	vimm.s32 $0x78306820  }
0x2: {  	v3 =	vimm.s32 $0x18500840;
	v4 =	vimm.s32 $0x38702860;
	vm0 =	vcmask $0x1F10  }
0x3: {  	v5 =	vimm.s32 $0x79316921;
	v58 =	vimm.s32 $0x19510941;
	v59 =	vimm.s32 $0x39712961  }
0x4: {  	v6 =	vimm.s32 $0x5A124A02;
	v7 =	vimm.s32 $0x7A326A22;
	v8 =	vimm.s32 $0x1A520A42  }
0x5: {  	v9 =	vimm.s32 $0x3A722A62;
	v10 =	vimm.s32 $0x5B134B03;
	v11 =	vimm.s32 $0x7B336B23  }
0x6: {  	v12 =	vimm.s32 $0x3E762E66;
	v13 =	vimm.s32 $0x5F174F07;
	v14 =	vimm.s32 $0x7F376F27  }
0x7: {  	v15 =	vimm.s32 $0x1F570F47;
	v16 =	vimm.s32 $0x3F772F67;
	v1 =	vunpack.c.0.s8.s32 v1  }
0x8: {  	v2 =	vunpack.c.0.s8.s32 v2;
	v3 =	vunpack.c.0.s8.s32 v3;
	v4 =	vunpack.c.0.s8.s32 v4  }
0x9: {  	v5 =	vunpack.c.0.s8.s32 v5;
	v6 =	vunpack.c.0.s8.s32 v6;
	v7 =	vunpack.c.0.s8.s32 v7  }
0xa: {  	v8 =	vunpack.c.0.s8.s32 v8;
	v2 =	vsel vm0, v2, v1;
	v1 =	vimm.s32 $0x59114901  }
0xb: {  	v9 =	vunpack.c.0.s8.s32 v9;
	v60 =	vunpack.c.0.s8.s32 v10;
	v57 =	vunpack.c.0.s8.s32 v1  }
0xc: {  	v3 =	vsel vm0, v4, v3;
	v4 =	vunpack.c.0.s8.s32 v58;
	v1 =	vmul.u32 $0xC8, v0  }
0xd: {  	v0 =	vcombine.low v3, v2;
	v3 =	vsel vm0, v5, v57;
	v5 =	vunpack.c.0.s8.s32 v59  }
0xe: {  	v10 =	vunpack.c.0.s8.s32 v11;
	v11 =	vimm.s32 $0x3C742C64;
	v13 =	vunpack.c.0.s8.s32 v13  }
0xf: {  	v14 =	vunpack.c.0.s8.s32 v14;
	v15 =	vunpack.c.0.s8.s32 v15;
	v4 =	vsel vm0, v5, v4  }
0x10: {  	v16 =	vunpack.c.0.s8.s32 v16;
	v61 =	vsel vm0, v7, v6;
	[tilespmem:$0x1FFA0] =	vst v0;
	v0 =	vcombine.low v4, v3  }
0x11: {  	v6 =	vsel vm0, v9, v8;
	v7 =	vimm.s32 $0x3B732B63;
	v8 =	vimm.s32 $0x5C144C04  }
0x12: {  	s8 =	rddreg [dreg:$0x0];
	v9 =	vimm.s32 $0x7C346C24;
	[tilespmem:$0x1FFB0] =	vst v0;
	v0 =	vcombine.low v6, v61;
	v6 =	vimm.s32 $0x1B530B43  }
0x13: {  	s0 =	rddreg [dreg:$0x1];
	v7 =	vunpack.c.0.s8.s32 v7;
	v8 =	vunpack.c.0.s8.s32 v8;
	v6 =	vunpack.c.0.s8.s32 v6  }
0x14: {  	s1 =	rddreg [dreg:$0x2];
	s3 =	srdreg.scid;
	v9 =	vunpack.c.0.s8.s32 v9;
	v5 =	vsel vm0, v10, v60;
	v10 =	vimm.s32 $0x1C540C44  }
0x15: {  	s2 =	stileid.u32;
	s9 =	rddreg [dreg:$0x3];
	v6 =	vsel vm0, v7, v6;
	v7 =	vunpack.c.0.s8.s32 v10;
	v10 =	vunpack.c.0.s8.s32 v11  }
0x16: {  	s4 =	simm.s32 $0x0;
	s14 =	simm.s32 $0x6400;
	s15 =	simm.s32 $0x1;
	[tilespmem:$0x1FFC0] =	vst v0;
	v11 =	vimm.s32 $0x3D752D65;
	v0 =	vcombine.low v6, v5;
	v6 =	vsel vm0, v9, v8  }
0x17: {  	s16 =	simm.s32 $0xC900;
	s17 =	simm.s32 $0xC980;
	s18 =	simm.s32 $0x2;
	v8 =	vimm.s32 $0x5D154D05;
	v9 =	vimm.s32 $0x7D356D25;
	v7 =	vsel vm0, v10, v7  }
0x18: {  	s19 =	simm.s32 $0xCA00;
	s5 =	sand.u32 $0x1, s3;
	s6 =	sshll.u32 s2, $0x1;
	v8 =	vunpack.c.0.s8.s32 v8;
	v9 =	vunpack.c.0.s8.s32 v9;
	v10 =	vimm.s32 $0x1D550D45  }
0x19: {  	s20 =	simm.s32 $0x0;
	s10 =	sor.u32 s5, s6;
	s11 =	ssub.s32 $0x2, s5;
	[tilespmem:$0x1FFD0] =	vst v0;
	v0 =	vcombine.low v7, v6;
	v7 =	vunpack.c.0.s8.s32 v10;
	v10 =	vunpack.c.0.s8.s32 v11  }
0x1a: {  	[smem:$0x7FF] =	sst s4;
	s6 =	smul.u32 $0x19000, s10;
	s13 =	sshrl.u32 s11, $0x1;
	v11 =	vimm.s32 $0x7E366E26;
	v8 =	vsel vm0, v9, v8;
	v9 =	vimm.s32 $0x5E164E06  }
0x1b: {  	s12 =	smul.u32 $0x3200, s10;
	s10 =	sshll.u32 s10, $0x6;
	s11 =	ssub.s32 s11, s13;
	v7 =	vsel vm0, v10, v7;
	v10 =	vunpack.c.0.s8.s32 v11;
	v11 =	vimm.s32 $0x1E560E46  }
0x1c: {  	v12 =	vunpack.c.0.s8.s32 v12;
	s9 =	sadd.s32 s9, s10;
	s13 =	simm.s32 $0xC880;
	s31 =	sshrl.u32 s6, $0x3;
	v9 =	vunpack.c.0.s8.s32 v9;
	v11 =	vunpack.c.0.s8.s32 v11  }
0x1d: {  	v62 =	vsel vm0, v14, v13;
	v63 =	vsel vm0, v16, v15;
	s10 =	smax.u32 s11, $0x1;
	s11 =	simm.s32 $0xC800;
	s7 =	sadd.s32 s8, s31;
	[tilespmem:$0x1FFE0] =	vst v0;
	v0 =	vcombine.low v7, v8  }
0x1e: {  	s8 =	sadd.s32 s8, s12;
	s12 =	simm.s32 $0x3;
	s5 =	sadd.s32 $0xC80, s7;
	v8 =	vadd.s32 $0xC0, v1;
	v10 =	vsel vm0, v10, v9;
	v11 =	vsel vm0, v12, v11  }
0x1f: {  	s6 =	sadd.s32 $0x1900, s7;
	s7 =	sadd.s32 $0x2580, s7;
	_ =	strace $0x80000047;
	v9 =	vadd.s32 $0xC1, v1;
	[tilespmem:$0x1FFF0] =	vst v0;
	v10 =	vcombine.low v11, v10;
	v11 =	vcombine.low v63, v62  }
.LBB2_1:
0x20: {  	[tilespmem:s4], [sflag:$0x1] =	stream.linear.gather [hbm4b:s8+s4], $0x6400, $0x38;
	[tilespmem:$0xCC00] =	vst v63  }
0x21: {  	_ = 	snop  }
0x22: {  	[tilespmem:s11], [sflag:$0x3] =	stream.linear.gather [hbm4b:s0+s4], $0x80, $0x38;
	[tilespmem:$0xCC00] =	vst v63  }
0x23: {  	_ =	swait.ge [sflag:s12], $0x80  }
0x24: {  	[sflag:s12] =	ssyncset.done $0x0  }
0x25: {  	[sflag:s12] =	ssyncadd.s32 $0xFFFFFF80  }
0x26: {  	[tilespmem:s13], [sflag:$0x3] =	stream.linear.gather [hbm4b:s1+s4], $0x80, $0x38;
	[tilespmem:$0xCC00] =	vst v63  }
0x27: {  	_ =	swait.ge [sflag:s12], $0x80  }
0x28: {  	[sflag:s12] =	ssyncset.done $0x0  }
0x29: {  	[sflag:s12] =	ssyncadd.s32 $0xFFFFFF80  }
0x2a: {  	v12 =	vld [tilespmem:$0xC880];
	_ =	sdelay $0x3  }
0x2b: {  	v13 =	vld [tilespmem:$0xC890]  }
0x2c: {  	v12 =	vmul.f32 $1.442695020e+00, v12  }
0x2d: {  	v14 =	vld [tilespmem:$0xC8A0]  }
0x2e: {  	(erf) = vpow2.f32 v12;
	v12 =	vld [tilespmem:$0xC8B0];
	_ =	sdelay $0x1  }
0x2f: {  	v15 =	vld [tilespmem:$0xC8C0];
	v13 =	vmul.f32 $1.442695020e+00, v13;
	_ =	sdelay $0x1  }
0x30: {  	(erf) = vpow2.f32 v13;
	v13 =	vmul.f32 $1.442695020e+00, v14;
	v14 =	vld [tilespmem:$0xC8D0]  }
0x31: {  	v12 =	vmul.f32 $1.442695020e+00, v12  }
0x32: {  	(erf) = vpow2.f32 v13;
	v13 =	vld [tilespmem:$0xC8E0]  }
0x33: {  	v16 =	vld [tilespmem:$0xC800];
	(erf) = vpow2.f32 v12;
	v12 =	vmul.f32 $1.442695020e+00, v15;
	_ =	sdelay $0x1  }
0x34: {  	v0 =	vlaneseq.u32;
	v17 =	vld [tilespmem:$0xC810];
	v15 =	vpop (erf);
	(erf) = vpow2.f32 v12;
	v12 =	vmul.f32 $1.442695020e+00, v14  }
0x35: {  	vm0 =	veq.s32 v0, $0x0  }
0x36: {  	v61 =	vld [tilespmem:$0xC820];
	v15 =	vsel vm0, $0x0, v15;
	(erf) = vpow2.f32 v12;
	v12 =	vmul.f32 $1.442695020e+00, v13  }
0x37: {  	v14 =	vmul.f32 v15, v16  }
0x38: {  	[tilespmem:$0xC900] =	vst v15;
	v13 =	vpop (erf);
	v15 =	vld [tilespmem:$0xC830]  }
0x39: {  	[tilespmem:$0xC980] =	vst v14;
	v14 =	vmul.f32 v13, v17  }
0x3a: {  	[tilespmem:$0xC910] =	vst v13;
	(erf) = vpow2.f32 v12;
	v13 =	vld [tilespmem:$0xC840];
	v12 =	vpop (erf)  }
0x3b: {  	[tilespmem:$0xC990] =	vst v14;
	v14 =	vmul.f32 v12, v61  }
0x3c: {  	v62 =	vpop (erf);
	[tilespmem:$0xC920] =	vst v12  }
0x3d: {  	v12 =	vld [tilespmem:$0xC850];
	[tilespmem:$0xC9A0] =	vst v14;
	v14 =	vmul.f32 v62, v15  }
0x3e: {  	v15 =	vpop (erf)  }
0x3f: {  	v63 =	vld [tilespmem:$0xC860];
	[tilespmem:$0xC930] =	vst v62;
	v13 =	vmul.f32 v15, v13  }
0x40: {  	[tilespmem:$0xC940] =	vst v15  }
0x41: {  	[tilespmem:$0xC9B0] =	vst v14;
	v14 =	vpop (erf)  }
0x42: {  	[tilespmem:$0xC9C0] =	vst v13;
	v12 =	vmul.f32 v14, v12  }
0x43: {  	[tilespmem:$0xC950] =	vst v14;
	v13 =	vpop (erf)  }
0x44: {  	[tilespmem:$0xC9D0] =	vst v12;
	v12 =	vmul.f32 v13, v63  }
0x45: {  	[tilespmem:$0xC960] =	vst v13  }
0x46: {  	[tilespmem:$0xC9E0] =	vst v12  }
0x47: {  	v12 =	vld [tilespmem:$0xC870];
	[tilespmem:s14], [sflag:$0x2] =	stream.linear.gather [hbm4b:s5+s4], $0x6400, $0x38  }
0x48: {  	_ =	swait.ge [sflag:s15], $0x6400  }
0x49: {  	[sflag:s15] =	ssyncset.done $0x0  }
0x4a: {  	s21 =	simm.s32 $0x0;
	[sflag:s15] =	ssyncadd.s32 $0xFFFF9C00  }
.LBB2_2:
0x4b: {  	s22 =	sshll.u32 s21, $0x4  }
0x4c: {  	v13 =	vmov s22  }
0x4d: {  	v13 =	vmul.u32 $0xC8, v13;
	_ =	sdelay $0x1  }
0x4e: {  	v19 =	vbroadcast v13, $0x0;
	_ =	sdelay $0x1  }
0x4f: {  	s23 =	simm.s32 $0x1;
	v13 =	vadd.s32 v1, v19  }
0x50: {  	v14 =	vadd.s32 s23, v13  }
0x51: {  	s30 =	simm.s32 $0x3  }
0x52: {  	s3 =	simm.s32 $0x5;
	v15 =	vadd.s32 s30, v13  }
0x53: {  	s24 =	simm.s32 $0x7;
	v17 =	vadd.s32 s3, v13  }
0x54: {  	v20 =	vadd.s32 s24, v13;
	s24 =	simm.s32 $0x8  }
0x55: {  	s31 =	simm.s32 $0x4;
	v24 =	vadd.s32 s24, v13;
	v14 =	vld.idx.msk [tilespmem:v14+s4+$0x0], $0xffff  }
0x56: {  	v16 =	vadd.s32 s31, v13  }
0x57: {  	s26 =	simm.s32 $0x9;
	v15 =	vld.idx.msk [tilespmem:v15+s4+$0x0], $0xffff  }
0x58: {  	v25 =	vadd.s32 s26, v13;
	s3 =	simm.s32 $0xD;
	v17 =	vld.idx.msk [tilespmem:v17+s4+$0x0], $0xffff  }
0x59: {  	s25 =	simm.s32 $0x2;
	s29 =	simm.s32 $0x6;
	v30 =	vadd.s32 s3, v13;
	v20 =	vld.idx.msk [tilespmem:v20+s4+$0x0], $0xffff  }
0x5a: {  	v23 =	vadd.s32 s25, v13;
	v26 =	vadd.s32 s29, v13;
	s30 =	simm.s32 $0xA;
	s31 =	simm.s32 $0xC;
	v24 =	vld.idx.msk [tilespmem:v24+s4+$0x0], $0xffff;
	v18 =	vadd.s32 $0x1, v14  }
0x5b: {  	s25 =	simm.s32 $0xF;
	s26 =	simm.s32 $0xB;
	v28 =	vadd.s32 s30, v13;
	v29 =	vadd.s32 s31, v13;
	v14 =	vld.idx.msk [tilespmem:v16+s4+$0x0], $0xffff;
	v16 =	vcvt.s32.f32 v18  }
0x5c: {  	s29 =	simm.s32 $0x0;
	v34 =	vadd.s32 s25, v13;
	v44 =	vadd.s32 s26, v13;
	v15 =	vadd.s32 $0x1, v15  }
0x5d: {  	s24 =	simm.s32 $0xE;
	v58 =	vadd.s32 s29, v13;
	s30 =	simm.s32 $0x11;
	v25 =	vld.idx.msk [tilespmem:v25+s4+$0x0], $0xffff;
	v22 =	vcvt.s32.f32 v15;
	v21 =	vmul.f32 $9.999999740e-05, v16  }
0x5e: {  	v32 =	vadd.s32 s24, v13;
	v63 =	vadd.s32 s30, v13;
	v30 =	vld.idx.msk [tilespmem:v30+s4+$0x0], $0xffff;
	v17 =	vadd.s32 $0x1, v17  }
0x5f: {  	v20 =	vadd.s32 $0x1, v20;
	v22 =	vmul.f32 $9.999999740e-05, v22;
	v21 =	vadd.f32 $5.000000000e-01, v21  }
0x60: {  	v33 =	vcvt.s32.f32 v17;
	v24 =	vadd.s32 $0x1, v24;
	v14 =	vadd.s32 $0x1, v14  }
0x61: {  	v22 =	vadd.f32 $5.000000000e-01, v22;
	v27 =	vcvt.s32.f32 v14;
	v21 =	vtrunc.f32 v21  }
0x62: {  	v35 =	vadd.s32 $0x1, v25;
	v43 =	vcvt.s32.f32 v24;
	v21 =	vcvt.f32.s32 v21  }
0x63: {  	v30 =	vadd.s32 $0x1, v30;
	v22 =	vtrunc.f32 v22;
	v27 =	vmul.f32 $9.999999740e-05, v27  }
0x64: {  	v26 =	vld.idx.msk [tilespmem:v26+s4+$0x0], $0xffff;
	v41 =	vcvt.s32.f32 v30;
	v22 =	vcvt.f32.s32 v22;
	v31 =	vmul.u32 $0x2710, v21  }
0x65: {  	v16 =	vimm.f32 $0.0e+00;
	v33 =	vmul.f32 $9.999999740e-05, v33;
	v27 =	vadd.f32 $5.000000000e-01, v27  }
0x66: {  	v55 =	vmul.f32 $9.999999740e-05, v41;
	vm0 =	veq.s32 v31, v18;
	v31 =	vmul.u32 $0x2710, v22  }
0x67: {  	v27 =	vtrunc.f32 v27;
	v18 =	vnsel vm0, $0x0, v21;
	v21 =	vld.idx.msk [tilespmem:v28+s4+$0x0], $0xffff;
	v28 =	vcvt.s32.f32 v20  }
0x68: {  	s25 =	simm.s32 $0x14;
	v38 =	vcvt.f32.s32 v27;
	vm0 =	veq.s32 v31, v15;
	v31 =	vadd.f32 $5.000000000e-01, v33  }
0x69: {  	v15 =	vadd.s32 $0x1, v26;
	v33 =	vld.idx.msk [tilespmem:v44+s4+$0x0], $0xffff;
	v44 =	vadd.s32 s25, v13;
	v28 =	vmul.f32 $9.999999740e-05, v28  }
0x6a: {  	v25 =	vld.idx.msk [tilespmem:v23+s4+$0x0], $0xffff;
	v36 =	vcvt.s32.f32 v15;
	v61 =	vmul.u32 $0x2710, v38;
	v23 =	vtrunc.f32 v31  }
0x6b: {  	s3 =	simm.s32 $0x13;
	v31 =	vcvt.s32.f32 v35;
	v26 =	vadd.f32 $5.000000000e-01, v28;
	v28 =	vmul.f32 $9.999999740e-05, v43  }
0x6c: {  	s25 =	simm.s32 $0x1E;
	v23 =	vcvt.f32.s32 v23;
	v40 =	vmul.f32 $9.999999740e-05, v36;
	v43 =	vadd.s32 s3, v13  }
0x6d: {  	v34 =	vld.idx.msk [tilespmem:v34+s4+$0x0], $0xffff;
	v36 =	vadd.s32 s25, v13;
	v21 =	vadd.s32 $0x1, v21;
	v28 =	vadd.f32 $5.000000000e-01, v28  }
0x6e: {  	v27 =	vtrunc.f32 v26;
	v26 =	vnsel vm0, $0x0, v22;
	v37 =	vcvt.s32.f32 v21  }
0x6f: {  	v22 =	vld.idx.msk [tilespmem:v29+s4+$0x0], $0xffff;
	v29 =	vcvt.f32.s32 v27;
	v27 =	vadd.s32 $0x1, v25;
	v25 =	vtrunc.f32 v28  }
0x70: {  	v28 =	vmul.f32 $9.999999740e-05, v31;
	v31 =	vmul.u32 $0x2710, v23;
	v37 =	vmul.f32 $9.999999740e-05, v37  }
0x71: {  	v59 =	vcvt.s32.f32 v27;
	v39 =	vmul.u32 $0x2710, v29;
	v45 =	vcvt.f32.s32 v25  }
0x72: {  	s24 =	simm.s32 $0x1D;
	v25 =	vadd.s32 $0x1, v34;
	v34 =	vadd.f32 $5.000000000e-01, v55;
	v28 =	vadd.f32 $5.000000000e-01, v28  }
0x73: {  	v46 =	vadd.f32 $5.000000000e-01, v37;
	v37 =	vadd.s32 s24, v13;
	v4 =	vcvt.s32.f32 v25  }
0x74: {  	vm0 =	veq.s32 v39, v20;
	v47 =	vmul.u32 $0x2710, v45;
	v48 =	vadd.s32 $0x1, v22  }
0x75: {  	v56 =	vtrunc.f32 v34;
	v28 =	vtrunc.f32 v28;
	v20 =	vnsel vm0, $0x0, v29  }
0x76: {  	v43 =	vld.idx.msk [tilespmem:v43+s4+$0x0], $0xffff;
	v22 =	vtrunc.f32 v46;
	v49 =	vcvt.s32.f32 v48;
	v29 =	vadd.s32 $0x1, v33  }
0x77: {  	s30 =	simm.s32 $0x19;
	v39 =	vmul.f32 $9.999999740e-05, v4;
	vm0 =	veq.s32 v47, v24;
	v24 =	vcvt.f32.s32 v28  }
0x78: {  	s29 =	simm.s32 $0x17;
	v46 =	vadd.s32 s30, v13;
	v50 =	vcvt.f32.s32 v22;
	v52 =	vcvt.s32.f32 v29  }
0x79: {  	v28 =	vmul.f32 $9.999999740e-05, v49;
	v22 =	vnsel vm0, $0x0, v45;
	v45 =	vadd.s32 s29, v13  }
0x7a: {  	v32 =	vld.idx.msk [tilespmem:v32+s4+$0x0], $0xffff;
	s3 =	simm.s32 $0x1C;
	v51 =	vmul.u32 $0x2710, v24;
	v53 =	vmul.u32 $0x2710, v50;
	v54 =	vmul.f32 $9.999999740e-05, v52  }
0x7b: {  	v49 =	vadd.s32 s3, v13;
	v43 =	vadd.s32 $0x1, v43;
	v42 =	vadd.f32 $5.000000000e-01, v28  }
0x7c: {  	vm0 =	veq.s32 v51, v35;
	vm1 =	veq.s32 v53, v21;
	v33 =	vadd.f32 $5.000000000e-01, v54  }
0x7d: {  	v35 =	vmul.f32 $9.999999740e-05, v59;
	v59 =	vcvt.s32.f32 v43;
	v28 =	vnsel vm0, $0x0, v24  }
0x7e: {  	s31 =	simm.s32 $0x12;
	v51 =	vld.idx.msk [tilespmem:v63+s4+$0x0], $0xffff;
	v21 =	vtrunc.f32 v42;
	vm0 =	veq.s32 v31, v17;
	v24 =	vnsel vm1, $0x0, v50  }
0x7f: {  	v17 =	vadd.s32 $0x1, v32;
	v42 =	vadd.s32 s31, v13;
	v21 =	vcvt.f32.s32 v21  }
0x80: {  	v31 =	vtrunc.f32 v33;
	v60 =	vcvt.s32.f32 v17;
	v52 =	vadd.f32 $5.000000000e-01, v35  }
0x81: {  	s31 =	simm.s32 $0x1A;
	v33 =	vcvt.f32.s32 v31;
	v31 =	vcvt.f32.s32 v56;
	v57 =	vmul.u32 $0x2710, v21  }
0x82: {  	v47 =	vadd.s32 s31, v13;
	v23 =	vnsel vm0, $0x0, v23;
	v4 =	vtrunc.f32 v52  }
0x83: {  	s29 =	simm.s32 $0x18;
	v45 =	vld.idx.msk [tilespmem:v45+s4+$0x0], $0xffff;
	v62 =	vmul.u32 $0x2710, v31;
	v51 =	vadd.s32 $0x1, v51;
	vm1 =	veq.s32 v57, v48  }
0x84: {  	s26 =	simm.s32 $0x16;
	v48 =	vld.idx.msk [tilespmem:v58+s4+$0x0], $0xffff;
	v57 =	vmul.f32 $9.999999740e-05, v60;
	v58 =	vcvt.s32.f32 v51;
	v60 =	vadd.s32 s29, v13  }
0x85: {  	vm2 =	veq.s32 v62, v30;
	v30 =	vadd.s32 s26, v13;
	s26 =	simm.s32 $0x15;
	v35 =	vnsel vm1, $0x0, v21  }
0x86: {  	v21 =	vadd.f32 $5.000000000e-01, v39;
	v50 =	vadd.s32 s26, v13;
	v32 =	vnsel vm2, $0x0, v31  }
0x87: {  	vm2 =	veq.s32 v61, v14;
	v14 =	vadd.f32 $5.000000000e-01, v40;
	v39 =	vmul.f32 $9.999999740e-05, v58  }
0x88: {  	v5 =	vld.idx.msk [tilespmem:v44+s4+$0x0], $0xffff;
	v45 =	vadd.s32 $0x1, v45;
	v44 =	vnsel vm2, $0x0, v38;
	v40 =	vtrunc.f32 v21  }
0x89: {  	v38 =	vadd.f32 $5.000000000e-01, v57;
	v14 =	vtrunc.f32 v14;
	v39 =	vadd.f32 $5.000000000e-01, v39  }
0x8a: {  	s26 =	simm.s32 $0x1F;
	v40 =	vcvt.f32.s32 v40;
	v41 =	vadd.s32 $0x1, v48;
	v53 =	vcvt.f32.s32 v14  }
0x8b: {  	v31 =	vadd.s32 s26, v13;
	v55 =	vtrunc.f32 v38;
	v48 =	vcvt.s32.f32 v41  }
0x8c: {  	v61 =	vtrunc.f32 v39;
	v54 =	vmul.u32 $0x2710, v53;
	v21 =	vld.idx.msk [tilespmem:v50+s4+$0x0], $0xffff;
	v50 =	vmul.f32 $9.999999740e-05, v59  }
0x8d: {  	v14 =	vadd.s32 $0x1, v5;
	v63 =	vcvt.f32.s32 v61;
	v48 =	vmul.f32 $9.999999740e-05, v48  }
0x8e: {  	v55 =	vcvt.f32.s32 v55;
	vm1 =	veq.s32 v54, v15;
	v15 =	vcvt.s32.f32 v14  }
0x8f: {  	v62 =	vadd.f32 $5.000000000e-01, v50;
	v5 =	vmul.u32 $0x2710, v63;
	v48 =	vadd.f32 $5.000000000e-01, v48  }
0x90: {  	v59 =	vmul.u32 $0x2710, v55;
	v54 =	vld.idx.msk [tilespmem:v60+s4+$0x0], $0xffff;
	v53 =	vnsel vm1, $0x0, v53;
	v15 =	vmul.f32 $9.999999740e-05, v15  }
0x91: {  	v39 =	vtrunc.f32 v62;
	vm1 =	veq.s32 v5, v51;
	v48 =	vtrunc.f32 v48  }
0x92: {  	v5 =	vmul.u32 $0x2710, v40;
	v38 =	vadd.s32 $0x1, v21;
	v21 =	vcvt.f32.s32 v48  }
0x93: {  	v61 =	vld.idx.msk [tilespmem:v46+s4+$0x0], $0xffff;
	v39 =	vcvt.f32.s32 v39;
	v15 =	vadd.f32 $5.000000000e-01, v15;
	v48 =	vcvt.f32.s32 v4  }
0x94: {  	v30 =	vld.idx.msk [tilespmem:v30+s4+$0x0], $0xffff;
	v60 =	vcvt.s32.f32 v38;
	v4 =	vcvt.s32.f32 v45;
	v57 =	vmul.u32 $0x2710, v21  }
0x95: {  	v51 =	vld.idx.msk [tilespmem:v18+s16+$0x0], $0xffff;
	v58 =	vmul.u32 $0x2710, v39;
	v52 =	vadd.s32 $0x1, v54;
	v56 =	vtrunc.f32 v15  }
0x96: {  	v54 =	vld.idx.msk [tilespmem:v18+s17+$0x0], $0xffff;
	v15 =	vnsel vm1, $0x0, v63;
	v18 =	vmul.f32 $9.999999740e-05, v4;
	vm1 =	veq.s32 v57, v41  }
0x97: {  	v37 =	vld.idx.msk [tilespmem:v37+s4+$0x0], $0xffff;
	v50 =	vmul.f32 $9.999999740e-05, v60;
	v63 =	vmul.u32 $0x2710, v48;
	v62 =	vnsel vm1, $0x0, v21  }
0x98: {  	v42 =	vld.idx.msk [tilespmem:v42+s4+$0x0], $0xffff;
	vm2 =	veq.s32 v58, v43;
	v41 =	vadd.s32 $0x1, v61;
	v58 =	vadd.f32 $5.000000000e-01, v18  }
0x99: {  	v47 =	vld.idx.msk [tilespmem:v47+s4+$0x0], $0xffff;
	vm1 =	veq.s32 v59, v17;
	v17 =	vnsel vm2, $0x0, v39;
	v21 =	vadd.s32 $0x1, v30  }
0x9a: {  	v46 =	vld.idx.msk [tilespmem:v26+s16+$0x0], $0xffff;
	v30 =	vadd.f32 $5.000000000e-01, v50;
	v39 =	vnsel vm1, $0x0, v55;
	vm1 =	veq.s32 v63, v27  }
0x9b: {  	v26 =	vld.idx.msk [tilespmem:v26+s17+$0x0], $0xffff;
	v27 =	vcvt.s32.f32 v52;
	v55 =	vcvt.s32.f32 v41;
	v48 =	vnsel vm1, $0x0, v48  }
0x9c: {  	v30 =	vtrunc.f32 v30;
	vm1 =	veq.s32 v5, v25;
	v5 =	vcvt.s32.f32 v21;
	v50 =	vld.idx.msk [tilespmem:v62+s17+$0x0], $0xffff  }
0x9d: {  	v34 =	vmul.u32 $0x2710, v33;
	v59 =	vmul.f32 $9.999999740e-05, v27;
	v27 =	vcvt.f32.s32 v56;
	v43 =	vld.idx.msk [tilespmem:v62+s16+$0x0], $0xffff  }
0x9e: {  	v18 =	vcvt.f32.s32 v30;
	v56 =	vld.idx.msk [tilespmem:v31+s4+$0x0], $0xffff;
	v31 =	vnsel vm1, $0x0, v40;
	v30 =	vtrunc.f32 v58  }
0x9f: {  	v40 =	vld.idx.msk [tilespmem:v49+s4+$0x0], $0xffff;
	v55 =	vmul.f32 $9.999999740e-05, v55;
	v4 =	vcvt.f32.s32 v30;
	v63 =	vadd.f32 $5.000000000e-01, v59  }
0xa0: {  	v47 =	vadd.s32 $0x1, v47;
	v25 =	vadd.s32 $0x1, v42;
	v30 =	vmul.f32 $9.999999740e-05, v5;
	v49 =	vld.idx.msk [tilespmem:v48+s17+$0x0], $0xffff  }
0xa1: {  	s30 =	simm.s32 $0x1B;
	v5 =	vmul.u32 $0x2710, v4;
	v48 =	vld.idx.msk [tilespmem:v48+s16+$0x0], $0xffff;
	v42 =	vtrunc.f32 v63;
	v63 =	vadd.f32 $5.000000000e-01, v55  }
0xa2: {  	v57 =	vadd.s32 s30, v13;
	v61 =	vld.idx.msk [tilespmem:v44+s17+$0x0], $0xffff;
	v50 =	vadd.f32 v50, v16;
	v43 =	vadd.f32 v43, v16  }
0xa3: {  	v44 =	vld.idx.msk [tilespmem:v44+s16+$0x0], $0xffff;
	v42 =	vcvt.f32.s32 v42;
	vm0 =	veq.s32 v5, v45;
	v5 =	vcvt.s32.f32 v47  }
0xa4: {  	v45 =	vtrunc.f32 v63;
	v50 =	vadd.f32 v54, v50;
	v54 =	vld.idx.msk [tilespmem:v23+s17+$0x0], $0xffff;
	v43 =	vadd.f32 v51, v43  }
0xa5: {  	v63 =	vmul.f32 $9.999999740e-05, v5;
	v51 =	vld.idx.msk [tilespmem:v23+s16+$0x0], $0xffff;
	v23 =	vnsel vm0, $0x0, v4;
	v4 =	vmul.u32 $0x2710, v42  }
0xa6: {  	v60 =	vld.idx.msk [tilespmem:v20+s16+$0x0], $0xffff;
	v45 =	vcvt.f32.s32 v45;
	v49 =	vadd.f32 v49, v50;
	v43 =	vadd.f32 v48, v43  }
0xa7: {  	v58 =	vld.idx.msk [tilespmem:v53+s16+$0x0], $0xffff;
	v16 =	vadd.s32 $0x1, v56;
	v5 =	vadd.f32 $5.000000000e-01, v63;
	vm0 =	veq.s32 v4, v52  }
0xa8: {  	v59 =	vld.idx.msk [tilespmem:v53+s17+$0x0], $0xffff;
	v4 =	vmul.u32 $0x2710, v45;
	v49 =	vadd.f32 v26, v49;
	v43 =	vadd.f32 v46, v43  }
0xa9: {  	v50 =	vld.idx.msk [tilespmem:v57+s4+$0x0], $0xffff;
	v26 =	vnsel vm0, $0x0, v42;
	vm0 =	veq.s32 v34, v29;
	v34 =	vadd.s32 $0x1, v37  }
0xaa: {  	v55 =	vld.idx.msk [tilespmem:v22+s17+$0x0], $0xffff;
	v33 =	vnsel vm0, $0x0, v33;
	v49 =	vadd.f32 v61, v49;
	v53 =	vadd.f32 v44, v43  }
0xab: {  	v29 =	vld.idx.msk [tilespmem:v20+s17+$0x0], $0xffff;
	vm0 =	veq.s32 v4, v41;
	v4 =	vcvt.s32.f32 v34;
	v44 =	vadd.s32 $0x1, v40  }
0xac: {  	v43 =	vld.idx.msk [tilespmem:v22+s16+$0x0], $0xffff;
	v22 =	vtrunc.f32 v5;
	v54 =	vadd.f32 v54, v49;
	v42 =	vadd.f32 v51, v53  }
0xad: {  	v36 =	vld.idx.msk [tilespmem:v36+s4+$0x0], $0xffff;
	v20 =	vnsel vm0, $0x0, v45;
	v56 =	vcvt.f32.s32 v22;
	v57 =	vcvt.s32.f32 v44  }
0xae: {  	v45 =	vld.idx.msk [tilespmem:v28+s16+$0x0], $0xffff;
	v22 =	vadd.s32 $0x1, v50;
	v40 =	vadd.f32 v59, v54;
	v58 =	vadd.f32 v58, v42  }
0xaf: {  	v62 =	vmul.u32 $0x2710, v18;
	v28 =	vld.idx.msk [tilespmem:v28+s17+$0x0], $0xffff;
	v61 =	vcvt.s32.f32 v22;
	v49 =	vmul.f32 $9.999999740e-05, v57  }
0xb0: {  	v63 =	vld.idx.msk [tilespmem:v24+s17+$0x0], $0xffff;
	v59 =	vmul.u32 $0x2710, v56;
	v29 =	vadd.f32 v29, v40;
	v37 =	vadd.f32 v60, v58  }
0xb1: {  	v41 =	vcvt.s32.f32 v25;
	v5 =	vld.idx.msk [tilespmem:v24+s16+$0x0], $0xffff;
	v48 =	vmul.f32 $9.999999740e-05, v61;
	v54 =	vadd.f32 $5.000000000e-01, v49  }
0xb2: {  	v52 =	vld.idx.msk [tilespmem:v33+s17+$0x0], $0xffff;
	vm1 =	veq.s32 v59, v47;
	v29 =	vadd.f32 v55, v29;
	v37 =	vadd.f32 v43, v37  }
0xb3: {  	v53 =	vld.idx.msk [tilespmem:v33+s16+$0x0], $0xffff;
	v42 =	vadd.f32 $5.000000000e-01, v48;
	v24 =	vnsel vm1, $0x0, v56;
	v55 =	vmul.f32 $9.999999740e-05, v4  }
0xb4: {  	v58 =	vld.idx.msk [tilespmem:v35+s16+$0x0], $0xffff;
	v33 =	vtrunc.f32 v54;
	v28 =	vadd.f32 v28, v29;
	v57 =	vadd.f32 v45, v37  }
0xb5: {  	v56 =	vld.idx.msk [tilespmem:v35+s17+$0x0], $0xffff;
	v33 =	vcvt.f32.s32 v33;
	v29 =	vadd.s32 $0x1, v36;
	v59 =	vadd.f32 $5.000000000e-01, v55  }
0xb6: {  	v35 =	vld.idx.msk [tilespmem:v32+s17+$0x0], $0xffff;
	v37 =	vcvt.s32.f32 v29;
	v40 =	vadd.f32 v63, v28;
	v60 =	vadd.f32 v5, v57  }
0xb7: {  	vm0 =	veq.s32 v62, v38;
	v36 =	vld.idx.msk [tilespmem:v32+s16+$0x0], $0xffff;
	v28 =	vtrunc.f32 v42;
	v61 =	vtrunc.f32 v59  }
0xb8: {  	s31 =	simm.s32 $0x10;
	v63 =	vmul.u32 $0x2710, v33;
	v62 =	vadd.f32 v52, v40;
	v40 =	vld.idx.msk [tilespmem:v39+s16+$0x0], $0xffff;
	v38 =	vadd.f32 v53, v60  }
0xb9: {  	v42 =	vadd.s32 s31, v13;
	v28 =	vcvt.f32.s32 v28;
	v32 =	vcvt.f32.s32 v61;
	v39 =	vld.idx.msk [tilespmem:v39+s17+$0x0], $0xffff  }
0xba: {  	s28 =	simm.s32 $0x20;
	vm1 =	veq.s32 v63, v44;
	v43 =	vadd.f32 v56, v62;
	v44 =	vadd.f32 v58, v38;
	v38 =	vld.idx.msk [tilespmem:v31+s17+$0x0], $0xffff  }
.LBB2_3:
0xbb: {  	s25 =	sadd.s32 $0x1, s28  }
0xbc: {  	s26 =	sadd.s32 $0x2, s28;
	v45 =	vmul.u32 $0x2710, v27;
	v46 =	vmul.u32 $0x2710, v32;
	v35 =	vadd.f32 v35, v43;
	s24 =	smov.u32 s28;
	s23 =	sadd.s32 $0x10, s28  }
0xbd: {  	v43 =	vadd.s32 s25, v13;
	v47 =	vadd.s32 s26, v13;
	s25 =	sadd.s32 $0x3, s24;
	s26 =	sadd.s32 $0x4, s24;
	s29 =	sadd.s32 $0x5, s24;
	v36 =	vadd.f32 v36, v44;
	v44 =	vld.idx.msk [tilespmem:v31+s16+$0x0], $0xffff  }
0xbe: {  	s30 =	sadd.s32 $0x7, s24;
	v48 =	vadd.s32 s25, v13;
	v49 =	vadd.s32 s26, v13;
	s25 =	sadd.s32 $0x6, s24;
	s26 =	sadd.s32 $0x8, s24;
	vm2 =	veq.s32 v46, v34  }
0xbf: {  	s31 =	sadd.s32 $0xA, s24;
	v50 =	vadd.s32 s30, v13;
	s30 =	sadd.s32 $0x9, s24;
	v46 =	vadd.s32 s25, v13;
	s25 =	sadd.s32 $0xB, s24;
	v40 =	vadd.f32 v40, v36  }
0xc0: {  	p0 =	slt.u32 s28, $0xB0;
	v52 =	vadd.s32 s31, v13;
	s31 =	sadd.s32 $0xD, s24;
	v53 =	vadd.f32 v39, v35;
	v51 =	vadd.s32 s30, v13;
	s30 =	sadd.s32 $0xC, s24;
	v42 =	vld.idx.msk [tilespmem:v42+s4+$0x0], $0xffff  }
0xc1: {  	s28 =	sadd.s32 $0xE, s24;
	v35 =	vmul.u32 $0x2710, v28;
	v36 =	vadd.s32 s31, v13;
	v31 =	vadd.s32 s30, v13  }
0xc2: {  	v55 =	vadd.s32 s29, v13;
	v34 =	vadd.s32 s28, v13;
	s28 =	sadd.s32 $0xF, s24;
	v32 =	vnsel vm2, $0x0, v32;
	v54 =	vld.idx.msk [tilespmem:v43+s4+$0x0], $0xffff  }
0xc3: {  	vm2 =	veq.s32 v45, v14;
	v43 =	vadd.s32 s28, v13;
	v40 =	vadd.f32 v44, v40;
	v48 =	vld.idx.msk [tilespmem:v48+s4+$0x0], $0xffff  }
0xc4: {  	v39 =	vnsel vm2, $0x0, v27;
	v27 =	vadd.f32 $5.000000000e-01, v30;
	v44 =	vcvt.s32.f32 v16;
	v14 =	vld.idx.msk [tilespmem:v49+s4+$0x0], $0xffff  }
0xc5: {  	v41 =	vmul.f32 $9.999999740e-05, v41;
	v37 =	vmul.f32 $9.999999740e-05, v37;
	v30 =	vadd.f32 v38, v53;
	v45 =	vld.idx.msk [tilespmem:v47+s4+$0x0], $0xffff  }
0xc6: {  	v27 =	vtrunc.f32 v27;
	v38 =	vadd.s32 $0x1, v42;
	v42 =	vmul.f32 $9.999999740e-05, v44  }
0xc7: {  	v27 =	vcvt.f32.s32 v27;
	v47 =	vadd.f32 $5.000000000e-01, v41;
	v44 =	vcvt.s32.f32 v38  }
0xc8: {  	v33 =	vnsel vm1, $0x0, v33;
	v49 =	vadd.s32 $0x1, v54;
	v41 =	vadd.f32 $5.000000000e-01, v42  }
0xc9: {  	v53 =	vmul.u32 $0x2710, v27;
	v42 =	vcvt.s32.f32 v49;
	v44 =	vmul.f32 $9.999999740e-05, v44  }
0xca: {  	v48 =	vadd.s32 $0x1, v48;
	v14 =	vadd.s32 $0x1, v14;
	v54 =	vld.idx.msk [tilespmem:v55+s4+$0x0], $0xffff;
	v55 =	vtrunc.f32 v41  }
0xcb: {  	vm1 =	veq.s32 v53, v21;
	v56 =	vcvt.s32.f32 v48;
	v42 =	vmul.f32 $9.999999740e-05, v42  }
0xcc: {  	v21 =	vcvt.s32.f32 v14;
	v41 =	vnsel vm1, $0x0, v27;
	v27 =	vadd.f32 $5.000000000e-01, v37  }
0xcd: {  	v44 =	vadd.f32 $5.000000000e-01, v44;
	v37 =	vadd.f32 $5.000000000e-01, v42;
	v42 =	vmul.f32 $9.999999740e-05, v56  }
0xce: {  	v53 =	vadd.s32 s26, v13;
	v21 =	vmul.f32 $9.999999740e-05, v21;
	v27 =	vtrunc.f32 v27  }
0xcf: {  	v44 =	vtrunc.f32 v44;
	v37 =	vtrunc.f32 v37;
	v56 =	vadd.f32 $5.000000000e-01, v42;
	v42 =	vld.idx.msk [tilespmem:v17+s16+$0x0], $0xffff  }
0xd0: {  	v44 =	vcvt.f32.s32 v44;
	v57 =	vcvt.f32.s32 v37;
	v37 =	vadd.s32 $0x1, v54;
	v54 =	vld.idx.msk [tilespmem:v17+s17+$0x0], $0xffff  }
0xd1: {  	v47 =	vtrunc.f32 v47;
	v21 =	vadd.f32 $5.000000000e-01, v21;
	v17 =	vtrunc.f32 v56;
	v46 =	vld.idx.msk [tilespmem:v46+s4+$0x0], $0xffff  }
0xd2: {  	v27 =	vcvt.f32.s32 v27;
	v56 =	vmul.u32 $0x2710, v57;
	v17 =	vcvt.f32.s32 v17;
	v50 =	vld.idx.msk [tilespmem:v50+s4+$0x0], $0xffff  }
0xd3: {  	v47 =	vcvt.f32.s32 v47;
	v58 =	vtrunc.f32 v21;
	v21 =	vmul.u32 $0x2710, v44;
	v59 =	vld.idx.msk [tilespmem:v15+s16+$0x0], $0xffff  }
0xd4: {  	vm1 =	veq.s32 v56, v49;
	v49 =	vmul.u32 $0x2710, v17;
	v56 =	vmul.u32 $0x2710, v27;
	v53 =	vld.idx.msk [tilespmem:v53+s4+$0x0], $0xffff  }
0xd5: {  	v60 =	vcvt.s32.f32 v37;
	v57 =	vnsel vm1, $0x0, v57;
	vm1 =	veq.s32 v21, v38;
	v51 =	vld.idx.msk [tilespmem:v51+s4+$0x0], $0xffff  }
0xd6: {  	vm2 =	veq.s32 v49, v48;
	v44 =	vnsel vm1, $0x0, v44;
	vm1 =	veq.s32 v56, v29;
	v48 =	vld.idx.msk [tilespmem:v15+s17+$0x0], $0xffff;
	v15 =	vmovc v57  }
0xd7: {  	v29 =	vmul.f32 $9.999999740e-05, v60;
	v17 =	vnsel vm2, $0x0, v17;
	v49 =	vld.idx.msk [tilespmem:v52+s4+$0x0], $0xffff;
	v52 =	vmul.u32 $0x2710, v47  }
0xd8: {  	v21 =	vadd.s32 $0x1, v46;
	v38 =	vnsel vm1, $0x0, v27;
	v46 =	vadd.s32 $0x1, v50;
	v50 =	vld.idx.msk [tilespmem:v23+s16+$0x0], $0xffff  }
0xd9: {  	v27 =	vadd.f32 $5.000000000e-01, v29;
	v56 =	vcvt.s32.f32 v46;
	vm1 =	veq.s32 v52, v25;
	v29 =	vld.idx.msk [tilespmem:v26+s16+$0x0], $0xffff  }
0xda: {  	v52 =	vadd.s32 $0x1, v53;
	v47 =	vnsel vm1, $0x0, v47;
	v53 =	vld.idx.msk [tilespmem:v23+s17+$0x0], $0xffff;
	v23 =	vcvt.f32.s32 v55  }
0xdb: {  	v25 =	vmul.f32 $9.999999740e-05, v56;
	v55 =	vcvt.s32.f32 v52;
	v51 =	vadd.s32 $0x1, v51;
	v56 =	vld.idx.msk [tilespmem:v44+s17+$0x0], $0xffff  }
0xdc: {  	v57 =	vtrunc.f32 v27;
	v60 =	vcvt.s32.f32 v51;
	v44 =	vld.idx.msk [tilespmem:v44+s16+$0x0], $0xffff;
	v61 =	vmul.u32 $0x2710, v23  }
0xdd: {  	v62 =	vadd.f32 $5.000000000e-01, v25;
	v55 =	vmul.f32 $9.999999740e-05, v55;
	v49 =	vadd.s32 $0x1, v49;
	v63 =	vld.idx.msk [tilespmem:v26+s17+$0x0], $0xffff  }
0xde: {  	v27 =	vcvt.f32.s32 v58;
	v26 =	vcvt.f32.s32 v57;
	v43 =	vld.idx.msk [tilespmem:v43+s4+$0x0], $0xffff;
	vm1 =	veq.s32 v61, v16  }
0xdf: {  	v57 =	vadd.s32 s25, v13;
	v61 =	vnsel vm0, $0x0, v18;
	v58 =	vld.idx.msk [tilespmem:v31+s4+$0x0], $0xffff;
	v31 =	vnsel vm1, $0x0, v23  }
0xe0: {  	v25 =	vadd.s32 $0x1, v45;
	v16 =	vtrunc.f32 v62;
	v23 =	vadd.f32 $5.000000000e-01, v55;
	v18 =	vmovc v26;
	v45 =	vld.idx.msk [tilespmem:v47+s17+$0x0], $0xffff  }
0xe1: {  	v26 =	vcvt.s32.f32 v21;
	v55 =	vcvt.f32.s32 v16;
	v56 =	vadd.f32 v56, v30;
	v47 =	vld.idx.msk [tilespmem:v47+s16+$0x0], $0xffff  }
0xe2: {  	v16 =	vtrunc.f32 v23;
	v23 =	vmul.f32 $9.999999740e-05, v60;
	v40 =	vadd.f32 v44, v40;
	v44 =	vld.idx.msk [tilespmem:v39+s17+$0x0], $0xffff  }
0xe3: {  	v60 =	vmul.u32 $0x2710, v18;
	v30 =	vmul.f32 $9.999999740e-05, v26;
	v26 =	vmul.u32 $0x2710, v55;
	v39 =	vld.idx.msk [tilespmem:v39+s16+$0x0], $0xffff  }
0xe4: {  	v62 =	vcvt.f32.s32 v16;
	v16 =	vadd.s32 $0x1, v43;
	v43 =	vadd.f32 v48, v56;
	v48 =	vld.idx.msk [tilespmem:v61+s17+$0x0], $0xffff  }
0xe5: {  	vm0 =	veq.s32 v26, v46;
	v26 =	vadd.f32 $5.000000000e-01, v23;
	v40 =	vadd.f32 v59, v40;
	v46 =	vld.idx.msk [tilespmem:v61+s16+$0x0], $0xffff  }
0xe6: {  	v23 =	vnsel vm0, $0x0, v55;
	v55 =	vmul.u32 $0x2710, v62;
	v43 =	vadd.f32 v45, v43;
	v56 =	vld.idx.msk [tilespmem:v57+s4+$0x0], $0xffff  }
0xe7: {  	v26 =	vtrunc.f32 v26;
	v45 =	vcvt.s32.f32 v49;
	v40 =	vadd.f32 v47, v40;
	v47 =	vld.idx.msk [tilespmem:v41+s16+$0x0], $0xffff  }
0xe8: {  	vm0 =	veq.s32 v55, v52;
	v52 =	vcvt.f32.s32 v26;
	v43 =	vadd.f32 v54, v43;
	v41 =	vld.idx.msk [tilespmem:v41+s17+$0x0], $0xffff  }
0xe9: {  	v26 =	vnsel vm0, $0x0, v62;
	v45 =	vmul.f32 $9.999999740e-05, v45;
	v40 =	vadd.f32 v42, v40;
	v36 =	vld.idx.msk [tilespmem:v36+s4+$0x0], $0xffff  }
0xea: {  	vm0 =	veq.s32 v35, v22;
	v42 =	vmul.u32 $0x2710, v52;
	v43 =	vadd.f32 v44, v43;
	v44 =	vld.idx.msk [tilespmem:v20+s16+$0x0], $0xffff  }
0xeb: {  	v28 =	vnsel vm0, $0x0, v28;
	v22 =	vadd.f32 $5.000000000e-01, v45;
	v35 =	vadd.f32 v39, v40;
	v39 =	vld.idx.msk [tilespmem:v20+s17+$0x0], $0xffff  }
0xec: {  	v45 =	vadd.s32 $0x1, v58;
	vm0 =	veq.s32 v42, v51;
	v40 =	vadd.f32 v48, v43;
	v42 =	vld.idx.msk [tilespmem:v24+s16+$0x0], $0xffff  }
0xed: {  	v20 =	vnsel vm0, $0x0, v52;
	v22 =	vtrunc.f32 v22;
	v35 =	vadd.f32 v46, v35;
	v43 =	vld.idx.msk [tilespmem:v24+s17+$0x0], $0xffff  }
0xee: {  	v24 =	vcvt.f32.s32 v22;
	v22 =	vadd.s32 $0x1, v56;
	v40 =	vadd.f32 v41, v40;
	v46 =	vld.idx.msk [tilespmem:v34+s4+$0x0], $0xffff  }
0xef: {  	v41 =	vcvt.s32.f32 v45;
	v34 =	vadd.s32 $0x1, v36;
	v35 =	vadd.f32 v47, v35;
	v47 =	vld.idx.msk [tilespmem:v33+s16+$0x0], $0xffff  }
0xf0: {  	v48 =	vcvt.s32.f32 v22;
	v36 =	vmul.u32 $0x2710, v24;
	v40 =	vadd.f32 v53, v40;
	v51 =	vld.idx.msk [tilespmem:v28+s17+$0x0], $0xffff  }
0xf1: {  	v41 =	vmul.f32 $9.999999740e-05, v41;
	v52 =	vcvt.s32.f32 v34;
	v50 =	vadd.f32 v50, v35;
	v53 =	vld.idx.msk [tilespmem:v28+s16+$0x0], $0xffff  }
0xf2: {  	vm1 =	veq.s32 v36, v49;
	v28 =	vmul.f32 $9.999999740e-05, v48;
	v40 =	vadd.f32 v63, v40;
	v35 =	vld.idx.msk [tilespmem:v32+s17+$0x0], $0xffff  }
0xf3: {  	vm0 =	veq.s32 v60, v37;
	v24 =	vnsel vm1, $0x0, v24;
	v37 =	vadd.f32 v29, v50;
	v36 =	vld.idx.msk [tilespmem:v32+s16+$0x0], $0xffff  }
0xf4: {  	v32 =	vadd.f32 $5.000000000e-01, v41;
	v41 =	vmul.f32 $9.999999740e-05, v52;
	v39 =	vadd.f32 v39, v40;
	v48 =	vld.idx.msk [tilespmem:v33+s17+$0x0], $0xffff  }
0xf5: {  	v28 =	vadd.f32 $5.000000000e-01, v28;
	v29 =	vadd.s32 $0x1, v46;
	v37 =	vadd.f32 v44, v37  }
0xf6: {  	v32 =	vtrunc.f32 v32;
	v41 =	vadd.f32 $5.000000000e-01, v41;
	v39 =	vadd.f32 v43, v39  }
.Ltmp0:
0xf7: {  	v28 =	vtrunc.f32 v28;
	v33 =	vcvt.f32.s32 v32;
	v37 =	vadd.f32 v42, v37;
	v40 =	vld.idx.msk [tilespmem:v38+s16+$0x0], $0xffff;
	(pc) =	sbr.rel @p0 .LBB2_3-.Ltmp0, $4  }
0xf8: {  	v28 =	vcvt.f32.s32 v28;
	v32 =	vtrunc.f32 v41;
	v42 =	vadd.f32 v51, v39  }
0xf9: {  	v44 =	vmul.u32 $0x2710, v33;
	v32 =	vcvt.f32.s32 v32;
	v46 =	vadd.f32 v53, v37;
	v39 =	vld.idx.msk [tilespmem:v38+s17+$0x0], $0xffff  }
0xfa: {  	v41 =	vcvt.s32.f32 v25;
	v37 =	vcvt.s32.f32 v29;
	v43 =	vadd.f32 v48, v42  }
0xfb: {  	s28 =	smov.u32 s23;
	v42 =	vadd.s32 s24, v13;
	vm1 =	veq.s32 v44, v45;
	v44 =	vadd.f32 v47, v46;
	v38 =	vld.idx.msk [tilespmem:v31+s17+$0x0], $0xffff  }
0xfc: {  	_ =	sdelay $0x3  }
0xfd: {  	v13 =	vld.idx.msk [tilespmem:v42+s4+$0x0], $0xffff;
	_ =	sdelay $0x4  }
0xfe: {  	v13 =	vadd.s32 $0x1, v13  }
0xff: {  	v55 =	vcvt.s32.f32 v13;
	_ =	sdelay $0x1  }
0x100: {  	v42 =	vmul.f32 $9.999999740e-05, v55;
	_ =	sdelay $0x1  }
0x101: {  	v42 =	vadd.f32 $5.000000000e-01, v42;
	_ =	sdelay $0x1  }
0x102: {  	v42 =	vtrunc.f32 v42  }
0x103: {  	v41 =	vmul.f32 $9.999999740e-05, v41;
	v42 =	vcvt.f32.s32 v42;
	_ =	sdelay $0x1  }
0x104: {  	v41 =	vadd.f32 $5.000000000e-01, v41;
	v45 =	vmul.u32 $0x2710, v42;
	_ =	sdelay $0x1  }
0x105: {  	v41 =	vtrunc.f32 v41;
	vm2 =	veq.s32 v45, v13  }
0x106: {  	v41 =	vcvt.f32.s32 v41;
	v13 =	vnsel vm2, $0x0, v42;
	_ =	sdelay $0x1  }
0x107: {  	v56 =	vmul.u32 $0x2710, v41;
	_ =	sdelay $0x1  }
0x108: {  	v31 =	vld.idx.msk [tilespmem:v31+s16+$0x0], $0xffff;
	vm12 =	veq.s32 v56, v25  }
0x109: {  	v59 =	vmul.u32 $0x2710, v27;
	v35 =	vadd.f32 v35, v43;
	v41 =	vnsel vm12, $0x0, v41;
	v60 =	vld.idx.msk [tilespmem:v13+s16+$0x0], $0xffff  }
0x10a: {  	v30 =	vadd.f32 $5.000000000e-01, v30;
	v13 =	vld.idx.msk [tilespmem:v13+s17+$0x0], $0xffff  }
0x10b: {  	v61 =	vld.idx.msk [tilespmem:v15+s16+$0x0], $0xffff;
	v35 =	vadd.f32 v39, v35;
	vm13 =	veq.s32 v59, v14  }
0x10c: {  	v15 =	vld.idx.msk [tilespmem:v15+s17+$0x0], $0xffff;
	v30 =	vtrunc.f32 v30;
	v62 =	vnsel vm13, $0x0, v27  }
0x10d: {  	v57 =	vadd.f32 v36, v44;
	v14 =	vcvt.f32.s32 v30;
	v63 =	vadd.f32 v38, v35  }
0x10e: {  	v18 =	vnsel vm0, $0x0, v18;
	v42 =	vld.idx.msk [tilespmem:v41+s17+$0x0], $0xffff  }
0x10f: {  	v58 =	vld.idx.msk [tilespmem:v17+s16+$0x0], $0xffff;
	v4 =	vmul.u32 $0x2710, v14;
	v25 =	vadd.f32 v40, v57;
	v13 =	vadd.f32 v13, v63  }
0x110: {  	v17 =	vld.idx.msk [tilespmem:v17+s17+$0x0], $0xffff  }
0x111: {  	vm14 =	veq.s32 v4, v21;
	v27 =	vld.idx.msk [tilespmem:v62+s17+$0x0], $0xffff;
	v25 =	vadd.f32 v31, v25;
	v13 =	vadd.f32 v15, v13  }
0x112: {  	v14 =	vnsel vm14, $0x0, v14;
	v5 =	vld.idx.msk [tilespmem:v41+s16+$0x0], $0xffff;
	v15 =	vmul.u32 $0x2710, v32  }
0x113: {  	v0 =	vld [tilespmem:$0x1FFA0];
	v25 =	vadd.f32 v60, v25;
	v13 =	vadd.f32 v42, v13  }
0x114: {  	vm15 =	veq.s32 v15, v34;
	v15 =	vld.idx.msk [tilespmem:v18+s17+$0x0], $0xffff  }
0x115: {  	v48 =	vld.idx.msk [tilespmem:v18+s16+$0x0], $0xffff;
	v45 =	vadd.f32 v61, v25;
	v13 =	vadd.f32 v17, v13  }
0x116: {  	v46 =	vld.idx.msk [tilespmem:v62+s16+$0x0], $0xffff  }
0x117: {  	v50 =	vld.idx.msk [tilespmem:v14+s16+$0x0], $0xffff;
	v21 =	vadd.f32 v5, v45;
	v13 =	vadd.f32 v27, v13  }
0x118: {  	v53 =	vadd.s32 v8, v19;
	v14 =	vld.idx.msk [tilespmem:v14+s17+$0x0], $0xffff  }
0x119: {  	v18 =	vadd.f32 v58, v21;
	v13 =	vadd.f32 v15, v13;
	v15 =	vand.u32 $0xFFFFFF80, v53  }
0x11a: {  	v47 =	vcvt.s32.f32 v16;
	v17 =	vmul.f32 $9.999999740e-05, v37;
	v15 =	vor.u32 v0, v15;
	v0 =	vld [tilespmem:$0x1FFB0]  }
0x11b: {  	v52 =	vld.idx.msk [tilespmem:v23+s17+$0x0], $0xffff;
	v18 =	vadd.f32 v46, v18  }
0x11c: {  	v49 =	vmul.u32 $0x2710, v28;
	v44 =	vld.idx.msk [tilespmem:v23+s16+$0x0], $0xffff;
	v30 =	vmul.f32 $9.999999740e-05, v47;
	v17 =	vadd.f32 $5.000000000e-01, v17  }
0x11d: {  	v51 =	vld.idx.msk [tilespmem:v26+s16+$0x0], $0xffff;
	v18 =	vadd.f32 v48, v18;
	v13 =	vadd.f32 v14, v13;
	v14 =	vadd.s32 v9, v19  }
0x11e: {  	v54 =	vld.idx.msk [tilespmem:v26+s17+$0x0], $0xffff;
	vm4 =	veq.s32 v49, v22;
	v30 =	vadd.f32 $5.000000000e-01, v30;
	v14 =	vand.u32 $0xFFFFFF80, v14  }
0x11f: {  	v17 =	vtrunc.f32 v17;
	v18 =	vadd.f32 v50, v18;
	v14 =	vor.u32 v0, v14;
	v0 =	vld [tilespmem:$0x1FFC0]  }
0x120: {  	v55 =	vld.idx.msk [tilespmem:v20+s16+$0x0], $0xffff;
	v56 =	vtrunc.f32 v30;
	v27 =	vnsel vm4, $0x0, v28;
	v17 =	vcvt.f32.s32 v17  }
0x121: {  	v20 =	vld.idx.msk [tilespmem:v20+s17+$0x0], $0xffff;
	v18 =	vadd.f32 v44, v18;
	v23 =	vadd.f32 v52, v13;
	v13 =	vadd.s32 $0xC2, v1  }
0x122: {  	v25 =	vnsel vm1, $0x0, v33;
	v28 =	vcvt.f32.s32 v56;
	v61 =	vadd.s32 v13, v19;
	v15 =	vld.idx.msk [tilespmem:v15+s4+$0x0], $0xffff  }
0x123: {  	v57 =	vld.idx.msk [tilespmem:v24+s16+$0x0], $0xffff;
	v60 =	vmul.u32 $0x2710, v17;
	v18 =	vadd.f32 v51, v18;
	v63 =	vand.u32 $0xFFFFFF80, v61  }
0x124: {  	v23 =	vadd.f32 v54, v23;
	v22 =	vor.u32 v0, v63;
	v0 =	vld [tilespmem:$0x1FFD0]  }
0x125: {  	v62 =	vmul.u32 $0x2710, v28;
	v59 =	vld.idx.msk [tilespmem:v27+s16+$0x0], $0xffff;
	vm5 =	veq.s32 v60, v29;
	v18 =	vadd.f32 v55, v18  }
0x126: {  	v20 =	vadd.f32 v20, v23;
	v23 =	vnsel vm5, $0x0, v17;
	v17 =	vld.idx.msk [tilespmem:v14+s4+$0x0], $0xffff;
	v14 =	vadd.s32 $0xC3, v1  }
0x127: {  	v21 =	vnsel vm15, $0x0, v32;
	v4 =	vld.idx.msk [tilespmem:v25+s16+$0x0], $0xffff;
	v5 =	vadd.s32 $0x1, v15;
	v15 =	vadd.s32 v14, v19  }
0x128: {  	vm6 =	veq.s32 v62, v16;
	v16 =	vadd.f32 v57, v18;
	v42 =	vand.u32 $0xFFFFFF80, v15  }
0x129: {  	v30 =	vor.u32 v0, v42;
	v0 =	vld [tilespmem:$0x1FFE0]  }
0x12a: {  	v16 =	vadd.f32 v59, v16  }
0x12b: {  	v58 =	vld.idx.msk [tilespmem:v24+s17+$0x0], $0xffff;
	v15 =	vadd.s32 $0xC4, v1  }
0x12c: {  	v18 =	vld.idx.msk [tilespmem:v21+s16+$0x0], $0xffff;
	v26 =	vadd.f32 v4, v16;
	v16 =	vadd.s32 v15, v19  }
0x12d: {  	v41 =	vcvt.s32.f32 v5;
	v16 =	vand.u32 $0xFFFFFF80, v16;
	v22 =	vld.idx.msk [tilespmem:v22+s4+$0x0], $0xffff  }
0x12e: {  	v44 =	vor.u32 v0, v16;
	v0 =	vld [tilespmem:$0x1FFF0]  }
0x12f: {  	v28 =	vnsel vm6, $0x0, v28;
	v29 =	vmul.f32 $9.999999740e-05, v41;
	v43 =	vadd.s32 $0x1, v17  }
0x130: {  	v20 =	vadd.f32 v58, v20;
	v17 =	vcvt.s32.f32 v43;
	v16 =	vadd.s32 $0xC5, v1  }
0x131: {  	v26 =	vadd.f32 v18, v26;
	v29 =	vadd.f32 $5.000000000e-01, v29;
	v18 =	vadd.s32 v16, v19  }
0x132: {  	v45 =	vmul.f32 $9.999999740e-05, v17;
	v17 =	vadd.s32 $0xC6, v1;
	v18 =	vand.u32 $0xFFFFFF80, v18  }
0x133: {  	v22 =	vadd.s32 $0x1, v22;
	v30 =	vld.idx.msk [tilespmem:v30+s4+$0x0], $0xffff;
	v46 =	vor.u32 v0, v18;
	v18 =	vadd.s32 v17, v19  }
0x134: {  	v47 =	vld.idx.msk [tilespmem:v23+s16+$0x0], $0xffff;
	v48 =	vcvt.s32.f32 v22;
	v49 =	vand.u32 $0xFFFFFF80, v18;
	v18 =	vadd.s32 $0xC7, v1  }
0x135: {  	v33 =	vadd.f32 $5.000000000e-01, v45;
	v32 =	vld.idx.msk [tilespmem:v44+s4+$0x0], $0xffff;
	v37 =	vor.u32 v10, v49;
	v19 =	vadd.s32 v18, v19  }
0x136: {  	v29 =	vtrunc.f32 v29;
	v36 =	vmul.f32 $9.999999740e-05, v48;
	v19 =	vand.u32 $0xFFFFFF80, v19  }
0x137: {  	v29 =	vcvt.f32.s32 v29;
	v33 =	vtrunc.f32 v33;
	v19 =	vor.u32 v11, v19  }
0x138: {  	v33 =	vcvt.f32.s32 v33;
	v36 =	vadd.f32 $5.000000000e-01, v36;
	v30 =	vadd.s32 $0x1, v30;
	v34 =	vld.idx.msk [tilespmem:v46+s4+$0x0], $0xffff  }
0x139: {  	v26 =	vadd.f32 v47, v26;
	v50 =	vmul.u32 $0x2710, v29;
	v51 =	vcvt.s32.f32 v30  }
0x13a: {  	v52 =	vmul.u32 $0x2710, v33;
	v36 =	vtrunc.f32 v36;
	v32 =	vadd.s32 $0x1, v32;
	v37 =	vld.idx.msk [tilespmem:v37+s4+$0x0], $0xffff  }
0x13b: {  	vm7 =	veq.s32 v50, v5;
	v53 =	vmul.f32 $9.999999740e-05, v51;
	v54 =	vcvt.s32.f32 v32  }
0x13c: {  	v29 =	vnsel vm7, $0x0, v29;
	vm8 =	veq.s32 v52, v43;
	v55 =	vcvt.f32.s32 v36;
	v19 =	vld.idx.msk [tilespmem:v19+s4+$0x0], $0xffff  }
0x13d: {  	v24 =	vadd.f32 $5.000000000e-01, v53;
	v35 =	vmul.f32 $9.999999740e-05, v54;
	v34 =	vadd.s32 $0x1, v34  }
0x13e: {  	v33 =	vnsel vm8, $0x0, v33;
	v36 =	vmul.u32 $0x2710, v55;
	v56 =	vcvt.s32.f32 v34  }
0x13f: {  	v24 =	vtrunc.f32 v24;
	v35 =	vadd.f32 $5.000000000e-01, v35;
	v37 =	vadd.s32 $0x1, v37  }
0x140: {  	vm9 =	veq.s32 v36, v22;
	v57 =	vmul.f32 $9.999999740e-05, v56;
	v58 =	vcvt.s32.f32 v37  }
0x141: {  	v24 =	vcvt.f32.s32 v24;
	v35 =	vtrunc.f32 v35;
	v19 =	vadd.s32 $0x1, v19  }
0x142: {  	v22 =	vadd.f32 $5.000000000e-01, v57;
	v36 =	vmul.f32 $9.999999740e-05, v58;
	v59 =	vcvt.s32.f32 v19  }
0x143: {  	v60 =	vld.idx.msk [tilespmem:v28+s16+$0x0], $0xffff;
	v31 =	vnsel vm9, $0x0, v55;
	v61 =	vmul.u32 $0x2710, v24;
	v35 =	vcvt.f32.s32 v35  }
0x144: {  	v27 =	vld.idx.msk [tilespmem:v27+s17+$0x0], $0xffff;
	v22 =	vtrunc.f32 v22;
	v36 =	vadd.f32 $5.000000000e-01, v36;
	v38 =	vmul.f32 $9.999999740e-05, v59  }
0x145: {  	v62 =	vld.idx.msk [tilespmem:v29+s16+$0x0], $0xffff;
	vm10 =	veq.s32 v61, v30;
	v63 =	vmul.u32 $0x2710, v35;
	v22 =	vcvt.f32.s32 v22  }
0x146: {  	v25 =	vld.idx.msk [tilespmem:v25+s17+$0x0], $0xffff;
	v24 =	vnsel vm10, $0x0, v24;
	v36 =	vtrunc.f32 v36;
	v38 =	vadd.f32 $5.000000000e-01, v38  }
0x147: {  	v4 =	vld.idx.msk [tilespmem:v33+s16+$0x0], $0xffff;
	vm11 =	veq.s32 v63, v32;
	v5 =	vmul.u32 $0x2710, v22;
	v42 =	vcvt.f32.s32 v36  }
0x148: {  	v21 =	vld.idx.msk [tilespmem:v21+s17+$0x0], $0xffff;
	v26 =	vadd.f32 v60, v26;
	v35 =	vnsel vm11, $0x0, v35;
	v43 =	vtrunc.f32 v38  }
0x149: {  	v44 =	vld.idx.msk [tilespmem:v31+s16+$0x0], $0xffff;
	vm12 =	veq.s32 v5, v34;
	v45 =	vmul.u32 $0x2710, v42;
	v46 =	vcvt.f32.s32 v43  }
0x14a: {  	v20 =	vadd.f32 v27, v20;
	v23 =	vld.idx.msk [tilespmem:v23+s17+$0x0], $0xffff;
	v26 =	vadd.f32 v62, v26;
	v22 =	vnsel vm12, $0x0, v22  }
0x14b: {  	v47 =	vld.idx.msk [tilespmem:v24+s16+$0x0], $0xffff;
	vm13 =	veq.s32 v45, v37;
	v48 =	vmul.u32 $0x2710, v46  }
0x14c: {  	v20 =	vadd.f32 v25, v20;
	v49 =	vld.idx.msk [tilespmem:v28+s17+$0x0], $0xffff;
	v26 =	vadd.f32 v4, v26;
	v50 =	vnsel vm13, $0x0, v42  }
0x14d: {  	v51 =	vld.idx.msk [tilespmem:v35+s16+$0x0], $0xffff;
	vm14 =	veq.s32 v48, v19  }
0x14e: {  	v52 =	vadd.f32 v44, v26;
	v19 =	vadd.f32 v21, v20;
	v20 =	vld.idx.msk [tilespmem:v29+s17+$0x0], $0xffff;
	v53 =	vnsel vm14, $0x0, v46  }
0x14f: {  	v54 =	vld.idx.msk [tilespmem:v22+s16+$0x0], $0xffff  }
0x150: {  	v55 =	vld.idx.msk [tilespmem:v33+s17+$0x0], $0xffff;
	v21 =	vadd.f32 v47, v52;
	v19 =	vadd.f32 v23, v19  }
0x151: {  	v56 =	vld.idx.msk [tilespmem:v50+s16+$0x0], $0xffff  }
0x152: {  	v57 =	vld.idx.msk [tilespmem:v31+s17+$0x0], $0xffff;
	v21 =	vadd.f32 v51, v21;
	v19 =	vadd.f32 v49, v19  }
0x153: {  	v58 =	vld.idx.msk [tilespmem:v53+s16+$0x0], $0xffff  }
0x154: {  	v19 =	vadd.f32 v20, v19;
	v20 =	vadd.f32 v54, v21  }
0x155: {  	v59 =	vld.idx.msk [tilespmem:v24+s17+$0x0], $0xffff  }
0x156: {  	v19 =	vadd.f32 v55, v19;
	v20 =	vadd.f32 v56, v20  }
0x157: {  	v60 =	vld.idx.msk [tilespmem:v35+s17+$0x0], $0xffff  }
0x158: {  	v19 =	vadd.f32 v57, v19;
	v20 =	vadd.f32 v58, v20  }
0x159: {  	v22 =	vld.idx.msk [tilespmem:v22+s17+$0x0], $0xffff  }
0x15a: {  	v19 =	vadd.f32 v59, v19;
	(erf) = vrcp.f32 v20  }
0x15b: {  	v61 =	vld.idx.msk [tilespmem:v50+s17+$0x0], $0xffff  }
0x15c: {  	v19 =	vadd.f32 v60, v19  }
0x15d: {  	v62 =	vld.idx.msk [tilespmem:v53+s17+$0x0], $0xffff  }
0x15e: {  	v19 =	vadd.f32 v22, v19;
	_ =	sdelay $0x1  }
0x15f: {  	v19 =	vadd.f32 v61, v19  }
0x160: {  	s21 =	sadd.s32 $0x1, s21  }
0x161: {  	p0 =	sne.s32 s21, $0x8;
	v19 =	vadd.f32 v62, v19  }
.Ltmp1:
0x162: {  	v63 =	vpop (erf);
	(pc) =	sbr.rel @p0 .LBB2_2-.Ltmp1, $4  }
0x163: {  	v19 =	vmul.f32 v63, v19  }
0x164: {  	vm15 =	vgt.f32 v20, $0.0e+00  }
0x165: {  	v19 =	vsel vm15, v19, v12  }
0x166: {  	[tilespmem:s22+$0xCA00] =	vst v19  }
0x167: {  	s21 =	simm.s32 $0x0  }
0x168: {  	[tilespmem:s21], [sflag:$0x1] =	stream.linear.gather [hbm4b:s6+s21], $0x6400, $0x38;
	[tilespmem:$0xCC00] =	vst v63  }
0x169: {  	_ =	swait.ge [sflag:s18], $0x6400  }
0x16a: {  	[sflag:s18] =	ssyncset.done $0x0  }
0x16b: {  	s22 =	simm.s32 $0x0;
	[sflag:s18] =	ssyncadd.s32 $0xFFFF9C00  }
.LBB2_6:
0x16c: {  	s23 =	sshll.u32 s22, $0x4  }
0x16d: {  	v19 =	vmov s23  }
0x16e: {  	v19 =	vmul.u32 $0xC8, v19;
	_ =	sdelay $0x1  }
0x16f: {  	v19 =	vbroadcast v19, $0x0;
	_ =	sdelay $0x1  }
0x170: {  	s24 =	simm.s32 $0x1;
	v20 =	vadd.s32 v1, v19  }
0x171: {  	s3 =	simm.s32 $0x3;
	v21 =	vadd.s32 s24, v20  }
0x172: {  	s26 =	simm.s32 $0x5;
	v22 =	vadd.s32 s3, v20  }
0x173: {  	s28 =	simm.s32 $0x7;
	v24 =	vadd.s32 s26, v20  }
0x174: {  	s31 =	simm.s32 $0x9;
	v26 =	vadd.s32 s28, v20  }
0x175: {  	s30 =	simm.s32 $0x2;
	v31 =	vadd.s32 s31, v20;
	s28 =	simm.s32 $0xC  }
0x176: {  	s25 =	simm.s32 $0x4;
	v29 =	vadd.s32 s30, v20;
	s30 =	simm.s32 $0xD;
	v35 =	vadd.s32 s28, v20;
	v21 =	vld.idx.msk [tilespmem:v21+s14+$0x0], $0xffff  }
0x177: {  	v23 =	vadd.s32 s25, v20;
	s25 =	simm.s32 $0x8;
	v36 =	vadd.s32 s30, v20;
	v22 =	vld.idx.msk [tilespmem:v22+s14+$0x0], $0xffff  }
0x178: {  	v30 =	vadd.s32 s25, v20;
	s25 =	simm.s32 $0xB;
	v24 =	vld.idx.msk [tilespmem:v24+s14+$0x0], $0xffff  }
0x179: {  	v42 =	vadd.s32 s25, v20;
	v26 =	vld.idx.msk [tilespmem:v26+s14+$0x0], $0xffff  }
0x17a: {  	s3 =	simm.s32 $0x6;
	v31 =	vld.idx.msk [tilespmem:v31+s14+$0x0], $0xffff  }
0x17b: {  	v32 =	vadd.s32 s3, v20;
	s3 =	simm.s32 $0xF;
	v35 =	vld.idx.msk [tilespmem:v35+s14+$0x0], $0xffff  }
0x17c: {  	s26 =	simm.s32 $0xA;
	v40 =	vadd.s32 s3, v20;
	s3 =	simm.s32 $0x17;
	v36 =	vld.idx.msk [tilespmem:v36+s14+$0x0], $0xffff;
	v25 =	vadd.s32 $0x1, v21  }
0x17d: {  	s31 =	simm.s32 $0xE;
	v34 =	vadd.s32 s26, v20;
	s30 =	simm.s32 $0x13;
	v51 =	vadd.s32 s3, v20;
	v21 =	vld.idx.msk [tilespmem:v23+s14+$0x0], $0xffff;
	v23 =	vcvt.s32.f32 v25  }
0x17e: {  	v38 =	vadd.s32 s31, v20;
	v49 =	vadd.s32 s30, v20;
	v42 =	vld.idx.msk [tilespmem:v42+s14+$0x0], $0xffff;
	v22 =	vadd.s32 $0x1, v22  }
0x17f: {  	v26 =	vadd.s32 $0x1, v26;
	v28 =	vcvt.s32.f32 v22;
	v27 =	vmul.f32 $9.999999740e-05, v23  }
0x180: {  	v37 =	vadd.s32 $0x1, v24;
	v41 =	vadd.s32 $0x1, v31;
	v59 =	vcvt.s32.f32 v26  }
0x181: {  	v54 =	vadd.s32 $0x1, v35;
	v28 =	vmul.f32 $9.999999740e-05, v28;
	v27 =	vadd.f32 $5.000000000e-01, v27  }
0x182: {  	v51 =	vld.idx.msk [tilespmem:v51+s14+$0x0], $0xffff;
	v31 =	vcvt.s32.f32 v41;
	v36 =	vadd.s32 $0x1, v36;
	v55 =	vcvt.s32.f32 v54  }
0x183: {  	v35 =	vadd.s32 $0x1, v42;
	v28 =	vadd.f32 $5.000000000e-01, v28;
	v27 =	vtrunc.f32 v27  }
0x184: {  	v57 =	vcvt.s32.f32 v36;
	v23 =	vimm.f32 $0.0e+00;
	v27 =	vcvt.f32.s32 v27  }
0x185: {  	v31 =	vmul.f32 $9.999999740e-05, v31;
	v21 =	vadd.s32 $0x1, v21;
	v24 =	vtrunc.f32 v28  }
0x186: {  	v30 =	vld.idx.msk [tilespmem:v30+s14+$0x0], $0xffff;
	v33 =	vcvt.s32.f32 v21;
	v39 =	vcvt.f32.s32 v24;
	v28 =	vmul.u32 $0x2710, v27  }
0x187: {  	v42 =	vcvt.s32.f32 v35;
	v51 =	vadd.s32 $0x1, v51;
	v24 =	vcvt.s32.f32 v37  }
0x188: {  	v33 =	vmul.f32 $9.999999740e-05, v33;
	vm0 =	veq.s32 v28, v25;
	v28 =	vmul.u32 $0x2710, v39  }
0x189: {  	v52 =	vadd.f32 $5.000000000e-01, v31;
	v24 =	vmul.f32 $9.999999740e-05, v24;
	v25 =	vnsel vm0, $0x0, v27;
	v27 =	vld.idx.msk [tilespmem:v34+s14+$0x0], $0xffff  }
0x18a: {  	v32 =	vld.idx.msk [tilespmem:v32+s14+$0x0], $0xffff;
	v58 =	vmul.f32 $9.999999740e-05, v42;
	v33 =	vadd.f32 $5.000000000e-01, v33;
	vm0 =	veq.s32 v28, v22  }
0x18b: {  	s25 =	simm.s32 $0x1E;
	v22 =	vadd.f32 $5.000000000e-01, v24;
	v28 =	vadd.s32 $0x1, v30;
	v30 =	vmul.f32 $9.999999740e-05, v59  }
0x18c: {  	v42 =	vadd.s32 s25, v20;
	v33 =	vtrunc.f32 v33;
	v60 =	vcvt.s32.f32 v28  }
0x18d: {  	v29 =	vld.idx.msk [tilespmem:v29+s14+$0x0], $0xffff;
	v44 =	vcvt.f32.s32 v33;
	v22 =	vtrunc.f32 v22;
	v61 =	vadd.f32 $5.000000000e-01, v30  }
0x18e: {  	v34 =	vmul.f32 $9.999999740e-05, v60;
	v30 =	vcvt.f32.s32 v22;
	v22 =	vld.idx.msk [tilespmem:v40+s14+$0x0], $0xffff;
	v27 =	vadd.s32 $0x1, v27  }
0x18f: {  	v24 =	vadd.s32 $0x1, v32;
	v62 =	vtrunc.f32 v61;
	v4 =	vcvt.s32.f32 v27  }
0x190: {  	v59 =	vmul.f32 $9.999999740e-05, v57;
	v63 =	vadd.f32 $5.000000000e-01, v34;
	v33 =	vcvt.f32.s32 v62  }
0x191: {  	v43 =	vcvt.s32.f32 v24;
	v32 =	vnsel vm0, $0x0, v39;
	v39 =	vmul.f32 $9.999999740e-05, v4  }
0x192: {  	v34 =	vadd.s32 $0x1, v29;
	v29 =	vtrunc.f32 v63;
	v45 =	vmul.u32 $0x2710, v33  }
0x193: {  	v29 =	vcvt.f32.s32 v29;
	v31 =	vadd.s32 $0x1, v22;
	v22 =	vadd.f32 $5.000000000e-01, v39  }
0x194: {  	v46 =	vmul.f32 $9.999999740e-05, v43;
	v43 =	vtrunc.f32 v52;
	v5 =	vmul.u32 $0x2710, v30  }
0x195: {  	vm0 =	veq.s32 v45, v26;
	v53 =	vmul.u32 $0x2710, v29;
	v22 =	vtrunc.f32 v22  }
0x196: {  	v26 =	vnsel vm0, $0x0, v33;
	v33 =	vmul.f32 $9.999999740e-05, v55;
	v22 =	vcvt.f32.s32 v22  }
0x197: {  	v62 =	vadd.s32 s21, v20;
	vm0 =	veq.s32 v53, v28;
	v28 =	vcvt.f32.s32 v43  }
0x198: {  	s30 =	simm.s32 $0x1A;
	v63 =	vcvt.s32.f32 v34;
	v48 =	vadd.f32 $5.000000000e-01, v33;
	v47 =	vmul.u32 $0x2710, v22  }
0x199: {  	v39 =	vadd.f32 $5.000000000e-01, v58;
	v53 =	vadd.s32 s30, v20;
	v56 =	vmul.u32 $0x2710, v28  }
0x19a: {  	v29 =	vnsel vm0, $0x0, v29;
	vm1 =	veq.s32 v47, v27;
	v27 =	vtrunc.f32 v48  }
0x19b: {  	s3 =	simm.s32 $0x1D;
	v38 =	vld.idx.msk [tilespmem:v38+s14+$0x0], $0xffff;
	vm0 =	veq.s32 v56, v41;
	v41 =	vadd.f32 $5.000000000e-01, v59;
	v27 =	vcvt.f32.s32 v27  }
0x19c: {  	v43 =	vadd.s32 s3, v20;
	v33 =	vnsel vm0, $0x0, v28;
	v28 =	vnsel vm1, $0x0, v22  }
0x19d: {  	s28 =	simm.s32 $0x12;
	v22 =	vtrunc.f32 v39;
	v60 =	vtrunc.f32 v41;
	v61 =	vmul.u32 $0x2710, v27  }
0x19e: {  	s26 =	simm.s32 $0x11;
	v48 =	vadd.s32 s28, v20;
	v39 =	vcvt.f32.s32 v22;
	v22 =	vcvt.f32.s32 v60  }
0x19f: {  	vm0 =	veq.s32 v5, v37;
	v53 =	vld.idx.msk [tilespmem:v53+s14+$0x0], $0xffff;
	vm1 =	veq.s32 v61, v54;
	v61 =	vadd.s32 s26, v20  }
0x1a0: {  	s28 =	simm.s32 $0x15;
	v37 =	vadd.s32 $0x1, v38;
	v5 =	vmul.u32 $0x2710, v44;
	v60 =	vmul.u32 $0x2710, v22;
	s26 =	simm.s32 $0x14  }
0x1a1: {  	v56 =	vadd.s32 s28, v20;
	v4 =	vcvt.s32.f32 v37;
	v54 =	vld.idx.msk [tilespmem:v62+s14+$0x0], $0xffff;
	v50 =	vadd.s32 s26, v20  }
0x1a2: {  	v41 =	vmul.f32 $9.999999740e-05, v63;
	v30 =	vnsel vm0, $0x0, v30;
	vm2 =	veq.s32 v60, v36  }
0x1a3: {  	s31 =	simm.s32 $0x16;
	v40 =	vmul.u32 $0x2710, v39;
	v62 =	vcvt.s32.f32 v31;
	s26 =	simm.s32 $0x19;
	v38 =	vnsel vm2, $0x0, v22;
	v22 =	vld.idx.msk [tilespmem:v49+s14+$0x0], $0xffff  }
0x1a4: {  	v53 =	vadd.s32 $0x1, v53;
	v36 =	vadd.s32 s31, v20;
	v52 =	vadd.s32 s26, v20;
	v57 =	vld.idx.msk [tilespmem:v61+s14+$0x0], $0xffff  }
0x1a5: {  	v45 =	vmul.f32 $9.999999740e-05, v62;
	vm2 =	veq.s32 v5, v21;
	v21 =	vadd.f32 $5.000000000e-01, v46  }
0x1a6: {  	v49 =	vnsel vm2, $0x0, v44;
	v44 =	vmul.f32 $9.999999740e-05, v4;
	v47 =	vadd.s32 $0x1, v54;
	v46 =	vld.idx.msk [tilespmem:v50+s14+$0x0], $0xffff  }
0x1a7: {  	v4 =	vadd.f32 $5.000000000e-01, v41;
	v21 =	vtrunc.f32 v21;
	v63 =	vcvt.s32.f32 v47  }
0x1a8: {  	v41 =	vnsel vm1, $0x0, v27;
	v27 =	vadd.f32 $5.000000000e-01, v45;
	v21 =	vcvt.f32.s32 v21  }
0x1a9: {  	v50 =	vmul.f32 $9.999999740e-05, v63;
	v60 =	vadd.s32 $0x1, v22;
	v57 =	vadd.s32 $0x1, v57  }
0x1aa: {  	s28 =	simm.s32 $0x18;
	v59 =	vmul.u32 $0x2710, v21;
	v61 =	vcvt.s32.f32 v60;
	v5 =	vcvt.s32.f32 v57  }
0x1ab: {  	v22 =	vadd.s32 $0x1, v46;
	v46 =	vtrunc.f32 v27;
	v27 =	vld.idx.msk [tilespmem:v56+s14+$0x0], $0xffff;
	v56 =	vadd.s32 s28, v20  }
0x1ac: {  	v4 =	vtrunc.f32 v4;
	vm1 =	veq.s32 v59, v24;
	v45 =	vmul.f32 $9.999999740e-05, v5  }
0x1ad: {  	v50 =	vadd.f32 $5.000000000e-01, v50;
	v63 =	vmul.f32 $9.999999740e-05, v61;
	v24 =	vcvt.s32.f32 v22  }
0x1ae: {  	v59 =	vnsel vm1, $0x0, v21;
	v21 =	vadd.f32 $5.000000000e-01, v44;
	v62 =	vadd.f32 $5.000000000e-01, v45  }
0x1af: {  	s31 =	simm.s32 $0x1C;
	v50 =	vtrunc.f32 v50;
	v24 =	vmul.f32 $9.999999740e-05, v24;
	v45 =	vadd.f32 $5.000000000e-01, v63  }
0x1b0: {  	v55 =	vadd.s32 s31, v20;
	v21 =	vtrunc.f32 v21;
	v56 =	vld.idx.msk [tilespmem:v56+s14+$0x0], $0xffff;
	v44 =	vtrunc.f32 v62  }
0x1b1: {  	s26 =	simm.s32 $0x1F;
	v24 =	vadd.f32 $5.000000000e-01, v24;
	v45 =	vtrunc.f32 v45;
	v62 =	vcvt.f32.s32 v21  }
0x1b2: {  	v58 =	vadd.s32 s26, v20;
	v61 =	vcvt.f32.s32 v44;
	v45 =	vcvt.f32.s32 v45  }
0x1b3: {  	v44 =	vadd.s32 $0x1, v27;
	v27 =	vcvt.f32.s32 v50;
	v63 =	vtrunc.f32 v24  }
0x1b4: {  	v36 =	vld.idx.msk [tilespmem:v36+s14+$0x0], $0xffff;
	v50 =	vcvt.f32.s32 v4;
	v5 =	vmul.u32 $0x2710, v61;
	v54 =	vmul.u32 $0x2710, v45  }
0x1b5: {  	v4 =	vmul.u32 $0x2710, v62;
	v24 =	vmul.u32 $0x2710, v27;
	v56 =	vadd.s32 $0x1, v56  }
0x1b6: {  	v42 =	vld.idx.msk [tilespmem:v42+s14+$0x0], $0xffff;
	vm1 =	veq.s32 v5, v57;
	v5 =	vcvt.s32.f32 v44;
	vm2 =	veq.s32 v54, v60  }
0x1b7: {  	v21 =	vnsel vm1, $0x0, v61;
	vm1 =	veq.s32 v24, v47;
	v47 =	vld.idx.msk [tilespmem:v52+s14+$0x0], $0xffff;
	v24 =	vnsel vm2, $0x0, v45  }
0x1b8: {  	v48 =	vld.idx.msk [tilespmem:v48+s14+$0x0], $0xffff;
	v52 =	vnsel vm1, $0x0, v27;
	vm1 =	veq.s32 v4, v37;
	v4 =	vmul.f32 $9.999999740e-05, v5  }
0x1b9: {  	v54 =	vld.idx.msk [tilespmem:v32+s16+$0x0], $0xffff;
	v5 =	vmul.u32 $0x2710, v50;
	v27 =	vadd.s32 $0x1, v36;
	v37 =	vcvt.f32.s32 v46  }
0x1ba: {  	v60 =	vld.idx.msk [tilespmem:v32+s17+$0x0], $0xffff;
	v45 =	vnsel vm1, $0x0, v62;
	v62 =	vadd.f32 $5.000000000e-01, v4;
	v4 =	vcvt.s32.f32 v51  }
0x1bb: {  	v57 =	vld.idx.msk [tilespmem:v25+s16+$0x0], $0xffff;
	vm1 =	veq.s32 v5, v34;
	v5 =	vcvt.s32.f32 v56;
	v34 =	vcvt.f32.s32 v63  }
0x1bc: {  	v46 =	vld.idx.msk [tilespmem:v25+s17+$0x0], $0xffff;
	v50 =	vnsel vm1, $0x0, v50;
	v25 =	vmul.f32 $9.999999740e-05, v4;
	v47 =	vadd.s32 $0x1, v47  }
0x1bd: {  	v32 =	vtrunc.f32 v62;
	v62 =	vmul.u32 $0x2710, v37;
	v2 =	vmul.f32 $9.999999740e-05, v5;
	v36 =	vld.idx.msk [tilespmem:v52+s17+$0x0], $0xffff  }
0x1be: {  	s30 =	simm.s32 $0x1B;
	v61 =	vcvt.s32.f32 v47;
	v52 =	vld.idx.msk [tilespmem:v52+s16+$0x0], $0xffff;
	v0 =	vadd.f32 $5.000000000e-01, v25;
	v25 =	vcvt.f32.s32 v32  }
0x1bf: {  	vm1 =	veq.s32 v62, v31;
	v31 =	vld.idx.msk [tilespmem:v58+s14+$0x0], $0xffff;
	v58 =	vadd.s32 s30, v20;
	v32 =	vadd.s32 $0x1, v48  }
0x1c0: {  	v3 =	vld.idx.msk [tilespmem:v26+s16+$0x0], $0xffff;
	v2 =	vadd.f32 $5.000000000e-01, v2;
	v62 =	vcvt.s32.f32 v27;
	v0 =	vtrunc.f32 v0  }
0x1c1: {  	v37 =	vnsel vm1, $0x0, v37;
	v61 =	vmul.f32 $9.999999740e-05, v61;
	v48 =	vld.idx.msk [tilespmem:v50+s17+$0x0], $0xffff;
	v0 =	vcvt.f32.s32 v0  }
0x1c2: {  	v50 =	vld.idx.msk [tilespmem:v50+s16+$0x0], $0xffff;
	v2 =	vtrunc.f32 v2;
	v5 =	vmul.u32 $0x2710, v25;
	v63 =	vadd.f32 v36, v23  }
0x1c3: {  	v4 =	vld.idx.msk [tilespmem:v49+s17+$0x0], $0xffff;
	v52 =	vadd.f32 v52, v23;
	v36 =	vmul.f32 $9.999999740e-05, v62;
	v62 =	vmul.u32 $0x2710, v0  }
0x1c4: {  	v49 =	vld.idx.msk [tilespmem:v49+s16+$0x0], $0xffff;
	v2 =	vcvt.f32.s32 v2;
	v23 =	vadd.s32 $0x1, v31;
	v31 =	vadd.f32 v46, v63  }
0x1c5: {  	v46 =	vld.idx.msk [tilespmem:v30+s17+$0x0], $0xffff;
	v52 =	vadd.f32 v57, v52;
	vm0 =	veq.s32 v62, v51;
	v62 =	vadd.f32 $5.000000000e-01, v61  }
0x1c6: {  	v57 =	vld.idx.msk [tilespmem:v30+s16+$0x0], $0xffff;
	v30 =	vnsel vm0, $0x0, v0;
	v0 =	vmul.u32 $0x2710, v2;
	v31 =	vadd.f32 v48, v31  }
0x1c7: {  	v55 =	vld.idx.msk [tilespmem:v55+s14+$0x0], $0xffff;
	v63 =	vcvt.s32.f32 v53;
	v50 =	vadd.f32 v50, v52;
	v51 =	vtrunc.f32 v62  }
0x1c8: {  	v43 =	vld.idx.msk [tilespmem:v43+s14+$0x0], $0xffff;
	vm0 =	veq.s32 v0, v56;
	v0 =	vcvt.f32.s32 v51;
	v61 =	vadd.f32 v60, v31  }
0x1c9: {  	v52 =	vld.idx.msk [tilespmem:v59+s16+$0x0], $0xffff;
	v50 =	vadd.f32 v54, v50;
	v31 =	vnsel vm0, $0x0, v2;
	v2 =	vmul.f32 $9.999999740e-05, v63  }
0x1ca: {  	v62 =	vld.idx.msk [tilespmem:v59+s17+$0x0], $0xffff;
	vm0 =	veq.s32 v40, v35;
	v63 =	vmul.u32 $0x2710, v0;
	v4 =	vadd.f32 v4, v61  }
0x1cb: {  	v48 =	vld.idx.msk [tilespmem:v58+s14+$0x0], $0xffff;
	v58 =	vadd.f32 v49, v50;
	v39 =	vnsel vm0, $0x0, v39;
	v2 =	vadd.f32 $5.000000000e-01, v2  }
0x1cc: {  	v35 =	vld.idx.msk [tilespmem:v26+s17+$0x0], $0xffff;
	v50 =	vadd.s32 $0x1, v55;
	vm0 =	veq.s32 v63, v47;
	v4 =	vadd.f32 v46, v4  }
0x1cd: {  	v59 =	vld.idx.msk [tilespmem:v29+s16+$0x0], $0xffff;
	v26 =	vnsel vm0, $0x0, v0;
	v0 =	vtrunc.f32 v2;
	v2 =	vadd.f32 v57, v58  }
0x1ce: {  	v60 =	vld.idx.msk [tilespmem:v29+s17+$0x0], $0xffff;
	v40 =	vadd.s32 $0x1, v43;
	v61 =	vcvt.s32.f32 v50;
	v0 =	vcvt.f32.s32 v0  }
0x1cf: {  	s31 =	simm.s32 $0x10;
	v55 =	vcvt.s32.f32 v40;
	v47 =	vld.idx.msk [tilespmem:v33+s16+$0x0], $0xffff;
	v4 =	vadd.f32 v62, v4;
	v2 =	vadd.f32 v52, v2  }
0x1d0: {  	v49 =	vadd.s32 s31, v20;
	v33 =	vld.idx.msk [tilespmem:v33+s17+$0x0], $0xffff;
	v54 =	vmul.f32 $9.999999740e-05, v61;
	v62 =	vmul.u32 $0x2710, v0  }
0x1d1: {  	v29 =	vadd.s32 $0x1, v48;
	v52 =	vld.idx.msk [tilespmem:v28+s17+$0x0], $0xffff;
	v4 =	vadd.f32 v35, v4;
	v2 =	vadd.f32 v3, v2  }
0x1d2: {  	v63 =	vcvt.s32.f32 v29;
	v58 =	vadd.f32 $5.000000000e-01, v54;
	v3 =	vld.idx.msk [tilespmem:v28+s16+$0x0], $0xffff;
	vm1 =	veq.s32 v62, v53  }
0x1d3: {  	v57 =	vld.idx.msk [tilespmem:v39+s17+$0x0], $0xffff;
	v4 =	vadd.f32 v60, v4;
	v28 =	vnsel vm1, $0x0, v0;
	v0 =	vadd.f32 v59, v2  }
0x1d4: {  	v48 =	vcvt.s32.f32 v32;
	vm0 =	veq.s32 v5, v44;
	v56 =	vmul.f32 $9.999999740e-05, v63;
	v2 =	vld.idx.msk [tilespmem:v39+s16+$0x0], $0xffff  }
0x1d5: {  	v5 =	vtrunc.f32 v58;
	v60 =	vld.idx.msk [tilespmem:v41+s17+$0x0], $0xffff;
	v4 =	vadd.f32 v33, v4;
	v0 =	vadd.f32 v47, v0  }
0x1d6: {  	v61 =	vadd.f32 $5.000000000e-01, v56;
	v62 =	vld.idx.msk [tilespmem:v41+s16+$0x0], $0xffff;
	v59 =	vmul.f32 $9.999999740e-05, v55;
	v39 =	vcvt.f32.s32 v5  }
0x1d7: {  	v46 =	vld.idx.msk [tilespmem:v38+s16+$0x0], $0xffff;
	v35 =	vadd.s32 $0x1, v42;
	v4 =	vadd.f32 v52, v4;
	v0 =	vadd.f32 v3, v0  }
0x1d8: {  	v43 =	vcvt.s32.f32 v35;
	v41 =	vld.idx.msk [tilespmem:v38+s17+$0x0], $0xffff;
	v63 =	vadd.f32 $5.000000000e-01, v59;
	v5 =	vmul.u32 $0x2710, v39  }
0x1d9: {  	v44 =	vld.idx.msk [tilespmem:v37+s17+$0x0], $0xffff;
	v33 =	vtrunc.f32 v61;
	v4 =	vadd.f32 v57, v4;
	v0 =	vadd.f32 v2, v0  }
0x1da: {  	v42 =	vld.idx.msk [tilespmem:v45+s17+$0x0], $0xffff;
	v33 =	vcvt.f32.s32 v33;
	v3 =	vtrunc.f32 v63;
	vm1 =	veq.s32 v5, v50  }
0x1db: {  	s29 =	simm.s32 $0x20;
	v47 =	vld.idx.msk [tilespmem:v45+s16+$0x0], $0xffff;
	v38 =	vcvt.f32.s32 v3;
	v45 =	vadd.f32 v60, v4;
	v50 =	vadd.f32 v62, v0  }
.LBB2_7:
0x1dc: {  	s26 =	sadd.s32 $0x1, s29  }
0x1dd: {  	s28 =	sadd.s32 $0x2, s29;
	v0 =	vmul.u32 $0x2710, v34;
	v2 =	vmul.u32 $0x2710, v38;
	v3 =	vadd.f32 v41, v45;
	s25 =	smov.u32 s29;
	s24 =	sadd.s32 $0x10, s29  }
0x1de: {  	v4 =	vadd.s32 s26, v20;
	v5 =	vadd.s32 s28, v20;
	s26 =	sadd.s32 $0x3, s25;
	s28 =	sadd.s32 $0x4, s25;
	s30 =	sadd.s32 $0x5, s25;
	v41 =	vadd.f32 v46, v50;
	v45 =	vld.idx.msk [tilespmem:v37+s16+$0x0], $0xffff  }
0x1df: {  	s31 =	sadd.s32 $0x7, s25;
	v46 =	vadd.s32 s26, v20;
	v50 =	vadd.s32 s28, v20;
	s26 =	sadd.s32 $0x6, s25;
	s28 =	sadd.s32 $0x8, s25;
	vm2 =	veq.s32 v2, v40  }
0x1e0: {  	s3 =	sadd.s32 $0xA, s25;
	v51 =	vadd.s32 s31, v20;
	s31 =	sadd.s32 $0x9, s25;
	v2 =	vadd.s32 s26, v20;
	s26 =	sadd.s32 $0xB, s25;
	v47 =	vadd.f32 v47, v41  }
0x1e1: {  	p0 =	slt.u32 s29, $0xB0;
	v53 =	vadd.s32 s3, v20;
	s3 =	sadd.s32 $0xC, s25;
	v3 =	vadd.f32 v42, v3;
	v52 =	vadd.s32 s31, v20;
	s31 =	sadd.s32 $0xD, s25;
	v54 =	vld.idx.msk [tilespmem:v49+s14+$0x0], $0xffff  }
0x1e2: {  	v37 =	vadd.s32 s3, v20;
	s3 =	sadd.s32 $0xE, s25;
	v41 =	vmul.u32 $0x2710, v33;
	v42 =	vadd.s32 s31, v20  }
0x1e3: {  	v55 =	vadd.s32 s30, v20;
	v38 =	vnsel vm2, $0x0, v38;
	v40 =	vadd.s32 s3, v20;
	s3 =	sadd.s32 $0xF, s25;
	v4 =	vld.idx.msk [tilespmem:v4+s14+$0x0], $0xffff  }
0x1e4: {  	vm2 =	veq.s32 v0, v22;
	v49 =	vadd.s32 s3, v20;
	v56 =	vld.idx.msk [tilespmem:v46+s14+$0x0], $0xffff;
	v46 =	vadd.f32 v45, v47  }
0x1e5: {  	v22 =	vadd.f32 $5.000000000e-01, v36;
	v45 =	vnsel vm2, $0x0, v34;
	v34 =	vcvt.s32.f32 v23;
	v0 =	vld.idx.msk [tilespmem:v50+s14+$0x0], $0xffff  }
0x1e6: {  	v43 =	vmul.f32 $9.999999740e-05, v43;
	v36 =	vadd.f32 v44, v3;
	v47 =	vmul.f32 $9.999999740e-05, v48;
	v5 =	vld.idx.msk [tilespmem:v5+s14+$0x0], $0xffff  }
0x1e7: {  	v22 =	vtrunc.f32 v22;
	v3 =	vadd.s32 $0x1, v54;
	v34 =	vmul.f32 $9.999999740e-05, v34  }
0x1e8: {  	v50 =	vadd.f32 $5.000000000e-01, v47;
	v47 =	vcvt.f32.s32 v22;
	v44 =	vcvt.s32.f32 v3  }
0x1e9: {  	v39 =	vnsel vm1, $0x0, v39;
	v4 =	vadd.s32 $0x1, v4;
	v34 =	vadd.f32 $5.000000000e-01, v34  }
0x1ea: {  	v54 =	vmul.u32 $0x2710, v47;
	v48 =	vcvt.s32.f32 v4;
	v44 =	vmul.f32 $9.999999740e-05, v44  }
0x1eb: {  	v56 =	vadd.s32 $0x1, v56;
	v22 =	vadd.s32 $0x1, v0;
	v34 =	vtrunc.f32 v34;
	v0 =	vld.idx.msk [tilespmem:v55+s14+$0x0], $0xffff  }
0x1ec: {  	vm1 =	veq.s32 v54, v27;
	v48 =	vmul.f32 $9.999999740e-05, v48;
	v55 =	vcvt.s32.f32 v56  }
0x1ed: {  	v43 =	vadd.f32 $5.000000000e-01, v43;
	v27 =	vcvt.s32.f32 v22;
	v47 =	vnsel vm1, $0x0, v47  }
0x1ee: {  	v44 =	vadd.f32 $5.000000000e-01, v44;
	v48 =	vadd.f32 $5.000000000e-01, v48;
	v54 =	vmul.f32 $9.999999740e-05, v55  }
0x1ef: {  	v57 =	vtrunc.f32 v43;
	v27 =	vmul.f32 $9.999999740e-05, v27;
	v55 =	vadd.s32 s28, v20  }
0x1f0: {  	v44 =	vtrunc.f32 v44;
	v43 =	vtrunc.f32 v48;
	v54 =	vadd.f32 $5.000000000e-01, v54;
	v48 =	vld.idx.msk [tilespmem:v24+s16+$0x0], $0xffff  }
0x1f1: {  	v58 =	vcvt.f32.s32 v43;
	v43 =	vadd.s32 $0x1, v0;
	v0 =	vcvt.f32.s32 v44;
	v59 =	vld.idx.msk [tilespmem:v24+s17+$0x0], $0xffff  }
0x1f2: {  	v27 =	vadd.f32 $5.000000000e-01, v27;
	v44 =	vtrunc.f32 v50;
	v24 =	vtrunc.f32 v54;
	v2 =	vld.idx.msk [tilespmem:v2+s14+$0x0], $0xffff  }
0x1f3: {  	v54 =	vcvt.f32.s32 v57;
	v50 =	vmul.u32 $0x2710, v58;
	v24 =	vcvt.f32.s32 v24;
	v51 =	vld.idx.msk [tilespmem:v51+s14+$0x0], $0xffff  }
0x1f4: {  	v57 =	vtrunc.f32 v27;
	v61 =	vcvt.f32.s32 v44;
	v27 =	vmul.u32 $0x2710, v0;
	v60 =	vld.idx.msk [tilespmem:v21+s16+$0x0], $0xffff  }
0x1f5: {  	v44 =	vmul.u32 $0x2710, v54;
	vm1 =	veq.s32 v50, v4;
	v4 =	vmul.u32 $0x2710, v24;
	v50 =	vld.idx.msk [tilespmem:v55+s14+$0x0], $0xffff  }
0x1f6: {  	v55 =	vnsel vm1, $0x0, v58;
	v58 =	vcvt.s32.f32 v43;
	vm1 =	veq.s32 v27, v3;
	v52 =	vld.idx.msk [tilespmem:v52+s14+$0x0], $0xffff  }
0x1f7: {  	vm2 =	veq.s32 v4, v56;
	v0 =	vnsel vm1, $0x0, v0;
	vm1 =	veq.s32 v44, v35;
	v3 =	vld.idx.msk [tilespmem:v21+s17+$0x0], $0xffff;
	v21 =	vmovc v55  }
0x1f8: {  	v35 =	vmul.u32 $0x2710, v61;
	v24 =	vnsel vm2, $0x0, v24;
	v4 =	vmul.f32 $9.999999740e-05, v58;
	v53 =	vld.idx.msk [tilespmem:v53+s14+$0x0], $0xffff  }
0x1f9: {  	v27 =	vadd.s32 $0x1, v2;
	v44 =	vnsel vm1, $0x0, v54;
	v2 =	vadd.s32 $0x1, v51;
	v51 =	vld.idx.msk [tilespmem:v30+s16+$0x0], $0xffff  }
0x1fa: {  	vm1 =	veq.s32 v35, v32;
	v4 =	vadd.f32 $5.000000000e-01, v4;
	v54 =	vcvt.s32.f32 v2;
	v35 =	vld.idx.msk [tilespmem:v31+s16+$0x0], $0xffff  }
0x1fb: {  	v55 =	vnsel vm1, $0x0, v61;
	v50 =	vadd.s32 $0x1, v50;
	v56 =	vld.idx.msk [tilespmem:v30+s17+$0x0], $0xffff;
	v30 =	vcvt.f32.s32 v34  }
0x1fc: {  	v32 =	vmul.f32 $9.999999740e-05, v54;
	v34 =	vcvt.s32.f32 v50;
	v52 =	vadd.s32 $0x1, v52;
	v54 =	vld.idx.msk [tilespmem:v0+s17+$0x0], $0xffff  }
0x1fd: {  	v4 =	vtrunc.f32 v4;
	v58 =	vcvt.s32.f32 v52;
	v0 =	vld.idx.msk [tilespmem:v0+s16+$0x0], $0xffff;
	v61 =	vmul.u32 $0x2710, v30  }
0x1fe: {  	v62 =	vadd.f32 $5.000000000e-01, v32;
	v63 =	vmul.f32 $9.999999740e-05, v34;
	v53 =	vadd.s32 $0x1, v53;
	v6 =	vld.idx.msk [tilespmem:v31+s17+$0x0], $0xffff  }
0x1ff: {  	v4 =	vcvt.f32.s32 v4;
	v34 =	vcvt.f32.s32 v57;
	v31 =	vld.idx.msk [tilespmem:v49+s14+$0x0], $0xffff;
	vm1 =	veq.s32 v61, v23  }
0x200: {  	v49 =	vadd.s32 s26, v20;
	v61 =	vnsel vm0, $0x0, v25;
	v57 =	vld.idx.msk [tilespmem:v37+s14+$0x0], $0xffff;
	v37 =	vnsel vm1, $0x0, v30  }
0x201: {  	v32 =	vadd.s32 $0x1, v5;
	v5 =	vtrunc.f32 v62;
	v23 =	vadd.f32 $5.000000000e-01, v63;
	v25 =	vmovc v4;
	v62 =	vld.idx.msk [tilespmem:v55+s17+$0x0], $0xffff  }
0x202: {  	v4 =	vcvt.s32.f32 v27;
	v5 =	vcvt.f32.s32 v5;
	v30 =	vadd.f32 v54, v36;
	v54 =	vld.idx.msk [tilespmem:v55+s16+$0x0], $0xffff  }
0x203: {  	v23 =	vtrunc.f32 v23;
	v55 =	vmul.f32 $9.999999740e-05, v58;
	v0 =	vadd.f32 v0, v46;
	v46 =	vld.idx.msk [tilespmem:v45+s17+$0x0], $0xffff  }
0x204: {  	v36 =	vmul.f32 $9.999999740e-05, v4;
	v58 =	vmul.u32 $0x2710, v25;
	v4 =	vmul.u32 $0x2710, v5;
	v45 =	vld.idx.msk [tilespmem:v45+s16+$0x0], $0xffff  }
0x205: {  	v63 =	vcvt.f32.s32 v23;
	v3 =	vadd.f32 v3, v30;
	v23 =	vadd.s32 $0x1, v31;
	v7 =	vld.idx.msk [tilespmem:v61+s17+$0x0], $0xffff  }
0x206: {  	vm0 =	veq.s32 v4, v2;
	v2 =	vadd.f32 $5.000000000e-01, v55;
	v0 =	vadd.f32 v60, v0;
	v4 =	vld.idx.msk [tilespmem:v61+s16+$0x0], $0xffff  }
0x207: {  	v30 =	vnsel vm0, $0x0, v5;
	v5 =	vmul.u32 $0x2710, v63;
	v3 =	vadd.f32 v62, v3;
	v49 =	vld.idx.msk [tilespmem:v49+s14+$0x0], $0xffff  }
0x208: {  	v55 =	vcvt.s32.f32 v53;
	v2 =	vtrunc.f32 v2;
	v0 =	vadd.f32 v54, v0;
	v54 =	vld.idx.msk [tilespmem:v47+s16+$0x0], $0xffff  }
0x209: {  	vm0 =	veq.s32 v5, v50;
	v2 =	vcvt.f32.s32 v2;
	v3 =	vadd.f32 v59, v3;
	v5 =	vld.idx.msk [tilespmem:v47+s17+$0x0], $0xffff  }
0x20a: {  	v31 =	vnsel vm0, $0x0, v63;
	v47 =	vmul.f32 $9.999999740e-05, v55;
	v0 =	vadd.f32 v48, v0;
	v42 =	vld.idx.msk [tilespmem:v42+s14+$0x0], $0xffff  }
0x20b: {  	vm0 =	veq.s32 v41, v29;
	v48 =	vmul.u32 $0x2710, v2;
	v3 =	vadd.f32 v46, v3;
	v50 =	vld.idx.msk [tilespmem:v26+s16+$0x0], $0xffff  }
0x20c: {  	v33 =	vnsel vm0, $0x0, v33;
	v29 =	vadd.f32 $5.000000000e-01, v47;
	v0 =	vadd.f32 v45, v0;
	v45 =	vld.idx.msk [tilespmem:v26+s17+$0x0], $0xffff  }
0x20d: {  	vm0 =	veq.s32 v48, v52;
	v52 =	vadd.s32 $0x1, v57;
	v3 =	vadd.f32 v7, v3;
	v7 =	vld.idx.msk [tilespmem:v28+s16+$0x0], $0xffff  }
0x20e: {  	v26 =	vnsel vm0, $0x0, v2;
	v2 =	vtrunc.f32 v29;
	v0 =	vadd.f32 v4, v0;
	v4 =	vld.idx.msk [tilespmem:v28+s17+$0x0], $0xffff  }
0x20f: {  	v29 =	vadd.s32 $0x1, v49;
	v2 =	vcvt.f32.s32 v2;
	v3 =	vadd.f32 v5, v3;
	v47 =	vld.idx.msk [tilespmem:v40+s14+$0x0], $0xffff  }
0x210: {  	v5 =	vcvt.s32.f32 v52;
	v40 =	vadd.s32 $0x1, v42;
	v0 =	vadd.f32 v54, v0;
	v54 =	vld.idx.msk [tilespmem:v39+s16+$0x0], $0xffff  }
0x211: {  	v41 =	vcvt.s32.f32 v29;
	v28 =	vmul.u32 $0x2710, v2;
	v3 =	vadd.f32 v56, v3;
	v42 =	vld.idx.msk [tilespmem:v33+s17+$0x0], $0xffff  }
0x212: {  	v5 =	vmul.f32 $9.999999740e-05, v5;
	v48 =	vcvt.s32.f32 v40;
	v0 =	vadd.f32 v51, v0;
	v49 =	vld.idx.msk [tilespmem:v33+s16+$0x0], $0xffff  }
0x213: {  	vm1 =	veq.s32 v28, v53;
	v33 =	vmul.f32 $9.999999740e-05, v41;
	v3 =	vadd.f32 v6, v3;
	v41 =	vld.idx.msk [tilespmem:v38+s17+$0x0], $0xffff  }
0x214: {  	vm0 =	veq.s32 v58, v43;
	v28 =	vnsel vm1, $0x0, v2;
	v0 =	vadd.f32 v35, v0;
	v46 =	vld.idx.msk [tilespmem:v38+s16+$0x0], $0xffff  }
0x215: {  	v2 =	vadd.f32 $5.000000000e-01, v5;
	v5 =	vmul.f32 $9.999999740e-05, v48;
	v3 =	vadd.f32 v45, v3;
	v6 =	vld.idx.msk [tilespmem:v39+s17+$0x0], $0xffff  }
0x216: {  	v33 =	vadd.f32 $5.000000000e-01, v33;
	v35 =	vadd.s32 $0x1, v47;
	v0 =	vadd.f32 v50, v0  }
0x217: {  	v2 =	vtrunc.f32 v2;
	v5 =	vadd.f32 $5.000000000e-01, v5;
	v3 =	vadd.f32 v4, v3  }
.Ltmp2:
0x218: {  	v4 =	vtrunc.f32 v33;
	v39 =	vcvt.f32.s32 v2;
	v0 =	vadd.f32 v7, v0;
	v47 =	vld.idx.msk [tilespmem:v44+s16+$0x0], $0xffff;
	(pc) =	sbr.rel @p0 .LBB2_7-.Ltmp2, $4  }
0x219: {  	v33 =	vcvt.f32.s32 v4;
	v2 =	vtrunc.f32 v5;
	v3 =	vadd.f32 v42, v3  }
0x21a: {  	v4 =	vmul.u32 $0x2710, v39;
	v38 =	vcvt.f32.s32 v2;
	v0 =	vadd.f32 v49, v0;
	v42 =	vld.idx.msk [tilespmem:v44+s17+$0x0], $0xffff  }
0x21b: {  	v48 =	vcvt.s32.f32 v32;
	v43 =	vcvt.s32.f32 v35;
	v45 =	vadd.f32 v6, v3  }
0x21c: {  	s29 =	smov.u32 s24;
	v49 =	vadd.s32 s25, v20;
	vm1 =	veq.s32 v4, v52;
	v50 =	vadd.f32 v54, v0;
	v44 =	vld.idx.msk [tilespmem:v37+s17+$0x0], $0xffff  }
0x21d: {  	_ =	sdelay $0x3  }
0x21e: {  	v0 =	vld.idx.msk [tilespmem:v49+s14+$0x0], $0xffff;
	_ =	sdelay $0x4  }
0x21f: {  	v0 =	vadd.s32 $0x1, v0  }
0x220: {  	v2 =	vcvt.s32.f32 v0;
	_ =	sdelay $0x1  }
0x221: {  	v2 =	vmul.f32 $9.999999740e-05, v2;
	_ =	sdelay $0x1  }
0x222: {  	v2 =	vadd.f32 $5.000000000e-01, v2;
	_ =	sdelay $0x1  }
0x223: {  	v3 =	vmul.f32 $9.999999740e-05, v48;
	v2 =	vtrunc.f32 v2  }
0x224: {  	v2 =	vcvt.f32.s32 v2  }
0x225: {  	v3 =	vadd.f32 $5.000000000e-01, v3  }
0x226: {  	v4 =	vmul.u32 $0x2710, v2  }
0x227: {  	v63 =	vld.idx.msk [tilespmem:v37+s16+$0x0], $0xffff;
	v3 =	vtrunc.f32 v3  }
0x228: {  	v20 =	vld.idx.msk [tilespmem:v24+s16+$0x0], $0xffff;
	v3 =	vcvt.f32.s32 v3;
	vm2 =	veq.s32 v4, v0  }
0x229: {  	v49 =	vld.idx.msk [tilespmem:v24+s17+$0x0], $0xffff;
	v0 =	vnsel vm2, $0x0, v2  }
0x22a: {  	v5 =	vadd.f32 $5.000000000e-01, v36;
	v6 =	vmul.u32 $0x2710, v34;
	v36 =	vld [tilespmem:$0x1FFA0];
	v2 =	vmul.u32 $0x2710, v3  }
0x22b: {  	v53 =	vld.idx.msk [tilespmem:v30+s16+$0x0], $0xffff;
	v60 =	vadd.s32 v8, v19  }
0x22c: {  	v5 =	vtrunc.f32 v5;
	vm13 =	veq.s32 v6, v22;
	v6 =	vld.idx.msk [tilespmem:v21+s16+$0x0], $0xffff;
	vm12 =	veq.s32 v2, v32  }
0x22d: {  	v5 =	vcvt.f32.s32 v5;
	v2 =	vadd.f32 v46, v50;
	v50 =	vld.idx.msk [tilespmem:v21+s17+$0x0], $0xffff;
	v3 =	vnsel vm12, $0x0, v3  }
0x22e: {  	v21 =	vand.u32 $0xFFFFFF80, v60;
	v7 =	vld.idx.msk [tilespmem:v0+s16+$0x0], $0xffff  }
0x22f: {  	v57 =	vld.idx.msk [tilespmem:v31+s16+$0x0], $0xffff;
	v21 =	vor.u32 v36, v21;
	v2 =	vadd.f32 v47, v2;
	v47 =	vmul.u32 $0x2710, v5  }
0x230: {  	v59 =	vld.idx.msk [tilespmem:v30+s17+$0x0], $0xffff;
	v37 =	vnsel vm13, $0x0, v34;
	v60 =	vadd.s32 v17, v19  }
0x231: {  	v61 =	vld.idx.msk [tilespmem:v26+s16+$0x0], $0xffff;
	v2 =	vadd.f32 v63, v2;
	vm14 =	veq.s32 v47, v27;
	v27 =	vand.u32 $0xFFFFFF80, v60  }
0x232: {  	v46 =	vadd.f32 v41, v45;
	v27 =	vor.u32 v10, v27;
	v48 =	vld.idx.msk [tilespmem:v3+s16+$0x0], $0xffff  }
0x233: {  	v0 =	vld.idx.msk [tilespmem:v0+s17+$0x0], $0xffff;
	v2 =	vadd.f32 v7, v2  }
0x234: {  	v25 =	vnsel vm0, $0x0, v25;
	v21 =	vld.idx.msk [tilespmem:v21+s14+$0x0], $0xffff;
	v7 =	vadd.f32 v42, v46  }
0x235: {  	v51 =	vmul.u32 $0x2710, v38;
	v52 =	vcvt.s32.f32 v23;
	v3 =	vld.idx.msk [tilespmem:v3+s17+$0x0], $0xffff;
	v2 =	vadd.f32 v6, v2  }
0x236: {  	v62 =	vadd.s32 v9, v19;
	v6 =	vadd.f32 v44, v7;
	v7 =	vld.idx.msk [tilespmem:v37+s16+$0x0], $0xffff  }
0x237: {  	vm15 =	veq.s32 v51, v40;
	v55 =	vmul.f32 $9.999999740e-05, v52;
	v27 =	vld.idx.msk [tilespmem:v27+s14+$0x0], $0xffff;
	v2 =	vadd.f32 v48, v2  }
0x238: {  	v22 =	vand.u32 $0xFFFFFF80, v62;
	v40 =	vld.idx.msk [tilespmem:v26+s17+$0x0], $0xffff;
	v5 =	vnsel vm14, $0x0, v5;
	v0 =	vadd.f32 v0, v6  }
0x239: {  	v52 =	vadd.s32 v15, v19;
	v58 =	vld.idx.msk [tilespmem:v25+s17+$0x0], $0xffff;
	v21 =	vadd.s32 $0x1, v21;
	v2 =	vadd.f32 v20, v2  }
0x23a: {  	v6 =	vld.idx.msk [tilespmem:v25+s16+$0x0], $0xffff;
	v20 =	vmul.f32 $9.999999740e-05, v43;
	v0 =	vadd.f32 v50, v0;
	v43 =	vadd.s32 v13, v19  }
0x23b: {  	v4 =	vld.idx.msk [tilespmem:v37+s17+$0x0], $0xffff;
	v25 =	vand.u32 $0xFFFFFF80, v52;
	v50 =	vadd.s32 v14, v19;
	v45 =	vand.u32 $0xFFFFFF80, v43  }
0x23c: {  	v46 =	vld [tilespmem:$0x1FFC0];
	v27 =	vadd.s32 $0x1, v27;
	v2 =	vadd.f32 v7, v2;
	v0 =	vadd.f32 v3, v0  }
0x23d: {  	v54 =	vld.idx.msk [tilespmem:v5+s16+$0x0], $0xffff;
	v7 =	vmul.u32 $0x2710, v33;
	v56 =	vadd.f32 $5.000000000e-01, v20;
	v20 =	vnsel vm1, $0x0, v39  }
0x23e: {  	v3 =	vadd.f32 $5.000000000e-01, v55;
	v39 =	vld [tilespmem:$0x1FFB0];
	v43 =	vcvt.s32.f32 v27;
	v0 =	vadd.f32 v49, v0  }
0x23f: {  	v5 =	vld.idx.msk [tilespmem:v5+s17+$0x0], $0xffff;
	v2 =	vadd.f32 v6, v2;
	v6 =	vtrunc.f32 v56;
	vm4 =	veq.s32 v7, v29  }
0x240: {  	v55 =	vld [tilespmem:$0x1FFE0];
	v3 =	vtrunc.f32 v3;
	v7 =	vnsel vm4, $0x0, v33;
	v0 =	vadd.f32 v4, v0  }
0x241: {  	v51 =	vld [tilespmem:$0x1FFD0];
	v56 =	vadd.s32 v16, v19;
	v19 =	vadd.s32 v18, v19;
	v6 =	vcvt.f32.s32 v6  }
0x242: {  	v63 =	vld.idx.msk [tilespmem:v31+s17+$0x0], $0xffff;
	v2 =	vadd.f32 v54, v2;
	v4 =	vor.u32 v46, v45;
	v0 =	vadd.f32 v58, v0  }
0x243: {  	v37 =	vld.idx.msk [tilespmem:v28+s16+$0x0], $0xffff;
	v3 =	vcvt.f32.s32 v3;
	v19 =	vand.u32 $0xFFFFFF80, v19;
	v22 =	vor.u32 v39, v22  }
0x244: {  	v19 =	vor.u32 v11, v19;
	v44 =	vld.idx.msk [tilespmem:v20+s16+$0x0], $0xffff;
	v2 =	vadd.f32 v53, v2;
	v0 =	vadd.f32 v5, v0  }
0x245: {  	v41 =	vmul.u32 $0x2710, v6;
	v25 =	vor.u32 v55, v25;
	v53 =	vcvt.s32.f32 v21;
	v42 =	vld.idx.msk [tilespmem:v7+s16+$0x0], $0xffff  }
0x246: {  	v2 =	vadd.f32 v57, v2;
	v5 =	vand.u32 $0xFFFFFF80, v50;
	v0 =	vadd.f32 v59, v0;
	v59 =	vld [tilespmem:$0x1FFF0]  }
0x247: {  	v47 =	vmul.u32 $0x2710, v3;
	v57 =	vmul.f32 $9.999999740e-05, v53;
	v4 =	vld.idx.msk [tilespmem:v4+s14+$0x0], $0xffff;
	v5 =	vor.u32 v51, v5  }
0x248: {  	v29 =	vnsel vm15, $0x0, v38;
	vm5 =	veq.s32 v41, v35;
	v2 =	vadd.f32 v61, v2;
	v22 =	vld.idx.msk [tilespmem:v22+s14+$0x0], $0xffff  }
0x249: {  	vm6 =	veq.s32 v47, v23;
	v23 =	vand.u32 $0xFFFFFF80, v56;
	v19 =	vld.idx.msk [tilespmem:v19+s14+$0x0], $0xffff;
	v24 =	vadd.f32 $5.000000000e-01, v57  }
0x24a: {  	v6 =	vnsel vm5, $0x0, v6;
	v3 =	vnsel vm6, $0x0, v3;
	v25 =	vld.idx.msk [tilespmem:v25+s14+$0x0], $0xffff;
	v2 =	vadd.f32 v37, v2  }
0x24b: {  	v48 =	vld.idx.msk [tilespmem:v28+s17+$0x0], $0xffff;
	v0 =	vadd.f32 v63, v0;
	v24 =	vtrunc.f32 v24;
	v23 =	vor.u32 v59, v23  }
0x24c: {  	v24 =	vcvt.f32.s32 v24;
	v2 =	vadd.f32 v42, v2;
	v4 =	vadd.s32 $0x1, v4;
	v5 =	vld.idx.msk [tilespmem:v5+s14+$0x0], $0xffff  }
0x24d: {  	v0 =	vadd.f32 v40, v0;
	v22 =	vadd.s32 $0x1, v22;
	v62 =	vcvt.s32.f32 v4  }
0x24e: {  	v49 =	vld.idx.msk [tilespmem:v29+s16+$0x0], $0xffff;
	v19 =	vadd.s32 $0x1, v19;
	v63 =	vmul.u32 $0x2710, v24;
	v54 =	vcvt.s32.f32 v22  }
0x24f: {  	v25 =	vadd.s32 $0x1, v25;
	v2 =	vadd.f32 v44, v2;
	v30 =	vmul.f32 $9.999999740e-05, v62  }
0x250: {  	v0 =	vadd.f32 v48, v0;
	v39 =	vcvt.s32.f32 v25;
	v58 =	vmul.f32 $9.999999740e-05, v54;
	v23 =	vld.idx.msk [tilespmem:v23+s14+$0x0], $0xffff  }
0x251: {  	v44 =	vcvt.s32.f32 v19;
	v30 =	vadd.f32 $5.000000000e-01, v30;
	v5 =	vadd.s32 $0x1, v5  }
0x252: {  	v28 =	vmul.f32 $9.999999740e-05, v39;
	v26 =	vadd.f32 $5.000000000e-01, v58;
	v36 =	vcvt.s32.f32 v5  }
0x253: {  	vm7 =	veq.s32 v63, v21;
	v2 =	vadd.f32 v49, v2;
	v30 =	vtrunc.f32 v30  }
0x254: {  	v28 =	vadd.f32 $5.000000000e-01, v28;
	v26 =	vtrunc.f32 v26;
	v38 =	vmul.f32 $9.999999740e-05, v36  }
0x255: {  	v40 =	vcvt.f32.s32 v30;
	v26 =	vcvt.f32.s32 v26;
	v23 =	vadd.s32 $0x1, v23  }
0x256: {  	v61 =	vld.idx.msk [tilespmem:v6+s16+$0x0], $0xffff;
	v31 =	vmul.f32 $9.999999740e-05, v44;
	v21 =	vadd.f32 $5.000000000e-01, v38;
	v41 =	vcvt.s32.f32 v23  }
0x257: {  	v28 =	vtrunc.f32 v28;
	v30 =	vmul.u32 $0x2710, v40;
	v37 =	vmul.u32 $0x2710, v26  }
0x258: {  	v24 =	vnsel vm7, $0x0, v24;
	v21 =	vtrunc.f32 v21;
	v42 =	vmul.f32 $9.999999740e-05, v41  }
0x259: {  	vm9 =	veq.s32 v30, v4;
	vm8 =	veq.s32 v37, v22;
	v21 =	vcvt.f32.s32 v21  }
0x25a: {  	v30 =	vmul.f32 $9.999999740e-05, v43;
	v26 =	vnsel vm8, $0x0, v26;
	v4 =	vadd.f32 $5.000000000e-01, v42  }
0x25b: {  	v45 =	vld.idx.msk [tilespmem:v3+s16+$0x0], $0xffff;
	v2 =	vadd.f32 v61, v2;
	v28 =	vcvt.f32.s32 v28;
	v46 =	vmul.u32 $0x2710, v21  }
0x25c: {  	v7 =	vld.idx.msk [tilespmem:v7+s17+$0x0], $0xffff;
	v22 =	vnsel vm9, $0x0, v40;
	v30 =	vadd.f32 $5.000000000e-01, v30;
	v4 =	vtrunc.f32 v4  }
0x25d: {  	v47 =	vld.idx.msk [tilespmem:v24+s16+$0x0], $0xffff;
	v48 =	vmul.u32 $0x2710, v28;
	vm10 =	veq.s32 v46, v5;
	v4 =	vcvt.f32.s32 v4  }
0x25e: {  	v20 =	vld.idx.msk [tilespmem:v20+s17+$0x0], $0xffff;
	v31 =	vadd.f32 $5.000000000e-01, v31;
	v30 =	vtrunc.f32 v30;
	v21 =	vnsel vm10, $0x0, v21  }
0x25f: {  	vm11 =	veq.s32 v48, v25;
	v51 =	vcvt.f32.s32 v30;
	v49 =	vld.idx.msk [tilespmem:v26+s16+$0x0], $0xffff;
	v50 =	vmul.u32 $0x2710, v4  }
0x260: {  	v29 =	vld.idx.msk [tilespmem:v29+s17+$0x0], $0xffff;
	v2 =	vadd.f32 v45, v2;
	v52 =	vtrunc.f32 v31;
	v28 =	vnsel vm11, $0x0, v28  }
0x261: {  	v55 =	vcvt.f32.s32 v52;
	v53 =	vld.idx.msk [tilespmem:v22+s16+$0x0], $0xffff;
	v54 =	vmul.u32 $0x2710, v51;
	vm12 =	veq.s32 v50, v23  }
0x262: {  	v6 =	vld.idx.msk [tilespmem:v6+s17+$0x0], $0xffff;
	v0 =	vadd.f32 v7, v0;
	v2 =	vadd.f32 v47, v2;
	v4 =	vnsel vm12, $0x0, v4  }
0x263: {  	v56 =	vmul.u32 $0x2710, v55;
	vm13 =	veq.s32 v54, v27;
	v7 =	vld.idx.msk [tilespmem:v21+s16+$0x0], $0xffff  }
0x264: {  	v3 =	vld.idx.msk [tilespmem:v3+s17+$0x0], $0xffff;
	v0 =	vadd.f32 v20, v0;
	v20 =	vnsel vm13, $0x0, v51;
	v2 =	vadd.f32 v49, v2  }
0x265: {  	vm14 =	veq.s32 v56, v19;
	v57 =	vld.idx.msk [tilespmem:v28+s16+$0x0], $0xffff  }
0x266: {  	v0 =	vadd.f32 v29, v0;
	v58 =	vld.idx.msk [tilespmem:v24+s17+$0x0], $0xffff;
	v19 =	vnsel vm14, $0x0, v55;
	v2 =	vadd.f32 v53, v2  }
0x267: {  	v59 =	vld.idx.msk [tilespmem:v4+s16+$0x0], $0xffff  }
0x268: {  	v0 =	vadd.f32 v6, v0;
	v6 =	vld.idx.msk [tilespmem:v26+s17+$0x0], $0xffff;
	v2 =	vadd.f32 v7, v2  }
0x269: {  	v7 =	vld.idx.msk [tilespmem:v20+s16+$0x0], $0xffff  }
0x26a: {  	v0 =	vadd.f32 v3, v0;
	v3 =	vld.idx.msk [tilespmem:v22+s17+$0x0], $0xffff;
	v2 =	vadd.f32 v57, v2  }
0x26b: {  	v60 =	vld.idx.msk [tilespmem:v19+s16+$0x0], $0xffff  }
0x26c: {  	v0 =	vadd.f32 v58, v0;
	v2 =	vadd.f32 v59, v2  }
0x26d: {  	v61 =	vld.idx.msk [tilespmem:v21+s17+$0x0], $0xffff  }
0x26e: {  	v0 =	vadd.f32 v6, v0;
	v2 =	vadd.f32 v7, v2  }
0x26f: {  	v6 =	vld.idx.msk [tilespmem:v28+s17+$0x0], $0xffff  }
0x270: {  	v0 =	vadd.f32 v3, v0;
	v2 =	vadd.f32 v60, v2  }
0x271: {  	v3 =	vld.idx.msk [tilespmem:v4+s17+$0x0], $0xffff  }
0x272: {  	v0 =	vadd.f32 v61, v0;
	(erf) = vrcp.f32 v2  }
0x273: {  	v62 =	vld.idx.msk [tilespmem:v20+s17+$0x0], $0xffff  }
0x274: {  	v0 =	vadd.f32 v6, v0  }
0x275: {  	v63 =	vld.idx.msk [tilespmem:v19+s17+$0x0], $0xffff  }
0x276: {  	v0 =	vadd.f32 v3, v0;
	_ =	sdelay $0x1  }
0x277: {  	v0 =	vadd.f32 v62, v0  }
0x278: {  	s22 =	sadd.s32 $0x1, s22  }
0x279: {  	p0 =	sne.s32 s22, $0x8;
	v0 =	vadd.f32 v63, v0  }
.Ltmp3:
0x27a: {  	v3 =	vpop (erf);
	(pc) =	sbr.rel @p0 .LBB2_6-.Ltmp3, $4  }
0x27b: {  	v0 =	vmul.f32 v3, v0  }
0x27c: {  	vm15 =	vgt.f32 v2, $0.0e+00  }
0x27d: {  	v0 =	vsel vm15, v0, v12  }
0x27e: {  	[tilespmem:s23+$0xCA80] =	vst v0  }
0x27f: {  	s21 =	simm.s32 $0x0  }
0x280: {  	[tilespmem:s14], [sflag:$0x2] =	stream.linear.gather [hbm4b:s7+s21], $0x6400, $0x38;
	[tilespmem:$0xCC00] =	vst v63  }
0x281: {  	_ =	swait.ge [sflag:s15], $0x6400  }
0x282: {  	[sflag:s15] =	ssyncset.done $0x0  }
0x283: {  	s22 =	simm.s32 $0x0;
	[sflag:s15] =	ssyncadd.s32 $0xFFFF9C00  }
.LBB2_10:
0x284: {  	s23 =	sshll.u32 s22, $0x4  }
0x285: {  	v0 =	vmov s23  }
0x286: {  	v0 =	vmul.u32 $0xC8, v0;
	_ =	sdelay $0x1  }
0x287: {  	v19 =	vbroadcast v0, $0x0;
	_ =	sdelay $0x1  }
0x288: {  	s3 =	simm.s32 $0x1;
	v20 =	vadd.s32 v1, v19  }
0x289: {  	v0 =	vadd.s32 s3, v20  }
0x28a: {  	s25 =	simm.s32 $0x3  }
0x28b: {  	v2 =	vadd.s32 s25, v20;
	_ =	sdelay $0x1  }
0x28c: {  	s26 =	simm.s32 $0x4  }
0x28d: {  	v3 =	vadd.s32 s26, v20;
	v0 =	vld.idx.msk [tilespmem:v0+s4+$0x0], $0xffff;
	_ =	sdelay $0x1  }
0x28e: {  	s28 =	simm.s32 $0x5;
	v2 =	vld.idx.msk [tilespmem:v2+s4+$0x0], $0xffff  }
0x28f: {  	s30 =	simm.s32 $0x7;
	v23 =	vimm.f32 $0.0e+00;
	s31 =	simm.s32 $0x2;
	s24 =	simm.s32 $0x8;
	v4 =	vadd.s32 s28, v20  }
0x290: {  	v6 =	vadd.s32 s30, v20;
	v22 =	vadd.s32 s31, v20;
	s25 =	simm.s32 $0x9;
	v24 =	vadd.s32 s24, v20  }
0x291: {  	s28 =	simm.s32 $0xA;
	s30 =	simm.s32 $0xC;
	v57 =	vadd.s32 s21, v20;
	v25 =	vadd.s32 s25, v20;
	v3 =	vld.idx.msk [tilespmem:v3+s4+$0x0], $0xffff;
	v0 =	vadd.s32 $0x1, v0  }
0x292: {  	s31 =	simm.s32 $0xD;
	s24 =	simm.s32 $0xE;
	v27 =	vadd.s32 s28, v20;
	v28 =	vadd.s32 s30, v20;
	v5 =	vcvt.s32.f32 v0  }
0x293: {  	v29 =	vadd.s32 s31, v20;
	v33 =	vadd.s32 s24, v20;
	s25 =	simm.s32 $0xF;
	v2 =	vadd.s32 $0x1, v2  }
0x294: {  	s28 =	simm.s32 $0x11;
	s30 =	simm.s32 $0x12;
	s31 =	simm.s32 $0x13;
	v34 =	vadd.s32 s25, v20;
	v7 =	vcvt.s32.f32 v2;
	v5 =	vmul.f32 $9.999999740e-05, v5  }
0x295: {  	v58 =	vadd.s32 s28, v20;
	v45 =	vadd.s32 s30, v20;
	v44 =	vadd.s32 s31, v20;
	v4 =	vld.idx.msk [tilespmem:v4+s4+$0x0], $0xffff  }
0x296: {  	s26 =	simm.s32 $0x6;
	s24 =	simm.s32 $0x1D;
	s28 =	simm.s32 $0x19;
	v6 =	vld.idx.msk [tilespmem:v6+s4+$0x0], $0xffff;
	v21 =	vadd.s32 $0x1, v3;
	v3 =	vmul.f32 $9.999999740e-05, v7;
	v5 =	vadd.f32 $5.000000000e-01, v5  }
0x297: {  	v43 =	vadd.s32 s24, v20;
	v47 =	vadd.s32 s28, v20;
	v7 =	vadd.s32 s26, v20  }
0x298: {  	s25 =	simm.s32 $0x14;
	s28 =	simm.s32 $0x18;
	v32 =	vld.idx.msk [tilespmem:v25+s4+$0x0], $0xffff;
	v26 =	vcvt.s32.f32 v21;
	v3 =	vadd.f32 $5.000000000e-01, v3;
	v5 =	vtrunc.f32 v5  }
0x299: {  	v46 =	vadd.s32 s25, v20;
	v62 =	vadd.s32 s28, v20;
	v5 =	vcvt.f32.s32 v5  }
0x29a: {  	v48 =	vld.idx.msk [tilespmem:v27+s4+$0x0], $0xffff;
	v4 =	vadd.s32 $0x1, v4;
	v26 =	vmul.f32 $9.999999740e-05, v26;
	v3 =	vtrunc.f32 v3  }
0x29b: {  	v24 =	vld.idx.msk [tilespmem:v24+s4+$0x0], $0xffff;
	v6 =	vadd.s32 $0x1, v6;
	v3 =	vcvt.f32.s32 v3;
	v30 =	vmul.u32 $0x2710, v5  }
0x29c: {  	v31 =	vcvt.s32.f32 v4;
	v27 =	vcvt.s32.f32 v6;
	v25 =	vadd.f32 $5.000000000e-01, v26;
	v7 =	vld.idx.msk [tilespmem:v7+s4+$0x0], $0xffff  }
0x29d: {  	v36 =	vadd.s32 $0x1, v32;
	s26 =	simm.s32 $0xB;
	vm0 =	veq.s32 v30, v0;
	v0 =	vmul.u32 $0x2710, v3  }
0x29e: {  	v26 =	vmul.f32 $9.999999740e-05, v31;
	v31 =	vadd.s32 s26, v20;
	v30 =	vtrunc.f32 v25  }
0x29f: {  	v25 =	vnsel vm0, $0x0, v5;
	v5 =	vadd.s32 $0x1, v48;
	vm0 =	veq.s32 v0, v2  }
0x2a0: {  	v0 =	vadd.f32 $5.000000000e-01, v26;
	v2 =	vadd.s32 $0x1, v24;
	v26 =	vmul.f32 $9.999999740e-05, v27  }
0x2a1: {  	v22 =	vld.idx.msk [tilespmem:v22+s4+$0x0], $0xffff;
	v37 =	vcvt.f32.s32 v30;
	v24 =	vadd.s32 $0x1, v7;
	v27 =	vcvt.s32.f32 v2  }
0x2a2: {  	s30 =	simm.s32 $0x1A;
	v7 =	vcvt.s32.f32 v36;
	v0 =	vtrunc.f32 v0;
	v26 =	vadd.f32 $5.000000000e-01, v26  }
0x2a3: {  	v48 =	vadd.s32 s30, v20;
	v27 =	vmul.f32 $9.999999740e-05, v27;
	v30 =	vcvt.f32.s32 v0;
	v0 =	vld.idx.msk [tilespmem:v34+s4+$0x0], $0xffff  }
0x2a4: {  	v32 =	vnsel vm0, $0x0, v3;
	v3 =	vld.idx.msk [tilespmem:v28+s4+$0x0], $0xffff;
	v28 =	vcvt.s32.f32 v5;
	v26 =	vtrunc.f32 v26  }
0x2a5: {  	v7 =	vmul.f32 $9.999999740e-05, v7;
	v27 =	vadd.f32 $5.000000000e-01, v27;
	v26 =	vcvt.f32.s32 v26  }
0x2a6: {  	v35 =	vcvt.s32.f32 v24;
	v34 =	vadd.s32 $0x1, v22;
	v28 =	vmul.f32 $9.999999740e-05, v28  }
0x2a7: {  	v29 =	vld.idx.msk [tilespmem:v29+s4+$0x0], $0xffff;
	v7 =	vadd.f32 $5.000000000e-01, v7;
	v22 =	vtrunc.f32 v27;
	v38 =	vmul.u32 $0x2710, v26  }
0x2a8: {  	v39 =	vld.idx.msk [tilespmem:v31+s4+$0x0], $0xffff;
	v22 =	vcvt.f32.s32 v22;
	v31 =	vadd.s32 $0x1, v0;
	v0 =	vadd.f32 $5.000000000e-01, v28  }
0x2a9: {  	v41 =	vmul.f32 $9.999999740e-05, v35;
	v7 =	vtrunc.f32 v7;
	v3 =	vadd.s32 $0x1, v3  }
0x2aa: {  	vm0 =	veq.s32 v38, v6;
	v6 =	vmul.u32 $0x2710, v22;
	v0 =	vtrunc.f32 v0  }
0x2ab: {  	v28 =	vcvt.s32.f32 v3;
	v26 =	vnsel vm0, $0x0, v26;
	v0 =	vcvt.f32.s32 v0  }
0x2ac: {  	vm0 =	veq.s32 v6, v2;
	v2 =	vcvt.f32.s32 v7;
	v6 =	vadd.s32 $0x1, v29  }
0x2ad: {  	v35 =	vadd.s32 $0x1, v39;
	v7 =	vmul.f32 $9.999999740e-05, v28;
	v51 =	vcvt.s32.f32 v6  }
0x2ae: {  	v29 =	vnsel vm0, $0x0, v22;
	v22 =	vmul.u32 $0x2710, v0;
	v28 =	vmul.u32 $0x2710, v2  }
0x2af: {  	v49 =	vld.idx.msk [tilespmem:v33+s4+$0x0], $0xffff;
	v50 =	vcvt.s32.f32 v35;
	v27 =	vmul.u32 $0x2710, v30;
	v7 =	vadd.f32 $5.000000000e-01, v7  }
0x2b0: {  	v52 =	vmul.f32 $9.999999740e-05, v51;
	vm1 =	veq.s32 v22, v5;
	vm0 =	veq.s32 v28, v36  }
0x2b1: {  	v46 =	vld.idx.msk [tilespmem:v46+s4+$0x0], $0xffff;
	v22 =	vcvt.s32.f32 v34;
	v28 =	vmul.f32 $9.999999740e-05, v50;
	v33 =	vnsel vm0, $0x0, v2  }
0x2b2: {  	v5 =	vld.idx.msk [tilespmem:v57+s4+$0x0], $0xffff;
	v2 =	vtrunc.f32 v7;
	v7 =	vadd.f32 $5.000000000e-01, v52;
	vm0 =	veq.s32 v27, v4  }
0x2b3: {  	s31 =	simm.s32 $0x1C;
	v44 =	vld.idx.msk [tilespmem:v44+s4+$0x0], $0xffff;
	v22 =	vmul.f32 $9.999999740e-05, v22;
	v53 =	vadd.f32 $5.000000000e-01, v28;
	v2 =	vcvt.f32.s32 v2  }
0x2b4: {  	v36 =	vld.idx.msk [tilespmem:v58+s4+$0x0], $0xffff;
	v28 =	vnsel vm1, $0x0, v0;
	v0 =	vadd.s32 $0x1, v49;
	v49 =	vadd.s32 s31, v20  }
0x2b5: {  	v30 =	vnsel vm0, $0x0, v30;
	v55 =	vtrunc.f32 v7;
	v27 =	vcvt.s32.f32 v0  }
0x2b6: {  	v52 =	vadd.f32 $5.000000000e-01, v22;
	v22 =	vadd.s32 $0x1, v46;
	v54 =	vtrunc.f32 v53  }
0x2b7: {  	v56 =	vcvt.f32.s32 v55;
	v5 =	vadd.s32 $0x1, v5;
	v39 =	vcvt.f32.s32 v54  }
0x2b8: {  	v7 =	vmul.u32 $0x2710, v2;
	v27 =	vmul.f32 $9.999999740e-05, v27;
	v59 =	vcvt.s32.f32 v5  }
0x2b9: {  	v36 =	vadd.s32 $0x1, v36;
	v54 =	vadd.s32 $0x1, v44;
	v52 =	vtrunc.f32 v52  }
0x2ba: {  	vm1 =	veq.s32 v7, v3;
	v3 =	vmul.u32 $0x2710, v37;
	v7 =	vmul.u32 $0x2710, v56  }
0x2bb: {  	s25 =	simm.s32 $0x16;
	v61 =	vcvt.s32.f32 v54;
	v52 =	vcvt.f32.s32 v52;
	v40 =	vmul.u32 $0x2710, v39  }
0x2bc: {  	v27 =	vadd.f32 $5.000000000e-01, v27;
	vm2 =	veq.s32 v7, v6;
	v6 =	vadd.s32 s25, v20  }
0x2bd: {  	s26 =	simm.s32 $0x17;
	v38 =	vnsel vm2, $0x0, v56;
	vm2 =	veq.s32 v3, v21;
	v21 =	vcvt.s32.f32 v31  }
0x2be: {  	v7 =	vadd.s32 s26, v20;
	s26 =	simm.s32 $0x15;
	v46 =	vmul.f32 $9.999999740e-05, v61;
	v3 =	vadd.f32 $5.000000000e-01, v41  }
0x2bf: {  	v50 =	vadd.s32 s26, v20;
	v41 =	vnsel vm1, $0x0, v2;
	v21 =	vmul.f32 $9.999999740e-05, v21  }
0x2c0: {  	v27 =	vtrunc.f32 v27;
	v46 =	vadd.f32 $5.000000000e-01, v46;
	v3 =	vtrunc.f32 v3  }
0x2c1: {  	s26 =	simm.s32 $0x1F;
	v3 =	vcvt.f32.s32 v3;
	v2 =	vadd.f32 $5.000000000e-01, v21;
	v21 =	vcvt.s32.f32 v36  }
0x2c2: {  	v4 =	vadd.s32 s26, v20;
	v51 =	vnsel vm2, $0x0, v37;
	v37 =	vmul.f32 $9.999999740e-05, v59  }
0x2c3: {  	v46 =	vtrunc.f32 v46;
	v53 =	vmul.u32 $0x2710, v3;
	v21 =	vmul.f32 $9.999999740e-05, v21  }
0x2c4: {  	v55 =	vcvt.f32.s32 v27;
	v37 =	vadd.f32 $5.000000000e-01, v37;
	v46 =	vcvt.f32.s32 v46;
	v60 =	vld.idx.msk [tilespmem:v50+s4+$0x0], $0xffff  }
0x2c5: {  	vm1 =	veq.s32 v53, v24;
	v24 =	vcvt.s32.f32 v22;
	v21 =	vadd.f32 $5.000000000e-01, v21  }
0x2c6: {  	v59 =	vmul.u32 $0x2710, v55;
	v6 =	vld.idx.msk [tilespmem:v6+s4+$0x0], $0xffff;
	v37 =	vtrunc.f32 v37;
	v2 =	vtrunc.f32 v2  }
0x2c7: {  	v50 =	vld.idx.msk [tilespmem:v62+s4+$0x0], $0xffff;
	v62 =	vmul.u32 $0x2710, v52;
	v24 =	vmul.f32 $9.999999740e-05, v24;
	v21 =	vtrunc.f32 v21  }
0x2c8: {  	v7 =	vld.idx.msk [tilespmem:v7+s4+$0x0], $0xffff;
	v37 =	vcvt.f32.s32 v37;
	v27 =	vmul.u32 $0x2710, v46;
	v21 =	vcvt.f32.s32 v21  }
0x2c9: {  	v2 =	vcvt.f32.s32 v2;
	v44 =	vadd.s32 $0x1, v60;
	v24 =	vadd.f32 $5.000000000e-01, v24  }
0x2ca: {  	v3 =	vnsel vm1, $0x0, v3;
	v60 =	vcvt.s32.f32 v44;
	v63 =	vmul.u32 $0x2710, v21  }
0x2cb: {  	v43 =	vld.idx.msk [tilespmem:v43+s4+$0x0], $0xffff;
	vm2 =	veq.s32 v27, v54;
	v56 =	vtrunc.f32 v24;
	v24 =	vmul.u32 $0x2710, v37  }
0x2cc: {  	v57 =	vld.idx.msk [tilespmem:v45+s4+$0x0], $0xffff;
	v27 =	vadd.s32 $0x1, v6;
	v61 =	vmul.f32 $9.999999740e-05, v60;
	vm1 =	veq.s32 v63, v36  }
0x2cd: {  	v6 =	vadd.s32 $0x1, v7;
	v7 =	vld.idx.msk [tilespmem:v32+s17+$0x0], $0xffff;
	v21 =	vnsel vm1, $0x0, v21;
	vm1 =	veq.s32 v24, v5  }
0x2ce: {  	v54 =	vmul.u32 $0x2710, v2;
	v63 =	vld.idx.msk [tilespmem:v48+s4+$0x0], $0xffff;
	v58 =	vadd.f32 $5.000000000e-01, v61;
	v37 =	vnsel vm1, $0x0, v37  }
0x2cf: {  	v48 =	vadd.s32 $0x1, v50;
	v5 =	vld.idx.msk [tilespmem:v47+s4+$0x0], $0xffff;
	vm1 =	veq.s32 v59, v0;
	v59 =	vcvt.s32.f32 v6  }
0x2d0: {  	v24 =	vnsel vm2, $0x0, v46;
	v46 =	vld.idx.msk [tilespmem:v25+s16+$0x0], $0xffff;
	v45 =	vnsel vm1, $0x0, v55;
	vm1 =	veq.s32 v62, v34  }
0x2d1: {  	s25 =	simm.s32 $0x1E;
	v60 =	vcvt.s32.f32 v48;
	v50 =	vnsel vm1, $0x0, v52;
	v52 =	vld.idx.msk [tilespmem:v25+s17+$0x0], $0xffff;
	v25 =	vmul.f32 $9.999999740e-05, v59  }
0x2d2: {  	v42 =	vadd.s32 s25, v20;
	v0 =	vld.idx.msk [tilespmem:v32+s16+$0x0], $0xffff;
	v32 =	vtrunc.f32 v58;
	v34 =	vcvt.f32.s32 v56  }
0x2d3: {  	s30 =	simm.s32 $0x1B;
	v59 =	vmul.f32 $9.999999740e-05, v60;
	vm1 =	veq.s32 v54, v31;
	v58 =	vadd.f32 $5.000000000e-01, v25;
	v36 =	vld.idx.msk [tilespmem:v37+s17+$0x0], $0xffff  }
0x2d4: {  	v31 =	vadd.s32 s30, v20;
	v47 =	vadd.s32 $0x1, v63;
	v5 =	vadd.s32 $0x1, v5;
	v55 =	vld.idx.msk [tilespmem:v37+s16+$0x0], $0xffff  }
0x2d5: {  	v4 =	vld.idx.msk [tilespmem:v4+s4+$0x0], $0xffff;
	v25 =	vcvt.f32.s32 v32;
	v62 =	vadd.f32 $5.000000000e-01, v59;
	v61 =	vtrunc.f32 v58  }
0x2d6: {  	v53 =	vcvt.s32.f32 v5;
	v37 =	vnsel vm1, $0x0, v2;
	v2 =	vld.idx.msk [tilespmem:v49+s4+$0x0], $0xffff;
	v49 =	vcvt.f32.s32 v61  }
0x2d7: {  	v32 =	vadd.s32 $0x1, v57;
	v57 =	vcvt.s32.f32 v27;
	v54 =	vtrunc.f32 v62;
	v56 =	vld.idx.msk [tilespmem:v50+s17+$0x0], $0xffff  }
0x2d8: {  	v50 =	vld.idx.msk [tilespmem:v50+s16+$0x0], $0xffff;
	v53 =	vmul.f32 $9.999999740e-05, v53;
	v61 =	vmul.u32 $0x2710, v25;
	v63 =	vmul.u32 $0x2710, v49  }
0x2d9: {  	v59 =	vld.idx.msk [tilespmem:v51+s17+$0x0], $0xffff;
	v54 =	vcvt.f32.s32 v54;
	v58 =	vadd.f32 v36, v23;
	v55 =	vadd.f32 v55, v23  }
0x2da: {  	v51 =	vld.idx.msk [tilespmem:v51+s16+$0x0], $0xffff;
	v36 =	vmul.f32 $9.999999740e-05, v57;
	vm0 =	veq.s32 v63, v6;
	v6 =	vadd.f32 $5.000000000e-01, v53  }
0x2db: {  	v23 =	vadd.s32 $0x1, v4;
	v53 =	vld.idx.msk [tilespmem:v30+s16+$0x0], $0xffff;
	v58 =	vadd.f32 v52, v58;
	v46 =	vadd.f32 v46, v55  }
0x2dc: {  	v2 =	vadd.s32 $0x1, v2;
	v52 =	vld.idx.msk [tilespmem:v30+s17+$0x0], $0xffff;
	v30 =	vnsel vm0, $0x0, v49;
	v49 =	vmul.u32 $0x2710, v54  }
0x2dd: {  	v42 =	vld.idx.msk [tilespmem:v42+s4+$0x0], $0xffff;
	v6 =	vtrunc.f32 v6;
	v4 =	vadd.f32 v56, v58;
	v46 =	vadd.f32 v50, v46  }
0x2de: {  	s31 =	simm.s32 $0x10;
	v62 =	vld.idx.msk [tilespmem:v31+s4+$0x0], $0xffff;
	v63 =	vcvt.s32.f32 v47;
	vm0 =	veq.s32 v49, v48;
	v6 =	vcvt.f32.s32 v6  }
0x2df: {  	v50 =	vld.idx.msk [tilespmem:v3+s16+$0x0], $0xffff;
	v49 =	vadd.s32 s31, v20;
	v4 =	vadd.f32 v7, v4;
	v0 =	vadd.f32 v0, v46  }
0x2e0: {  	v3 =	vld.idx.msk [tilespmem:v3+s17+$0x0], $0xffff;
	v31 =	vnsel vm0, $0x0, v54;
	vm0 =	veq.s32 v40, v35;
	v7 =	vmul.f32 $9.999999740e-05, v63  }
0x2e1: {  	v60 =	vld.idx.msk [tilespmem:v26+s16+$0x0], $0xffff;
	v57 =	vmul.u32 $0x2710, v6;
	v4 =	vadd.f32 v59, v4;
	v0 =	vadd.f32 v51, v0  }
0x2e2: {  	v58 =	vld.idx.msk [tilespmem:v26+s17+$0x0], $0xffff;
	v39 =	vnsel vm0, $0x0, v39;
	v63 =	vcvt.s32.f32 v2;
	v7 =	vadd.f32 $5.000000000e-01, v7  }
0x2e3: {  	v48 =	vld.idx.msk [tilespmem:v29+s16+$0x0], $0xffff;
	vm0 =	veq.s32 v57, v5;
	v4 =	vadd.f32 v52, v4;
	v0 =	vadd.f32 v53, v0  }
0x2e4: {  	v59 =	vld.idx.msk [tilespmem:v29+s17+$0x0], $0xffff;
	v29 =	vadd.s32 $0x1, v62;
	v26 =	vnsel vm0, $0x0, v6;
	v6 =	vtrunc.f32 v7  }
0x2e5: {  	v62 =	vld.idx.msk [tilespmem:v33+s17+$0x0], $0xffff;
	v6 =	vcvt.f32.s32 v6;
	v3 =	vadd.f32 v3, v4;
	v0 =	vadd.f32 v50, v0  }
0x2e6: {  	v40 =	vadd.s32 $0x1, v43;
	v7 =	vld.idx.msk [tilespmem:v33+s16+$0x0], $0xffff;
	v53 =	vcvt.s32.f32 v29;
	v33 =	vmul.f32 $9.999999740e-05, v63  }
0x2e7: {  	v56 =	vld.idx.msk [tilespmem:v28+s16+$0x0], $0xffff;
	v52 =	vmul.u32 $0x2710, v6;
	v3 =	vadd.f32 v58, v3;
	v0 =	vadd.f32 v60, v0  }
0x2e8: {  	v54 =	vld.idx.msk [tilespmem:v28+s17+$0x0], $0xffff;
	v35 =	vadd.s32 $0x1, v42;
	v57 =	vmul.f32 $9.999999740e-05, v53;
	v33 =	vadd.f32 $5.000000000e-01, v33  }
0x2e9: {  	v58 =	vld.idx.msk [tilespmem:v39+s17+$0x0], $0xffff;
	vm1 =	veq.s32 v52, v47;
	v3 =	vadd.f32 v59, v3;
	v0 =	vadd.f32 v48, v0  }
0x2ea: {  	v55 =	vcvt.s32.f32 v40;
	v43 =	vadd.f32 $5.000000000e-01, v57;
	v28 =	vnsel vm1, $0x0, v6;
	v6 =	vld.idx.msk [tilespmem:v39+s16+$0x0], $0xffff  }
0x2eb: {  	v60 =	vld.idx.msk [tilespmem:v41+s17+$0x0], $0xffff;
	v33 =	vtrunc.f32 v33;
	v3 =	vadd.f32 v62, v3;
	v0 =	vadd.f32 v7, v0  }
0x2ec: {  	vm0 =	veq.s32 v61, v44;
	v59 =	vmul.f32 $9.999999740e-05, v55;
	v39 =	vcvt.f32.s32 v33;
	v7 =	vld.idx.msk [tilespmem:v41+s16+$0x0], $0xffff  }
0x2ed: {  	v42 =	vld.idx.msk [tilespmem:v45+s17+$0x0], $0xffff;
	v43 =	vtrunc.f32 v43;
	v3 =	vadd.f32 v54, v3;
	v0 =	vadd.f32 v56, v0  }
0x2ee: {  	v48 =	vcvt.s32.f32 v32;
	v61 =	vadd.f32 $5.000000000e-01, v59;
	v41 =	vld.idx.msk [tilespmem:v38+s17+$0x0], $0xffff;
	v63 =	vmul.u32 $0x2710, v39  }
0x2ef: {  	v46 =	vld.idx.msk [tilespmem:v38+s16+$0x0], $0xffff;
	v33 =	vcvt.f32.s32 v43;
	v3 =	vadd.f32 v58, v3;
	v0 =	vadd.f32 v6, v0  }
0x2f0: {  	v44 =	vld.idx.msk [tilespmem:v37+s17+$0x0], $0xffff;
	v43 =	vcvt.s32.f32 v35;
	v62 =	vtrunc.f32 v61;
	vm1 =	veq.s32 v63, v2  }
0x2f1: {  	s29 =	simm.s32 $0x20;
	v47 =	vld.idx.msk [tilespmem:v45+s16+$0x0], $0xffff;
	v38 =	vcvt.f32.s32 v62;
	v45 =	vadd.f32 v60, v3;
	v50 =	vadd.f32 v7, v0  }
.LBB2_11:
0x2f2: {  	s3 =	sadd.s32 $0x1, s29  }
0x2f3: {  	s26 =	sadd.s32 $0x2, s29;
	v0 =	vmul.u32 $0x2710, v34;
	v2 =	vmul.u32 $0x2710, v38;
	v3 =	vadd.f32 v41, v45;
	s25 =	smov.u32 s29;
	s24 =	sadd.s32 $0x10, s29  }
0x2f4: {  	v4 =	vadd.s32 s3, v20;
	v5 =	vadd.s32 s26, v20;
	s3 =	sadd.s32 $0x3, s25;
	s26 =	sadd.s32 $0x4, s25;
	s30 =	sadd.s32 $0x5, s25;
	v6 =	vadd.f32 v46, v50;
	v7 =	vld.idx.msk [tilespmem:v37+s16+$0x0], $0xffff  }
0x2f5: {  	s28 =	sadd.s32 $0x8, s25;
	v45 =	vadd.s32 s3, v20;
	v50 =	vadd.s32 s26, v20;
	s3 =	sadd.s32 $0x6, s25;
	s26 =	sadd.s32 $0x7, s25;
	vm2 =	veq.s32 v2, v40  }
0x2f6: {  	s31 =	sadd.s32 $0xA, s25;
	v2 =	vadd.s32 s3, v20;
	v51 =	vadd.s32 s26, v20;
	s3 =	sadd.s32 $0x9, s25;
	s26 =	sadd.s32 $0xB, s25;
	v6 =	vadd.f32 v47, v6  }
0x2f7: {  	p0 =	slt.u32 s29, $0xB0;
	v53 =	vadd.s32 s31, v20;
	s31 =	sadd.s32 $0xD, s25;
	v3 =	vadd.f32 v42, v3;
	v52 =	vadd.s32 s3, v20;
	s3 =	sadd.s32 $0xC, s25;
	v47 =	vld.idx.msk [tilespmem:v49+s4+$0x0], $0xffff  }
0x2f8: {  	v41 =	vmul.u32 $0x2710, v33;
	v42 =	vadd.s32 s31, v20;
	v37 =	vadd.s32 s3, v20;
	s3 =	sadd.s32 $0xE, s25  }
0x2f9: {  	v54 =	vadd.s32 s30, v20;
	v38 =	vnsel vm2, $0x0, v38;
	v4 =	vld.idx.msk [tilespmem:v4+s4+$0x0], $0xffff;
	v40 =	vadd.s32 s3, v20;
	s3 =	sadd.s32 $0xF, s25  }
0x2fa: {  	vm2 =	veq.s32 v0, v22;
	v46 =	vadd.f32 v7, v6;
	v55 =	vld.idx.msk [tilespmem:v45+s4+$0x0], $0xffff;
	v49 =	vadd.s32 s3, v20  }
0x2fb: {  	v6 =	vadd.f32 $5.000000000e-01, v36;
	v7 =	vcvt.s32.f32 v23;
	v45 =	vnsel vm2, $0x0, v34;
	v0 =	vld.idx.msk [tilespmem:v50+s4+$0x0], $0xffff  }
0x2fc: {  	v22 =	vmul.f32 $9.999999740e-05, v48;
	v36 =	vadd.f32 v44, v3;
	v34 =	vmul.f32 $9.999999740e-05, v43;
	v5 =	vld.idx.msk [tilespmem:v5+s4+$0x0], $0xffff  }
0x2fd: {  	v6 =	vtrunc.f32 v6;
	v7 =	vmul.f32 $9.999999740e-05, v7;
	v3 =	vadd.s32 $0x1, v47  }
0x2fe: {  	v44 =	vadd.f32 $5.000000000e-01, v22;
	v6 =	vcvt.f32.s32 v6;
	v43 =	vcvt.s32.f32 v3  }
0x2ff: {  	v39 =	vnsel vm1, $0x0, v39;
	v7 =	vadd.f32 $5.000000000e-01, v7;
	v4 =	vadd.s32 $0x1, v4  }
0x300: {  	v48 =	vmul.u32 $0x2710, v6;
	v47 =	vcvt.s32.f32 v4;
	v43 =	vmul.f32 $9.999999740e-05, v43  }
0x301: {  	v50 =	vadd.s32 $0x1, v55;
	v7 =	vtrunc.f32 v7;
	v22 =	vadd.s32 $0x1, v0;
	v0 =	vld.idx.msk [tilespmem:v54+s4+$0x0], $0xffff  }
0x302: {  	v55 =	vcvt.s32.f32 v50;
	vm1 =	veq.s32 v48, v27;
	v54 =	vmul.f32 $9.999999740e-05, v47  }
0x303: {  	v27 =	vcvt.s32.f32 v22;
	v47 =	vnsel vm1, $0x0, v6;
	v6 =	vadd.f32 $5.000000000e-01, v34  }
0x304: {  	v43 =	vadd.f32 $5.000000000e-01, v43;
	v48 =	vmul.f32 $9.999999740e-05, v55;
	v34 =	vadd.f32 $5.000000000e-01, v54  }
0x305: {  	v27 =	vmul.f32 $9.999999740e-05, v27;
	v54 =	vadd.s32 s28, v20;
	v6 =	vtrunc.f32 v6  }
0x306: {  	v56 =	vtrunc.f32 v43;
	v55 =	vadd.f32 $5.000000000e-01, v48;
	v34 =	vtrunc.f32 v34;
	v48 =	vld.idx.msk [tilespmem:v24+s16+$0x0], $0xffff  }
0x307: {  	v34 =	vcvt.f32.s32 v34;
	v43 =	vadd.s32 $0x1, v0;
	v0 =	vcvt.f32.s32 v56;
	v56 =	vld.idx.msk [tilespmem:v24+s17+$0x0], $0xffff  }
0x308: {  	v44 =	vtrunc.f32 v44;
	v27 =	vadd.f32 $5.000000000e-01, v27;
	v24 =	vtrunc.f32 v55;
	v2 =	vld.idx.msk [tilespmem:v2+s4+$0x0], $0xffff  }
0x309: {  	v6 =	vcvt.f32.s32 v6;
	v55 =	vmul.u32 $0x2710, v34;
	v24 =	vcvt.f32.s32 v24;
	v51 =	vld.idx.msk [tilespmem:v51+s4+$0x0], $0xffff  }
0x30a: {  	v59 =	vcvt.f32.s32 v44;
	v57 =	vtrunc.f32 v27;
	v27 =	vmul.u32 $0x2710, v0;
	v58 =	vld.idx.msk [tilespmem:v21+s16+$0x0], $0xffff  }
0x30b: {  	v44 =	vmul.u32 $0x2710, v6;
	vm1 =	veq.s32 v55, v4;
	v4 =	vmul.u32 $0x2710, v24;
	v54 =	vld.idx.msk [tilespmem:v54+s4+$0x0], $0xffff  }
0x30c: {  	v55 =	vcvt.s32.f32 v43;
	v34 =	vnsel vm1, $0x0, v34;
	vm1 =	veq.s32 v27, v3;
	v52 =	vld.idx.msk [tilespmem:v52+s4+$0x0], $0xffff  }
0x30d: {  	vm2 =	veq.s32 v4, v50;
	v0 =	vnsel vm1, $0x0, v0;
	vm1 =	veq.s32 v44, v35;
	v3 =	vld.idx.msk [tilespmem:v21+s17+$0x0], $0xffff;
	v21 =	vmovc v34  }
0x30e: {  	v4 =	vmul.f32 $9.999999740e-05, v55;
	v35 =	vmul.u32 $0x2710, v59;
	v24 =	vnsel vm2, $0x0, v24;
	v34 =	vld.idx.msk [tilespmem:v53+s4+$0x0], $0xffff  }
0x30f: {  	v27 =	vadd.s32 $0x1, v2;
	v44 =	vnsel vm1, $0x0, v6;
	v2 =	vadd.s32 $0x1, v51;
	v50 =	vld.idx.msk [tilespmem:v30+s16+$0x0], $0xffff  }
0x310: {  	v4 =	vadd.f32 $5.000000000e-01, v4;
	vm1 =	veq.s32 v35, v32;
	v6 =	vcvt.s32.f32 v2;
	v35 =	vld.idx.msk [tilespmem:v31+s16+$0x0], $0xffff  }
0x311: {  	v7 =	vcvt.f32.s32 v7;
	v53 =	vnsel vm1, $0x0, v59;
	v51 =	vadd.s32 $0x1, v54;
	v54 =	vld.idx.msk [tilespmem:v30+s17+$0x0], $0xffff  }
0x312: {  	v6 =	vmul.f32 $9.999999740e-05, v6;
	v30 =	vcvt.s32.f32 v51;
	v52 =	vadd.s32 $0x1, v52;
	v55 =	vld.idx.msk [tilespmem:v0+s17+$0x0], $0xffff  }
0x313: {  	v32 =	vmul.u32 $0x2710, v7;
	v4 =	vtrunc.f32 v4;
	v59 =	vcvt.s32.f32 v52;
	v0 =	vld.idx.msk [tilespmem:v0+s16+$0x0], $0xffff  }
0x314: {  	v6 =	vadd.f32 $5.000000000e-01, v6;
	v30 =	vmul.f32 $9.999999740e-05, v30;
	v60 =	vadd.s32 $0x1, v34;
	v61 =	vld.idx.msk [tilespmem:v31+s17+$0x0], $0xffff  }
0x315: {  	vm1 =	veq.s32 v32, v23;
	v4 =	vcvt.f32.s32 v4;
	v34 =	vcvt.f32.s32 v57;
	v31 =	vld.idx.msk [tilespmem:v49+s4+$0x0], $0xffff  }
0x316: {  	v62 =	vnsel vm0, $0x0, v25;
	v49 =	vadd.s32 s26, v20;
	v57 =	vld.idx.msk [tilespmem:v37+s4+$0x0], $0xffff;
	v37 =	vnsel vm1, $0x0, v7  }
0x317: {  	v32 =	vadd.s32 $0x1, v5;
	v25 =	vmovc v4;
	v5 =	vtrunc.f32 v6;
	v6 =	vadd.f32 $5.000000000e-01, v30;
	v7 =	vld.idx.msk [tilespmem:v53+s17+$0x0], $0xffff  }
0x318: {  	v4 =	vcvt.s32.f32 v27;
	v5 =	vcvt.f32.s32 v5;
	v30 =	vadd.f32 v55, v36;
	v53 =	vld.idx.msk [tilespmem:v53+s16+$0x0], $0xffff  }
0x319: {  	v6 =	vtrunc.f32 v6;
	v55 =	vmul.f32 $9.999999740e-05, v59;
	v0 =	vadd.f32 v0, v46;
	v46 =	vld.idx.msk [tilespmem:v45+s17+$0x0], $0xffff  }
0x31a: {  	v59 =	vmul.u32 $0x2710, v25;
	v36 =	vmul.f32 $9.999999740e-05, v4;
	v4 =	vmul.u32 $0x2710, v5;
	v45 =	vld.idx.msk [tilespmem:v45+s16+$0x0], $0xffff  }
0x31b: {  	v6 =	vcvt.f32.s32 v6;
	v3 =	vadd.f32 v3, v30;
	v23 =	vadd.s32 $0x1, v31;
	v63 =	vld.idx.msk [tilespmem:v62+s17+$0x0], $0xffff  }
0x31c: {  	vm0 =	veq.s32 v4, v2;
	v2 =	vadd.f32 $5.000000000e-01, v55;
	v0 =	vadd.f32 v58, v0;
	v4 =	vld.idx.msk [tilespmem:v62+s16+$0x0], $0xffff  }
0x31d: {  	v30 =	vnsel vm0, $0x0, v5;
	v5 =	vmul.u32 $0x2710, v6;
	v3 =	vadd.f32 v7, v3;
	v49 =	vld.idx.msk [tilespmem:v49+s4+$0x0], $0xffff  }
0x31e: {  	v2 =	vtrunc.f32 v2;
	v7 =	vcvt.s32.f32 v60;
	v0 =	vadd.f32 v53, v0;
	v53 =	vld.idx.msk [tilespmem:v47+s16+$0x0], $0xffff  }
0x31f: {  	vm0 =	veq.s32 v5, v51;
	v2 =	vcvt.f32.s32 v2;
	v3 =	vadd.f32 v56, v3;
	v5 =	vld.idx.msk [tilespmem:v47+s17+$0x0], $0xffff  }
0x320: {  	v31 =	vnsel vm0, $0x0, v6;
	v6 =	vmul.f32 $9.999999740e-05, v7;
	v0 =	vadd.f32 v48, v0;
	v7 =	vld.idx.msk [tilespmem:v42+s4+$0x0], $0xffff  }
0x321: {  	vm0 =	veq.s32 v41, v29;
	v42 =	vmul.u32 $0x2710, v2;
	v3 =	vadd.f32 v46, v3;
	v47 =	vld.idx.msk [tilespmem:v26+s16+$0x0], $0xffff  }
0x322: {  	v33 =	vnsel vm0, $0x0, v33;
	v6 =	vadd.f32 $5.000000000e-01, v6;
	v0 =	vadd.f32 v45, v0;
	v45 =	vld.idx.msk [tilespmem:v26+s17+$0x0], $0xffff  }
0x323: {  	v51 =	vadd.s32 $0x1, v57;
	vm0 =	veq.s32 v42, v52;
	v3 =	vadd.f32 v63, v3;
	v42 =	vld.idx.msk [tilespmem:v28+s16+$0x0], $0xffff  }
0x324: {  	v26 =	vnsel vm0, $0x0, v2;
	v2 =	vtrunc.f32 v6;
	v0 =	vadd.f32 v4, v0;
	v4 =	vld.idx.msk [tilespmem:v28+s17+$0x0], $0xffff  }
0x325: {  	v29 =	vadd.s32 $0x1, v49;
	v2 =	vcvt.f32.s32 v2;
	v3 =	vadd.f32 v5, v3;
	v6 =	vld.idx.msk [tilespmem:v40+s4+$0x0], $0xffff  }
0x326: {  	v5 =	vcvt.s32.f32 v51;
	v40 =	vadd.s32 $0x1, v7;
	v0 =	vadd.f32 v53, v0;
	v7 =	vld.idx.msk [tilespmem:v39+s16+$0x0], $0xffff  }
0x327: {  	v41 =	vcvt.s32.f32 v29;
	v28 =	vmul.u32 $0x2710, v2;
	v3 =	vadd.f32 v54, v3;
	v48 =	vld.idx.msk [tilespmem:v33+s17+$0x0], $0xffff  }
0x328: {  	v5 =	vmul.f32 $9.999999740e-05, v5;
	v49 =	vcvt.s32.f32 v40;
	v0 =	vadd.f32 v50, v0;
	v50 =	vld.idx.msk [tilespmem:v33+s16+$0x0], $0xffff  }
0x329: {  	vm1 =	veq.s32 v28, v60;
	v33 =	vmul.f32 $9.999999740e-05, v41;
	v3 =	vadd.f32 v61, v3;
	v41 =	vld.idx.msk [tilespmem:v38+s17+$0x0], $0xffff  }
0x32a: {  	vm0 =	veq.s32 v59, v43;
	v28 =	vnsel vm1, $0x0, v2;
	v0 =	vadd.f32 v35, v0;
	v46 =	vld.idx.msk [tilespmem:v38+s16+$0x0], $0xffff  }
0x32b: {  	v2 =	vadd.f32 $5.000000000e-01, v5;
	v5 =	vmul.f32 $9.999999740e-05, v49;
	v3 =	vadd.f32 v45, v3;
	v45 =	vld.idx.msk [tilespmem:v39+s17+$0x0], $0xffff  }
0x32c: {  	v33 =	vadd.f32 $5.000000000e-01, v33;
	v35 =	vadd.s32 $0x1, v6;
	v0 =	vadd.f32 v47, v0  }
0x32d: {  	v2 =	vtrunc.f32 v2;
	v5 =	vadd.f32 $5.000000000e-01, v5;
	v3 =	vadd.f32 v4, v3  }
.Ltmp4:
0x32e: {  	v4 =	vtrunc.f32 v33;
	v39 =	vcvt.f32.s32 v2;
	v0 =	vadd.f32 v42, v0;
	v47 =	vld.idx.msk [tilespmem:v44+s16+$0x0], $0xffff;
	(pc) =	sbr.rel @p0 .LBB2_11-.Ltmp4, $4  }
0x32f: {  	v33 =	vcvt.f32.s32 v4;
	v2 =	vtrunc.f32 v5;
	v3 =	vadd.f32 v48, v3  }
0x330: {  	v4 =	vmul.u32 $0x2710, v39;
	v38 =	vcvt.f32.s32 v2;
	v0 =	vadd.f32 v50, v0;
	v42 =	vld.idx.msk [tilespmem:v44+s17+$0x0], $0xffff  }
0x331: {  	v43 =	vcvt.s32.f32 v35;
	v48 =	vcvt.s32.f32 v32;
	v45 =	vadd.f32 v45, v3  }
0x332: {  	s29 =	smov.u32 s24;
	v49 =	vadd.s32 s25, v20;
	vm1 =	veq.s32 v4, v51;
	v50 =	vadd.f32 v7, v0;
	v44 =	vld.idx.msk [tilespmem:v37+s17+$0x0], $0xffff  }
0x333: {  	_ =	sdelay $0x3  }
0x334: {  	v0 =	vld.idx.msk [tilespmem:v49+s4+$0x0], $0xffff;
	_ =	sdelay $0x4  }
0x335: {  	v0 =	vadd.s32 $0x1, v0  }
0x336: {  	v2 =	vcvt.s32.f32 v0;
	_ =	sdelay $0x1  }
0x337: {  	v2 =	vmul.f32 $9.999999740e-05, v2;
	_ =	sdelay $0x1  }
0x338: {  	v2 =	vadd.f32 $5.000000000e-01, v2;
	_ =	sdelay $0x1  }
0x339: {  	v3 =	vmul.f32 $9.999999740e-05, v48;
	v2 =	vtrunc.f32 v2  }
0x33a: {  	v2 =	vcvt.f32.s32 v2  }
0x33b: {  	v3 =	vadd.f32 $5.000000000e-01, v3  }
0x33c: {  	v4 =	vmul.u32 $0x2710, v2  }
0x33d: {  	v63 =	vld.idx.msk [tilespmem:v37+s16+$0x0], $0xffff;
	v3 =	vtrunc.f32 v3  }
0x33e: {  	v20 =	vld.idx.msk [tilespmem:v24+s16+$0x0], $0xffff;
	v3 =	vcvt.f32.s32 v3;
	vm2 =	veq.s32 v4, v0  }
0x33f: {  	v49 =	vld.idx.msk [tilespmem:v24+s17+$0x0], $0xffff;
	v0 =	vnsel vm2, $0x0, v2  }
0x340: {  	v5 =	vadd.f32 $5.000000000e-01, v36;
	v6 =	vmul.u32 $0x2710, v34;
	v36 =	vld [tilespmem:$0x1FFA0];
	v2 =	vmul.u32 $0x2710, v3  }
0x341: {  	v53 =	vld.idx.msk [tilespmem:v30+s16+$0x0], $0xffff;
	v60 =	vadd.s32 v8, v19  }
0x342: {  	v5 =	vtrunc.f32 v5;
	vm13 =	veq.s32 v6, v22;
	v6 =	vld.idx.msk [tilespmem:v21+s16+$0x0], $0xffff;
	vm12 =	veq.s32 v2, v32  }
0x343: {  	v5 =	vcvt.f32.s32 v5;
	v2 =	vadd.f32 v46, v50;
	v50 =	vld.idx.msk [tilespmem:v21+s17+$0x0], $0xffff;
	v3 =	vnsel vm12, $0x0, v3  }
0x344: {  	v21 =	vand.u32 $0xFFFFFF80, v60;
	v7 =	vld.idx.msk [tilespmem:v0+s16+$0x0], $0xffff  }
0x345: {  	v57 =	vld.idx.msk [tilespmem:v31+s16+$0x0], $0xffff;
	v21 =	vor.u32 v36, v21;
	v2 =	vadd.f32 v47, v2;
	v47 =	vmul.u32 $0x2710, v5  }
0x346: {  	v59 =	vld.idx.msk [tilespmem:v30+s17+$0x0], $0xffff;
	v37 =	vnsel vm13, $0x0, v34;
	v60 =	vadd.s32 v17, v19  }
0x347: {  	v61 =	vld.idx.msk [tilespmem:v26+s16+$0x0], $0xffff;
	v2 =	vadd.f32 v63, v2;
	vm14 =	veq.s32 v47, v27;
	v27 =	vand.u32 $0xFFFFFF80, v60  }
0x348: {  	v46 =	vadd.f32 v41, v45;
	v27 =	vor.u32 v10, v27;
	v48 =	vld.idx.msk [tilespmem:v3+s16+$0x0], $0xffff  }
0x349: {  	v0 =	vld.idx.msk [tilespmem:v0+s17+$0x0], $0xffff;
	v2 =	vadd.f32 v7, v2  }
0x34a: {  	v25 =	vnsel vm0, $0x0, v25;
	v21 =	vld.idx.msk [tilespmem:v21+s4+$0x0], $0xffff;
	v7 =	vadd.f32 v42, v46  }
0x34b: {  	v51 =	vmul.u32 $0x2710, v38;
	v52 =	vcvt.s32.f32 v23;
	v3 =	vld.idx.msk [tilespmem:v3+s17+$0x0], $0xffff;
	v2 =	vadd.f32 v6, v2  }
0x34c: {  	v62 =	vadd.s32 v9, v19;
	v6 =	vadd.f32 v44, v7;
	v7 =	vld.idx.msk [tilespmem:v37+s16+$0x0], $0xffff  }
0x34d: {  	vm15 =	veq.s32 v51, v40;
	v55 =	vmul.f32 $9.999999740e-05, v52;
	v27 =	vld.idx.msk [tilespmem:v27+s4+$0x0], $0xffff;
	v2 =	vadd.f32 v48, v2  }
0x34e: {  	v22 =	vand.u32 $0xFFFFFF80, v62;
	v40 =	vld.idx.msk [tilespmem:v26+s17+$0x0], $0xffff;
	v5 =	vnsel vm14, $0x0, v5;
	v0 =	vadd.f32 v0, v6  }
0x34f: {  	v52 =	vadd.s32 v15, v19;
	v58 =	vld.idx.msk [tilespmem:v25+s17+$0x0], $0xffff;
	v21 =	vadd.s32 $0x1, v21;
	v2 =	vadd.f32 v20, v2  }
0x350: {  	v6 =	vld.idx.msk [tilespmem:v25+s16+$0x0], $0xffff;
	v20 =	vmul.f32 $9.999999740e-05, v43;
	v0 =	vadd.f32 v50, v0;
	v43 =	vadd.s32 v13, v19  }
0x351: {  	v4 =	vld.idx.msk [tilespmem:v37+s17+$0x0], $0xffff;
	v25 =	vand.u32 $0xFFFFFF80, v52;
	v50 =	vadd.s32 v14, v19;
	v45 =	vand.u32 $0xFFFFFF80, v43  }
0x352: {  	v46 =	vld [tilespmem:$0x1FFC0];
	v27 =	vadd.s32 $0x1, v27;
	v2 =	vadd.f32 v7, v2;
	v0 =	vadd.f32 v3, v0  }
0x353: {  	v54 =	vld.idx.msk [tilespmem:v5+s16+$0x0], $0xffff;
	v7 =	vmul.u32 $0x2710, v33;
	v56 =	vadd.f32 $5.000000000e-01, v20;
	v20 =	vnsel vm1, $0x0, v39  }
0x354: {  	v3 =	vadd.f32 $5.000000000e-01, v55;
	v39 =	vld [tilespmem:$0x1FFB0];
	v43 =	vcvt.s32.f32 v27;
	v0 =	vadd.f32 v49, v0  }
0x355: {  	v5 =	vld.idx.msk [tilespmem:v5+s17+$0x0], $0xffff;
	v2 =	vadd.f32 v6, v2;
	v6 =	vtrunc.f32 v56;
	vm4 =	veq.s32 v7, v29  }
0x356: {  	v55 =	vld [tilespmem:$0x1FFE0];
	v3 =	vtrunc.f32 v3;
	v7 =	vnsel vm4, $0x0, v33;
	v0 =	vadd.f32 v4, v0  }
0x357: {  	v51 =	vld [tilespmem:$0x1FFD0];
	v56 =	vadd.s32 v16, v19;
	v19 =	vadd.s32 v18, v19;
	v6 =	vcvt.f32.s32 v6  }
0x358: {  	v63 =	vld.idx.msk [tilespmem:v31+s17+$0x0], $0xffff;
	v2 =	vadd.f32 v54, v2;
	v4 =	vor.u32 v46, v45;
	v0 =	vadd.f32 v58, v0  }
0x359: {  	v37 =	vld.idx.msk [tilespmem:v28+s16+$0x0], $0xffff;
	v3 =	vcvt.f32.s32 v3;
	v19 =	vand.u32 $0xFFFFFF80, v19;
	v22 =	vor.u32 v39, v22  }
0x35a: {  	v19 =	vor.u32 v11, v19;
	v44 =	vld.idx.msk [tilespmem:v20+s16+$0x0], $0xffff;
	v2 =	vadd.f32 v53, v2;
	v0 =	vadd.f32 v5, v0  }
0x35b: {  	v41 =	vmul.u32 $0x2710, v6;
	v25 =	vor.u32 v55, v25;
	v53 =	vcvt.s32.f32 v21;
	v42 =	vld.idx.msk [tilespmem:v7+s16+$0x0], $0xffff  }
0x35c: {  	v2 =	vadd.f32 v57, v2;
	v5 =	vand.u32 $0xFFFFFF80, v50;
	v0 =	vadd.f32 v59, v0;
	v59 =	vld [tilespmem:$0x1FFF0]  }
0x35d: {  	v47 =	vmul.u32 $0x2710, v3;
	v57 =	vmul.f32 $9.999999740e-05, v53;
	v4 =	vld.idx.msk [tilespmem:v4+s4+$0x0], $0xffff;
	v5 =	vor.u32 v51, v5  }
0x35e: {  	v29 =	vnsel vm15, $0x0, v38;
	vm5 =	veq.s32 v41, v35;
	v2 =	vadd.f32 v61, v2;
	v22 =	vld.idx.msk [tilespmem:v22+s4+$0x0], $0xffff  }
0x35f: {  	vm6 =	veq.s32 v47, v23;
	v23 =	vand.u32 $0xFFFFFF80, v56;
	v19 =	vld.idx.msk [tilespmem:v19+s4+$0x0], $0xffff;
	v24 =	vadd.f32 $5.000000000e-01, v57  }
0x360: {  	v6 =	vnsel vm5, $0x0, v6;
	v3 =	vnsel vm6, $0x0, v3;
	v25 =	vld.idx.msk [tilespmem:v25+s4+$0x0], $0xffff;
	v2 =	vadd.f32 v37, v2  }
0x361: {  	v48 =	vld.idx.msk [tilespmem:v28+s17+$0x0], $0xffff;
	v0 =	vadd.f32 v63, v0;
	v24 =	vtrunc.f32 v24;
	v23 =	vor.u32 v59, v23  }
0x362: {  	v24 =	vcvt.f32.s32 v24;
	v2 =	vadd.f32 v42, v2;
	v4 =	vadd.s32 $0x1, v4;
	v5 =	vld.idx.msk [tilespmem:v5+s4+$0x0], $0xffff  }
0x363: {  	v0 =	vadd.f32 v40, v0;
	v22 =	vadd.s32 $0x1, v22;
	v62 =	vcvt.s32.f32 v4  }
0x364: {  	v49 =	vld.idx.msk [tilespmem:v29+s16+$0x0], $0xffff;
	v19 =	vadd.s32 $0x1, v19;
	v63 =	vmul.u32 $0x2710, v24;
	v54 =	vcvt.s32.f32 v22  }
0x365: {  	v25 =	vadd.s32 $0x1, v25;
	v2 =	vadd.f32 v44, v2;
	v30 =	vmul.f32 $9.999999740e-05, v62  }
0x366: {  	v0 =	vadd.f32 v48, v0;
	v39 =	vcvt.s32.f32 v25;
	v58 =	vmul.f32 $9.999999740e-05, v54;
	v23 =	vld.idx.msk [tilespmem:v23+s4+$0x0], $0xffff  }
0x367: {  	v44 =	vcvt.s32.f32 v19;
	v30 =	vadd.f32 $5.000000000e-01, v30;
	v5 =	vadd.s32 $0x1, v5  }
0x368: {  	v28 =	vmul.f32 $9.999999740e-05, v39;
	v26 =	vadd.f32 $5.000000000e-01, v58;
	v36 =	vcvt.s32.f32 v5  }
0x369: {  	vm7 =	veq.s32 v63, v21;
	v2 =	vadd.f32 v49, v2;
	v30 =	vtrunc.f32 v30  }
0x36a: {  	v28 =	vadd.f32 $5.000000000e-01, v28;
	v26 =	vtrunc.f32 v26;
	v38 =	vmul.f32 $9.999999740e-05, v36  }
0x36b: {  	v40 =	vcvt.f32.s32 v30;
	v26 =	vcvt.f32.s32 v26;
	v23 =	vadd.s32 $0x1, v23  }
0x36c: {  	v61 =	vld.idx.msk [tilespmem:v6+s16+$0x0], $0xffff;
	v31 =	vmul.f32 $9.999999740e-05, v44;
	v21 =	vadd.f32 $5.000000000e-01, v38;
	v41 =	vcvt.s32.f32 v23  }
0x36d: {  	v28 =	vtrunc.f32 v28;
	v30 =	vmul.u32 $0x2710, v40;
	v37 =	vmul.u32 $0x2710, v26  }
0x36e: {  	v24 =	vnsel vm7, $0x0, v24;
	v21 =	vtrunc.f32 v21;
	v42 =	vmul.f32 $9.999999740e-05, v41  }
0x36f: {  	vm9 =	veq.s32 v30, v4;
	vm8 =	veq.s32 v37, v22;
	v21 =	vcvt.f32.s32 v21  }
0x370: {  	v30 =	vmul.f32 $9.999999740e-05, v43;
	v26 =	vnsel vm8, $0x0, v26;
	v4 =	vadd.f32 $5.000000000e-01, v42  }
0x371: {  	v45 =	vld.idx.msk [tilespmem:v3+s16+$0x0], $0xffff;
	v2 =	vadd.f32 v61, v2;
	v28 =	vcvt.f32.s32 v28;
	v46 =	vmul.u32 $0x2710, v21  }
0x372: {  	v7 =	vld.idx.msk [tilespmem:v7+s17+$0x0], $0xffff;
	v22 =	vnsel vm9, $0x0, v40;
	v30 =	vadd.f32 $5.000000000e-01, v30;
	v4 =	vtrunc.f32 v4  }
0x373: {  	v47 =	vld.idx.msk [tilespmem:v24+s16+$0x0], $0xffff;
	v48 =	vmul.u32 $0x2710, v28;
	vm10 =	veq.s32 v46, v5;
	v4 =	vcvt.f32.s32 v4  }
0x374: {  	v20 =	vld.idx.msk [tilespmem:v20+s17+$0x0], $0xffff;
	v31 =	vadd.f32 $5.000000000e-01, v31;
	v30 =	vtrunc.f32 v30;
	v21 =	vnsel vm10, $0x0, v21  }
0x375: {  	vm11 =	veq.s32 v48, v25;
	v51 =	vcvt.f32.s32 v30;
	v49 =	vld.idx.msk [tilespmem:v26+s16+$0x0], $0xffff;
	v50 =	vmul.u32 $0x2710, v4  }
0x376: {  	v29 =	vld.idx.msk [tilespmem:v29+s17+$0x0], $0xffff;
	v2 =	vadd.f32 v45, v2;
	v52 =	vtrunc.f32 v31;
	v28 =	vnsel vm11, $0x0, v28  }
0x377: {  	v55 =	vcvt.f32.s32 v52;
	v53 =	vld.idx.msk [tilespmem:v22+s16+$0x0], $0xffff;
	v54 =	vmul.u32 $0x2710, v51;
	vm12 =	veq.s32 v50, v23  }
0x378: {  	v6 =	vld.idx.msk [tilespmem:v6+s17+$0x0], $0xffff;
	v0 =	vadd.f32 v7, v0;
	v2 =	vadd.f32 v47, v2;
	v4 =	vnsel vm12, $0x0, v4  }
0x379: {  	v56 =	vmul.u32 $0x2710, v55;
	vm13 =	veq.s32 v54, v27;
	v7 =	vld.idx.msk [tilespmem:v21+s16+$0x0], $0xffff  }
0x37a: {  	v3 =	vld.idx.msk [tilespmem:v3+s17+$0x0], $0xffff;
	v0 =	vadd.f32 v20, v0;
	v20 =	vnsel vm13, $0x0, v51;
	v2 =	vadd.f32 v49, v2  }
0x37b: {  	vm14 =	veq.s32 v56, v19;
	v57 =	vld.idx.msk [tilespmem:v28+s16+$0x0], $0xffff  }
0x37c: {  	v0 =	vadd.f32 v29, v0;
	v58 =	vld.idx.msk [tilespmem:v24+s17+$0x0], $0xffff;
	v19 =	vnsel vm14, $0x0, v55;
	v2 =	vadd.f32 v53, v2  }
0x37d: {  	v59 =	vld.idx.msk [tilespmem:v4+s16+$0x0], $0xffff  }
0x37e: {  	v0 =	vadd.f32 v6, v0;
	v6 =	vld.idx.msk [tilespmem:v26+s17+$0x0], $0xffff;
	v2 =	vadd.f32 v7, v2  }
0x37f: {  	v7 =	vld.idx.msk [tilespmem:v20+s16+$0x0], $0xffff  }
0x380: {  	v0 =	vadd.f32 v3, v0;
	v3 =	vld.idx.msk [tilespmem:v22+s17+$0x0], $0xffff;
	v2 =	vadd.f32 v57, v2  }
0x381: {  	v60 =	vld.idx.msk [tilespmem:v19+s16+$0x0], $0xffff  }
0x382: {  	v0 =	vadd.f32 v58, v0;
	v2 =	vadd.f32 v59, v2  }
0x383: {  	v61 =	vld.idx.msk [tilespmem:v21+s17+$0x0], $0xffff  }
0x384: {  	v0 =	vadd.f32 v6, v0;
	v2 =	vadd.f32 v7, v2  }
0x385: {  	v6 =	vld.idx.msk [tilespmem:v28+s17+$0x0], $0xffff  }
0x386: {  	v0 =	vadd.f32 v3, v0;
	v2 =	vadd.f32 v60, v2  }
0x387: {  	v3 =	vld.idx.msk [tilespmem:v4+s17+$0x0], $0xffff  }
0x388: {  	v0 =	vadd.f32 v61, v0;
	(erf) = vrcp.f32 v2  }
0x389: {  	v62 =	vld.idx.msk [tilespmem:v20+s17+$0x0], $0xffff  }
0x38a: {  	v0 =	vadd.f32 v6, v0  }
0x38b: {  	v63 =	vld.idx.msk [tilespmem:v19+s17+$0x0], $0xffff  }
0x38c: {  	v0 =	vadd.f32 v3, v0;
	_ =	sdelay $0x1  }
0x38d: {  	v0 =	vadd.f32 v62, v0  }
0x38e: {  	s22 =	sadd.s32 $0x1, s22  }
0x38f: {  	p0 =	sne.s32 s22, $0x8;
	v0 =	vadd.f32 v63, v0  }
.Ltmp5:
0x390: {  	v3 =	vpop (erf);
	(pc) =	sbr.rel @p0 .LBB2_10-.Ltmp5, $4  }
0x391: {  	v0 =	vmul.f32 v3, v0  }
0x392: {  	vm15 =	vgt.f32 v2, $0.0e+00  }
0x393: {  	v0 =	vsel vm15, v0, v12  }
0x394: {  	[tilespmem:s23+$0xCB00] =	vst v0  }
0x395: {  	_ =	swait.ge [sflag:s18], $0x6400  }
0x396: {  	[sflag:s18] =	ssyncset.done $0x0  }
0x397: {  	s21 =	simm.s32 $0x0;
	s22 =	simm.s32 $0x0;
	[sflag:s18] =	ssyncadd.s32 $0xFFFF9C00  }
.LBB2_14:
0x398: {  	s23 =	sshll.u32 s22, $0x4  }
0x399: {  	v0 =	vmov s23  }
0x39a: {  	v0 =	vmul.u32 $0xC8, v0;
	_ =	sdelay $0x1  }
0x39b: {  	v19 =	vbroadcast v0, $0x0;
	_ =	sdelay $0x1  }
0x39c: {  	s3 =	simm.s32 $0x1;
	v20 =	vadd.s32 v1, v19  }
0x39d: {  	v0 =	vadd.s32 s3, v20  }
0x39e: {  	s25 =	simm.s32 $0x3  }
0x39f: {  	v2 =	vadd.s32 s25, v20;
	_ =	sdelay $0x1  }
0x3a0: {  	s26 =	simm.s32 $0x4  }
0x3a1: {  	v3 =	vadd.s32 s26, v20;
	v0 =	vld.idx.msk [tilespmem:v0+s14+$0x0], $0xffff;
	_ =	sdelay $0x1  }
0x3a2: {  	s28 =	simm.s32 $0x5;
	v2 =	vld.idx.msk [tilespmem:v2+s14+$0x0], $0xffff  }
0x3a3: {  	s30 =	simm.s32 $0x7;
	v23 =	vimm.f32 $0.0e+00;
	s31 =	simm.s32 $0x2;
	s24 =	simm.s32 $0x8;
	v4 =	vadd.s32 s28, v20  }
0x3a4: {  	v6 =	vadd.s32 s30, v20;
	v22 =	vadd.s32 s31, v20;
	s25 =	simm.s32 $0x9;
	v24 =	vadd.s32 s24, v20  }
0x3a5: {  	s28 =	simm.s32 $0xA;
	s30 =	simm.s32 $0xC;
	v57 =	vadd.s32 s21, v20;
	v25 =	vadd.s32 s25, v20;
	v3 =	vld.idx.msk [tilespmem:v3+s14+$0x0], $0xffff;
	v0 =	vadd.s32 $0x1, v0  }
0x3a6: {  	s31 =	simm.s32 $0xD;
	s24 =	simm.s32 $0xE;
	v27 =	vadd.s32 s28, v20;
	v28 =	vadd.s32 s30, v20;
	v5 =	vcvt.s32.f32 v0  }
0x3a7: {  	v29 =	vadd.s32 s31, v20;
	v33 =	vadd.s32 s24, v20;
	s25 =	simm.s32 $0xF;
	v2 =	vadd.s32 $0x1, v2  }
0x3a8: {  	s28 =	simm.s32 $0x11;
	s30 =	simm.s32 $0x12;
	s31 =	simm.s32 $0x13;
	v34 =	vadd.s32 s25, v20;
	v7 =	vcvt.s32.f32 v2;
	v5 =	vmul.f32 $9.999999740e-05, v5  }
0x3a9: {  	v58 =	vadd.s32 s28, v20;
	v45 =	vadd.s32 s30, v20;
	v44 =	vadd.s32 s31, v20;
	v4 =	vld.idx.msk [tilespmem:v4+s14+$0x0], $0xffff  }
0x3aa: {  	s26 =	simm.s32 $0x6;
	s24 =	simm.s32 $0x1D;
	s28 =	simm.s32 $0x19;
	v6 =	vld.idx.msk [tilespmem:v6+s14+$0x0], $0xffff;
	v21 =	vadd.s32 $0x1, v3;
	v3 =	vmul.f32 $9.999999740e-05, v7;
	v5 =	vadd.f32 $5.000000000e-01, v5  }
0x3ab: {  	v43 =	vadd.s32 s24, v20;
	v47 =	vadd.s32 s28, v20;
	v7 =	vadd.s32 s26, v20  }
0x3ac: {  	s25 =	simm.s32 $0x14;
	s28 =	simm.s32 $0x18;
	v32 =	vld.idx.msk [tilespmem:v25+s14+$0x0], $0xffff;
	v26 =	vcvt.s32.f32 v21;
	v3 =	vadd.f32 $5.000000000e-01, v3;
	v5 =	vtrunc.f32 v5  }
0x3ad: {  	v46 =	vadd.s32 s25, v20;
	v62 =	vadd.s32 s28, v20;
	v5 =	vcvt.f32.s32 v5  }
0x3ae: {  	v48 =	vld.idx.msk [tilespmem:v27+s14+$0x0], $0xffff;
	v4 =	vadd.s32 $0x1, v4;
	v26 =	vmul.f32 $9.999999740e-05, v26;
	v3 =	vtrunc.f32 v3  }
0x3af: {  	v24 =	vld.idx.msk [tilespmem:v24+s14+$0x0], $0xffff;
	v6 =	vadd.s32 $0x1, v6;
	v3 =	vcvt.f32.s32 v3;
	v30 =	vmul.u32 $0x2710, v5  }
0x3b0: {  	v31 =	vcvt.s32.f32 v4;
	v27 =	vcvt.s32.f32 v6;
	v25 =	vadd.f32 $5.000000000e-01, v26;
	v7 =	vld.idx.msk [tilespmem:v7+s14+$0x0], $0xffff  }
0x3b1: {  	v36 =	vadd.s32 $0x1, v32;
	s26 =	simm.s32 $0xB;
	vm0 =	veq.s32 v30, v0;
	v0 =	vmul.u32 $0x2710, v3  }
0x3b2: {  	v26 =	vmul.f32 $9.999999740e-05, v31;
	v31 =	vadd.s32 s26, v20;
	v30 =	vtrunc.f32 v25  }
0x3b3: {  	v25 =	vnsel vm0, $0x0, v5;
	v5 =	vadd.s32 $0x1, v48;
	vm0 =	veq.s32 v0, v2  }
0x3b4: {  	v0 =	vadd.f32 $5.000000000e-01, v26;
	v2 =	vadd.s32 $0x1, v24;
	v26 =	vmul.f32 $9.999999740e-05, v27  }
0x3b5: {  	v22 =	vld.idx.msk [tilespmem:v22+s14+$0x0], $0xffff;
	v37 =	vcvt.f32.s32 v30;
	v24 =	vadd.s32 $0x1, v7;
	v27 =	vcvt.s32.f32 v2  }
0x3b6: {  	s30 =	simm.s32 $0x1A;
	v7 =	vcvt.s32.f32 v36;
	v0 =	vtrunc.f32 v0;
	v26 =	vadd.f32 $5.000000000e-01, v26  }
0x3b7: {  	v48 =	vadd.s32 s30, v20;
	v27 =	vmul.f32 $9.999999740e-05, v27;
	v30 =	vcvt.f32.s32 v0;
	v0 =	vld.idx.msk [tilespmem:v34+s14+$0x0], $0xffff  }
0x3b8: {  	v32 =	vnsel vm0, $0x0, v3;
	v3 =	vld.idx.msk [tilespmem:v28+s14+$0x0], $0xffff;
	v28 =	vcvt.s32.f32 v5;
	v26 =	vtrunc.f32 v26  }
0x3b9: {  	v7 =	vmul.f32 $9.999999740e-05, v7;
	v27 =	vadd.f32 $5.000000000e-01, v27;
	v26 =	vcvt.f32.s32 v26  }
0x3ba: {  	v35 =	vcvt.s32.f32 v24;
	v34 =	vadd.s32 $0x1, v22;
	v28 =	vmul.f32 $9.999999740e-05, v28  }
0x3bb: {  	v29 =	vld.idx.msk [tilespmem:v29+s14+$0x0], $0xffff;
	v7 =	vadd.f32 $5.000000000e-01, v7;
	v22 =	vtrunc.f32 v27;
	v38 =	vmul.u32 $0x2710, v26  }
0x3bc: {  	v39 =	vld.idx.msk [tilespmem:v31+s14+$0x0], $0xffff;
	v22 =	vcvt.f32.s32 v22;
	v31 =	vadd.s32 $0x1, v0;
	v0 =	vadd.f32 $5.000000000e-01, v28  }
0x3bd: {  	v41 =	vmul.f32 $9.999999740e-05, v35;
	v7 =	vtrunc.f32 v7;
	v3 =	vadd.s32 $0x1, v3  }
0x3be: {  	vm0 =	veq.s32 v38, v6;
	v6 =	vmul.u32 $0x2710, v22;
	v0 =	vtrunc.f32 v0  }
0x3bf: {  	v28 =	vcvt.s32.f32 v3;
	v26 =	vnsel vm0, $0x0, v26;
	v0 =	vcvt.f32.s32 v0  }
0x3c0: {  	vm0 =	veq.s32 v6, v2;
	v2 =	vcvt.f32.s32 v7;
	v6 =	vadd.s32 $0x1, v29  }
0x3c1: {  	v35 =	vadd.s32 $0x1, v39;
	v7 =	vmul.f32 $9.999999740e-05, v28;
	v51 =	vcvt.s32.f32 v6  }
0x3c2: {  	v29 =	vnsel vm0, $0x0, v22;
	v22 =	vmul.u32 $0x2710, v0;
	v28 =	vmul.u32 $0x2710, v2  }
0x3c3: {  	v49 =	vld.idx.msk [tilespmem:v33+s14+$0x0], $0xffff;
	v50 =	vcvt.s32.f32 v35;
	v27 =	vmul.u32 $0x2710, v30;
	v7 =	vadd.f32 $5.000000000e-01, v7  }
0x3c4: {  	v52 =	vmul.f32 $9.999999740e-05, v51;
	vm1 =	veq.s32 v22, v5;
	vm0 =	veq.s32 v28, v36  }
0x3c5: {  	v46 =	vld.idx.msk [tilespmem:v46+s14+$0x0], $0xffff;
	v22 =	vcvt.s32.f32 v34;
	v28 =	vmul.f32 $9.999999740e-05, v50;
	v33 =	vnsel vm0, $0x0, v2  }
0x3c6: {  	v5 =	vld.idx.msk [tilespmem:v57+s14+$0x0], $0xffff;
	v2 =	vtrunc.f32 v7;
	v7 =	vadd.f32 $5.000000000e-01, v52;
	vm0 =	veq.s32 v27, v4  }
0x3c7: {  	s31 =	simm.s32 $0x1C;
	v44 =	vld.idx.msk [tilespmem:v44+s14+$0x0], $0xffff;
	v22 =	vmul.f32 $9.999999740e-05, v22;
	v53 =	vadd.f32 $5.000000000e-01, v28;
	v2 =	vcvt.f32.s32 v2  }
0x3c8: {  	v36 =	vld.idx.msk [tilespmem:v58+s14+$0x0], $0xffff;
	v28 =	vnsel vm1, $0x0, v0;
	v0 =	vadd.s32 $0x1, v49;
	v49 =	vadd.s32 s31, v20  }
0x3c9: {  	v30 =	vnsel vm0, $0x0, v30;
	v55 =	vtrunc.f32 v7;
	v27 =	vcvt.s32.f32 v0  }
0x3ca: {  	v52 =	vadd.f32 $5.000000000e-01, v22;
	v22 =	vadd.s32 $0x1, v46;
	v54 =	vtrunc.f32 v53  }
0x3cb: {  	v56 =	vcvt.f32.s32 v55;
	v5 =	vadd.s32 $0x1, v5;
	v39 =	vcvt.f32.s32 v54  }
0x3cc: {  	v7 =	vmul.u32 $0x2710, v2;
	v27 =	vmul.f32 $9.999999740e-05, v27;
	v59 =	vcvt.s32.f32 v5  }
0x3cd: {  	v36 =	vadd.s32 $0x1, v36;
	v54 =	vadd.s32 $0x1, v44;
	v52 =	vtrunc.f32 v52  }
0x3ce: {  	vm1 =	veq.s32 v7, v3;
	v3 =	vmul.u32 $0x2710, v37;
	v7 =	vmul.u32 $0x2710, v56  }
0x3cf: {  	s25 =	simm.s32 $0x16;
	v61 =	vcvt.s32.f32 v54;
	v52 =	vcvt.f32.s32 v52;
	v40 =	vmul.u32 $0x2710, v39  }
0x3d0: {  	v27 =	vadd.f32 $5.000000000e-01, v27;
	vm2 =	veq.s32 v7, v6;
	v6 =	vadd.s32 s25, v20  }
0x3d1: {  	s26 =	simm.s32 $0x17;
	v38 =	vnsel vm2, $0x0, v56;
	vm2 =	veq.s32 v3, v21;
	v21 =	vcvt.s32.f32 v31  }
0x3d2: {  	v7 =	vadd.s32 s26, v20;
	s26 =	simm.s32 $0x15;
	v46 =	vmul.f32 $9.999999740e-05, v61;
	v3 =	vadd.f32 $5.000000000e-01, v41  }
0x3d3: {  	v50 =	vadd.s32 s26, v20;
	v41 =	vnsel vm1, $0x0, v2;
	v21 =	vmul.f32 $9.999999740e-05, v21  }
0x3d4: {  	v27 =	vtrunc.f32 v27;
	v46 =	vadd.f32 $5.000000000e-01, v46;
	v3 =	vtrunc.f32 v3  }
0x3d5: {  	s26 =	simm.s32 $0x1F;
	v3 =	vcvt.f32.s32 v3;
	v2 =	vadd.f32 $5.000000000e-01, v21;
	v21 =	vcvt.s32.f32 v36  }
0x3d6: {  	v4 =	vadd.s32 s26, v20;
	v51 =	vnsel vm2, $0x0, v37;
	v37 =	vmul.f32 $9.999999740e-05, v59  }
0x3d7: {  	v46 =	vtrunc.f32 v46;
	v53 =	vmul.u32 $0x2710, v3;
	v21 =	vmul.f32 $9.999999740e-05, v21  }
0x3d8: {  	v55 =	vcvt.f32.s32 v27;
	v37 =	vadd.f32 $5.000000000e-01, v37;
	v46 =	vcvt.f32.s32 v46;
	v60 =	vld.idx.msk [tilespmem:v50+s14+$0x0], $0xffff  }
0x3d9: {  	vm1 =	veq.s32 v53, v24;
	v24 =	vcvt.s32.f32 v22;
	v21 =	vadd.f32 $5.000000000e-01, v21  }
0x3da: {  	v59 =	vmul.u32 $0x2710, v55;
	v6 =	vld.idx.msk [tilespmem:v6+s14+$0x0], $0xffff;
	v37 =	vtrunc.f32 v37;
	v2 =	vtrunc.f32 v2  }
0x3db: {  	v50 =	vld.idx.msk [tilespmem:v62+s14+$0x0], $0xffff;
	v62 =	vmul.u32 $0x2710, v52;
	v24 =	vmul.f32 $9.999999740e-05, v24;
	v21 =	vtrunc.f32 v21  }
0x3dc: {  	v7 =	vld.idx.msk [tilespmem:v7+s14+$0x0], $0xffff;
	v37 =	vcvt.f32.s32 v37;
	v27 =	vmul.u32 $0x2710, v46;
	v21 =	vcvt.f32.s32 v21  }
0x3dd: {  	v2 =	vcvt.f32.s32 v2;
	v44 =	vadd.s32 $0x1, v60;
	v24 =	vadd.f32 $5.000000000e-01, v24  }
0x3de: {  	v3 =	vnsel vm1, $0x0, v3;
	v60 =	vcvt.s32.f32 v44;
	v63 =	vmul.u32 $0x2710, v21  }
0x3df: {  	v43 =	vld.idx.msk [tilespmem:v43+s14+$0x0], $0xffff;
	vm2 =	veq.s32 v27, v54;
	v56 =	vtrunc.f32 v24;
	v24 =	vmul.u32 $0x2710, v37  }
0x3e0: {  	v57 =	vld.idx.msk [tilespmem:v45+s14+$0x0], $0xffff;
	v27 =	vadd.s32 $0x1, v6;
	v61 =	vmul.f32 $9.999999740e-05, v60;
	vm1 =	veq.s32 v63, v36  }
0x3e1: {  	v6 =	vadd.s32 $0x1, v7;
	v7 =	vld.idx.msk [tilespmem:v32+s17+$0x0], $0xffff;
	v21 =	vnsel vm1, $0x0, v21;
	vm1 =	veq.s32 v24, v5  }
0x3e2: {  	v54 =	vmul.u32 $0x2710, v2;
	v63 =	vld.idx.msk [tilespmem:v48+s14+$0x0], $0xffff;
	v58 =	vadd.f32 $5.000000000e-01, v61;
	v37 =	vnsel vm1, $0x0, v37  }
0x3e3: {  	v48 =	vadd.s32 $0x1, v50;
	v5 =	vld.idx.msk [tilespmem:v47+s14+$0x0], $0xffff;
	vm1 =	veq.s32 v59, v0;
	v59 =	vcvt.s32.f32 v6  }
0x3e4: {  	v24 =	vnsel vm2, $0x0, v46;
	v46 =	vld.idx.msk [tilespmem:v25+s16+$0x0], $0xffff;
	v45 =	vnsel vm1, $0x0, v55;
	vm1 =	veq.s32 v62, v34  }
0x3e5: {  	s25 =	simm.s32 $0x1E;
	v60 =	vcvt.s32.f32 v48;
	v50 =	vnsel vm1, $0x0, v52;
	v52 =	vld.idx.msk [tilespmem:v25+s17+$0x0], $0xffff;
	v25 =	vmul.f32 $9.999999740e-05, v59  }
0x3e6: {  	v42 =	vadd.s32 s25, v20;
	v0 =	vld.idx.msk [tilespmem:v32+s16+$0x0], $0xffff;
	v32 =	vtrunc.f32 v58;
	v34 =	vcvt.f32.s32 v56  }
0x3e7: {  	s30 =	simm.s32 $0x1B;
	v59 =	vmul.f32 $9.999999740e-05, v60;
	vm1 =	veq.s32 v54, v31;
	v58 =	vadd.f32 $5.000000000e-01, v25;
	v36 =	vld.idx.msk [tilespmem:v37+s17+$0x0], $0xffff  }
0x3e8: {  	v31 =	vadd.s32 s30, v20;
	v47 =	vadd.s32 $0x1, v63;
	v5 =	vadd.s32 $0x1, v5;
	v55 =	vld.idx.msk [tilespmem:v37+s16+$0x0], $0xffff  }
0x3e9: {  	v4 =	vld.idx.msk [tilespmem:v4+s14+$0x0], $0xffff;
	v25 =	vcvt.f32.s32 v32;
	v62 =	vadd.f32 $5.000000000e-01, v59;
	v61 =	vtrunc.f32 v58  }
0x3ea: {  	v53 =	vcvt.s32.f32 v5;
	v37 =	vnsel vm1, $0x0, v2;
	v2 =	vld.idx.msk [tilespmem:v49+s14+$0x0], $0xffff;
	v49 =	vcvt.f32.s32 v61  }
0x3eb: {  	v32 =	vadd.s32 $0x1, v57;
	v57 =	vcvt.s32.f32 v27;
	v54 =	vtrunc.f32 v62;
	v56 =	vld.idx.msk [tilespmem:v50+s17+$0x0], $0xffff  }
0x3ec: {  	v50 =	vld.idx.msk [tilespmem:v50+s16+$0x0], $0xffff;
	v53 =	vmul.f32 $9.999999740e-05, v53;
	v61 =	vmul.u32 $0x2710, v25;
	v63 =	vmul.u32 $0x2710, v49  }
0x3ed: {  	v59 =	vld.idx.msk [tilespmem:v51+s17+$0x0], $0xffff;
	v54 =	vcvt.f32.s32 v54;
	v58 =	vadd.f32 v36, v23;
	v55 =	vadd.f32 v55, v23  }
0x3ee: {  	v51 =	vld.idx.msk [tilespmem:v51+s16+$0x0], $0xffff;
	v36 =	vmul.f32 $9.999999740e-05, v57;
	vm0 =	veq.s32 v63, v6;
	v6 =	vadd.f32 $5.000000000e-01, v53  }
0x3ef: {  	v23 =	vadd.s32 $0x1, v4;
	v53 =	vld.idx.msk [tilespmem:v30+s16+$0x0], $0xffff;
	v58 =	vadd.f32 v52, v58;
	v46 =	vadd.f32 v46, v55  }
0x3f0: {  	v2 =	vadd.s32 $0x1, v2;
	v52 =	vld.idx.msk [tilespmem:v30+s17+$0x0], $0xffff;
	v30 =	vnsel vm0, $0x0, v49;
	v49 =	vmul.u32 $0x2710, v54  }
0x3f1: {  	v42 =	vld.idx.msk [tilespmem:v42+s14+$0x0], $0xffff;
	v6 =	vtrunc.f32 v6;
	v4 =	vadd.f32 v56, v58;
	v46 =	vadd.f32 v50, v46  }
0x3f2: {  	s31 =	simm.s32 $0x10;
	v62 =	vld.idx.msk [tilespmem:v31+s14+$0x0], $0xffff;
	v63 =	vcvt.s32.f32 v47;
	vm0 =	veq.s32 v49, v48;
	v6 =	vcvt.f32.s32 v6  }
0x3f3: {  	v50 =	vld.idx.msk [tilespmem:v3+s16+$0x0], $0xffff;
	v49 =	vadd.s32 s31, v20;
	v4 =	vadd.f32 v7, v4;
	v0 =	vadd.f32 v0, v46  }
0x3f4: {  	v3 =	vld.idx.msk [tilespmem:v3+s17+$0x0], $0xffff;
	v31 =	vnsel vm0, $0x0, v54;
	vm0 =	veq.s32 v40, v35;
	v7 =	vmul.f32 $9.999999740e-05, v63  }
0x3f5: {  	v60 =	vld.idx.msk [tilespmem:v26+s16+$0x0], $0xffff;
	v57 =	vmul.u32 $0x2710, v6;
	v4 =	vadd.f32 v59, v4;
	v0 =	vadd.f32 v51, v0  }
0x3f6: {  	v58 =	vld.idx.msk [tilespmem:v26+s17+$0x0], $0xffff;
	v39 =	vnsel vm0, $0x0, v39;
	v63 =	vcvt.s32.f32 v2;
	v7 =	vadd.f32 $5.000000000e-01, v7  }
0x3f7: {  	v48 =	vld.idx.msk [tilespmem:v29+s16+$0x0], $0xffff;
	vm0 =	veq.s32 v57, v5;
	v4 =	vadd.f32 v52, v4;
	v0 =	vadd.f32 v53, v0  }
0x3f8: {  	v59 =	vld.idx.msk [tilespmem:v29+s17+$0x0], $0xffff;
	v29 =	vadd.s32 $0x1, v62;
	v26 =	vnsel vm0, $0x0, v6;
	v6 =	vtrunc.f32 v7  }
0x3f9: {  	v62 =	vld.idx.msk [tilespmem:v33+s17+$0x0], $0xffff;
	v6 =	vcvt.f32.s32 v6;
	v3 =	vadd.f32 v3, v4;
	v0 =	vadd.f32 v50, v0  }
0x3fa: {  	v40 =	vadd.s32 $0x1, v43;
	v7 =	vld.idx.msk [tilespmem:v33+s16+$0x0], $0xffff;
	v53 =	vcvt.s32.f32 v29;
	v33 =	vmul.f32 $9.999999740e-05, v63  }
0x3fb: {  	v56 =	vld.idx.msk [tilespmem:v28+s16+$0x0], $0xffff;
	v52 =	vmul.u32 $0x2710, v6;
	v3 =	vadd.f32 v58, v3;
	v0 =	vadd.f32 v60, v0  }
0x3fc: {  	v54 =	vld.idx.msk [tilespmem:v28+s17+$0x0], $0xffff;
	v35 =	vadd.s32 $0x1, v42;
	v57 =	vmul.f32 $9.999999740e-05, v53;
	v33 =	vadd.f32 $5.000000000e-01, v33  }
0x3fd: {  	v58 =	vld.idx.msk [tilespmem:v39+s17+$0x0], $0xffff;
	vm1 =	veq.s32 v52, v47;
	v3 =	vadd.f32 v59, v3;
	v0 =	vadd.f32 v48, v0  }
0x3fe: {  	v55 =	vcvt.s32.f32 v40;
	v43 =	vadd.f32 $5.000000000e-01, v57;
	v28 =	vnsel vm1, $0x0, v6;
	v6 =	vld.idx.msk [tilespmem:v39+s16+$0x0], $0xffff  }
0x3ff: {  	v60 =	vld.idx.msk [tilespmem:v41+s17+$0x0], $0xffff;
	v33 =	vtrunc.f32 v33;
	v3 =	vadd.f32 v62, v3;
	v0 =	vadd.f32 v7, v0  }
0x400: {  	vm0 =	veq.s32 v61, v44;
	v59 =	vmul.f32 $9.999999740e-05, v55;
	v39 =	vcvt.f32.s32 v33;
	v7 =	vld.idx.msk [tilespmem:v41+s16+$0x0], $0xffff  }
0x401: {  	v42 =	vld.idx.msk [tilespmem:v45+s17+$0x0], $0xffff;
	v43 =	vtrunc.f32 v43;
	v3 =	vadd.f32 v54, v3;
	v0 =	vadd.f32 v56, v0  }
0x402: {  	v48 =	vcvt.s32.f32 v32;
	v61 =	vadd.f32 $5.000000000e-01, v59;
	v41 =	vld.idx.msk [tilespmem:v38+s17+$0x0], $0xffff;
	v63 =	vmul.u32 $0x2710, v39  }
0x403: {  	v46 =	vld.idx.msk [tilespmem:v38+s16+$0x0], $0xffff;
	v33 =	vcvt.f32.s32 v43;
	v3 =	vadd.f32 v58, v3;
	v0 =	vadd.f32 v6, v0  }
0x404: {  	v44 =	vld.idx.msk [tilespmem:v37+s17+$0x0], $0xffff;
	v43 =	vcvt.s32.f32 v35;
	v62 =	vtrunc.f32 v61;
	vm1 =	veq.s32 v63, v2  }
0x405: {  	s29 =	simm.s32 $0x20;
	v47 =	vld.idx.msk [tilespmem:v45+s16+$0x0], $0xffff;
	v38 =	vcvt.f32.s32 v62;
	v45 =	vadd.f32 v60, v3;
	v50 =	vadd.f32 v7, v0  }
.LBB2_15:
0x406: {  	s3 =	sadd.s32 $0x1, s29  }
0x407: {  	s26 =	sadd.s32 $0x2, s29;
	v0 =	vmul.u32 $0x2710, v34;
	v2 =	vmul.u32 $0x2710, v38;
	v3 =	vadd.f32 v41, v45;
	s25 =	smov.u32 s29;
	s24 =	sadd.s32 $0x10, s29  }
0x408: {  	v4 =	vadd.s32 s3, v20;
	v5 =	vadd.s32 s26, v20;
	s3 =	sadd.s32 $0x3, s25;
	s26 =	sadd.s32 $0x4, s25;
	s30 =	sadd.s32 $0x5, s25;
	v6 =	vadd.f32 v46, v50;
	v7 =	vld.idx.msk [tilespmem:v37+s16+$0x0], $0xffff  }
0x409: {  	s28 =	sadd.s32 $0x8, s25;
	v45 =	vadd.s32 s3, v20;
	v50 =	vadd.s32 s26, v20;
	s3 =	sadd.s32 $0x6, s25;
	s26 =	sadd.s32 $0x7, s25;
	vm2 =	veq.s32 v2, v40  }
0x40a: {  	s31 =	sadd.s32 $0xA, s25;
	v2 =	vadd.s32 s3, v20;
	v51 =	vadd.s32 s26, v20;
	s3 =	sadd.s32 $0x9, s25;
	s26 =	sadd.s32 $0xB, s25;
	v6 =	vadd.f32 v47, v6  }
0x40b: {  	p0 =	slt.u32 s29, $0xB0;
	v53 =	vadd.s32 s31, v20;
	s31 =	sadd.s32 $0xD, s25;
	v3 =	vadd.f32 v42, v3;
	v52 =	vadd.s32 s3, v20;
	s3 =	sadd.s32 $0xC, s25;
	v47 =	vld.idx.msk [tilespmem:v49+s14+$0x0], $0xffff  }
0x40c: {  	v41 =	vmul.u32 $0x2710, v33;
	v42 =	vadd.s32 s31, v20;
	v37 =	vadd.s32 s3, v20;
	s3 =	sadd.s32 $0xE, s25  }
0x40d: {  	v54 =	vadd.s32 s30, v20;
	v38 =	vnsel vm2, $0x0, v38;
	v4 =	vld.idx.msk [tilespmem:v4+s14+$0x0], $0xffff;
	v40 =	vadd.s32 s3, v20;
	s3 =	sadd.s32 $0xF, s25  }
0x40e: {  	vm2 =	veq.s32 v0, v22;
	v46 =	vadd.f32 v7, v6;
	v55 =	vld.idx.msk [tilespmem:v45+s14+$0x0], $0xffff;
	v49 =	vadd.s32 s3, v20  }
0x40f: {  	v6 =	vadd.f32 $5.000000000e-01, v36;
	v7 =	vcvt.s32.f32 v23;
	v45 =	vnsel vm2, $0x0, v34;
	v0 =	vld.idx.msk [tilespmem:v50+s14+$0x0], $0xffff  }
0x410: {  	v22 =	vmul.f32 $9.999999740e-05, v48;
	v36 =	vadd.f32 v44, v3;
	v34 =	vmul.f32 $9.999999740e-05, v43;
	v5 =	vld.idx.msk [tilespmem:v5+s14+$0x0], $0xffff  }
0x411: {  	v6 =	vtrunc.f32 v6;
	v7 =	vmul.f32 $9.999999740e-05, v7;
	v3 =	vadd.s32 $0x1, v47  }
0x412: {  	v44 =	vadd.f32 $5.000000000e-01, v22;
	v6 =	vcvt.f32.s32 v6;
	v43 =	vcvt.s32.f32 v3  }
0x413: {  	v39 =	vnsel vm1, $0x0, v39;
	v7 =	vadd.f32 $5.000000000e-01, v7;
	v4 =	vadd.s32 $0x1, v4  }
0x414: {  	v48 =	vmul.u32 $0x2710, v6;
	v47 =	vcvt.s32.f32 v4;
	v43 =	vmul.f32 $9.999999740e-05, v43  }
0x415: {  	v50 =	vadd.s32 $0x1, v55;
	v7 =	vtrunc.f32 v7;
	v22 =	vadd.s32 $0x1, v0;
	v0 =	vld.idx.msk [tilespmem:v54+s14+$0x0], $0xffff  }
0x416: {  	v55 =	vcvt.s32.f32 v50;
	vm1 =	veq.s32 v48, v27;
	v54 =	vmul.f32 $9.999999740e-05, v47  }
0x417: {  	v27 =	vcvt.s32.f32 v22;
	v47 =	vnsel vm1, $0x0, v6;
	v6 =	vadd.f32 $5.000000000e-01, v34  }
0x418: {  	v43 =	vadd.f32 $5.000000000e-01, v43;
	v48 =	vmul.f32 $9.999999740e-05, v55;
	v34 =	vadd.f32 $5.000000000e-01, v54  }
0x419: {  	v27 =	vmul.f32 $9.999999740e-05, v27;
	v54 =	vadd.s32 s28, v20;
	v6 =	vtrunc.f32 v6  }
0x41a: {  	v56 =	vtrunc.f32 v43;
	v55 =	vadd.f32 $5.000000000e-01, v48;
	v34 =	vtrunc.f32 v34;
	v48 =	vld.idx.msk [tilespmem:v24+s16+$0x0], $0xffff  }
0x41b: {  	v34 =	vcvt.f32.s32 v34;
	v43 =	vadd.s32 $0x1, v0;
	v0 =	vcvt.f32.s32 v56;
	v56 =	vld.idx.msk [tilespmem:v24+s17+$0x0], $0xffff  }
0x41c: {  	v44 =	vtrunc.f32 v44;
	v27 =	vadd.f32 $5.000000000e-01, v27;
	v24 =	vtrunc.f32 v55;
	v2 =	vld.idx.msk [tilespmem:v2+s14+$0x0], $0xffff  }
0x41d: {  	v6 =	vcvt.f32.s32 v6;
	v55 =	vmul.u32 $0x2710, v34;
	v24 =	vcvt.f32.s32 v24;
	v51 =	vld.idx.msk [tilespmem:v51+s14+$0x0], $0xffff  }
0x41e: {  	v59 =	vcvt.f32.s32 v44;
	v57 =	vtrunc.f32 v27;
	v27 =	vmul.u32 $0x2710, v0;
	v58 =	vld.idx.msk [tilespmem:v21+s16+$0x0], $0xffff  }
0x41f: {  	v44 =	vmul.u32 $0x2710, v6;
	vm1 =	veq.s32 v55, v4;
	v4 =	vmul.u32 $0x2710, v24;
	v54 =	vld.idx.msk [tilespmem:v54+s14+$0x0], $0xffff  }
0x420: {  	v55 =	vcvt.s32.f32 v43;
	v34 =	vnsel vm1, $0x0, v34;
	vm1 =	veq.s32 v27, v3;
	v52 =	vld.idx.msk [tilespmem:v52+s14+$0x0], $0xffff  }
0x421: {  	vm2 =	veq.s32 v4, v50;
	v0 =	vnsel vm1, $0x0, v0;
	vm1 =	veq.s32 v44, v35;
	v3 =	vld.idx.msk [tilespmem:v21+s17+$0x0], $0xffff;
	v21 =	vmovc v34  }
0x422: {  	v4 =	vmul.f32 $9.999999740e-05, v55;
	v35 =	vmul.u32 $0x2710, v59;
	v24 =	vnsel vm2, $0x0, v24;
	v34 =	vld.idx.msk [tilespmem:v53+s14+$0x0], $0xffff  }
0x423: {  	v27 =	vadd.s32 $0x1, v2;
	v44 =	vnsel vm1, $0x0, v6;
	v2 =	vadd.s32 $0x1, v51;
	v50 =	vld.idx.msk [tilespmem:v30+s16+$0x0], $0xffff  }
0x424: {  	v4 =	vadd.f32 $5.000000000e-01, v4;
	vm1 =	veq.s32 v35, v32;
	v6 =	vcvt.s32.f32 v2;
	v35 =	vld.idx.msk [tilespmem:v31+s16+$0x0], $0xffff  }
0x425: {  	v7 =	vcvt.f32.s32 v7;
	v53 =	vnsel vm1, $0x0, v59;
	v51 =	vadd.s32 $0x1, v54;
	v54 =	vld.idx.msk [tilespmem:v30+s17+$0x0], $0xffff  }
0x426: {  	v6 =	vmul.f32 $9.999999740e-05, v6;
	v30 =	vcvt.s32.f32 v51;
	v52 =	vadd.s32 $0x1, v52;
	v55 =	vld.idx.msk [tilespmem:v0+s17+$0x0], $0xffff  }
0x427: {  	v32 =	vmul.u32 $0x2710, v7;
	v4 =	vtrunc.f32 v4;
	v59 =	vcvt.s32.f32 v52;
	v0 =	vld.idx.msk [tilespmem:v0+s16+$0x0], $0xffff  }
0x428: {  	v6 =	vadd.f32 $5.000000000e-01, v6;
	v30 =	vmul.f32 $9.999999740e-05, v30;
	v60 =	vadd.s32 $0x1, v34;
	v61 =	vld.idx.msk [tilespmem:v31+s17+$0x0], $0xffff  }
0x429: {  	vm1 =	veq.s32 v32, v23;
	v4 =	vcvt.f32.s32 v4;
	v34 =	vcvt.f32.s32 v57;
	v31 =	vld.idx.msk [tilespmem:v49+s14+$0x0], $0xffff  }
0x42a: {  	v62 =	vnsel vm0, $0x0, v25;
	v49 =	vadd.s32 s26, v20;
	v57 =	vld.idx.msk [tilespmem:v37+s14+$0x0], $0xffff;
	v37 =	vnsel vm1, $0x0, v7  }
0x42b: {  	v32 =	vadd.s32 $0x1, v5;
	v25 =	vmovc v4;
	v5 =	vtrunc.f32 v6;
	v6 =	vadd.f32 $5.000000000e-01, v30;
	v7 =	vld.idx.msk [tilespmem:v53+s17+$0x0], $0xffff  }
0x42c: {  	v4 =	vcvt.s32.f32 v27;
	v5 =	vcvt.f32.s32 v5;
	v30 =	vadd.f32 v55, v36;
	v53 =	vld.idx.msk [tilespmem:v53+s16+$0x0], $0xffff  }
0x42d: {  	v6 =	vtrunc.f32 v6;
	v55 =	vmul.f32 $9.999999740e-05, v59;
	v0 =	vadd.f32 v0, v46;
	v46 =	vld.idx.msk [tilespmem:v45+s17+$0x0], $0xffff  }
0x42e: {  	v59 =	vmul.u32 $0x2710, v25;
	v36 =	vmul.f32 $9.999999740e-05, v4;
	v4 =	vmul.u32 $0x2710, v5;
	v45 =	vld.idx.msk [tilespmem:v45+s16+$0x0], $0xffff  }
0x42f: {  	v6 =	vcvt.f32.s32 v6;
	v3 =	vadd.f32 v3, v30;
	v23 =	vadd.s32 $0x1, v31;
	v63 =	vld.idx.msk [tilespmem:v62+s17+$0x0], $0xffff  }
0x430: {  	vm0 =	veq.s32 v4, v2;
	v2 =	vadd.f32 $5.000000000e-01, v55;
	v0 =	vadd.f32 v58, v0;
	v4 =	vld.idx.msk [tilespmem:v62+s16+$0x0], $0xffff  }
0x431: {  	v30 =	vnsel vm0, $0x0, v5;
	v5 =	vmul.u32 $0x2710, v6;
	v3 =	vadd.f32 v7, v3;
	v49 =	vld.idx.msk [tilespmem:v49+s14+$0x0], $0xffff  }
0x432: {  	v2 =	vtrunc.f32 v2;
	v7 =	vcvt.s32.f32 v60;
	v0 =	vadd.f32 v53, v0;
	v53 =	vld.idx.msk [tilespmem:v47+s16+$0x0], $0xffff  }
0x433: {  	vm0 =	veq.s32 v5, v51;
	v2 =	vcvt.f32.s32 v2;
	v3 =	vadd.f32 v56, v3;
	v5 =	vld.idx.msk [tilespmem:v47+s17+$0x0], $0xffff  }
0x434: {  	v31 =	vnsel vm0, $0x0, v6;
	v6 =	vmul.f32 $9.999999740e-05, v7;
	v0 =	vadd.f32 v48, v0;
	v7 =	vld.idx.msk [tilespmem:v42+s14+$0x0], $0xffff  }
0x435: {  	vm0 =	veq.s32 v41, v29;
	v42 =	vmul.u32 $0x2710, v2;
	v3 =	vadd.f32 v46, v3;
	v47 =	vld.idx.msk [tilespmem:v26+s16+$0x0], $0xffff  }
0x436: {  	v33 =	vnsel vm0, $0x0, v33;
	v6 =	vadd.f32 $5.000000000e-01, v6;
	v0 =	vadd.f32 v45, v0;
	v45 =	vld.idx.msk [tilespmem:v26+s17+$0x0], $0xffff  }
0x437: {  	v51 =	vadd.s32 $0x1, v57;
	vm0 =	veq.s32 v42, v52;
	v3 =	vadd.f32 v63, v3;
	v42 =	vld.idx.msk [tilespmem:v28+s16+$0x0], $0xffff  }
0x438: {  	v26 =	vnsel vm0, $0x0, v2;
	v2 =	vtrunc.f32 v6;
	v0 =	vadd.f32 v4, v0;
	v4 =	vld.idx.msk [tilespmem:v28+s17+$0x0], $0xffff  }
0x439: {  	v29 =	vadd.s32 $0x1, v49;
	v2 =	vcvt.f32.s32 v2;
	v3 =	vadd.f32 v5, v3;
	v6 =	vld.idx.msk [tilespmem:v40+s14+$0x0], $0xffff  }
0x43a: {  	v5 =	vcvt.s32.f32 v51;
	v40 =	vadd.s32 $0x1, v7;
	v0 =	vadd.f32 v53, v0;
	v7 =	vld.idx.msk [tilespmem:v39+s16+$0x0], $0xffff  }
0x43b: {  	v41 =	vcvt.s32.f32 v29;
	v28 =	vmul.u32 $0x2710, v2;
	v3 =	vadd.f32 v54, v3;
	v48 =	vld.idx.msk [tilespmem:v33+s17+$0x0], $0xffff  }
0x43c: {  	v5 =	vmul.f32 $9.999999740e-05, v5;
	v49 =	vcvt.s32.f32 v40;
	v0 =	vadd.f32 v50, v0;
	v50 =	vld.idx.msk [tilespmem:v33+s16+$0x0], $0xffff  }
0x43d: {  	vm1 =	veq.s32 v28, v60;
	v33 =	vmul.f32 $9.999999740e-05, v41;
	v3 =	vadd.f32 v61, v3;
	v41 =	vld.idx.msk [tilespmem:v38+s17+$0x0], $0xffff  }
0x43e: {  	vm0 =	veq.s32 v59, v43;
	v28 =	vnsel vm1, $0x0, v2;
	v0 =	vadd.f32 v35, v0;
	v46 =	vld.idx.msk [tilespmem:v38+s16+$0x0], $0xffff  }
0x43f: {  	v2 =	vadd.f32 $5.000000000e-01, v5;
	v5 =	vmul.f32 $9.999999740e-05, v49;
	v3 =	vadd.f32 v45, v3;
	v45 =	vld.idx.msk [tilespmem:v39+s17+$0x0], $0xffff  }
0x440: {  	v33 =	vadd.f32 $5.000000000e-01, v33;
	v35 =	vadd.s32 $0x1, v6;
	v0 =	vadd.f32 v47, v0  }
0x441: {  	v2 =	vtrunc.f32 v2;
	v5 =	vadd.f32 $5.000000000e-01, v5;
	v3 =	vadd.f32 v4, v3  }
.Ltmp6:
0x442: {  	v4 =	vtrunc.f32 v33;
	v39 =	vcvt.f32.s32 v2;
	v0 =	vadd.f32 v42, v0;
	v47 =	vld.idx.msk [tilespmem:v44+s16+$0x0], $0xffff;
	(pc) =	sbr.rel @p0 .LBB2_15-.Ltmp6, $4  }
0x443: {  	v33 =	vcvt.f32.s32 v4;
	v2 =	vtrunc.f32 v5;
	v3 =	vadd.f32 v48, v3  }
0x444: {  	v4 =	vmul.u32 $0x2710, v39;
	v38 =	vcvt.f32.s32 v2;
	v0 =	vadd.f32 v50, v0;
	v42 =	vld.idx.msk [tilespmem:v44+s17+$0x0], $0xffff  }
0x445: {  	v43 =	vcvt.s32.f32 v35;
	v48 =	vcvt.s32.f32 v32;
	v45 =	vadd.f32 v45, v3  }
0x446: {  	s29 =	smov.u32 s24;
	v49 =	vadd.s32 s25, v20;
	vm1 =	veq.s32 v4, v51;
	v50 =	vadd.f32 v7, v0;
	v44 =	vld.idx.msk [tilespmem:v37+s17+$0x0], $0xffff  }
0x447: {  	_ =	sdelay $0x3  }
0x448: {  	v0 =	vld.idx.msk [tilespmem:v49+s14+$0x0], $0xffff;
	_ =	sdelay $0x4  }
0x449: {  	v0 =	vadd.s32 $0x1, v0  }
0x44a: {  	v2 =	vcvt.s32.f32 v0;
	_ =	sdelay $0x1  }
0x44b: {  	v2 =	vmul.f32 $9.999999740e-05, v2;
	_ =	sdelay $0x1  }
0x44c: {  	v2 =	vadd.f32 $5.000000000e-01, v2;
	_ =	sdelay $0x1  }
0x44d: {  	v3 =	vmul.f32 $9.999999740e-05, v48;
	v2 =	vtrunc.f32 v2  }
0x44e: {  	v2 =	vcvt.f32.s32 v2  }
0x44f: {  	v3 =	vadd.f32 $5.000000000e-01, v3  }
0x450: {  	v4 =	vmul.u32 $0x2710, v2  }
0x451: {  	v63 =	vld.idx.msk [tilespmem:v37+s16+$0x0], $0xffff;
	v3 =	vtrunc.f32 v3  }
0x452: {  	v20 =	vld.idx.msk [tilespmem:v24+s16+$0x0], $0xffff;
	v3 =	vcvt.f32.s32 v3;
	vm2 =	veq.s32 v4, v0  }
0x453: {  	v49 =	vld.idx.msk [tilespmem:v24+s17+$0x0], $0xffff;
	v0 =	vnsel vm2, $0x0, v2  }
0x454: {  	v5 =	vadd.f32 $5.000000000e-01, v36;
	v6 =	vmul.u32 $0x2710, v34;
	v36 =	vld [tilespmem:$0x1FFA0];
	v2 =	vmul.u32 $0x2710, v3  }
0x455: {  	v53 =	vld.idx.msk [tilespmem:v30+s16+$0x0], $0xffff;
	v60 =	vadd.s32 v8, v19  }
0x456: {  	v5 =	vtrunc.f32 v5;
	vm13 =	veq.s32 v6, v22;
	v6 =	vld.idx.msk [tilespmem:v21+s16+$0x0], $0xffff;
	vm12 =	veq.s32 v2, v32  }
0x457: {  	v5 =	vcvt.f32.s32 v5;
	v2 =	vadd.f32 v46, v50;
	v50 =	vld.idx.msk [tilespmem:v21+s17+$0x0], $0xffff;
	v3 =	vnsel vm12, $0x0, v3  }
0x458: {  	v21 =	vand.u32 $0xFFFFFF80, v60;
	v7 =	vld.idx.msk [tilespmem:v0+s16+$0x0], $0xffff  }
0x459: {  	v57 =	vld.idx.msk [tilespmem:v31+s16+$0x0], $0xffff;
	v21 =	vor.u32 v36, v21;
	v2 =	vadd.f32 v47, v2;
	v47 =	vmul.u32 $0x2710, v5  }
0x45a: {  	v59 =	vld.idx.msk [tilespmem:v30+s17+$0x0], $0xffff;
	v37 =	vnsel vm13, $0x0, v34;
	v60 =	vadd.s32 v17, v19  }
0x45b: {  	v61 =	vld.idx.msk [tilespmem:v26+s16+$0x0], $0xffff;
	v2 =	vadd.f32 v63, v2;
	vm14 =	veq.s32 v47, v27;
	v27 =	vand.u32 $0xFFFFFF80, v60  }
0x45c: {  	v46 =	vadd.f32 v41, v45;
	v27 =	vor.u32 v10, v27;
	v48 =	vld.idx.msk [tilespmem:v3+s16+$0x0], $0xffff  }
0x45d: {  	v0 =	vld.idx.msk [tilespmem:v0+s17+$0x0], $0xffff;
	v2 =	vadd.f32 v7, v2  }
0x45e: {  	v25 =	vnsel vm0, $0x0, v25;
	v21 =	vld.idx.msk [tilespmem:v21+s14+$0x0], $0xffff;
	v7 =	vadd.f32 v42, v46  }
0x45f: {  	v51 =	vmul.u32 $0x2710, v38;
	v52 =	vcvt.s32.f32 v23;
	v3 =	vld.idx.msk [tilespmem:v3+s17+$0x0], $0xffff;
	v2 =	vadd.f32 v6, v2  }
0x460: {  	v62 =	vadd.s32 v9, v19;
	v6 =	vadd.f32 v44, v7;
	v7 =	vld.idx.msk [tilespmem:v37+s16+$0x0], $0xffff  }
0x461: {  	vm15 =	veq.s32 v51, v40;
	v55 =	vmul.f32 $9.999999740e-05, v52;
	v27 =	vld.idx.msk [tilespmem:v27+s14+$0x0], $0xffff;
	v2 =	vadd.f32 v48, v2  }
0x462: {  	v22 =	vand.u32 $0xFFFFFF80, v62;
	v40 =	vld.idx.msk [tilespmem:v26+s17+$0x0], $0xffff;
	v5 =	vnsel vm14, $0x0, v5;
	v0 =	vadd.f32 v0, v6  }
0x463: {  	v52 =	vadd.s32 v15, v19;
	v58 =	vld.idx.msk [tilespmem:v25+s17+$0x0], $0xffff;
	v21 =	vadd.s32 $0x1, v21;
	v2 =	vadd.f32 v20, v2  }
0x464: {  	v6 =	vld.idx.msk [tilespmem:v25+s16+$0x0], $0xffff;
	v20 =	vmul.f32 $9.999999740e-05, v43;
	v0 =	vadd.f32 v50, v0;
	v43 =	vadd.s32 v13, v19  }
0x465: {  	v4 =	vld.idx.msk [tilespmem:v37+s17+$0x0], $0xffff;
	v25 =	vand.u32 $0xFFFFFF80, v52;
	v50 =	vadd.s32 v14, v19;
	v45 =	vand.u32 $0xFFFFFF80, v43  }
0x466: {  	v46 =	vld [tilespmem:$0x1FFC0];
	v27 =	vadd.s32 $0x1, v27;
	v2 =	vadd.f32 v7, v2;
	v0 =	vadd.f32 v3, v0  }
0x467: {  	v54 =	vld.idx.msk [tilespmem:v5+s16+$0x0], $0xffff;
	v7 =	vmul.u32 $0x2710, v33;
	v56 =	vadd.f32 $5.000000000e-01, v20;
	v20 =	vnsel vm1, $0x0, v39  }
0x468: {  	v3 =	vadd.f32 $5.000000000e-01, v55;
	v39 =	vld [tilespmem:$0x1FFB0];
	v43 =	vcvt.s32.f32 v27;
	v0 =	vadd.f32 v49, v0  }
0x469: {  	v5 =	vld.idx.msk [tilespmem:v5+s17+$0x0], $0xffff;
	v2 =	vadd.f32 v6, v2;
	v6 =	vtrunc.f32 v56;
	vm4 =	veq.s32 v7, v29  }
0x46a: {  	v55 =	vld [tilespmem:$0x1FFE0];
	v3 =	vtrunc.f32 v3;
	v7 =	vnsel vm4, $0x0, v33;
	v0 =	vadd.f32 v4, v0  }
0x46b: {  	v51 =	vld [tilespmem:$0x1FFD0];
	v56 =	vadd.s32 v16, v19;
	v19 =	vadd.s32 v18, v19;
	v6 =	vcvt.f32.s32 v6  }
0x46c: {  	v63 =	vld.idx.msk [tilespmem:v31+s17+$0x0], $0xffff;
	v2 =	vadd.f32 v54, v2;
	v4 =	vor.u32 v46, v45;
	v0 =	vadd.f32 v58, v0  }
0x46d: {  	v37 =	vld.idx.msk [tilespmem:v28+s16+$0x0], $0xffff;
	v3 =	vcvt.f32.s32 v3;
	v19 =	vand.u32 $0xFFFFFF80, v19;
	v22 =	vor.u32 v39, v22  }
0x46e: {  	v19 =	vor.u32 v11, v19;
	v44 =	vld.idx.msk [tilespmem:v20+s16+$0x0], $0xffff;
	v2 =	vadd.f32 v53, v2;
	v0 =	vadd.f32 v5, v0  }
0x46f: {  	v41 =	vmul.u32 $0x2710, v6;
	v25 =	vor.u32 v55, v25;
	v53 =	vcvt.s32.f32 v21;
	v42 =	vld.idx.msk [tilespmem:v7+s16+$0x0], $0xffff  }
0x470: {  	v2 =	vadd.f32 v57, v2;
	v5 =	vand.u32 $0xFFFFFF80, v50;
	v0 =	vadd.f32 v59, v0;
	v59 =	vld [tilespmem:$0x1FFF0]  }
0x471: {  	v47 =	vmul.u32 $0x2710, v3;
	v57 =	vmul.f32 $9.999999740e-05, v53;
	v4 =	vld.idx.msk [tilespmem:v4+s14+$0x0], $0xffff;
	v5 =	vor.u32 v51, v5  }
0x472: {  	v29 =	vnsel vm15, $0x0, v38;
	vm5 =	veq.s32 v41, v35;
	v2 =	vadd.f32 v61, v2;
	v22 =	vld.idx.msk [tilespmem:v22+s14+$0x0], $0xffff  }
0x473: {  	vm6 =	veq.s32 v47, v23;
	v23 =	vand.u32 $0xFFFFFF80, v56;
	v19 =	vld.idx.msk [tilespmem:v19+s14+$0x0], $0xffff;
	v24 =	vadd.f32 $5.000000000e-01, v57  }
0x474: {  	v6 =	vnsel vm5, $0x0, v6;
	v3 =	vnsel vm6, $0x0, v3;
	v25 =	vld.idx.msk [tilespmem:v25+s14+$0x0], $0xffff;
	v2 =	vadd.f32 v37, v2  }
0x475: {  	v48 =	vld.idx.msk [tilespmem:v28+s17+$0x0], $0xffff;
	v0 =	vadd.f32 v63, v0;
	v24 =	vtrunc.f32 v24;
	v23 =	vor.u32 v59, v23  }
0x476: {  	v24 =	vcvt.f32.s32 v24;
	v2 =	vadd.f32 v42, v2;
	v4 =	vadd.s32 $0x1, v4;
	v5 =	vld.idx.msk [tilespmem:v5+s14+$0x0], $0xffff  }
0x477: {  	v0 =	vadd.f32 v40, v0;
	v22 =	vadd.s32 $0x1, v22;
	v62 =	vcvt.s32.f32 v4  }
0x478: {  	v49 =	vld.idx.msk [tilespmem:v29+s16+$0x0], $0xffff;
	v19 =	vadd.s32 $0x1, v19;
	v63 =	vmul.u32 $0x2710, v24;
	v54 =	vcvt.s32.f32 v22  }
0x479: {  	v25 =	vadd.s32 $0x1, v25;
	v2 =	vadd.f32 v44, v2;
	v30 =	vmul.f32 $9.999999740e-05, v62  }
0x47a: {  	v0 =	vadd.f32 v48, v0;
	v39 =	vcvt.s32.f32 v25;
	v58 =	vmul.f32 $9.999999740e-05, v54;
	v23 =	vld.idx.msk [tilespmem:v23+s14+$0x0], $0xffff  }
0x47b: {  	v44 =	vcvt.s32.f32 v19;
	v30 =	vadd.f32 $5.000000000e-01, v30;
	v5 =	vadd.s32 $0x1, v5  }
0x47c: {  	v28 =	vmul.f32 $9.999999740e-05, v39;
	v26 =	vadd.f32 $5.000000000e-01, v58;
	v36 =	vcvt.s32.f32 v5  }
0x47d: {  	vm7 =	veq.s32 v63, v21;
	v2 =	vadd.f32 v49, v2;
	v30 =	vtrunc.f32 v30  }
0x47e: {  	v28 =	vadd.f32 $5.000000000e-01, v28;
	v26 =	vtrunc.f32 v26;
	v38 =	vmul.f32 $9.999999740e-05, v36  }
0x47f: {  	v40 =	vcvt.f32.s32 v30;
	v26 =	vcvt.f32.s32 v26;
	v23 =	vadd.s32 $0x1, v23  }
0x480: {  	v61 =	vld.idx.msk [tilespmem:v6+s16+$0x0], $0xffff;
	v31 =	vmul.f32 $9.999999740e-05, v44;
	v21 =	vadd.f32 $5.000000000e-01, v38;
	v41 =	vcvt.s32.f32 v23  }
0x481: {  	v28 =	vtrunc.f32 v28;
	v30 =	vmul.u32 $0x2710, v40;
	v37 =	vmul.u32 $0x2710, v26  }
0x482: {  	v24 =	vnsel vm7, $0x0, v24;
	v21 =	vtrunc.f32 v21;
	v42 =	vmul.f32 $9.999999740e-05, v41  }
0x483: {  	vm9 =	veq.s32 v30, v4;
	vm8 =	veq.s32 v37, v22;
	v21 =	vcvt.f32.s32 v21  }
0x484: {  	v30 =	vmul.f32 $9.999999740e-05, v43;
	v26 =	vnsel vm8, $0x0, v26;
	v4 =	vadd.f32 $5.000000000e-01, v42  }
0x485: {  	v45 =	vld.idx.msk [tilespmem:v3+s16+$0x0], $0xffff;
	v2 =	vadd.f32 v61, v2;
	v28 =	vcvt.f32.s32 v28;
	v46 =	vmul.u32 $0x2710, v21  }
0x486: {  	v7 =	vld.idx.msk [tilespmem:v7+s17+$0x0], $0xffff;
	v22 =	vnsel vm9, $0x0, v40;
	v30 =	vadd.f32 $5.000000000e-01, v30;
	v4 =	vtrunc.f32 v4  }
0x487: {  	v47 =	vld.idx.msk [tilespmem:v24+s16+$0x0], $0xffff;
	v48 =	vmul.u32 $0x2710, v28;
	vm10 =	veq.s32 v46, v5;
	v4 =	vcvt.f32.s32 v4  }
0x488: {  	v20 =	vld.idx.msk [tilespmem:v20+s17+$0x0], $0xffff;
	v31 =	vadd.f32 $5.000000000e-01, v31;
	v30 =	vtrunc.f32 v30;
	v21 =	vnsel vm10, $0x0, v21  }
0x489: {  	vm11 =	veq.s32 v48, v25;
	v51 =	vcvt.f32.s32 v30;
	v49 =	vld.idx.msk [tilespmem:v26+s16+$0x0], $0xffff;
	v50 =	vmul.u32 $0x2710, v4  }
0x48a: {  	v29 =	vld.idx.msk [tilespmem:v29+s17+$0x0], $0xffff;
	v2 =	vadd.f32 v45, v2;
	v52 =	vtrunc.f32 v31;
	v28 =	vnsel vm11, $0x0, v28  }
0x48b: {  	v55 =	vcvt.f32.s32 v52;
	v53 =	vld.idx.msk [tilespmem:v22+s16+$0x0], $0xffff;
	v54 =	vmul.u32 $0x2710, v51;
	vm12 =	veq.s32 v50, v23  }
0x48c: {  	v6 =	vld.idx.msk [tilespmem:v6+s17+$0x0], $0xffff;
	v0 =	vadd.f32 v7, v0;
	v2 =	vadd.f32 v47, v2;
	v4 =	vnsel vm12, $0x0, v4  }
0x48d: {  	v56 =	vmul.u32 $0x2710, v55;
	vm13 =	veq.s32 v54, v27;
	v7 =	vld.idx.msk [tilespmem:v21+s16+$0x0], $0xffff  }
0x48e: {  	v3 =	vld.idx.msk [tilespmem:v3+s17+$0x0], $0xffff;
	v0 =	vadd.f32 v20, v0;
	v20 =	vnsel vm13, $0x0, v51;
	v2 =	vadd.f32 v49, v2  }
0x48f: {  	vm14 =	veq.s32 v56, v19;
	v57 =	vld.idx.msk [tilespmem:v28+s16+$0x0], $0xffff  }
0x490: {  	v0 =	vadd.f32 v29, v0;
	v58 =	vld.idx.msk [tilespmem:v24+s17+$0x0], $0xffff;
	v19 =	vnsel vm14, $0x0, v55;
	v2 =	vadd.f32 v53, v2  }
0x491: {  	v59 =	vld.idx.msk [tilespmem:v4+s16+$0x0], $0xffff  }
0x492: {  	v0 =	vadd.f32 v6, v0;
	v6 =	vld.idx.msk [tilespmem:v26+s17+$0x0], $0xffff;
	v2 =	vadd.f32 v7, v2  }
0x493: {  	v7 =	vld.idx.msk [tilespmem:v20+s16+$0x0], $0xffff  }
0x494: {  	v0 =	vadd.f32 v3, v0;
	v3 =	vld.idx.msk [tilespmem:v22+s17+$0x0], $0xffff;
	v2 =	vadd.f32 v57, v2  }
0x495: {  	v60 =	vld.idx.msk [tilespmem:v19+s16+$0x0], $0xffff  }
0x496: {  	v0 =	vadd.f32 v58, v0;
	v2 =	vadd.f32 v59, v2  }
0x497: {  	v61 =	vld.idx.msk [tilespmem:v21+s17+$0x0], $0xffff  }
0x498: {  	v0 =	vadd.f32 v6, v0;
	v2 =	vadd.f32 v7, v2  }
0x499: {  	v6 =	vld.idx.msk [tilespmem:v28+s17+$0x0], $0xffff  }
0x49a: {  	v0 =	vadd.f32 v3, v0;
	v2 =	vadd.f32 v60, v2  }
0x49b: {  	v3 =	vld.idx.msk [tilespmem:v4+s17+$0x0], $0xffff  }
0x49c: {  	v0 =	vadd.f32 v61, v0;
	(erf) = vrcp.f32 v2  }
0x49d: {  	v62 =	vld.idx.msk [tilespmem:v20+s17+$0x0], $0xffff  }
0x49e: {  	v0 =	vadd.f32 v6, v0  }
0x49f: {  	v63 =	vld.idx.msk [tilespmem:v19+s17+$0x0], $0xffff  }
0x4a0: {  	v0 =	vadd.f32 v3, v0;
	_ =	sdelay $0x1  }
0x4a1: {  	v0 =	vadd.f32 v62, v0  }
0x4a2: {  	s22 =	sadd.s32 $0x1, s22  }
0x4a3: {  	p0 =	sne.s32 s22, $0x8;
	v0 =	vadd.f32 v63, v0  }
.Ltmp7:
0x4a4: {  	v3 =	vpop (erf);
	(pc) =	sbr.rel @p0 .LBB2_14-.Ltmp7, $4  }
0x4a5: {  	v0 =	vmul.f32 v3, v0  }
0x4a6: {  	vm15 =	vgt.f32 v2, $0.0e+00  }
0x4a7: {  	v0 =	vsel vm15, v0, v12  }
0x4a8: {  	[tilespmem:s23+$0xCB80] =	vst v0  }
0x4a9: {  	s20 =	sadd.s32 $0x1, s20  }
0x4aa: {  	p0 =	sne.s32 s20, s10  }
.Ltmp8:
0x4ab: {  	_ = 	snop;
	(pc) =	sbr.rel @p0 .LBB2_1-.Ltmp8, $4  }
0x4ac: {  	[hbm4b:s9+s4] =	stream.linear.scatter [tilespmem:s19], [sflag:$0x3], $0x200, $0x38;
	[tilespmem:$0xCC00] =	vst v63  }
0x4ad: {  	_ =	swait.ge [sflag:s12], $0x200  }
0x4ae: {  	[sflag:s12] =	ssyncset.done $0x0  }
0x4af: {  	[sflag:s12] =	ssyncadd.s32 $0xFFFFFE00  }
0x4b0: {  	_ =	sfence.sel $0x180000  }
0x4b1: {  	[bflag:$0x0] =	sbarrier.arrive $0xFFFF  }
0x4b2: {  	_ =	strace $0x90000047  }
0x4b3: {  	[bflag:$0x2] =	sbarrier.arrive $0xFFFF  }
0x4b4: {  	p0 =	sne.s32 s2, $0x0;
	s0 =	rddreg [dreg:$0x4]  }
0x4b5: {  	s0 =	sadd.s32 @!p0 $0x100000, s0  }
0x4b6: {  	[sflag:s0] =	ssyncadd.tile.s32 @!p0 $0x1;
	_ =	shalt  }
.Lfunc_end2:
_tile_overlayer_lowered:
.L_overlay_start_2:
0x4b7: {  	(tag) =	ssettag $0x2  }
0x4b8: {  	s0 =	rddreg [dreg:$0x0];
	s2 =	stileid.u32  }
0x4b9: {  	s1 =	rddreg [dreg:$0x1];
	p0 =	sne.s32 s2, $0x0  }
0x4ba: {  	s3 =	rddreg [dreg:$0x2];
	[bflag:$0x3] =	sbarrier.arrive $0xFFFF;
	s2 =	simm.s32 @!p0 $0x1C03  }
0x4bb: {  	[timem:s3], [sflag:s2] =	dma.local @!p0 [hbm:s0], s1  }
0x4bc: {  	s0 =	simm.s32 @!p0 $0x3  }
0x4bd: {  	_ =	swait.ge @!p0 [sflag:s0], s1  }
0x4be: {  	s1 =	ssub.s32 @!p0 $0x0, s1;
	[sflag:s0] =	ssyncset.done @!p0 $0x0  }
0x4bf: {  	[sflag:s0] =	ssyncadd.s32 @!p0 s1  }
0x4c0: {  	[bflag:$0x3] =	sbarrier.arrive $0xFFFF  }
0x4c1: {  	_ =	shalt  }

</sc_bundles>
